<compile_context>
chip_gen: v7x
topology: tpu7x:2x2x1
jax: 0.10.2.dev20260603
libtpu: 0.0.44.dev20260713+nightly
codegen_flags: <defaults>
</compile_context>

<pallas_src>
import functools
import math

import jax
import jax.numpy as jnp
from jax import lax
from jax.experimental import pallas as pl
from jax.experimental.pallas import tpu as pltpu
from jax.experimental.pallas import tpu_sc as plsc

D_MODEL = 1024
SCALE = math.sqrt(D_MODEL)

NC = 2
NS = 16
LANES = 16
NW = NC * NS

CHUNK = 32
NBUF = 3
PREFETCH = 2


def _embed_lookup(x, table):
    R, S = x.shape
    D = table.shape[1]
    b_per_w = (R * S) // NW
    w_per_row = S // b_per_w
    nstep = b_per_w // CHUNK
    mesh = plsc.VectorSubcoreMesh(core_axis_name="c", subcore_axis_name="s")

    @functools.partial(
        pl.kernel,
        mesh=mesh,
        out_type=jax.ShapeDtypeStruct((R, S, D), jnp.float32),
        scratch_types=(
            [pltpu.VMEM((b_per_w,), jnp.int32)]
            + [pltpu.VMEM((CHUNK, D), jnp.float32) for _ in range(NBUF)]
            + [pltpu.SemaphoreType.DMA for _ in range(2 * NBUF)]
        ),
    )
    def k(x_hbm, table_hbm, out_hbm, idx_v, *bufs_and_sems):
        rows = bufs_and_sems[:NBUF]
        sem_in = bufs_and_sems[NBUF:2 * NBUF]
        sem_out = bufs_and_sems[2 * NBUF:]
        cid = lax.axis_index("c")
        sid = lax.axis_index("s")
        wid = sid * NC + cid
        brow = wid // w_per_row
        bcol = (wid % w_per_row) * b_per_w
        pltpu.sync_copy(x_hbm.at[brow, pl.ds(bcol, b_per_w)], idx_v)

        def gather(g, b):
            return pltpu.make_async_copy(
                table_hbm.at[idx_v.at[pl.ds(g * CHUNK, CHUNK)]],
                rows[b], sem_in[b])

        def store(g, b):
            return pltpu.make_async_copy(
                rows[b], out_hbm.at[brow, pl.ds(bcol + g * CHUNK, CHUNK)],
                sem_out[b])

        def scale(b):
            def row(r, c):
                for j in range(D // LANES):
                    sl = pl.ds(j * LANES, LANES)
                    rows[b][r, sl] = rows[b][r, sl] * SCALE
                return c
            lax.fori_loop(0, CHUNK, row, 0)

        def body(g, b, prefetch):
            gather(g, b).wait()
            scale(b)
            store(g, b).start()
            if prefetch:
                gp = g + PREFETCH
                bp = (b + PREFETCH) % NBUF

                @pl.when(gp < nstep)
                def _():
                    @pl.when(gp >= NBUF)
                    def _():
                        store(gp - NBUF, bp).wait()
                    gather(gp, bp).start()

        for g0 in range(PREFETCH):
            gather(g0, g0 % NBUF).start()

        n_main = (nstep // NBUF) * NBUF

        def outer(gg, carry):
            for b in range(NBUF):
                body(gg * NBUF + b, b, prefetch=True)
            return carry

        lax.fori_loop(0, n_main // NBUF, outer, 0)
        for g in range(n_main, nstep):
            body(g, g % NBUF, prefetch=False)
        for g in range(nstep - NBUF, nstep):
            store(g, g % NBUF).wait()

    return k(x, table)


def kernel(x, table):
    return _embed_lookup(x.astype(jnp.int32), table)

# --- scband reference (transcript-rebuilt; emitter-appended) ---
"""Pipeline reference for scband-word-embedding-3607772529237 (READ-ONLY COPY).

The authoritative reference and input builder live on the scoring server;
editing this copy changes nothing except your own understanding.
"""

import math
import jax, jax.numpy as jnp
import numpy as np

D_MODEL = 1024
VOCAB = 100000

def setup_inputs(seed: int = 0) -> dict:
    key = jax.random.key(seed)
    k1, k2 = jax.random.split(key)
    x = jax.random.randint(k1, (4, 8192), 0, VOCAB, dtype=jnp.int64) if jax.config.jax_enable_x64 else jax.random.randint(k1, (4, 8192), 0, VOCAB, dtype=jnp.int32)
    table = jax.random.normal(k2, (VOCAB, D_MODEL), dtype=jnp.float32)
    return {"x": x, "table": table}

def reference(x, table):
    # nn.Embedding lookup followed by sqrt(d_model) scaling
    out = jnp.take(table, x, axis=0) * math.sqrt(D_MODEL)
    return out

if __name__ == "__main__":
    import jax
    _d = setup_inputs()
    print(jax.jit(kernel)(*tuple(_d.values())))

</pallas_src>

<mosaic_0001>
#map = affine_map<(d0, d1) -> (0, 0)>
#map1 = affine_map<(d0, d1) -> (0, 0, 0)>
module attributes {stable_mosaic.version = 14 : i64} {
  func.func @k(%arg0: i32, %arg1: i32, %arg2: memref<4x8192xi32, #tpu.memory_space<hbm>>, %arg3: memref<100000x1024xf32, #tpu.memory_space<hbm>>, %arg4: memref<4x8192x1024xf32, #tpu.memory_space<hbm>>, %arg5: memref<1024xi32, #tpu.memory_space<vmem>>, %arg6: memref<32x1024xf32, #tpu.memory_space<vmem>>, %arg7: memref<32x1024xf32, #tpu.memory_space<vmem>>, %arg8: memref<32x1024xf32, #tpu.memory_space<vmem>>, %arg9: memref<!tpu.dma_semaphore, #tpu.memory_space<semaphore_mem>>, %arg10: memref<!tpu.dma_semaphore, #tpu.memory_space<semaphore_mem>>, %arg11: memref<!tpu.dma_semaphore, #tpu.memory_space<semaphore_mem>>, %arg12: memref<!tpu.dma_semaphore, #tpu.memory_space<semaphore_mem>>, %arg13: memref<!tpu.dma_semaphore, #tpu.memory_space<semaphore_mem>>, %arg14: memref<!tpu.dma_semaphore, #tpu.memory_space<semaphore_mem>>) attributes {dimension_semantics = [#tpu.dimension_semantics<core_parallel>, #tpu.dimension_semantics<subcore_parallel>], iteration_bounds = array<i64: 2, 16>, scalar_prefetch = 0 : i64, scratch_operands = 10 : i64, tpu.core_type = #tpu.core_type<sc_vector_subcore>, window_params = [{transform_indices = #map}, {transform_indices = #map}, {transform_indices = #map1}]} {
    %mul3A = arith.constant 2 : i32
    %mul3A_0 = arith.muli %arg1, %mul3A : i32
    %add3A = arith.addi %mul3A_0, %arg0 : i32
    %jit3A = arith.constant 8 : i32
    %div3A = arith.divsi %add3A, %jit3A : i32
    %sign3A = arith.constant 0 : i32
    %sign3A_1 = arith.cmpi sgt, %add3A, %sign3A : i32
    %sign3A_2 = arith.extui %sign3A_1 : i1 to i32
    %sign3A_3 = arith.constant 0 : i32
    %sign3A_4 = arith.cmpi slt, %add3A, %sign3A_3 : i32
    %sign3A_5 = arith.extui %sign3A_4 : i1 to i32
    %sign3A_6 = arith.subi %sign3A_2, %sign3A_5 : i32
    %sign3A_7 = arith.constant 0 : i32
    %sign3A_8 = arith.cmpi sgt, %jit3A, %sign3A_7 : i32
    %sign3A_9 = arith.extui %sign3A_8 : i1 to i32
    %sign3A_10 = arith.constant 0 : i32
    %sign3A_11 = arith.cmpi slt, %jit3A, %sign3A_10 : i32
    %sign3A_12 = arith.extui %sign3A_11 : i1 to i32
    %sign3A_13 = arith.subi %sign3A_9, %sign3A_12 : i32
    %ne3A = arith.cmpi ne, %sign3A_6, %sign3A_13 : i32
    %rem3A = arith.remsi %add3A, %jit3A : i32
    %ne3A_14 = arith.constant 0 : i32
    %ne3A_15 = arith.cmpi ne, %rem3A, %ne3A_14 : i32
    %and3A = arith.andi %ne3A, %ne3A_15 : i1
    %sub3A = arith.constant 1 : i32
    %sub3A_16 = arith.subi %div3A, %sub3A : i32
    %select_n3A = arith.select %and3A, %sub3A_16, %div3A : i32
    %jit3A_17 = arith.constant 8 : i32
    %eq3A = arith.constant 0 : i32
    %eq3A_18 = arith.cmpi eq, %jit3A_17, %eq3A : i32
    %jit3A_19 = arith.constant 1 : i32
    %select_n3A_20 = arith.select %eq3A_18, %jit3A_19, %jit3A_17 : i32
    %rem3A_21 = arith.remsi %add3A, %select_n3A_20 : i32
    %ne3A_22 = arith.constant 0 : i32
    %ne3A_23 = arith.cmpi ne, %rem3A_21, %ne3A_22 : i32
    %lt3A = arith.constant 0 : i32
    %lt3A_24 = arith.cmpi slt, %rem3A_21, %lt3A : i32
    %lt3A_25 = arith.constant 0 : i32
    %lt3A_26 = arith.cmpi slt, %select_n3A_20, %lt3A_25 : i32
    %ne3A_27 = arith.xori %lt3A_24, %lt3A_26 : i1
    %and3A_28 = arith.andi %ne3A_27, %ne3A_23 : i1
    %add3A_29 = arith.addi %rem3A_21, %select_n3A_20 : i32
    %select_n3A_30 = arith.select %and3A_28, %add3A_29, %rem3A_21 : i32
    %mul3A_31 = arith.constant 1024 : i32
    %mul3A_32 = arith.muli %select_n3A_30, %mul3A_31 : i32
    "tpu.region"() ({
      %run_scoped3A = tpu.sem_alloc : memref<!tpu.dma_semaphore, #tpu.memory_space<semaphore_mem>>
      %dma_start3A_108 = tpu.memref_slice %arg2[%select_n3A, %mul3A_32] : memref<4x8192xi32, #tpu.memory_space<hbm>> -> memref<1x1024xi32, #tpu.memory_space<hbm>>
      %dma_start3A_109 = tpu.memref_squeeze %dma_start3A_108 : memref<1x1024xi32, #tpu.memory_space<hbm>> -> memref<1024xi32, #tpu.memory_space<hbm>>
      %dma_start3A_110 = tpu.memref_slice %arg2[%select_n3A, %mul3A_32] : memref<4x8192xi32, #tpu.memory_space<hbm>> -> memref<1x1024xi32, #tpu.memory_space<hbm>>
      %dma_start3A_111 = tpu.memref_squeeze %dma_start3A_110 : memref<1x1024xi32, #tpu.memory_space<hbm>> -> memref<1024xi32, #tpu.memory_space<hbm>>
      tpu.enqueue_dma source(%dma_start3A_111 : memref<1024xi32, #tpu.memory_space<hbm>>) target(%arg5 : memref<1024xi32, #tpu.memory_space<vmem>>) target_semaphore(%run_scoped3A : memref<!tpu.dma_semaphore, #tpu.memory_space<semaphore_mem>>)
      %dma_wait3A_112 = tpu.memref_slice %arg2[%select_n3A, %mul3A_32] : memref<4x8192xi32, #tpu.memory_space<hbm>> -> memref<1x1024xi32, #tpu.memory_space<hbm>>
      %dma_wait3A_113 = tpu.memref_squeeze %dma_wait3A_112 : memref<1x1024xi32, #tpu.memory_space<hbm>> -> memref<1024xi32, #tpu.memory_space<hbm>>
      %dma_wait3A_114 = tpu.memref_slice %arg2[%select_n3A, %mul3A_32] : memref<4x8192xi32, #tpu.memory_space<hbm>> -> memref<1x1024xi32, #tpu.memory_space<hbm>>
      %dma_wait3A_115 = tpu.memref_squeeze %dma_wait3A_114 : memref<1x1024xi32, #tpu.memory_space<hbm>> -> memref<1024xi32, #tpu.memory_space<hbm>>
      tpu.wait_dma2 semaphore(%run_scoped3A : memref<!tpu.dma_semaphore, #tpu.memory_space<semaphore_mem>>) src(%dma_wait3A_115 : memref<1024xi32, #tpu.memory_space<hbm>>) dst(%arg5 : memref<1024xi32, #tpu.memory_space<vmem>>)
      tpu.yield
    }) : () -> ()
    %dma_start3A = arith.constant 0 : i32
    %dma_start3A_33 = tpu.memref_slice %arg5[%dma_start3A] : memref<1024xi32, #tpu.memory_space<vmem>> -> memref<32xi32, #tpu.memory_space<vmem>>
    %dma_start3A_34 = arith.constant 0 : i32
    %dma_start3A_35 = arith.constant 0 : i32
    %dma_start3A_36 = tpu.memref_slice %arg3[%dma_start3A_34, %dma_start3A_35] : memref<100000x1024xf32, #tpu.memory_space<hbm>> -> memref<100000x1024xf32, #tpu.memory_space<hbm>>
    tpu.enqueue_indirect_dma source(%dma_start3A_36 : memref<100000x1024xf32, #tpu.memory_space<hbm>>) target(%arg6 : memref<32x1024xf32, #tpu.memory_space<vmem>>) offsets(%dma_start3A_33 : memref<32xi32, #tpu.memory_space<vmem>>) semaphore(%arg9 : memref<!tpu.dma_semaphore, #tpu.memory_space<semaphore_mem>>)
    %dma_start3A_37 = arith.constant 32 : i32
    %dma_start3A_38 = tpu.memref_slice %arg5[%dma_start3A_37] : memref<1024xi32, #tpu.memory_space<vmem>> -> memref<32xi32, #tpu.memory_space<vmem>>
    %dma_start3A_39 = arith.constant 0 : i32
    %dma_start3A_40 = arith.constant 0 : i32
    %dma_start3A_41 = tpu.memref_slice %arg3[%dma_start3A_39, %dma_start3A_40] : memref<100000x1024xf32, #tpu.memory_space<hbm>> -> memref<100000x1024xf32, #tpu.memory_space<hbm>>
    tpu.enqueue_indirect_dma source(%dma_start3A_41 : memref<100000x1024xf32, #tpu.memory_space<hbm>>) target(%arg7 : memref<32x1024xf32, #tpu.memory_space<vmem>>) offsets(%dma_start3A_38 : memref<32xi32, #tpu.memory_space<vmem>>) semaphore(%arg10 : memref<!tpu.dma_semaphore, #tpu.memory_space<semaphore_mem>>)
    %scan3A = arith.constant 0 : i32
    %scan3A_42 = arith.constant 0 : i32
    %scan3A_43 = arith.constant 10 : i32
    %scan3A_44 = arith.addi %scan3A_42, %scan3A_43 : i32
    %scan3A_45 = arith.constant 1 : i32
    scf.for %scan3A_108 = %scan3A_42 to %scan3A_44 step %scan3A_45  : i32 {
      %mul3A_109 = arith.constant 3 : i32
      %mul3A_110 = arith.muli %scan3A_108, %mul3A_109 : i32
      %add3A_111 = arith.constant 0 : i32
      %add3A_112 = arith.addi %mul3A_110, %add3A_111 : i32
      %mul3A_113 = arith.constant 32 : i32
      %mul3A_114 = arith.muli %add3A_112, %mul3A_113 : i32
      %dma_wait3A_115 = tpu.memref_slice %arg5[%mul3A_114] : memref<1024xi32, #tpu.memory_space<vmem>> -> memref<32xi32, #tpu.memory_space<vmem>>
      %dma_wait3A_116 = arith.constant 0 : i32
      %dma_wait3A_117 = arith.constant 0 : i32
      %dma_wait3A_118 = tpu.memref_slice %arg3[%dma_wait3A_116, %dma_wait3A_117] : memref<100000x1024xf32, #tpu.memory_space<hbm>> -> memref<100000x1024xf32, #tpu.memory_space<hbm>>
      tpu.wait_indirect_dma semaphore(%arg9 : memref<!tpu.dma_semaphore, #tpu.memory_space<semaphore_mem>>) src(%dma_wait3A_118 : memref<100000x1024xf32, #tpu.memory_space<hbm>>) dst(%arg6 : memref<32x1024xf32, #tpu.memory_space<vmem>>)
      %scan3A_119 = arith.constant 0 : i32
      %scan3A_120 = arith.constant 0 : i32
      %scan3A_121 = arith.constant 32 : i32
      %scan3A_122 = arith.addi %scan3A_120, %scan3A_121 : i32
      %scan3A_123 = arith.constant 1 : i32
      scf.for %scan3A_203 = %scan3A_120 to %scan3A_122 step %scan3A_123  : i32 {
        %get3A = arith.index_cast %scan3A_203 : i32 to index
        %get3A_204 = arith.constant 0 : index
        %get3A_205 = tpu.vector_load %arg6[%get3A, %get3A_204] {strides = array<i32>} : memref<32x1024xf32, #tpu.memory_space<vmem>>, vector<1x16xf32>,
        %get3A_206 = vector.shape_cast %get3A_205 : vector<1x16xf32> to vector<16xf32>
        %mul3A_207 = arith.constant 3.200000e+01 : f32
        %mul3A_208 = vector.broadcast %mul3A_207 : f32 to vector<16xf32>
        %mul3A_209 = arith.mulf %get3A_206, %mul3A_208 : vector<16xf32>
        %swap3A = arith.index_cast %scan3A_203 : i32 to index
        %swap3A_210 = arith.constant 0 : index
        %swap3A_211 = tpu.vector_load %arg6[%swap3A, %swap3A_210] {strides = array<i32>} : memref<32x1024xf32, #tpu.memory_space<vmem>>, vector<1x16xf32>,
        %swap3A_212 = vector.shape_cast %swap3A_211 : vector<1x16xf32> to vector<16xf32>
        %swap3A_213 = vector.shape_cast %mul3A_209 : vector<16xf32> to vector<1x16xf32>
        tpu.vector_store %arg6[%swap3A, %swap3A_210], %swap3A_213 {strides = array<i32>} : memref<32x1024xf32, #tpu.memory_space<vmem>>, vector<1x16xf32>,
        %get3A_214 = arith.index_cast %scan3A_203 : i32 to index
        %get3A_215 = arith.constant 16 : index
        %get3A_216 = tpu.vector_load %arg6[%get3A_214, %get3A_215] {strides = array<i32>} : memref<32x1024xf32, #tpu.memory_space<vmem>>, vector<1x16xf32>,
        %get3A_217 = vector.shape_cast %get3A_216 : vector<1x16xf32> to vector<16xf32>
        %mul3A_218 = arith.constant 3.200000e+01 : f32
        %mul3A_219 = vector.broadcast %mul3A_218 : f32 to vector<16xf32>
        %mul3A_220 = arith.mulf %get3A_217, %mul3A_219 : vector<16xf32>
        %swap3A_221 = arith.index_cast %scan3A_203 : i32 to index
        %swap3A_222 = arith.constant 16 : index
        %swap3A_223 = tpu.vector_load %arg6[%swap3A_221, %swap3A_222] {strides = array<i32>} : memref<32x1024xf32, #tpu.memory_space<vmem>>, vector<1x16xf32>,
        %swap3A_224 = vector.shape_cast %swap3A_223 : vector<1x16xf32> to vector<16xf32>
        %swap3A_225 = vector.shape_cast %mul3A_220 : vector<16xf32> to vector<1x16xf32>
        tpu.vector_store %arg6[%swap3A_221, %swap3A_222], %swap3A_225 {strides = array<i32>} : memref<32x1024xf32, #tpu.memory_space<vmem>>, vector<1x16xf32>,
        %get3A_226 = arith.index_cast %scan3A_203 : i32 to index
        %get3A_227 = arith.constant 32 : index
        %get3A_228 = tpu.vector_load %arg6[%get3A_226, %get3A_227] {strides = array<i32>} : memref<32x1024xf32, #tpu.memory_space<vmem>>, vector<1x16xf32>,
        %get3A_229 = vector.shape_cast %get3A_228 : vector<1x16xf32> to vector<16xf32>
        %mul3A_230 = arith.constant 3.200000e+01 : f32
        %mul3A_231 = vector.broadcast %mul3A_230 : f32 to vector<16xf32>
        %mul3A_232 = arith.mulf %get3A_229, %mul3A_231 : vector<16xf32>
        %swap3A_233 = arith.index_cast %scan3A_203 : i32 to index
        %swap3A_234 = arith.constant 32 : index
        %swap3A_235 = tpu.vector_load %arg6[%swap3A_233, %swap3A_234] {strides = array<i32>} : memref<32x1024xf32, #tpu.memory_space<vmem>>, vector<1x16xf32>,
        %swap3A_236 = vector.shape_cast %swap3A_235 : vector<1x16xf32> to vector<16xf32>
        %swap3A_237 = vector.shape_cast %mul3A_232 : vector<16xf32> to vector<1x16xf32>
        tpu.vector_store %arg6[%swap3A_233, %swap3A_234], %swap3A_237 {strides = array<i32>} : memref<32x1024xf32, #tpu.memory_space<vmem>>, vector<1x16xf32>,
        %get3A_238 = arith.index_cast %scan3A_203 : i32 to index
        %get3A_239 = arith.constant 48 : index
        %get3A_240 = tpu.vector_load %arg6[%get3A_238, %get3A_239] {strides = array<i32>} : memref<32x1024xf32, #tpu.memory_space<vmem>>, vector<1x16xf32>,
        %get3A_241 = vector.shape_cast %get3A_240 : vector<1x16xf32> to vector<16xf32>
        %mul3A_242 = arith.constant 3.200000e+01 : f32
        %mul3A_243 = vector.broadcast %mul3A_242 : f32 to vector<16xf32>
        %mul3A_244 = arith.mulf %get3A_241, %mul3A_243 : vector<16xf32>
        %swap3A_245 = arith.index_cast %scan3A_203 : i32 to index
        %swap3A_246 = arith.constant 48 : index
        %swap3A_247 = tpu.vector_load %arg6[%swap3A_245, %swap3A_246] {strides = array<i32>} : memref<32x1024xf32, #tpu.memory_space<vmem>>, vector<1x16xf32>,
        %swap3A_248 = vector.shape_cast %swap3A_247 : vector<1x16xf32> to vector<16xf32>
        %swap3A_249 = vector.shape_cast %mul3A_244 : vector<16xf32> to vector<1x16xf32>
        tpu.vector_store %arg6[%swap3A_245, %swap3A_246], %swap3A_249 {strides = array<i32>} : memref<32x1024xf32, #tpu.memory_space<vmem>>, vector<1x16xf32>,
        %get3A_250 = arith.index_cast %scan3A_203 : i32 to index
        %get3A_251 = arith.constant 64 : index
        %get3A_252 = tpu.vector_load %arg6[%get3A_250, %get3A_251] {strides = array<i32>} : memref<32x1024xf32, #tpu.memory_space<vmem>>, vector<1x16xf32>,
        %get3A_253 = vector.shape_cast %get3A_252 : vector<1x16xf32> to vector<16xf32>
        %mul3A_254 = arith.constant 3.200000e+01 : f32
        %mul3A_255 = vector.broadcast %mul3A_254 : f32 to vector<16xf32>
        %mul3A_256 = arith.mulf %get3A_253, %mul3A_255 : vector<16xf32>
        %swap3A_257 = arith.index_cast %scan3A_203 : i32 to index
        %swap3A_258 = arith.constant 64 : index
        %swap3A_259 = tpu.vector_load %arg6[%swap3A_257, %swap3A_258] {strides = array<i32>} : memref<32x1024xf32, #tpu.memory_space<vmem>>, vector<1x16xf32>,
        %swap3A_260 = vector.shape_cast %swap3A_259 : vector<1x16xf32> to vector<16xf32>
        %swap3A_261 = vector.shape_cast %mul3A_256 : vector<16xf32> to vector<1x16xf32>
        tpu.vector_store %arg6[%swap3A_257, %swap3A_258], %swap3A_261 {strides = array<i32>} : memref<32x1024xf32, #tpu.memory_space<vmem>>, vector<1x16xf32>,
        %get3A_262 = arith.index_cast %scan3A_203 : i32 to index
        %get3A_263 = arith.constant 80 : index
        %get3A_264 = tpu.vector_load %arg6[%get3A_262, %get3A_263] {strides = array<i32>} : memref<32x1024xf32, #tpu.memory_space<vmem>>, vector<1x16xf32>,
        %get3A_265 = vector.shape_cast %get3A_264 : vector<1x16xf32> to vector<16xf32>
        %mul3A_266 = arith.constant 3.200000e+01 : f32
        %mul3A_267 = vector.broadcast %mul3A_266 : f32 to vector<16xf32>
        %mul3A_268 = arith.mulf %get3A_265, %mul3A_267 : vector<16xf32>
        %swap3A_269 = arith.index_cast %scan3A_203 : i32 to index
        %swap3A_270 = arith.constant 80 : index
        %swap3A_271 = tpu.vector_load %arg6[%swap3A_269, %swap3A_270] {strides = array<i32>} : memref<32x1024xf32, #tpu.memory_space<vmem>>, vector<1x16xf32>,
        %swap3A_272 = vector.shape_cast %swap3A_271 : vector<1x16xf32> to vector<16xf32>
        %swap3A_273 = vector.shape_cast %mul3A_268 : vector<16xf32> to vector<1x16xf32>
        tpu.vector_store %arg6[%swap3A_269, %swap3A_270], %swap3A_273 {strides = array<i32>} : memref<32x1024xf32, #tpu.memory_space<vmem>>, vector<1x16xf32>,
        %get3A_274 = arith.index_cast %scan3A_203 : i32 to index
        %get3A_275 = arith.constant 96 : index
        %get3A_276 = tpu.vector_load %arg6[%get3A_274, %get3A_275] {strides = array<i32>} : memref<32x1024xf32, #tpu.memory_space<vmem>>, vector<1x16xf32>,
        %get3A_277 = vector.shape_cast %get3A_276 : vector<1x16xf32> to vector<16xf32>
        %mul3A_278 = arith.constant 3.200000e+01 : f32
        %mul3A_279 = vector.broadcast %mul3A_278 : f32 to vector<16xf32>
        %mul3A_280 = arith.mulf %get3A_277, %mul3A_279 : vector<16xf32>
        %swap3A_281 = arith.index_cast %scan3A_203 : i32 to index
        %swap3A_282 = arith.constant 96 : index
        %swap3A_283 = tpu.vector_load %arg6[%swap3A_281, %swap3A_282] {strides = array<i32>} : memref<32x1024xf32, #tpu.memory_space<vmem>>, vector<1x16xf32>,
        %swap3A_284 = vector.shape_cast %swap3A_283 : vector<1x16xf32> to vector<16xf32>
        %swap3A_285 = vector.shape_cast %mul3A_280 : vector<16xf32> to vector<1x16xf32>
        tpu.vector_store %arg6[%swap3A_281, %swap3A_282], %swap3A_285 {strides = array<i32>} : memref<32x1024xf32, #tpu.memory_space<vmem>>, vector<1x16xf32>,
        %get3A_286 = arith.index_cast %scan3A_203 : i32 to index
        %get3A_287 = arith.constant 112 : index
        %get3A_288 = tpu.vector_load %arg6[%get3A_286, %get3A_287] {strides = array<i32>} : memref<32x1024xf32, #tpu.memory_space<vmem>>, vector<1x16xf32>,
        %get3A_289 = vector.shape_cast %get3A_288 : vector<1x16xf32> to vector<16xf32>
        %mul3A_290 = arith.constant 3.200000e+01 : f32
        %mul3A_291 = vector.broadcast %mul3A_290 : f32 to vector<16xf32>
        %mul3A_292 = arith.mulf %get3A_289, %mul3A_291 : vector<16xf32>
        %swap3A_293 = arith.index_cast %scan3A_203 : i32 to index
        %swap3A_294 = arith.constant 112 : index
        %swap3A_295 = tpu.vector_load %arg6[%swap3A_293, %swap3A_294] {strides = array<i32>} : memref<32x1024xf32, #tpu.memory_space<vmem>>, vector<1x16xf32>,
        %swap3A_296 = vector.shape_cast %swap3A_295 : vector<1x16xf32> to vector<16xf32>
        %swap3A_297 = vector.shape_cast %mul3A_292 : vector<16xf32> to vector<1x16xf32>
        tpu.vector_store %arg6[%swap3A_293, %swap3A_294], %swap3A_297 {strides = array<i32>} : memref<32x1024xf32, #tpu.memory_space<vmem>>, vector<1x16xf32>,
        %get3A_298 = arith.index_cast %scan3A_203 : i32 to index
        %get3A_299 = arith.constant 128 : index
        %get3A_300 = tpu.vector_load %arg6[%get3A_298, %get3A_299] {strides = array<i32>} : memref<32x1024xf32, #tpu.memory_space<vmem>>, vector<1x16xf32>,
        %get3A_301 = vector.shape_cast %get3A_300 : vector<1x16xf32> to vector<16xf32>
        %mul3A_302 = arith.constant 3.200000e+01 : f32
        %mul3A_303 = vector.broadcast %mul3A_302 : f32 to vector<16xf32>
        %mul3A_304 = arith.mulf %get3A_301, %mul3A_303 : vector<16xf32>
        %swap3A_305 = arith.index_cast %scan3A_203 : i32 to index
        %swap3A_306 = arith.constant 128 : index
        %swap3A_307 = tpu.vector_load %arg6[%swap3A_305, %swap3A_306] {strides = array<i32>} : memref<32x1024xf32, #tpu.memory_space<vmem>>, vector<1x16xf32>,
        %swap3A_308 = vector.shape_cast %swap3A_307 : vector<1x16xf32> to vector<16xf32>
        %swap3A_309 = vector.shape_cast %mul3A_304 : vector<16xf32> to vector<1x16xf32>
        tpu.vector_store %arg6[%swap3A_305, %swap3A_306], %swap3A_309 {strides = array<i32>} : memref<32x1024xf32, #tpu.memory_space<vmem>>, vector<1x16xf32>,
        %get3A_310 = arith.index_cast %scan3A_203 : i32 to index
        %get3A_311 = arith.constant 144 : index
        %get3A_312 = tpu.vector_load %arg6[%get3A_310, %get3A_311] {strides = array<i32>} : memref<32x1024xf32, #tpu.memory_space<vmem>>, vector<1x16xf32>,
        %get3A_313 = vector.shape_cast %get3A_312 : vector<1x16xf32> to vector<16xf32>
        %mul3A_314 = arith.constant 3.200000e+01 : f32
        %mul3A_315 = vector.broadcast %mul3A_314 : f32 to vector<16xf32>
        %mul3A_316 = arith.mulf %get3A_313, %mul3A_315 : vector<16xf32>
        %swap3A_317 = arith.index_cast %scan3A_203 : i32 to index
        %swap3A_318 = arith.constant 144 : index
        %swap3A_319 = tpu.vector_load %arg6[%swap3A_317, %swap3A_318] {strides = array<i32>} : memref<32x1024xf32, #tpu.memory_space<vmem>>, vector<1x16xf32>,
        %swap3A_320 = vector.shape_cast %swap3A_319 : vector<1x16xf32> to vector<16xf32>
        %swap3A_321 = vector.shape_cast %mul3A_316 : vector<16xf32> to vector<1x16xf32>
        tpu.vector_store %arg6[%swap3A_317, %swap3A_318], %swap3A_321 {strides = array<i32>} : memref<32x1024xf32, #tpu.memory_space<vmem>>, vector<1x16xf32>,
        %get3A_322 = arith.index_cast %scan3A_203 : i32 to index
        %get3A_323 = arith.constant 160 : index
        %get3A_324 = tpu.vector_load %arg6[%get3A_322, %get3A_323] {strides = array<i32>} : memref<32x1024xf32, #tpu.memory_space<vmem>>, vector<1x16xf32>,
        %get3A_325 = vector.shape_cast %get3A_324 : vector<1x16xf32> to vector<16xf32>
        %mul3A_326 = arith.constant 3.200000e+01 : f32
        %mul3A_327 = vector.broadcast %mul3A_326 : f32 to vector<16xf32>
        %mul3A_328 = arith.mulf %get3A_325, %mul3A_327 : vector<16xf32>
        %swap3A_329 = arith.index_cast %scan3A_203 : i32 to index
        %swap3A_330 = arith.constant 160 : index
        %swap3A_331 = tpu.vector_load %arg6[%swap3A_329, %swap3A_330] {strides = array<i32>} : memref<32x1024xf32, #tpu.memory_space<vmem>>, vector<1x16xf32>,
        %swap3A_332 = vector.shape_cast %swap3A_331 : vector<1x16xf32> to vector<16xf32>
        %swap3A_333 = vector.shape_cast %mul3A_328 : vector<16xf32> to vector<1x16xf32>
        tpu.vector_store %arg6[%swap3A_329, %swap3A_330], %swap3A_333 {strides = array<i32>} : memref<32x1024xf32, #tpu.memory_space<vmem>>, vector<1x16xf32>,
        %get3A_334 = arith.index_cast %scan3A_203 : i32 to index
        %get3A_335 = arith.constant 176 : index
        %get3A_336 = tpu.vector_load %arg6[%get3A_334, %get3A_335] {strides = array<i32>} : memref<32x1024xf32, #tpu.memory_space<vmem>>, vector<1x16xf32>,
        %get3A_337 = vector.shape_cast %get3A_336 : vector<1x16xf32> to vector<16xf32>
        %mul3A_338 = arith.constant 3.200000e+01 : f32
        %mul3A_339 = vector.broadcast %mul3A_338 : f32 to vector<16xf32>
        %mul3A_340 = arith.mulf %get3A_337, %mul3A_339 : vector<16xf32>
        %swap3A_341 = arith.index_cast %scan3A_203 : i32 to index
        %swap3A_342 = arith.constant 176 : index
        %swap3A_343 = tpu.vector_load %arg6[%swap3A_341, %swap3A_342] {strides = array<i32>} : memref<32x1024xf32, #tpu.memory_space<vmem>>, vector<1x16xf32>,
        %swap3A_344 = vector.shape_cast %swap3A_343 : vector<1x16xf32> to vector<16xf32>
        %swap3A_345 = vector.shape_cast %mul3A_340 : vector<16xf32> to vector<1x16xf32>
        tpu.vector_store %arg6[%swap3A_341, %swap3A_342], %swap3A_345 {strides = array<i32>} : memref<32x1024xf32, #tpu.memory_space<vmem>>, vector<1x16xf32>,
        %get3A_346 = arith.index_cast %scan3A_203 : i32 to index
        %get3A_347 = arith.constant 192 : index
        %get3A_348 = tpu.vector_load %arg6[%get3A_346, %get3A_347] {strides = array<i32>} : memref<32x1024xf32, #tpu.memory_space<vmem>>, vector<1x16xf32>,
        %get3A_349 = vector.shape_cast %get3A_348 : vector<1x16xf32> to vector<16xf32>
        %mul3A_350 = arith.constant 3.200000e+01 : f32
        %mul3A_351 = vector.broadcast %mul3A_350 : f32 to vector<16xf32>
        %mul3A_352 = arith.mulf %get3A_349, %mul3A_351 : vector<16xf32>
        %swap3A_353 = arith.index_cast %scan3A_203 : i32 to index
        %swap3A_354 = arith.constant 192 : index
        %swap3A_355 = tpu.vector_load %arg6[%swap3A_353, %swap3A_354] {strides = array<i32>} : memref<32x1024xf32, #tpu.memory_space<vmem>>, vector<1x16xf32>,
        %swap3A_356 = vector.shape_cast %swap3A_355 : vector<1x16xf32> to vector<16xf32>
        %swap3A_357 = vector.shape_cast %mul3A_352 : vector<16xf32> to vector<1x16xf32>
        tpu.vector_store %arg6[%swap3A_353, %swap3A_354], %swap3A_357 {strides = array<i32>} : memref<32x1024xf32, #tpu.memory_space<vmem>>, vector<1x16xf32>,
        %get3A_358 = arith.index_cast %scan3A_203 : i32 to index
        %get3A_359 = arith.constant 208 : index
        %get3A_360 = tpu.vector_load %arg6[%get3A_358, %get3A_359] {strides = array<i32>} : memref<32x1024xf32, #tpu.memory_space<vmem>>, vector<1x16xf32>,
        %get3A_361 = vector.shape_cast %get3A_360 : vector<1x16xf32> to vector<16xf32>
        %mul3A_362 = arith.constant 3.200000e+01 : f32
        %mul3A_363 = vector.broadcast %mul3A_362 : f32 to vector<16xf32>
        %mul3A_364 = arith.mulf %get3A_361, %mul3A_363 : vector<16xf32>
        %swap3A_365 = arith.index_cast %scan3A_203 : i32 to index
        %swap3A_366 = arith.constant 208 : index
        %swap3A_367 = tpu.vector_load %arg6[%swap3A_365, %swap3A_366] {strides = array<i32>} : memref<32x1024xf32, #tpu.memory_space<vmem>>, vector<1x16xf32>,
        %swap3A_368 = vector.shape_cast %swap3A_367 : vector<1x16xf32> to vector<16xf32>
        %swap3A_369 = vector.shape_cast %mul3A_364 : vector<16xf32> to vector<1x16xf32>
        tpu.vector_store %arg6[%swap3A_365, %swap3A_366], %swap3A_369 {strides = array<i32>} : memref<32x1024xf32, #tpu.memory_space<vmem>>, vector<1x16xf32>,
        %get3A_370 = arith.index_cast %scan3A_203 : i32 to index
        %get3A_371 = arith.constant 224 : index
        %get3A_372 = tpu.vector_load %arg6[%get3A_370, %get3A_371] {strides = array<i32>} : memref<32x1024xf32, #tpu.memory_space<vmem>>, vector<1x16xf32>,
        %get3A_373 = vector.shape_cast %get3A_372 : vector<1x16xf32> to vector<16xf32>
        %mul3A_374 = arith.constant 3.200000e+01 : f32
        %mul3A_375 = vector.broadcast %mul3A_374 : f32 to vector<16xf32>
        %mul3A_376 = arith.mulf %get3A_373, %mul3A_375 : vector<16xf32>
        %swap3A_377 = arith.index_cast %scan3A_203 : i32 to index
        %swap3A_378 = arith.constant 224 : index
        %swap3A_379 = tpu.vector_load %arg6[%swap3A_377, %swap3A_378] {strides = array<i32>} : memref<32x1024xf32, #tpu.memory_space<vmem>>, vector<1x16xf32>,
        %swap3A_380 = vector.shape_cast %swap3A_379 : vector<1x16xf32> to vector<16xf32>
        %swap3A_381 = vector.shape_cast %mul3A_376 : vector<16xf32> to vector<1x16xf32>
        tpu.vector_store %arg6[%swap3A_377, %swap3A_378], %swap3A_381 {strides = array<i32>} : memref<32x1024xf32, #tpu.memory_space<vmem>>, vector<1x16xf32>,
        %get3A_382 = arith.index_cast %scan3A_203 : i32 to index
        %get3A_383 = arith.constant 240 : index
        %get3A_384 = tpu.vector_load %arg6[%get3A_382, %get3A_383] {strides = array<i32>} : memref<32x1024xf32, #tpu.memory_space<vmem>>, vector<1x16xf32>,
        %get3A_385 = vector.shape_cast %get3A_384 : vector<1x16xf32> to vector<16xf32>
        %mul3A_386 = arith.constant 3.200000e+01 : f32
        %mul3A_387 = vector.broadcast %mul3A_386 : f32 to vector<16xf32>
        %mul3A_388 = arith.mulf %get3A_385, %mul3A_387 : vector<16xf32>
        %swap3A_389 = arith.index_cast %scan3A_203 : i32 to index
        %swap3A_390 = arith.constant 240 : index
        %swap3A_391 = tpu.vector_load %arg6[%swap3A_389, %swap3A_390] {strides = array<i32>} : memref<32x1024xf32, #tpu.memory_space<vmem>>, vector<1x16xf32>,
        %swap3A_392 = vector.shape_cast %swap3A_391 : vector<1x16xf32> to vector<16xf32>
        %swap3A_393 = vector.shape_cast %mul3A_388 : vector<16xf32> to vector<1x16xf32>
        tpu.vector_store %arg6[%swap3A_389, %swap3A_390], %swap3A_393 {strides = array<i32>} : memref<32x1024xf32, #tpu.memory_space<vmem>>, vector<1x16xf32>,
        %get3A_394 = arith.index_cast %scan3A_203 : i32 to index
        %get3A_395 = arith.constant 256 : index
        %get3A_396 = tpu.vector_load %arg6[%get3A_394, %get3A_395] {strides = array<i32>} : memref<32x1024xf32, #tpu.memory_space<vmem>>, vector<1x16xf32>,
        %get3A_397 = vector.shape_cast %get3A_396 : vector<1x16xf32> to vector<16xf32>
        %mul3A_398 = arith.constant 3.200000e+01 : f32
        %mul3A_399 = vector.broadcast %mul3A_398 : f32 to vector<16xf32>
        %mul3A_400 = arith.mulf %get3A_397, %mul3A_399 : vector<16xf32>
        %swap3A_401 = arith.index_cast %scan3A_203 : i32 to index
        %swap3A_402 = arith.constant 256 : index
        %swap3A_403 = tpu.vector_load %arg6[%swap3A_401, %swap3A_402] {strides = array<i32>} : memref<32x1024xf32, #tpu.memory_space<vmem>>, vector<1x16xf32>,
        %swap3A_404 = vector.shape_cast %swap3A_403 : vector<1x16xf32> to vector<16xf32>
        %swap3A_405 = vector.shape_cast %mul3A_400 : vector<16xf32> to vector<1x16xf32>
        tpu.vector_store %arg6[%swap3A_401, %swap3A_402], %swap3A_405 {strides = array<i32>} : memref<32x1024xf32, #tpu.memory_space<vmem>>, vector<1x16xf32>,
        %get3A_406 = arith.index_cast %scan3A_203 : i32 to index
        %get3A_407 = arith.constant 272 : index
        %get3A_408 = tpu.vector_load %arg6[%get3A_406, %get3A_407] {strides = array<i32>} : memref<32x1024xf32, #tpu.memory_space<vmem>>, vector<1x16xf32>,
        %get3A_409 = vector.shape_cast %get3A_408 : vector<1x16xf32> to vector<16xf32>
        %mul3A_410 = arith.constant 3.200000e+01 : f32
        %mul3A_411 = vector.broadcast %mul3A_410 : f32 to vector<16xf32>
        %mul3A_412 = arith.mulf %get3A_409, %mul3A_411 : vector<16xf32>
        %swap3A_413 = arith.index_cast %scan3A_203 : i32 to index
        %swap3A_414 = arith.constant 272 : index
        %swap3A_415 = tpu.vector_load %arg6[%swap3A_413, %swap3A_414] {strides = array<i32>} : memref<32x1024xf32, #tpu.memory_space<vmem>>, vector<1x16xf32>,
        %swap3A_416 = vector.shape_cast %swap3A_415 : vector<1x16xf32> to vector<16xf32>
        %swap3A_417 = vector.shape_cast %mul3A_412 : vector<16xf32> to vector<1x16xf32>
        tpu.vector_store %arg6[%swap3A_413, %swap3A_414], %swap3A_417 {strides = array<i32>} : memref<32x1024xf32, #tpu.memory_space<vmem>>, vector<1x16xf32>,
        %get3A_418 = arith.index_cast %scan3A_203 : i32 to index
        %get3A_419 = arith.constant 288 : index
        %get3A_420 = tpu.vector_load %arg6[%get3A_418, %get3A_419] {strides = array<i32>} : memref<32x1024xf32, #tpu.memory_space<vmem>>, vector<1x16xf32>,
        %get3A_421 = vector.shape_cast %get3A_420 : vector<1x16xf32> to vector<16xf32>
        %mul3A_422 = arith.constant 3.200000e+01 : f32
        %mul3A_423 = vector.broadcast %mul3A_422 : f32 to vector<16xf32>
        %mul3A_424 = arith.mulf %get3A_421, %mul3A_423 : vector<16xf32>
        %swap3A_425 = arith.index_cast %scan3A_203 : i32 to index
        %swap3A_426 = arith.constant 288 : index
        %swap3A_427 = tpu.vector_load %arg6[%swap3A_425, %swap3A_426] {strides = array<i32>} : memref<32x1024xf32, #tpu.memory_space<vmem>>, vector<1x16xf32>,
        %swap3A_428 = vector.shape_cast %swap3A_427 : vector<1x16xf32> to vector<16xf32>
        %swap3A_429 = vector.shape_cast %mul3A_424 : vector<16xf32> to vector<1x16xf32>
        tpu.vector_store %arg6[%swap3A_425, %swap3A_426], %swap3A_429 {strides = array<i32>} : memref<32x1024xf32, #tpu.memory_space<vmem>>, vector<1x16xf32>,
        %get3A_430 = arith.index_cast %scan3A_203 : i32 to index
        %get3A_431 = arith.constant 304 : index
        %get3A_432 = tpu.vector_load %arg6[%get3A_430, %get3A_431] {strides = array<i32>} : memref<32x1024xf32, #tpu.memory_space<vmem>>, vector<1x16xf32>,
        %get3A_433 = vector.shape_cast %get3A_432 : vector<1x16xf32> to vector<16xf32>
        %mul3A_434 = arith.constant 3.200000e+01 : f32
        %mul3A_435 = vector.broadcast %mul3A_434 : f32 to vector<16xf32>
        %mul3A_436 = arith.mulf %get3A_433, %mul3A_435 : vector<16xf32>
        %swap3A_437 = arith.index_cast %scan3A_203 : i32 to index
        %swap3A_438 = arith.constant 304 : index
        %swap3A_439 = tpu.vector_load %arg6[%swap3A_437, %swap3A_438] {strides = array<i32>} : memref<32x1024xf32, #tpu.memory_space<vmem>>, vector<1x16xf32>,
        %swap3A_440 = vector.shape_cast %swap3A_439 : vector<1x16xf32> to vector<16xf32>
        %swap3A_441 = vector.shape_cast %mul3A_436 : vector<16xf32> to vector<1x16xf32>
        tpu.vector_store %arg6[%swap3A_437, %swap3A_438], %swap3A_441 {strides = array<i32>} : memref<32x1024xf32, #tpu.memory_space<vmem>>, vector<1x16xf32>,
        %get3A_442 = arith.index_cast %scan3A_203 : i32 to index
        %get3A_443 = arith.constant 320 : index
        %get3A_444 = tpu.vector_load %arg6[%get3A_442, %get3A_443] {strides = array<i32>} : memref<32x1024xf32, #tpu.memory_space<vmem>>, vector<1x16xf32>,
        %get3A_445 = vector.shape_cast %get3A_444 : vector<1x16xf32> to vector<16xf32>
        %mul3A_446 = arith.constant 3.200000e+01 : f32
        %mul3A_447 = vector.broadcast %mul3A_446 : f32 to vector<16xf32>
        %mul3A_448 = arith.mulf %get3A_445, %mul3A_447 : vector<16xf32>
        %swap3A_449 = arith.index_cast %scan3A_203 : i32 to index
        %swap3A_450 = arith.constant 320 : index
        %swap3A_451 = tpu.vector_load %arg6[%swap3A_449, %swap3A_450] {strides = array<i32>} : memref<32x1024xf32, #tpu.memory_space<vmem>>, vector<1x16xf32>,
        %swap3A_452 = vector.shape_cast %swap3A_451 : vector<1x16xf32> to vector<16xf32>
        %swap3A_453 = vector.shape_cast %mul3A_448 : vector<16xf32> to vector<1x16xf32>
        tpu.vector_store %arg6[%swap3A_449, %swap3A_450], %swap3A_453 {strides = array<i32>} : memref<32x1024xf32, #tpu.memory_space<vmem>>, vector<1x16xf32>,
        %get3A_454 = arith.index_cast %scan3A_203 : i32 to index
        %get3A_455 = arith.constant 336 : index
        %get3A_456 = tpu.vector_load %arg6[%get3A_454, %get3A_455] {strides = array<i32>} : memref<32x1024xf32, #tpu.memory_space<vmem>>, vector<1x16xf32>,
        %get3A_457 = vector.shape_cast %get3A_456 : vector<1x16xf32> to vector<16xf32>
        %mul3A_458 = arith.constant 3.200000e+01 : f32
        %mul3A_459 = vector.broadcast %mul3A_458 : f32 to vector<16xf32>
        %mul3A_460 = arith.mulf %get3A_457, %mul3A_459 : vector<16xf32>
        %swap3A_461 = arith.index_cast %scan3A_203 : i32 to index
        %swap3A_462 = arith.constant 336 : index
        %swap3A_463 = tpu.vector_load %arg6[%swap3A_461, %swap3A_462] {strides = array<i32>} : memref<32x1024xf32, #tpu.memory_space<vmem>>, vector<1x16xf32>,
        %swap3A_464 = vector.shape_cast %swap3A_463 : vector<1x16xf32> to vector<16xf32>
        %swap3A_465 = vector.shape_cast %mul3A_460 : vector<16xf32> to vector<1x16xf32>
        tpu.vector_store %arg6[%swap3A_461, %swap3A_462], %swap3A_465 {strides = array<i32>} : memref<32x1024xf32, #tpu.memory_space<vmem>>, vector<1x16xf32>,
        %get3A_466 = arith.index_cast %scan3A_203 : i32 to index
        %get3A_467 = arith.constant 352 : index
        %get3A_468 = tpu.vector_load %arg6[%get3A_466, %get3A_467] {strides = array<i32>} : memref<32x1024xf32, #tpu.memory_space<vmem>>, vector<1x16xf32>,
        %get3A_469 = vector.shape_cast %get3A_468 : vector<1x16xf32> to vector<16xf32>
        %mul3A_470 = arith.constant 3.200000e+01 : f32
        %mul3A_471 = vector.broadcast %mul3A_470 : f32 to vector<16xf32>
        %mul3A_472 = arith.mulf %get3A_469, %mul3A_471 : vector<16xf32>
        %swap3A_473 = arith.index_cast %scan3A_203 : i32 to index
        %swap3A_474 = arith.constant 352 : index
        %swap3A_475 = tpu.vector_load %arg6[%swap3A_473, %swap3A_474] {strides = array<i32>} : memref<32x1024xf32, #tpu.memory_space<vmem>>, vector<1x16xf32>,
        %swap3A_476 = vector.shape_cast %swap3A_475 : vector<1x16xf32> to vector<16xf32>
        %swap3A_477 = vector.shape_cast %mul3A_472 : vector<16xf32> to vector<1x16xf32>
        tpu.vector_store %arg6[%swap3A_473, %swap3A_474], %swap3A_477 {strides = array<i32>} : memref<32x1024xf32, #tpu.memory_space<vmem>>, vector<1x16xf32>,
        %get3A_478 = arith.index_cast %scan3A_203 : i32 to index
        %get3A_479 = arith.constant 368 : index
        %get3A_480 = tpu.vector_load %arg6[%get3A_478, %get3A_479] {strides = array<i32>} : memref<32x1024xf32, #tpu.memory_space<vmem>>, vector<1x16xf32>,
        %get3A_481 = vector.shape_cast %get3A_480 : vector<1x16xf32> to vector<16xf32>
        %mul3A_482 = arith.constant 3.200000e+01 : f32
        %mul3A_483 = vector.broadcast %mul3A_482 : f32 to vector<16xf32>
        %mul3A_484 = arith.mulf %get3A_481, %mul3A_483 : vector<16xf32>
        %swap3A_485 = arith.index_cast %scan3A_203 : i32 to index
        %swap3A_486 = arith.constant 368 : index
        %swap3A_487 = tpu.vector_load %arg6[%swap3A_485, %swap3A_486] {strides = array<i32>} : memref<32x1024xf32, #tpu.memory_space<vmem>>, vector<1x16xf32>,
        %swap3A_488 = vector.shape_cast %swap3A_487 : vector<1x16xf32> to vector<16xf32>
        %swap3A_489 = vector.shape_cast %mul3A_484 : vector<16xf32> to vector<1x16xf32>
        tpu.vector_store %arg6[%swap3A_485, %swap3A_486], %swap3A_489 {strides = array<i32>} : memref<32x1024xf32, #tpu.memory_space<vmem>>, vector<1x16xf32>,
        %get3A_490 = arith.index_cast %scan3A_203 : i32 to index
        %get3A_491 = arith.constant 384 : index
        %get3A_492 = tpu.vector_load %arg6[%get3A_490, %get3A_491] {strides = array<i32>} : memref<32x1024xf32, #tpu.memory_space<vmem>>, vector<1x16xf32>,
        %get3A_493 = vector.shape_cast %get3A_492 : vector<1x16xf32> to vector<16xf32>
        %mul3A_494 = arith.constant 3.200000e+01 : f32
        %mul3A_495 = vector.broadcast %mul3A_494 : f32 to vector<16xf32>
        %mul3A_496 = arith.mulf %get3A_493, %mul3A_495 : vector<16xf32>
        %swap3A_497 = arith.index_cast %scan3A_203 : i32 to index
        %swap3A_498 = arith.constant 384 : index
        %swap3A_499 = tpu.vector_load %arg6[%swap3A_497, %swap3A_498] {strides = array<i32>} : memref<32x1024xf32, #tpu.memory_space<vmem>>, vector<1x16xf32>,
        %swap3A_500 = vector.shape_cast %swap3A_499 : vector<1x16xf32> to vector<16xf32>
        %swap3A_501 = vector.shape_cast %mul3A_496 : vector<16xf32> to vector<1x16xf32>
        tpu.vector_store %arg6[%swap3A_497, %swap3A_498], %swap3A_501 {strides = array<i32>} : memref<32x1024xf32, #tpu.memory_space<vmem>>, vector<1x16xf32>,
        %get3A_502 = arith.index_cast %scan3A_203 : i32 to index
        %get3A_503 = arith.constant 400 : index
        %get3A_504 = tpu.vector_load %arg6[%get3A_502, %get3A_503] {strides = array<i32>} : memref<32x1024xf32, #tpu.memory_space<vmem>>, vector<1x16xf32>,
        %get3A_505 = vector.shape_cast %get3A_504 : vector<1x16xf32> to vector<16xf32>
        %mul3A_506 = arith.constant 3.200000e+01 : f32
        %mul3A_507 = vector.broadcast %mul3A_506 : f32 to vector<16xf32>
        %mul3A_508 = arith.mulf %get3A_505, %mul3A_507 : vector<16xf32>
        %swap3A_509 = arith.index_cast %scan3A_203 : i32 to index
        %swap3A_510 = arith.constant 400 : index
        %swap3A_511 = tpu.vector_load %arg6[%swap3A_509, %swap3A_510] {strides = array<i32>} : memref<32x1024xf32, #tpu.memory_space<vmem>>, vector<1x16xf32>,
        %swap3A_512 = vector.shape_cast %swap3A_511 : vector<1x16xf32> to vector<16xf32>
        %swap3A_513 = vector.shape_cast %mul3A_508 : vector<16xf32> to vector<1x16xf32>
        tpu.vector_store %arg6[%swap3A_509, %swap3A_510], %swap3A_513 {strides = array<i32>} : memref<32x1024xf32, #tpu.memory_space<vmem>>, vector<1x16xf32>,
        %get3A_514 = arith.index_cast %scan3A_203 : i32 to index
        %get3A_515 = arith.constant 416 : index
        %get3A_516 = tpu.vector_load %arg6[%get3A_514, %get3A_515] {strides = array<i32>} : memref<32x1024xf32, #tpu.memory_space<vmem>>, vector<1x16xf32>,
        %get3A_517 = vector.shape_cast %get3A_516 : vector<1x16xf32> to vector<16xf32>
        %mul3A_518 = arith.constant 3.200000e+01 : f32
        %mul3A_519 = vector.broadcast %mul3A_518 : f32 to vector<16xf32>
        %mul3A_520 = arith.mulf %get3A_517, %mul3A_519 : vector<16xf32>
        %swap3A_521 = arith.index_cast %scan3A_203 : i32 to index
        %swap3A_522 = arith.constant 416 : index
        %swap3A_523 = tpu.vector_load %arg6[%swap3A_521, %swap3A_522] {strides = array<i32>} : memref<32x1024xf32, #tpu.memory_space<vmem>>, vector<1x16xf32>,
        %swap3A_524 = vector.shape_cast %swap3A_523 : vector<1x16xf32> to vector<16xf32>
        %swap3A_525 = vector.shape_cast %mul3A_520 : vector<16xf32> to vector<1x16xf32>
        tpu.vector_store %arg6[%swap3A_521, %swap3A_522], %swap3A_525 {strides = array<i32>} : memref<32x1024xf32, #tpu.memory_space<vmem>>, vector<1x16xf32>,
        %get3A_526 = arith.index_cast %scan3A_203 : i32 to index
        %get3A_527 = arith.constant 432 : index
        %get3A_528 = tpu.vector_load %arg6[%get3A_526, %get3A_527] {strides = array<i32>} : memref<32x1024xf32, #tpu.memory_space<vmem>>, vector<1x16xf32>,
        %get3A_529 = vector.shape_cast %get3A_528 : vector<1x16xf32> to vector<16xf32>
        %mul3A_530 = arith.constant 3.200000e+01 : f32
        %mul3A_531 = vector.broadcast %mul3A_530 : f32 to vector<16xf32>
        %mul3A_532 = arith.mulf %get3A_529, %mul3A_531 : vector<16xf32>
        %swap3A_533 = arith.index_cast %scan3A_203 : i32 to index
        %swap3A_534 = arith.constant 432 : index
        %swap3A_535 = tpu.vector_load %arg6[%swap3A_533, %swap3A_534] {strides = array<i32>} : memref<32x1024xf32, #tpu.memory_space<vmem>>, vector<1x16xf32>,
        %swap3A_536 = vector.shape_cast %swap3A_535 : vector<1x16xf32> to vector<16xf32>
        %swap3A_537 = vector.shape_cast %mul3A_532 : vector<16xf32> to vector<1x16xf32>
        tpu.vector_store %arg6[%swap3A_533, %swap3A_534], %swap3A_537 {strides = array<i32>} : memref<32x1024xf32, #tpu.memory_space<vmem>>, vector<1x16xf32>,
        %get3A_538 = arith.index_cast %scan3A_203 : i32 to index
        %get3A_539 = arith.constant 448 : index
        %get3A_540 = tpu.vector_load %arg6[%get3A_538, %get3A_539] {strides = array<i32>} : memref<32x1024xf32, #tpu.memory_space<vmem>>, vector<1x16xf32>,
        %get3A_541 = vector.shape_cast %get3A_540 : vector<1x16xf32> to vector<16xf32>
        %mul3A_542 = arith.constant 3.200000e+01 : f32
        %mul3A_543 = vector.broadcast %mul3A_542 : f32 to vector<16xf32>
        %mul3A_544 = arith.mulf %get3A_541, %mul3A_543 : vector<16xf32>
        %swap3A_545 = arith.index_cast %scan3A_203 : i32 to index
        %swap3A_546 = arith.constant 448 : index
        %swap3A_547 = tpu.vector_load %arg6[%swap3A_545, %swap3A_546] {strides = array<i32>} : memref<32x1024xf32, #tpu.memory_space<vmem>>, vector<1x16xf32>,
        %swap3A_548 = vector.shape_cast %swap3A_547 : vector<1x16xf32> to vector<16xf32>
        %swap3A_549 = vector.shape_cast %mul3A_544 : vector<16xf32> to vector<1x16xf32>
        tpu.vector_store %arg6[%swap3A_545, %swap3A_546], %swap3A_549 {strides = array<i32>} : memref<32x1024xf32, #tpu.memory_space<vmem>>, vector<1x16xf32>,
        %get3A_550 = arith.index_cast %scan3A_203 : i32 to index
        %get3A_551 = arith.constant 464 : index
        %get3A_552 = tpu.vector_load %arg6[%get3A_550, %get3A_551] {strides = array<i32>} : memref<32x1024xf32, #tpu.memory_space<vmem>>, vector<1x16xf32>,
        %get3A_553 = vector.shape_cast %get3A_552 : vector<1x16xf32> to vector<16xf32>
        %mul3A_554 = arith.constant 3.200000e+01 : f32
        %mul3A_555 = vector.broadcast %mul3A_554 : f32 to vector<16xf32>
        %mul3A_556 = arith.mulf %get3A_553, %mul3A_555 : vector<16xf32>
        %swap3A_557 = arith.index_cast %scan3A_203 : i32 to index
        %swap3A_558 = arith.constant 464 : index
        %swap3A_559 = tpu.vector_load %arg6[%swap3A_557, %swap3A_558] {strides = array<i32>} : memref<32x1024xf32, #tpu.memory_space<vmem>>, vector<1x16xf32>,
        %swap3A_560 = vector.shape_cast %swap3A_559 : vector<1x16xf32> to vector<16xf32>
        %swap3A_561 = vector.shape_cast %mul3A_556 : vector<16xf32> to vector<1x16xf32>
        tpu.vector_store %arg6[%swap3A_557, %swap3A_558], %swap3A_561 {strides = array<i32>} : memref<32x1024xf32, #tpu.memory_space<vmem>>, vector<1x16xf32>,
        %get3A_562 = arith.index_cast %scan3A_203 : i32 to index
        %get3A_563 = arith.constant 480 : index
        %get3A_564 = tpu.vector_load %arg6[%get3A_562, %get3A_563] {strides = array<i32>} : memref<32x1024xf32, #tpu.memory_space<vmem>>, vector<1x16xf32>,
        %get3A_565 = vector.shape_cast %get3A_564 : vector<1x16xf32> to vector<16xf32>
        %mul3A_566 = arith.constant 3.200000e+01 : f32
        %mul3A_567 = vector.broadcast %mul3A_566 : f32 to vector<16xf32>
        %mul3A_568 = arith.mulf %get3A_565, %mul3A_567 : vector<16xf32>
        %swap3A_569 = arith.index_cast %scan3A_203 : i32 to index
        %swap3A_570 = arith.constant 480 : index
        %swap3A_571 = tpu.vector_load %arg6[%swap3A_569, %swap3A_570] {strides = array<i32>} : memref<32x1024xf32, #tpu.memory_space<vmem>>, vector<1x16xf32>,
        %swap3A_572 = vector.shape_cast %swap3A_571 : vector<1x16xf32> to vector<16xf32>
        %swap3A_573 = vector.shape_cast %mul3A_568 : vector<16xf32> to vector<1x16xf32>
        tpu.vector_store %arg6[%swap3A_569, %swap3A_570], %swap3A_573 {strides = array<i32>} : memref<32x1024xf32, #tpu.memory_space<vmem>>, vector<1x16xf32>,
        %get3A_574 = arith.index_cast %scan3A_203 : i32 to index
        %get3A_575 = arith.constant 496 : index
        %get3A_576 = tpu.vector_load %arg6[%get3A_574, %get3A_575] {strides = array<i32>} : memref<32x1024xf32, #tpu.memory_space<vmem>>, vector<1x16xf32>,
        %get3A_577 = vector.shape_cast %get3A_576 : vector<1x16xf32> to vector<16xf32>
        %mul3A_578 = arith.constant 3.200000e+01 : f32
        %mul3A_579 = vector.broadcast %mul3A_578 : f32 to vector<16xf32>
        %mul3A_580 = arith.mulf %get3A_577, %mul3A_579 : vector<16xf32>
        %swap3A_581 = arith.index_cast %scan3A_203 : i32 to index
        %swap3A_582 = arith.constant 496 : index
        %swap3A_583 = tpu.vector_load %arg6[%swap3A_581, %swap3A_582] {strides = array<i32>} : memref<32x1024xf32, #tpu.memory_space<vmem>>, vector<1x16xf32>,
        %swap3A_584 = vector.shape_cast %swap3A_583 : vector<1x16xf32> to vector<16xf32>
        %swap3A_585 = vector.shape_cast %mul3A_580 : vector<16xf32> to vector<1x16xf32>
        tpu.vector_store %arg6[%swap3A_581, %swap3A_582], %swap3A_585 {strides = array<i32>} : memref<32x1024xf32, #tpu.memory_space<vmem>>, vector<1x16xf32>,
        %get3A_586 = arith.index_cast %scan3A_203 : i32 to index
        %get3A_587 = arith.constant 512 : index
        %get3A_588 = tpu.vector_load %arg6[%get3A_586, %get3A_587] {strides = array<i32>} : memref<32x1024xf32, #tpu.memory_space<vmem>>, vector<1x16xf32>,
        %get3A_589 = vector.shape_cast %get3A_588 : vector<1x16xf32> to vector<16xf32>
        %mul3A_590 = arith.constant 3.200000e+01 : f32
        %mul3A_591 = vector.broadcast %mul3A_590 : f32 to vector<16xf32>
        %mul3A_592 = arith.mulf %get3A_589, %mul3A_591 : vector<16xf32>
        %swap3A_593 = arith.index_cast %scan3A_203 : i32 to index
        %swap3A_594 = arith.constant 512 : index
        %swap3A_595 = tpu.vector_load %arg6[%swap3A_593, %swap3A_594] {strides = array<i32>} : memref<32x1024xf32, #tpu.memory_space<vmem>>, vector<1x16xf32>,
        %swap3A_596 = vector.shape_cast %swap3A_595 : vector<1x16xf32> to vector<16xf32>
        %swap3A_597 = vector.shape_cast %mul3A_592 : vector<16xf32> to vector<1x16xf32>
        tpu.vector_store %arg6[%swap3A_593, %swap3A_594], %swap3A_597 {strides = array<i32>} : memref<32x1024xf32, #tpu.memory_space<vmem>>, vector<1x16xf32>,
        %get3A_598 = arith.index_cast %scan3A_203 : i32 to index
        %get3A_599 = arith.constant 528 : index
        %get3A_600 = tpu.vector_load %arg6[%get3A_598, %get3A_599] {strides = array<i32>} : memref<32x1024xf32, #tpu.memory_space<vmem>>, vector<1x16xf32>,
        %get3A_601 = vector.shape_cast %get3A_600 : vector<1x16xf32> to vector<16xf32>
        %mul3A_602 = arith.constant 3.200000e+01 : f32
        %mul3A_603 = vector.broadcast %mul3A_602 : f32 to vector<16xf32>
        %mul3A_604 = arith.mulf %get3A_601, %mul3A_603 : vector<16xf32>
        %swap3A_605 = arith.index_cast %scan3A_203 : i32 to index
        %swap3A_606 = arith.constant 528 : index
        %swap3A_607 = tpu.vector_load %arg6[%swap3A_605, %swap3A_606] {strides = array<i32>} : memref<32x1024xf32, #tpu.memory_space<vmem>>, vector<1x16xf32>,
        %swap3A_608 = vector.shape_cast %swap3A_607 : vector<1x16xf32> to vector<16xf32>
        %swap3A_609 = vector.shape_cast %mul3A_604 : vector<16xf32> to vector<1x16xf32>
        tpu.vector_store %arg6[%swap3A_605, %swap3A_606], %swap3A_609 {strides = array<i32>} : memref<32x1024xf32, #tpu.memory_space<vmem>>, vector<1x16xf32>,
        %get3A_610 = arith.index_cast %scan3A_203 : i32 to index
        %get3A_611 = arith.constant 544 : index
        %get3A_612 = tpu.vector_load %arg6[%get3A_610, %get3A_611] {strides = array<i32>} : memref<32x1024xf32, #tpu.memory_space<vmem>>, vector<1x16xf32>,
        %get3A_613 = vector.shape_cast %get3A_612 : vector<1x16xf32> to vector<16xf32>
        %mul3A_614 = arith.constant 3.200000e+01 : f32
        %mul3A_615 = vector.broadcast %mul3A_614 : f32 to vector<16xf32>
        %mul3A_616 = arith.mulf %get3A_613, %mul3A_615 : vector<16xf32>
        %swap3A_617 = arith.index_cast %scan3A_203 : i32 to index
        %swap3A_618 = arith.constant 544 : index
        %swap3A_619 = tpu.vector_load %arg6[%swap3A_617, %swap3A_618] {strides = array<i32>} : memref<32x1024xf32, #tpu.memory_space<vmem>>, vector<1x16xf32>,
        %swap3A_620 = vector.shape_cast %swap3A_619 : vector<1x16xf32> to vector<16xf32>
        %swap3A_621 = vector.shape_cast %mul3A_616 : vector<16xf32> to vector<1x16xf32>
        tpu.vector_store %arg6[%swap3A_617, %swap3A_618], %swap3A_621 {strides = array<i32>} : memref<32x1024xf32, #tpu.memory_space<vmem>>, vector<1x16xf32>,
        %get3A_622 = arith.index_cast %scan3A_203 : i32 to index
        %get3A_623 = arith.constant 560 : index
        %get3A_624 = tpu.vector_load %arg6[%get3A_622, %get3A_623] {strides = array<i32>} : memref<32x1024xf32, #tpu.memory_space<vmem>>, vector<1x16xf32>,
        %get3A_625 = vector.shape_cast %get3A_624 : vector<1x16xf32> to vector<16xf32>
        %mul3A_626 = arith.constant 3.200000e+01 : f32
        %mul3A_627 = vector.broadcast %mul3A_626 : f32 to vector<16xf32>
        %mul3A_628 = arith.mulf %get3A_625, %mul3A_627 : vector<16xf32>
        %swap3A_629 = arith.index_cast %scan3A_203 : i32 to index
        %swap3A_630 = arith.constant 560 : index
        %swap3A_631 = tpu.vector_load %arg6[%swap3A_629, %swap3A_630] {strides = array<i32>} : memref<32x1024xf32, #tpu.memory_space<vmem>>, vector<1x16xf32>,
        %swap3A_632 = vector.shape_cast %swap3A_631 : vector<1x16xf32> to vector<16xf32>
        %swap3A_633 = vector.shape_cast %mul3A_628 : vector<16xf32> to vector<1x16xf32>
        tpu.vector_store %arg6[%swap3A_629, %swap3A_630], %swap3A_633 {strides = array<i32>} : memref<32x1024xf32, #tpu.memory_space<vmem>>, vector<1x16xf32>,
        %get3A_634 = arith.index_cast %scan3A_203 : i32 to index
        %get3A_635 = arith.constant 576 : index
        %get3A_636 = tpu.vector_load %arg6[%get3A_634, %get3A_635] {strides = array<i32>} : memref<32x1024xf32, #tpu.memory_space<vmem>>, vector<1x16xf32>,
        %get3A_637 = vector.shape_cast %get3A_636 : vector<1x16xf32> to vector<16xf32>
        %mul3A_638 = arith.constant 3.200000e+01 : f32
        %mul3A_639 = vector.broadcast %mul3A_638 : f32 to vector<16xf32>
        %mul3A_640 = arith.mulf %get3A_637, %mul3A_639 : vector<16xf32>
        %swap3A_641 = arith.index_cast %scan3A_203 : i32 to index
        %swap3A_642 = arith.constant 576 : index
        %swap3A_643 = tpu.vector_load %arg6[%swap3A_641, %swap3A_642] {strides = array<i32>} : memref<32x1024xf32, #tpu.memory_space<vmem>>, vector<1x16xf32>,
        %swap3A_644 = vector.shape_cast %swap3A_643 : vector<1x16xf32> to vector<16xf32>
        %swap3A_645 = vector.shape_cast %mul3A_640 : vector<16xf32> to vector<1x16xf32>
        tpu.vector_store %arg6[%swap3A_641, %swap3A_642], %swap3A_645 {strides = array<i32>} : memref<32x1024xf32, #tpu.memory_space<vmem>>, vector<1x16xf32>,
        %get3A_646 = arith.index_cast %scan3A_203 : i32 to index
        %get3A_647 = arith.constant 592 : index
        %get3A_648 = tpu.vector_load %arg6[%get3A_646, %get3A_647] {strides = array<i32>} : memref<32x1024xf32, #tpu.memory_space<vmem>>, vector<1x16xf32>,
        %get3A_649 = vector.shape_cast %get3A_648 : vector<1x16xf32> to vector<16xf32>
        %mul3A_650 = arith.constant 3.200000e+01 : f32
        %mul3A_651 = vector.broadcast %mul3A_650 : f32 to vector<16xf32>
        %mul3A_652 = arith.mulf %get3A_649, %mul3A_651 : vector<16xf32>
        %swap3A_653 = arith.index_cast %scan3A_203 : i32 to index
        %swap3A_654 = arith.constant 592 : index
        %swap3A_655 = tpu.vector_load %arg6[%swap3A_653, %swap3A_654] {strides = array<i32>} : memref<32x1024xf32, #tpu.memory_space<vmem>>, vector<1x16xf32>,
        %swap3A_656 = vector.shape_cast %swap3A_655 : vector<1x16xf32> to vector<16xf32>
        %swap3A_657 = vector.shape_cast %mul3A_652 : vector<16xf32> to vector<1x16xf32>
        tpu.vector_store %arg6[%swap3A_653, %swap3A_654], %swap3A_657 {strides = array<i32>} : memref<32x1024xf32, #tpu.memory_space<vmem>>, vector<1x16xf32>,
        %get3A_658 = arith.index_cast %scan3A_203 : i32 to index
        %get3A_659 = arith.constant 608 : index
        %get3A_660 = tpu.vector_load %arg6[%get3A_658, %get3A_659] {strides = array<i32>} : memref<32x1024xf32, #tpu.memory_space<vmem>>, vector<1x16xf32>,
        %get3A_661 = vector.shape_cast %get3A_660 : vector<1x16xf32> to vector<16xf32>
        %mul3A_662 = arith.constant 3.200000e+01 : f32
        %mul3A_663 = vector.broadcast %mul3A_662 : f32 to vector<16xf32>
        %mul3A_664 = arith.mulf %get3A_661, %mul3A_663 : vector<16xf32>
        %swap3A_665 = arith.index_cast %scan3A_203 : i32 to index
        %swap3A_666 = arith.constant 608 : index
        %swap3A_667 = tpu.vector_load %arg6[%swap3A_665, %swap3A_666] {strides = array<i32>} : memref<32x1024xf32, #tpu.memory_space<vmem>>, vector<1x16xf32>,
        %swap3A_668 = vector.shape_cast %swap3A_667 : vector<1x16xf32> to vector<16xf32>
        %swap3A_669 = vector.shape_cast %mul3A_664 : vector<16xf32> to vector<1x16xf32>
        tpu.vector_store %arg6[%swap3A_665, %swap3A_666], %swap3A_669 {strides = array<i32>} : memref<32x1024xf32, #tpu.memory_space<vmem>>, vector<1x16xf32>,
        %get3A_670 = arith.index_cast %scan3A_203 : i32 to index
        %get3A_671 = arith.constant 624 : index
        %get3A_672 = tpu.vector_load %arg6[%get3A_670, %get3A_671] {strides = array<i32>} : memref<32x1024xf32, #tpu.memory_space<vmem>>, vector<1x16xf32>,
        %get3A_673 = vector.shape_cast %get3A_672 : vector<1x16xf32> to vector<16xf32>
        %mul3A_674 = arith.constant 3.200000e+01 : f32
        %mul3A_675 = vector.broadcast %mul3A_674 : f32 to vector<16xf32>
        %mul3A_676 = arith.mulf %get3A_673, %mul3A_675 : vector<16xf32>
        %swap3A_677 = arith.index_cast %scan3A_203 : i32 to index
        %swap3A_678 = arith.constant 624 : index
        %swap3A_679 = tpu.vector_load %arg6[%swap3A_677, %swap3A_678] {strides = array<i32>} : memref<32x1024xf32, #tpu.memory_space<vmem>>, vector<1x16xf32>,
        %swap3A_680 = vector.shape_cast %swap3A_679 : vector<1x16xf32> to vector<16xf32>
        %swap3A_681 = vector.shape_cast %mul3A_676 : vector<16xf32> to vector<1x16xf32>
        tpu.vector_store %arg6[%swap3A_677, %swap3A_678], %swap3A_681 {strides = array<i32>} : memref<32x1024xf32, #tpu.memory_space<vmem>>, vector<1x16xf32>,
        %get3A_682 = arith.index_cast %scan3A_203 : i32 to index
        %get3A_683 = arith.constant 640 : index
        %get3A_684 = tpu.vector_load %arg6[%get3A_682, %get3A_683] {strides = array<i32>} : memref<32x1024xf32, #tpu.memory_space<vmem>>, vector<1x16xf32>,
        %get3A_685 = vector.shape_cast %get3A_684 : vector<1x16xf32> to vector<16xf32>
        %mul3A_686 = arith.constant 3.200000e+01 : f32
        %mul3A_687 = vector.broadcast %mul3A_686 : f32 to vector<16xf32>
        %mul3A_688 = arith.mulf %get3A_685, %mul3A_687 : vector<16xf32>
        %swap3A_689 = arith.index_cast %scan3A_203 : i32 to index
        %swap3A_690 = arith.constant 640 : index
        %swap3A_691 = tpu.vector_load %arg6[%swap3A_689, %swap3A_690] {strides = array<i32>} : memref<32x1024xf32, #tpu.memory_space<vmem>>, vector<1x16xf32>,
        %swap3A_692 = vector.shape_cast %swap3A_691 : vector<1x16xf32> to vector<16xf32>
        %swap3A_693 = vector.shape_cast %mul3A_688 : vector<16xf32> to vector<1x16xf32>
        tpu.vector_store %arg6[%swap3A_689, %swap3A_690], %swap3A_693 {strides = array<i32>} : memref<32x1024xf32, #tpu.memory_space<vmem>>, vector<1x16xf32>,
        %get3A_694 = arith.index_cast %scan3A_203 : i32 to index
        %get3A_695 = arith.constant 656 : index
        %get3A_696 = tpu.vector_load %arg6[%get3A_694, %get3A_695] {strides = array<i32>} : memref<32x1024xf32, #tpu.memory_space<vmem>>, vector<1x16xf32>,
        %get3A_697 = vector.shape_cast %get3A_696 : vector<1x16xf32> to vector<16xf32>
        %mul3A_698 = arith.constant 3.200000e+01 : f32
        %mul3A_699 = vector.broadcast %mul3A_698 : f32 to vector<16xf32>
        %mul3A_700 = arith.mulf %get3A_697, %mul3A_699 : vector<16xf32>
        %swap3A_701 = arith.index_cast %scan3A_203 : i32 to index
        %swap3A_702 = arith.constant 656 : index
        %swap3A_703 = tpu.vector_load %arg6[%swap3A_701, %swap3A_702] {strides = array<i32>} : memref<32x1024xf32, #tpu.memory_space<vmem>>, vector<1x16xf32>,
        %swap3A_704 = vector.shape_cast %swap3A_703 : vector<1x16xf32> to vector<16xf32>
        %swap3A_705 = vector.shape_cast %mul3A_700 : vector<16xf32> to vector<1x16xf32>
        tpu.vector_store %arg6[%swap3A_701, %swap3A_702], %swap3A_705 {strides = array<i32>} : memref<32x1024xf32, #tpu.memory_space<vmem>>, vector<1x16xf32>,
        %get3A_706 = arith.index_cast %scan3A_203 : i32 to index
        %get3A_707 = arith.constant 672 : index
        %get3A_708 = tpu.vector_load %arg6[%get3A_706, %get3A_707] {strides = array<i32>} : memref<32x1024xf32, #tpu.memory_space<vmem>>, vector<1x16xf32>,
        %get3A_709 = vector.shape_cast %get3A_708 : vector<1x16xf32> to vector<16xf32>
        %mul3A_710 = arith.constant 3.200000e+01 : f32
        %mul3A_711 = vector.broadcast %mul3A_710 : f32 to vector<16xf32>
        %mul3A_712 = arith.mulf %get3A_709, %mul3A_711 : vector<16xf32>
        %swap3A_713 = arith.index_cast %scan3A_203 : i32 to index
        %swap3A_714 = arith.constant 672 : index
        %swap3A_715 = tpu.vector_load %arg6[%swap3A_713, %swap3A_714] {strides = array<i32>} : memref<32x1024xf32, #tpu.memory_space<vmem>>, vector<1x16xf32>,
        %swap3A_716 = vector.shape_cast %swap3A_715 : vector<1x16xf32> to vector<16xf32>
        %swap3A_717 = vector.shape_cast %mul3A_712 : vector<16xf32> to vector<1x16xf32>
        tpu.vector_store %arg6[%swap3A_713, %swap3A_714], %swap3A_717 {strides = array<i32>} : memref<32x1024xf32, #tpu.memory_space<vmem>>, vector<1x16xf32>,
        %get3A_718 = arith.index_cast %scan3A_203 : i32 to index
        %get3A_719 = arith.constant 688 : index
        %get3A_720 = tpu.vector_load %arg6[%get3A_718, %get3A_719] {strides = array<i32>} : memref<32x1024xf32, #tpu.memory_space<vmem>>, vector<1x16xf32>,
        %get3A_721 = vector.shape_cast %get3A_720 : vector<1x16xf32> to vector<16xf32>
        %mul3A_722 = arith.constant 3.200000e+01 : f32
        %mul3A_723 = vector.broadcast %mul3A_722 : f32 to vector<16xf32>
        %mul3A_724 = arith.mulf %get3A_721, %mul3A_723 : vector<16xf32>
        %swap3A_725 = arith.index_cast %scan3A_203 : i32 to index
        %swap3A_726 = arith.constant 688 : index
        %swap3A_727 = tpu.vector_load %arg6[%swap3A_725, %swap3A_726] {strides = array<i32>} : memref<32x1024xf32, #tpu.memory_space<vmem>>, vector<1x16xf32>,
        %swap3A_728 = vector.shape_cast %swap3A_727 : vector<1x16xf32> to vector<16xf32>
        %swap3A_729 = vector.shape_cast %mul3A_724 : vector<16xf32> to vector<1x16xf32>
        tpu.vector_store %arg6[%swap3A_725, %swap3A_726], %swap3A_729 {strides = array<i32>} : memref<32x1024xf32, #tpu.memory_space<vmem>>, vector<1x16xf32>,
        %get3A_730 = arith.index_cast %scan3A_203 : i32 to index
        %get3A_731 = arith.constant 704 : index
        %get3A_732 = tpu.vector_load %arg6[%get3A_730, %get3A_731] {strides = array<i32>} : memref<32x1024xf32, #tpu.memory_space<vmem>>, vector<1x16xf32>,
        %get3A_733 = vector.shape_cast %get3A_732 : vector<1x16xf32> to vector<16xf32>
        %mul3A_734 = arith.constant 3.200000e+01 : f32
        %mul3A_735 = vector.broadcast %mul3A_734 : f32 to vector<16xf32>
        %mul3A_736 = arith.mulf %get3A_733, %mul3A_735 : vector<16xf32>
        %swap3A_737 = arith.index_cast %scan3A_203 : i32 to index
        %swap3A_738 = arith.constant 704 : index
        %swap3A_739 = tpu.vector_load %arg6[%swap3A_737, %swap3A_738] {strides = array<i32>} : memref<32x1024xf32, #tpu.memory_space<vmem>>, vector<1x16xf32>,
        %swap3A_740 = vector.shape_cast %swap3A_739 : vector<1x16xf32> to vector<16xf32>
        %swap3A_741 = vector.shape_cast %mul3A_736 : vector<16xf32> to vector<1x16xf32>
        tpu.vector_store %arg6[%swap3A_737, %swap3A_738], %swap3A_741 {strides = array<i32>} : memref<32x1024xf32, #tpu.memory_space<vmem>>, vector<1x16xf32>,
        %get3A_742 = arith.index_cast %scan3A_203 : i32 to index
        %get3A_743 = arith.constant 720 : index
        %get3A_744 = tpu.vector_load %arg6[%get3A_742, %get3A_743] {strides = array<i32>} : memref<32x1024xf32, #tpu.memory_space<vmem>>, vector<1x16xf32>,
        %get3A_745 = vector.shape_cast %get3A_744 : vector<1x16xf32> to vector<16xf32>
        %mul3A_746 = arith.constant 3.200000e+01 : f32
        %mul3A_747 = vector.broadcast %mul3A_746 : f32 to vector<16xf32>
        %mul3A_748 = arith.mulf %get3A_745, %mul3A_747 : vector<16xf32>
        %swap3A_749 = arith.index_cast %scan3A_203 : i32 to index
        %swap3A_750 = arith.constant 720 : index
        %swap3A_751 = tpu.vector_load %arg6[%swap3A_749, %swap3A_750] {strides = array<i32>} : memref<32x1024xf32, #tpu.memory_space<vmem>>, vector<1x16xf32>,
        %swap3A_752 = vector.shape_cast %swap3A_751 : vector<1x16xf32> to vector<16xf32>
        %swap3A_753 = vector.shape_cast %mul3A_748 : vector<16xf32> to vector<1x16xf32>
        tpu.vector_store %arg6[%swap3A_749, %swap3A_750], %swap3A_753 {strides = array<i32>} : memref<32x1024xf32, #tpu.memory_space<vmem>>, vector<1x16xf32>,
        %get3A_754 = arith.index_cast %scan3A_203 : i32 to index
        %get3A_755 = arith.constant 736 : index
        %get3A_756 = tpu.vector_load %arg6[%get3A_754, %get3A_755] {strides = array<i32>} : memref<32x1024xf32, #tpu.memory_space<vmem>>, vector<1x16xf32>,
        %get3A_757 = vector.shape_cast %get3A_756 : vector<1x16xf32> to vector<16xf32>
        %mul3A_758 = arith.constant 3.200000e+01 : f32
        %mul3A_759 = vector.broadcast %mul3A_758 : f32 to vector<16xf32>
        %mul3A_760 = arith.mulf %get3A_757, %mul3A_759 : vector<16xf32>
        %swap3A_761 = arith.index_cast %scan3A_203 : i32 to index
        %swap3A_762 = arith.constant 736 : index
        %swap3A_763 = tpu.vector_load %arg6[%swap3A_761, %swap3A_762] {strides = array<i32>} : memref<32x1024xf32, #tpu.memory_space<vmem>>, vector<1x16xf32>,
        %swap3A_764 = vector.shape_cast %swap3A_763 : vector<1x16xf32> to vector<16xf32>
        %swap3A_765 = vector.shape_cast %mul3A_760 : vector<16xf32> to vector<1x16xf32>
        tpu.vector_store %arg6[%swap3A_761, %swap3A_762], %swap3A_765 {strides = array<i32>} : memref<32x1024xf32, #tpu.memory_space<vmem>>, vector<1x16xf32>,
        %get3A_766 = arith.index_cast %scan3A_203 : i32 to index
        %get3A_767 = arith.constant 752 : index
        %get3A_768 = tpu.vector_load %arg6[%get3A_766, %get3A_767] {strides = array<i32>} : memref<32x1024xf32, #tpu.memory_space<vmem>>, vector<1x16xf32>,
        %get3A_769 = vector.shape_cast %get3A_768 : vector<1x16xf32> to vector<16xf32>
        %mul3A_770 = arith.constant 3.200000e+01 : f32
        %mul3A_771 = vector.broadcast %mul3A_770 : f32 to vector<16xf32>
        %mul3A_772 = arith.mulf %get3A_769, %mul3A_771 : vector<16xf32>
        %swap3A_773 = arith.index_cast %scan3A_203 : i32 to index
        %swap3A_774 = arith.constant 752 : index
        %swap3A_775 = tpu.vector_load %arg6[%swap3A_773, %swap3A_774] {strides = array<i32>} : memref<32x1024xf32, #tpu.memory_space<vmem>>, vector<1x16xf32>,
        %swap3A_776 = vector.shape_cast %swap3A_775 : vector<1x16xf32> to vector<16xf32>
        %swap3A_777 = vector.shape_cast %mul3A_772 : vector<16xf32> to vector<1x16xf32>
        tpu.vector_store %arg6[%swap3A_773, %swap3A_774], %swap3A_777 {strides = array<i32>} : memref<32x1024xf32, #tpu.memory_space<vmem>>, vector<1x16xf32>,
        %get3A_778 = arith.index_cast %scan3A_203 : i32 to index
        %get3A_779 = arith.constant 768 : index
        %get3A_780 = tpu.vector_load %arg6[%get3A_778, %get3A_779] {strides = array<i32>} : memref<32x1024xf32, #tpu.memory_space<vmem>>, vector<1x16xf32>,
        %get3A_781 = vector.shape_cast %get3A_780 : vector<1x16xf32> to vector<16xf32>
        %mul3A_782 = arith.constant 3.200000e+01 : f32
        %mul3A_783 = vector.broadcast %mul3A_782 : f32 to vector<16xf32>
        %mul3A_784 = arith.mulf %get3A_781, %mul3A_783 : vector<16xf32>
        %swap3A_785 = arith.index_cast %scan3A_203 : i32 to index
        %swap3A_786 = arith.constant 768 : index
        %swap3A_787 = tpu.vector_load %arg6[%swap3A_785, %swap3A_786] {strides = array<i32>} : memref<32x1024xf32, #tpu.memory_space<vmem>>, vector<1x16xf32>,
        %swap3A_788 = vector.shape_cast %swap3A_787 : vector<1x16xf32> to vector<16xf32>
        %swap3A_789 = vector.shape_cast %mul3A_784 : vector<16xf32> to vector<1x16xf32>
        tpu.vector_store %arg6[%swap3A_785, %swap3A_786], %swap3A_789 {strides = array<i32>} : memref<32x1024xf32, #tpu.memory_space<vmem>>, vector<1x16xf32>,
        %get3A_790 = arith.index_cast %scan3A_203 : i32 to index
        %get3A_791 = arith.constant 784 : index
        %get3A_792 = tpu.vector_load %arg6[%get3A_790, %get3A_791] {strides = array<i32>} : memref<32x1024xf32, #tpu.memory_space<vmem>>, vector<1x16xf32>,
        %get3A_793 = vector.shape_cast %get3A_792 : vector<1x16xf32> to vector<16xf32>
        %mul3A_794 = arith.constant 3.200000e+01 : f32
        %mul3A_795 = vector.broadcast %mul3A_794 : f32 to vector<16xf32>
        %mul3A_796 = arith.mulf %get3A_793, %mul3A_795 : vector<16xf32>
        %swap3A_797 = arith.index_cast %scan3A_203 : i32 to index
        %swap3A_798 = arith.constant 784 : index
        %swap3A_799 = tpu.vector_load %arg6[%swap3A_797, %swap3A_798] {strides = array<i32>} : memref<32x1024xf32, #tpu.memory_space<vmem>>, vector<1x16xf32>,
        %swap3A_800 = vector.shape_cast %swap3A_799 : vector<1x16xf32> to vector<16xf32>
        %swap3A_801 = vector.shape_cast %mul3A_796 : vector<16xf32> to vector<1x16xf32>
        tpu.vector_store %arg6[%swap3A_797, %swap3A_798], %swap3A_801 {strides = array<i32>} : memref<32x1024xf32, #tpu.memory_space<vmem>>, vector<1x16xf32>,
        %get3A_802 = arith.index_cast %scan3A_203 : i32 to index
        %get3A_803 = arith.constant 800 : index
        %get3A_804 = tpu.vector_load %arg6[%get3A_802, %get3A_803] {strides = array<i32>} : memref<32x1024xf32, #tpu.memory_space<vmem>>, vector<1x16xf32>,
        %get3A_805 = vector.shape_cast %get3A_804 : vector<1x16xf32> to vector<16xf32>
        %mul3A_806 = arith.constant 3.200000e+01 : f32
        %mul3A_807 = vector.broadcast %mul3A_806 : f32 to vector<16xf32>
        %mul3A_808 = arith.mulf %get3A_805, %mul3A_807 : vector<16xf32>
        %swap3A_809 = arith.index_cast %scan3A_203 : i32 to index
        %swap3A_810 = arith.constant 800 : index
        %swap3A_811 = tpu.vector_load %arg6[%swap3A_809, %swap3A_810] {strides = array<i32>} : memref<32x1024xf32, #tpu.memory_space<vmem>>, vector<1x16xf32>,
        %swap3A_812 = vector.shape_cast %swap3A_811 : vector<1x16xf32> to vector<16xf32>
        %swap3A_813 = vector.shape_cast %mul3A_808 : vector<16xf32> to vector<1x16xf32>
        tpu.vector_store %arg6[%swap3A_809, %swap3A_810], %swap3A_813 {strides = array<i32>} : memref<32x1024xf32, #tpu.memory_space<vmem>>, vector<1x16xf32>,
        %get3A_814 = arith.index_cast %scan3A_203 : i32 to index
        %get3A_815 = arith.constant 816 : index
        %get3A_816 = tpu.vector_load %arg6[%get3A_814, %get3A_815] {strides = array<i32>} : memref<32x1024xf32, #tpu.memory_space<vmem>>, vector<1x16xf32>,
        %get3A_817 = vector.shape_cast %get3A_816 : vector<1x16xf32> to vector<16xf32>
        %mul3A_818 = arith.constant 3.200000e+01 : f32
        %mul3A_819 = vector.broadcast %mul3A_818 : f32 to vector<16xf32>
        %mul3A_820 = arith.mulf %get3A_817, %mul3A_819 : vector<16xf32>
        %swap3A_821 = arith.index_cast %scan3A_203 : i32 to index
        %swap3A_822 = arith.constant 816 : index
        %swap3A_823 = tpu.vector_load %arg6[%swap3A_821, %swap3A_822] {strides = array<i32>} : memref<32x1024xf32, #tpu.memory_space<vmem>>, vector<1x16xf32>,
        %swap3A_824 = vector.shape_cast %swap3A_823 : vector<1x16xf32> to vector<16xf32>
        %swap3A_825 = vector.shape_cast %mul3A_820 : vector<16xf32> to vector<1x16xf32>
        tpu.vector_store %arg6[%swap3A_821, %swap3A_822], %swap3A_825 {strides = array<i32>} : memref<32x1024xf32, #tpu.memory_space<vmem>>, vector<1x16xf32>,
        %get3A_826 = arith.index_cast %scan3A_203 : i32 to index
        %get3A_827 = arith.constant 832 : index
        %get3A_828 = tpu.vector_load %arg6[%get3A_826, %get3A_827] {strides = array<i32>} : memref<32x1024xf32, #tpu.memory_space<vmem>>, vector<1x16xf32>,
        %get3A_829 = vector.shape_cast %get3A_828 : vector<1x16xf32> to vector<16xf32>
        %mul3A_830 = arith.constant 3.200000e+01 : f32
        %mul3A_831 = vector.broadcast %mul3A_830 : f32 to vector<16xf32>
        %mul3A_832 = arith.mulf %get3A_829, %mul3A_831 : vector<16xf32>
        %swap3A_833 = arith.index_cast %scan3A_203 : i32 to index
        %swap3A_834 = arith.constant 832 : index
        %swap3A_835 = tpu.vector_load %arg6[%swap3A_833, %swap3A_834] {strides = array<i32>} : memref<32x1024xf32, #tpu.memory_space<vmem>>, vector<1x16xf32>,
        %swap3A_836 = vector.shape_cast %swap3A_835 : vector<1x16xf32> to vector<16xf32>
        %swap3A_837 = vector.shape_cast %mul3A_832 : vector<16xf32> to vector<1x16xf32>
        tpu.vector_store %arg6[%swap3A_833, %swap3A_834], %swap3A_837 {strides = array<i32>} : memref<32x1024xf32, #tpu.memory_space<vmem>>, vector<1x16xf32>,
        %get3A_838 = arith.index_cast %scan3A_203 : i32 to index
        %get3A_839 = arith.constant 848 : index
        %get3A_840 = tpu.vector_load %arg6[%get3A_838, %get3A_839] {strides = array<i32>} : memref<32x1024xf32, #tpu.memory_space<vmem>>, vector<1x16xf32>,
        %get3A_841 = vector.shape_cast %get3A_840 : vector<1x16xf32> to vector<16xf32>
        %mul3A_842 = arith.constant 3.200000e+01 : f32
        %mul3A_843 = vector.broadcast %mul3A_842 : f32 to vector<16xf32>
        %mul3A_844 = arith.mulf %get3A_841, %mul3A_843 : vector<16xf32>
        %swap3A_845 = arith.index_cast %scan3A_203 : i32 to index
        %swap3A_846 = arith.constant 848 : index
        %swap3A_847 = tpu.vector_load %arg6[%swap3A_845, %swap3A_846] {strides = array<i32>} : memref<32x1024xf32, #tpu.memory_space<vmem>>, vector<1x16xf32>,
        %swap3A_848 = vector.shape_cast %swap3A_847 : vector<1x16xf32> to vector<16xf32>
        %swap3A_849 = vector.shape_cast %mul3A_844 : vector<16xf32> to vector<1x16xf32>
        tpu.vector_store %arg6[%swap3A_845, %swap3A_846], %swap3A_849 {strides = array<i32>} : memref<32x1024xf32, #tpu.memory_space<vmem>>, vector<1x16xf32>,
        %get3A_850 = arith.index_cast %scan3A_203 : i32 to index
        %get3A_851 = arith.constant 864 : index
        %get3A_852 = tpu.vector_load %arg6[%get3A_850, %get3A_851] {strides = array<i32>} : memref<32x1024xf32, #tpu.memory_space<vmem>>, vector<1x16xf32>,
        %get3A_853 = vector.shape_cast %get3A_852 : vector<1x16xf32> to vector<16xf32>
        %mul3A_854 = arith.constant 3.200000e+01 : f32
        %mul3A_855 = vector.broadcast %mul3A_854 : f32 to vector<16xf32>
        %mul3A_856 = arith.mulf %get3A_853, %mul3A_855 : vector<16xf32>
        %swap3A_857 = arith.index_cast %scan3A_203 : i32 to index
        %swap3A_858 = arith.constant 864 : index
        %swap3A_859 = tpu.vector_load %arg6[%swap3A_857, %swap3A_858] {strides = array<i32>} : memref<32x1024xf32, #tpu.memory_space<vmem>>, vector<1x16xf32>,
        %swap3A_860 = vector.shape_cast %swap3A_859 : vector<1x16xf32> to vector<16xf32>
        %swap3A_861 = vector.shape_cast %mul3A_856 : vector<16xf32> to vector<1x16xf32>
        tpu.vector_store %arg6[%swap3A_857, %swap3A_858], %swap3A_861 {strides = array<i32>} : memref<32x1024xf32, #tpu.memory_space<vmem>>, vector<1x16xf32>,
        %get3A_862 = arith.index_cast %scan3A_203 : i32 to index
        %get3A_863 = arith.constant 880 : index
        %get3A_864 = tpu.vector_load %arg6[%get3A_862, %get3A_863] {strides = array<i32>} : memref<32x1024xf32, #tpu.memory_space<vmem>>, vector<1x16xf32>,
        %get3A_865 = vector.shape_cast %get3A_864 : vector<1x16xf32> to vector<16xf32>
        %mul3A_866 = arith.constant 3.200000e+01 : f32
        %mul3A_867 = vector.broadcast %mul3A_866 : f32 to vector<16xf32>
        %mul3A_868 = arith.mulf %get3A_865, %mul3A_867 : vector<16xf32>
        %swap3A_869 = arith.index_cast %scan3A_203 : i32 to index
        %swap3A_870 = arith.constant 880 : index
        %swap3A_871 = tpu.vector_load %arg6[%swap3A_869, %swap3A_870] {strides = array<i32>} : memref<32x1024xf32, #tpu.memory_space<vmem>>, vector<1x16xf32>,
        %swap3A_872 = vector.shape_cast %swap3A_871 : vector<1x16xf32> to vector<16xf32>
        %swap3A_873 = vector.shape_cast %mul3A_868 : vector<16xf32> to vector<1x16xf32>
        tpu.vector_store %arg6[%swap3A_869, %swap3A_870], %swap3A_873 {strides = array<i32>} : memref<32x1024xf32, #tpu.memory_space<vmem>>, vector<1x16xf32>,
        %get3A_874 = arith.index_cast %scan3A_203 : i32 to index
        %get3A_875 = arith.constant 896 : index
        %get3A_876 = tpu.vector_load %arg6[%get3A_874, %get3A_875] {strides = array<i32>} : memref<32x1024xf32, #tpu.memory_space<vmem>>, vector<1x16xf32>,
        %get3A_877 = vector.shape_cast %get3A_876 : vector<1x16xf32> to vector<16xf32>
        %mul3A_878 = arith.constant 3.200000e+01 : f32
        %mul3A_879 = vector.broadcast %mul3A_878 : f32 to vector<16xf32>
        %mul3A_880 = arith.mulf %get3A_877, %mul3A_879 : vector<16xf32>
        %swap3A_881 = arith.index_cast %scan3A_203 : i32 to index
        %swap3A_882 = arith.constant 896 : index
        %swap3A_883 = tpu.vector_load %arg6[%swap3A_881, %swap3A_882] {strides = array<i32>} : memref<32x1024xf32, #tpu.memory_space<vmem>>, vector<1x16xf32>,
        %swap3A_884 = vector.shape_cast %swap3A_883 : vector<1x16xf32> to vector<16xf32>
        %swap3A_885 = vector.shape_cast %mul3A_880 : vector<16xf32> to vector<1x16xf32>
        tpu.vector_store %arg6[%swap3A_881, %swap3A_882], %swap3A_885 {strides = array<i32>} : memref<32x1024xf32, #tpu.memory_space<vmem>>, vector<1x16xf32>,
        %get3A_886 = arith.index_cast %scan3A_203 : i32 to index
        %get3A_887 = arith.constant 912 : index
        %get3A_888 = tpu.vector_load %arg6[%get3A_886, %get3A_887] {strides = array<i32>} : memref<32x1024xf32, #tpu.memory_space<vmem>>, vector<1x16xf32>,
        %get3A_889 = vector.shape_cast %get3A_888 : vector<1x16xf32> to vector<16xf32>
        %mul3A_890 = arith.constant 3.200000e+01 : f32
        %mul3A_891 = vector.broadcast %mul3A_890 : f32 to vector<16xf32>
        %mul3A_892 = arith.mulf %get3A_889, %mul3A_891 : vector<16xf32>
        %swap3A_893 = arith.index_cast %scan3A_203 : i32 to index
        %swap3A_894 = arith.constant 912 : index
        %swap3A_895 = tpu.vector_load %arg6[%swap3A_893, %swap3A_894] {strides = array<i32>} : memref<32x1024xf32, #tpu.memory_space<vmem>>, vector<1x16xf32>,
        %swap3A_896 = vector.shape_cast %swap3A_895 : vector<1x16xf32> to vector<16xf32>
        %swap3A_897 = vector.shape_cast %mul3A_892 : vector<16xf32> to vector<1x16xf32>
        tpu.vector_store %arg6[%swap3A_893, %swap3A_894], %swap3A_897 {strides = array<i32>} : memref<32x1024xf32, #tpu.memory_space<vmem>>, vector<1x16xf32>,
        %get3A_898 = arith.index_cast %scan3A_203 : i32 to index
        %get3A_899 = arith.constant 928 : index
        %get3A_900 = tpu.vector_load %arg6[%get3A_898, %get3A_899] {strides = array<i32>} : memref<32x1024xf32, #tpu.memory_space<vmem>>, vector<1x16xf32>,
        %get3A_901 = vector.shape_cast %get3A_900 : vector<1x16xf32> to vector<16xf32>
        %mul3A_902 = arith.constant 3.200000e+01 : f32
        %mul3A_903 = vector.broadcast %mul3A_902 : f32 to vector<16xf32>
        %mul3A_904 = arith.mulf %get3A_901, %mul3A_903 : vector<16xf32>
        %swap3A_905 = arith.index_cast %scan3A_203 : i32 to index
        %swap3A_906 = arith.constant 928 : index
        %swap3A_907 = tpu.vector_load %arg6[%swap3A_905, %swap3A_906] {strides = array<i32>} : memref<32x1024xf32, #tpu.memory_space<vmem>>, vector<1x16xf32>,
        %swap3A_908 = vector.shape_cast %swap3A_907 : vector<1x16xf32> to vector<16xf32>
        %swap3A_909 = vector.shape_cast %mul3A_904 : vector<16xf32> to vector<1x16xf32>
        tpu.vector_store %arg6[%swap3A_905, %swap3A_906], %swap3A_909 {strides = array<i32>} : memref<32x1024xf32, #tpu.memory_space<vmem>>, vector<1x16xf32>,
        %get3A_910 = arith.index_cast %scan3A_203 : i32 to index
        %get3A_911 = arith.constant 944 : index
        %get3A_912 = tpu.vector_load %arg6[%get3A_910, %get3A_911] {strides = array<i32>} : memref<32x1024xf32, #tpu.memory_space<vmem>>, vector<1x16xf32>,
        %get3A_913 = vector.shape_cast %get3A_912 : vector<1x16xf32> to vector<16xf32>
        %mul3A_914 = arith.constant 3.200000e+01 : f32
        %mul3A_915 = vector.broadcast %mul3A_914 : f32 to vector<16xf32>
        %mul3A_916 = arith.mulf %get3A_913, %mul3A_915 : vector<16xf32>
        %swap3A_917 = arith.index_cast %scan3A_203 : i32 to index
        %swap3A_918 = arith.constant 944 : index
        %swap3A_919 = tpu.vector_load %arg6[%swap3A_917, %swap3A_918] {strides = array<i32>} : memref<32x1024xf32, #tpu.memory_space<vmem>>, vector<1x16xf32>,
        %swap3A_920 = vector.shape_cast %swap3A_919 : vector<1x16xf32> to vector<16xf32>
        %swap3A_921 = vector.shape_cast %mul3A_916 : vector<16xf32> to vector<1x16xf32>
        tpu.vector_store %arg6[%swap3A_917, %swap3A_918], %swap3A_921 {strides = array<i32>} : memref<32x1024xf32, #tpu.memory_space<vmem>>, vector<1x16xf32>,
        %get3A_922 = arith.index_cast %scan3A_203 : i32 to index
        %get3A_923 = arith.constant 960 : index
        %get3A_924 = tpu.vector_load %arg6[%get3A_922, %get3A_923] {strides = array<i32>} : memref<32x1024xf32, #tpu.memory_space<vmem>>, vector<1x16xf32>,
        %get3A_925 = vector.shape_cast %get3A_924 : vector<1x16xf32> to vector<16xf32>
        %mul3A_926 = arith.constant 3.200000e+01 : f32
        %mul3A_927 = vector.broadcast %mul3A_926 : f32 to vector<16xf32>
        %mul3A_928 = arith.mulf %get3A_925, %mul3A_927 : vector<16xf32>
        %swap3A_929 = arith.index_cast %scan3A_203 : i32 to index
        %swap3A_930 = arith.constant 960 : index
        %swap3A_931 = tpu.vector_load %arg6[%swap3A_929, %swap3A_930] {strides = array<i32>} : memref<32x1024xf32, #tpu.memory_space<vmem>>, vector<1x16xf32>,
        %swap3A_932 = vector.shape_cast %swap3A_931 : vector<1x16xf32> to vector<16xf32>
        %swap3A_933 = vector.shape_cast %mul3A_928 : vector<16xf32> to vector<1x16xf32>
        tpu.vector_store %arg6[%swap3A_929, %swap3A_930], %swap3A_933 {strides = array<i32>} : memref<32x1024xf32, #tpu.memory_space<vmem>>, vector<1x16xf32>,
        %get3A_934 = arith.index_cast %scan3A_203 : i32 to index
        %get3A_935 = arith.constant 976 : index
        %get3A_936 = tpu.vector_load %arg6[%get3A_934, %get3A_935] {strides = array<i32>} : memref<32x1024xf32, #tpu.memory_space<vmem>>, vector<1x16xf32>,
        %get3A_937 = vector.shape_cast %get3A_936 : vector<1x16xf32> to vector<16xf32>
        %mul3A_938 = arith.constant 3.200000e+01 : f32
        %mul3A_939 = vector.broadcast %mul3A_938 : f32 to vector<16xf32>
        %mul3A_940 = arith.mulf %get3A_937, %mul3A_939 : vector<16xf32>
        %swap3A_941 = arith.index_cast %scan3A_203 : i32 to index
        %swap3A_942 = arith.constant 976 : index
        %swap3A_943 = tpu.vector_load %arg6[%swap3A_941, %swap3A_942] {strides = array<i32>} : memref<32x1024xf32, #tpu.memory_space<vmem>>, vector<1x16xf32>,
        %swap3A_944 = vector.shape_cast %swap3A_943 : vector<1x16xf32> to vector<16xf32>
        %swap3A_945 = vector.shape_cast %mul3A_940 : vector<16xf32> to vector<1x16xf32>
        tpu.vector_store %arg6[%swap3A_941, %swap3A_942], %swap3A_945 {strides = array<i32>} : memref<32x1024xf32, #tpu.memory_space<vmem>>, vector<1x16xf32>,
        %get3A_946 = arith.index_cast %scan3A_203 : i32 to index
        %get3A_947 = arith.constant 992 : index
        %get3A_948 = tpu.vector_load %arg6[%get3A_946, %get3A_947] {strides = array<i32>} : memref<32x1024xf32, #tpu.memory_space<vmem>>, vector<1x16xf32>,
        %get3A_949 = vector.shape_cast %get3A_948 : vector<1x16xf32> to vector<16xf32>
        %mul3A_950 = arith.constant 3.200000e+01 : f32
        %mul3A_951 = vector.broadcast %mul3A_950 : f32 to vector<16xf32>
        %mul3A_952 = arith.mulf %get3A_949, %mul3A_951 : vector<16xf32>
        %swap3A_953 = arith.index_cast %scan3A_203 : i32 to index
        %swap3A_954 = arith.constant 992 : index
        %swap3A_955 = tpu.vector_load %arg6[%swap3A_953, %swap3A_954] {strides = array<i32>} : memref<32x1024xf32, #tpu.memory_space<vmem>>, vector<1x16xf32>,
        %swap3A_956 = vector.shape_cast %swap3A_955 : vector<1x16xf32> to vector<16xf32>
        %swap3A_957 = vector.shape_cast %mul3A_952 : vector<16xf32> to vector<1x16xf32>
        tpu.vector_store %arg6[%swap3A_953, %swap3A_954], %swap3A_957 {strides = array<i32>} : memref<32x1024xf32, #tpu.memory_space<vmem>>, vector<1x16xf32>,
        %get3A_958 = arith.index_cast %scan3A_203 : i32 to index
        %get3A_959 = arith.constant 1008 : index
        %get3A_960 = tpu.vector_load %arg6[%get3A_958, %get3A_959] {strides = array<i32>} : memref<32x1024xf32, #tpu.memory_space<vmem>>, vector<1x16xf32>,
        %get3A_961 = vector.shape_cast %get3A_960 : vector<1x16xf32> to vector<16xf32>
        %mul3A_962 = arith.constant 3.200000e+01 : f32
        %mul3A_963 = vector.broadcast %mul3A_962 : f32 to vector<16xf32>
        %mul3A_964 = arith.mulf %get3A_961, %mul3A_963 : vector<16xf32>
        %swap3A_965 = arith.index_cast %scan3A_203 : i32 to index
        %swap3A_966 = arith.constant 1008 : index
        %swap3A_967 = tpu.vector_load %arg6[%swap3A_965, %swap3A_966] {strides = array<i32>} : memref<32x1024xf32, #tpu.memory_space<vmem>>, vector<1x16xf32>,
        %swap3A_968 = vector.shape_cast %swap3A_967 : vector<1x16xf32> to vector<16xf32>
        %swap3A_969 = vector.shape_cast %mul3A_964 : vector<16xf32> to vector<1x16xf32>
        tpu.vector_store %arg6[%swap3A_965, %swap3A_966], %swap3A_969 {strides = array<i32>} : memref<32x1024xf32, #tpu.memory_space<vmem>>, vector<1x16xf32>,
      }
      %scan3A_124 = arith.constant 32 : i32
      %mul3A_125 = arith.constant 32 : i32
      %mul3A_126 = arith.muli %add3A_112, %mul3A_125 : i32
      %add3A_127 = arith.addi %mul3A_32, %mul3A_126 : i32
      %dma_start3A_128 = arith.constant 0 : i32
      %dma_start3A_129 = tpu.memref_slice %arg4[%select_n3A, %add3A_127, %dma_start3A_128] : memref<4x8192x1024xf32, #tpu.memory_space<hbm>> -> memref<1x32x1024xf32, #tpu.memory_space<hbm>>
      %dma_start3A_130 = tpu.memref_squeeze %dma_start3A_129 : memref<1x32x1024xf32, #tpu.memory_space<hbm>> -> memref<32x1024xf32, #tpu.memory_space<hbm>>
      %dma_start3A_131 = arith.constant 0 : i32
      %dma_start3A_132 = tpu.memref_slice %arg4[%select_n3A, %add3A_127, %dma_start3A_131] : memref<4x8192x1024xf32, #tpu.memory_space<hbm>> -> memref<1x32x1024xf32, #tpu.memory_space<hbm>>
      %dma_start3A_133 = tpu.memref_squeeze %dma_start3A_132 : memref<1x32x1024xf32, #tpu.memory_space<hbm>> -> memref<32x1024xf32, #tpu.memory_space<hbm>>
      tpu.enqueue_dma source(%arg6 : memref<32x1024xf32, #tpu.memory_space<vmem>>) target(%dma_start3A_133 : memref<32x1024xf32, #tpu.memory_space<hbm>>) target_semaphore(%arg12 : memref<!tpu.dma_semaphore, #tpu.memory_space<semaphore_mem>>)
      %add3A_134 = arith.constant 2 : i32
      %add3A_135 = arith.addi %add3A_112, %add3A_134 : i32
      %lt3A_136 = arith.constant 32 : i32
      %lt3A_137 = arith.cmpi slt, %add3A_135, %lt3A_136 : i32
      %convert_element_type3A = arith.extui %lt3A_137 : i1 to i32
      %cond3A = arith.constant 0 : i32
      %cond3A_138 = arith.cmpi ne, %convert_element_type3A, %cond3A : i32
      scf.if %cond3A_138 {
        %ge3A = arith.constant 3 : i32
        %ge3A_203 = arith.cmpi sge, %add3A_135, %ge3A : i32
        %convert_element_type3A_204 = arith.extui %ge3A_203 : i1 to i32
        %cond3A_205 = arith.constant 0 : i32
        %cond3A_206 = arith.cmpi ne, %convert_element_type3A_204, %cond3A_205 : i32
        scf.if %cond3A_206 {
          %sub3A_213 = arith.constant 3 : i32
          %sub3A_214 = arith.subi %add3A_135, %sub3A_213 : i32
          %mul3A_215 = arith.constant 32 : i32
          %mul3A_216 = arith.muli %sub3A_214, %mul3A_215 : i32
          %add3A_217 = arith.addi %mul3A_32, %mul3A_216 : i32
          %dma_wait3A_218 = arith.constant 0 : i32
          %dma_wait3A_219 = tpu.memref_slice %arg4[%select_n3A, %add3A_217, %dma_wait3A_218] : memref<4x8192x1024xf32, #tpu.memory_space<hbm>> -> memref<1x32x1024xf32, #tpu.memory_space<hbm>>
          %dma_wait3A_220 = tpu.memref_squeeze %dma_wait3A_219 : memref<1x32x1024xf32, #tpu.memory_space<hbm>> -> memref<32x1024xf32, #tpu.memory_space<hbm>>
          %dma_wait3A_221 = arith.constant 0 : i32
          %dma_wait3A_222 = tpu.memref_slice %arg4[%select_n3A, %add3A_217, %dma_wait3A_221] : memref<4x8192x1024xf32, #tpu.memory_space<hbm>> -> memref<1x32x1024xf32, #tpu.memory_space<hbm>>
          %dma_wait3A_223 = tpu.memref_squeeze %dma_wait3A_222 : memref<1x32x1024xf32, #tpu.memory_space<hbm>> -> memref<32x1024xf32, #tpu.memory_space<hbm>>
          tpu.wait_dma2 semaphore(%arg14 : memref<!tpu.dma_semaphore, #tpu.memory_space<semaphore_mem>>) src(%arg8 : memref<32x1024xf32, #tpu.memory_space<vmem>>) dst(%dma_wait3A_223 : memref<32x1024xf32, #tpu.memory_space<hbm>>)
        } else {
        }
        %mul3A_207 = arith.constant 32 : i32
        %mul3A_208 = arith.muli %add3A_135, %mul3A_207 : i32
        %dma_start3A_209 = tpu.memref_slice %arg5[%mul3A_208] : memref<1024xi32, #tpu.memory_space<vmem>> -> memref<32xi32, #tpu.memory_space<vmem>>
        %dma_start3A_210 = arith.constant 0 : i32
        %dma_start3A_211 = arith.constant 0 : i32
        %dma_start3A_212 = tpu.memref_slice %arg3[%dma_start3A_210, %dma_start3A_211] : memref<100000x1024xf32, #tpu.memory_space<hbm>> -> memref<100000x1024xf32, #tpu.memory_space<hbm>>
        tpu.enqueue_indirect_dma source(%dma_start3A_212 : memref<100000x1024xf32, #tpu.memory_space<hbm>>) target(%arg8 : memref<32x1024xf32, #tpu.memory_space<vmem>>) offsets(%dma_start3A_209 : memref<32xi32, #tpu.memory_space<vmem>>) semaphore(%arg11 : memref<!tpu.dma_semaphore, #tpu.memory_space<semaphore_mem>>)
      } else {
      }
      %mul3A_139 = arith.constant 3 : i32
      %mul3A_140 = arith.muli %scan3A_108, %mul3A_139 : i32
      %add3A_141 = arith.constant 1 : i32
      %add3A_142 = arith.addi %mul3A_140, %add3A_141 : i32
      %mul3A_143 = arith.constant 32 : i32
      %mul3A_144 = arith.muli %add3A_142, %mul3A_143 : i32
      %dma_wait3A_145 = tpu.memref_slice %arg5[%mul3A_144] : memref<1024xi32, #tpu.memory_space<vmem>> -> memref<32xi32, #tpu.memory_space<vmem>>
      %dma_wait3A_146 = arith.constant 0 : i32
      %dma_wait3A_147 = arith.constant 0 : i32
      %dma_wait3A_148 = tpu.memref_slice %arg3[%dma_wait3A_146, %dma_wait3A_147] : memref<100000x1024xf32, #tpu.memory_space<hbm>> -> memref<100000x1024xf32, #tpu.memory_space<hbm>>
      tpu.wait_indirect_dma semaphore(%arg10 : memref<!tpu.dma_semaphore, #tpu.memory_space<semaphore_mem>>) src(%dma_wait3A_148 : memref<100000x1024xf32, #tpu.memory_space<hbm>>) dst(%arg7 : memref<32x1024xf32, #tpu.memory_space<vmem>>)
      %scan3A_149 = arith.constant 0 : i32
      %scan3A_150 = arith.constant 0 : i32
      %scan3A_151 = arith.constant 32 : i32
      %scan3A_152 = arith.addi %scan3A_150, %scan3A_151 : i32
      %scan3A_153 = arith.constant 1 : i32
      scf.for %scan3A_203 = %scan3A_150 to %scan3A_152 step %scan3A_153  : i32 {
        %get3A = arith.index_cast %scan3A_203 : i32 to index
        %get3A_204 = arith.constant 0 : index
        %get3A_205 = tpu.vector_load %arg7[%get3A, %get3A_204] {strides = array<i32>} : memref<32x1024xf32, #tpu.memory_space<vmem>>, vector<1x16xf32>,
        %get3A_206 = vector.shape_cast %get3A_205 : vector<1x16xf32> to vector<16xf32>
        %mul3A_207 = arith.constant 3.200000e+01 : f32
        %mul3A_208 = vector.broadcast %mul3A_207 : f32 to vector<16xf32>
        %mul3A_209 = arith.mulf %get3A_206, %mul3A_208 : vector<16xf32>
        %swap3A = arith.index_cast %scan3A_203 : i32 to index
        %swap3A_210 = arith.constant 0 : index
        %swap3A_211 = tpu.vector_load %arg7[%swap3A, %swap3A_210] {strides = array<i32>} : memref<32x1024xf32, #tpu.memory_space<vmem>>, vector<1x16xf32>,
        %swap3A_212 = vector.shape_cast %swap3A_211 : vector<1x16xf32> to vector<16xf32>
        %swap3A_213 = vector.shape_cast %mul3A_209 : vector<16xf32> to vector<1x16xf32>
        tpu.vector_store %arg7[%swap3A, %swap3A_210], %swap3A_213 {strides = array<i32>} : memref<32x1024xf32, #tpu.memory_space<vmem>>, vector<1x16xf32>,
        %get3A_214 = arith.index_cast %scan3A_203 : i32 to index
        %get3A_215 = arith.constant 16 : index
        %get3A_216 = tpu.vector_load %arg7[%get3A_214, %get3A_215] {strides = array<i32>} : memref<32x1024xf32, #tpu.memory_space<vmem>>, vector<1x16xf32>,
        %get3A_217 = vector.shape_cast %get3A_216 : vector<1x16xf32> to vector<16xf32>
        %mul3A_218 = arith.constant 3.200000e+01 : f32
        %mul3A_219 = vector.broadcast %mul3A_218 : f32 to vector<16xf32>
        %mul3A_220 = arith.mulf %get3A_217, %mul3A_219 : vector<16xf32>
        %swap3A_221 = arith.index_cast %scan3A_203 : i32 to index
        %swap3A_222 = arith.constant 16 : index
        %swap3A_223 = tpu.vector_load %arg7[%swap3A_221, %swap3A_222] {strides = array<i32>} : memref<32x1024xf32, #tpu.memory_space<vmem>>, vector<1x16xf32>,
        %swap3A_224 = vector.shape_cast %swap3A_223 : vector<1x16xf32> to vector<16xf32>
        %swap3A_225 = vector.shape_cast %mul3A_220 : vector<16xf32> to vector<1x16xf32>
        tpu.vector_store %arg7[%swap3A_221, %swap3A_222], %swap3A_225 {strides = array<i32>} : memref<32x1024xf32, #tpu.memory_space<vmem>>, vector<1x16xf32>,
        %get3A_226 = arith.index_cast %scan3A_203 : i32 to index
        %get3A_227 = arith.constant 32 : index
        %get3A_228 = tpu.vector_load %arg7[%get3A_226, %get3A_227] {strides = array<i32>} : memref<32x1024xf32, #tpu.memory_space<vmem>>, vector<1x16xf32>,
        %get3A_229 = vector.shape_cast %get3A_228 : vector<1x16xf32> to vector<16xf32>
        %mul3A_230 = arith.constant 3.200000e+01 : f32
        %mul3A_231 = vector.broadcast %mul3A_230 : f32 to vector<16xf32>
        %mul3A_232 = arith.mulf %get3A_229, %mul3A_231 : vector<16xf32>
        %swap3A_233 = arith.index_cast %scan3A_203 : i32 to index
        %swap3A_234 = arith.constant 32 : index
        %swap3A_235 = tpu.vector_load %arg7[%swap3A_233, %swap3A_234] {strides = array<i32>} : memref<32x1024xf32, #tpu.memory_space<vmem>>, vector<1x16xf32>,
        %swap3A_236 = vector.shape_cast %swap3A_235 : vector<1x16xf32> to vector<16xf32>
        %swap3A_237 = vector.shape_cast %mul3A_232 : vector<16xf32> to vector<1x16xf32>
        tpu.vector_store %arg7[%swap3A_233, %swap3A_234], %swap3A_237 {strides = array<i32>} : memref<32x1024xf32, #tpu.memory_space<vmem>>, vector<1x16xf32>,
        %get3A_238 = arith.index_cast %scan3A_203 : i32 to index
        %get3A_239 = arith.constant 48 : index
        %get3A_240 = tpu.vector_load %arg7[%get3A_238, %get3A_239] {strides = array<i32>} : memref<32x1024xf32, #tpu.memory_space<vmem>>, vector<1x16xf32>,
        %get3A_241 = vector.shape_cast %get3A_240 : vector<1x16xf32> to vector<16xf32>
        %mul3A_242 = arith.constant 3.200000e+01 : f32
        %mul3A_243 = vector.broadcast %mul3A_242 : f32 to vector<16xf32>
        %mul3A_244 = arith.mulf %get3A_241, %mul3A_243 : vector<16xf32>
        %swap3A_245 = arith.index_cast %scan3A_203 : i32 to index
        %swap3A_246 = arith.constant 48 : index
        %swap3A_247 = tpu.vector_load %arg7[%swap3A_245, %swap3A_246] {strides = array<i32>} : memref<32x1024xf32, #tpu.memory_space<vmem>>, vector<1x16xf32>,
        %swap3A_248 = vector.shape_cast %swap3A_247 : vector<1x16xf32> to vector<16xf32>
        %swap3A_249 = vector.shape_cast %mul3A_244 : vector<16xf32> to vector<1x16xf32>
        tpu.vector_store %arg7[%swap3A_245, %swap3A_246], %swap3A_249 {strides = array<i32>} : memref<32x1024xf32, #tpu.memory_space<vmem>>, vector<1x16xf32>,
        %get3A_250 = arith.index_cast %scan3A_203 : i32 to index
        %get3A_251 = arith.constant 64 : index
        %get3A_252 = tpu.vector_load %arg7[%get3A_250, %get3A_251] {strides = array<i32>} : memref<32x1024xf32, #tpu.memory_space<vmem>>, vector<1x16xf32>,
        %get3A_253 = vector.shape_cast %get3A_252 : vector<1x16xf32> to vector<16xf32>
        %mul3A_254 = arith.constant 3.200000e+01 : f32
        %mul3A_255 = vector.broadcast %mul3A_254 : f32 to vector<16xf32>
        %mul3A_256 = arith.mulf %get3A_253, %mul3A_255 : vector<16xf32>
        %swap3A_257 = arith.index_cast %scan3A_203 : i32 to index
        %swap3A_258 = arith.constant 64 : index
        %swap3A_259 = tpu.vector_load %arg7[%swap3A_257, %swap3A_258] {strides = array<i32>} : memref<32x1024xf32, #tpu.memory_space<vmem>>, vector<1x16xf32>,
        %swap3A_260 = vector.shape_cast %swap3A_259 : vector<1x16xf32> to vector<16xf32>
        %swap3A_261 = vector.shape_cast %mul3A_256 : vector<16xf32> to vector<1x16xf32>
        tpu.vector_store %arg7[%swap3A_257, %swap3A_258], %swap3A_261 {strides = array<i32>} : memref<32x1024xf32, #tpu.memory_space<vmem>>, vector<1x16xf32>,
        %get3A_262 = arith.index_cast %scan3A_203 : i32 to index
        %get3A_263 = arith.constant 80 : index
        %get3A_264 = tpu.vector_load %arg7[%get3A_262, %get3A_263] {strides = array<i32>} : memref<32x1024xf32, #tpu.memory_space<vmem>>, vector<1x16xf32>,
        %get3A_265 = vector.shape_cast %get3A_264 : vector<1x16xf32> to vector<16xf32>
        %mul3A_266 = arith.constant 3.200000e+01 : f32
        %mul3A_267 = vector.broadcast %mul3A_266 : f32 to vector<16xf32>
        %mul3A_268 = arith.mulf %get3A_265, %mul3A_267 : vector<16xf32>
        %swap3A_269 = arith.index_cast %scan3A_203 : i32 to index
        %swap3A_270 = arith.constant 80 : index
        %swap3A_271 = tpu.vector_load %arg7[%swap3A_269, %swap3A_270] {strides = array<i32>} : memref<32x1024xf32, #tpu.memory_space<vmem>>, vector<1x16xf32>,
        %swap3A_272 = vector.shape_cast %swap3A_271 : vector<1x16xf32> to vector<16xf32>
        %swap3A_273 = vector.shape_cast %mul3A_268 : vector<16xf32> to vector<1x16xf32>
        tpu.vector_store %arg7[%swap3A_269, %swap3A_270], %swap3A_273 {strides = array<i32>} : memref<32x1024xf32, #tpu.memory_space<vmem>>, vector<1x16xf32>,
        %get3A_274 = arith.index_cast %scan3A_203 : i32 to index
        %get3A_275 = arith.constant 96 : index
        %get3A_276 = tpu.vector_load %arg7[%get3A_274, %get3A_275] {strides = array<i32>} : memref<32x1024xf32, #tpu.memory_space<vmem>>, vector<1x16xf32>,
        %get3A_277 = vector.shape_cast %get3A_276 : vector<1x16xf32> to vector<16xf32>
        %mul3A_278 = arith.constant 3.200000e+01 : f32
        %mul3A_279 = vector.broadcast %mul3A_278 : f32 to vector<16xf32>
        %mul3A_280 = arith.mulf %get3A_277, %mul3A_279 : vector<16xf32>
        %swap3A_281 = arith.index_cast %scan3A_203 : i32 to index
        %swap3A_282 = arith.constant 96 : index
        %swap3A_283 = tpu.vector_load %arg7[%swap3A_281, %swap3A_282] {strides = array<i32>} : memref<32x1024xf32, #tpu.memory_space<vmem>>, vector<1x16xf32>,
        %swap3A_284 = vector.shape_cast %swap3A_283 : vector<1x16xf32> to vector<16xf32>
        %swap3A_285 = vector.shape_cast %mul3A_280 : vector<16xf32> to vector<1x16xf32>
        tpu.vector_store %arg7[%swap3A_281, %swap3A_282], %swap3A_285 {strides = array<i32>} : memref<32x1024xf32, #tpu.memory_space<vmem>>, vector<1x16xf32>,
        %get3A_286 = arith.index_cast %scan3A_203 : i32 to index
        %get3A_287 = arith.constant 112 : index
        %get3A_288 = tpu.vector_load %arg7[%get3A_286, %get3A_287] {strides = array<i32>} : memref<32x1024xf32, #tpu.memory_space<vmem>>, vector<1x16xf32>,
        %get3A_289 = vector.shape_cast %get3A_288 : vector<1x16xf32> to vector<16xf32>
        %mul3A_290 = arith.constant 3.200000e+01 : f32
        %mul3A_291 = vector.broadcast %mul3A_290 : f32 to vector<16xf32>
        %mul3A_292 = arith.mulf %get3A_289, %mul3A_291 : vector<16xf32>
        %swap3A_293 = arith.index_cast %scan3A_203 : i32 to index
        %swap3A_294 = arith.constant 112 : index
        %swap3A_295 = tpu.vector_load %arg7[%swap3A_293, %swap3A_294] {strides = array<i32>} : memref<32x1024xf32, #tpu.memory_space<vmem>>, vector<1x16xf32>,
        %swap3A_296 = vector.shape_cast %swap3A_295 : vector<1x16xf32> to vector<16xf32>
        %swap3A_297 = vector.shape_cast %mul3A_292 : vector<16xf32> to vector<1x16xf32>
        tpu.vector_store %arg7[%swap3A_293, %swap3A_294], %swap3A_297 {strides = array<i32>} : memref<32x1024xf32, #tpu.memory_space<vmem>>, vector<1x16xf32>,
        %get3A_298 = arith.index_cast %scan3A_203 : i32 to index
        %get3A_299 = arith.constant 128 : index
        %get3A_300 = tpu.vector_load %arg7[%get3A_298, %get3A_299] {strides = array<i32>} : memref<32x1024xf32, #tpu.memory_space<vmem>>, vector<1x16xf32>,
        %get3A_301 = vector.shape_cast %get3A_300 : vector<1x16xf32> to vector<16xf32>
        %mul3A_302 = arith.constant 3.200000e+01 : f32
        %mul3A_303 = vector.broadcast %mul3A_302 : f32 to vector<16xf32>
        %mul3A_304 = arith.mulf %get3A_301, %mul3A_303 : vector<16xf32>
        %swap3A_305 = arith.index_cast %scan3A_203 : i32 to index
        %swap3A_306 = arith.constant 128 : index
        %swap3A_307 = tpu.vector_load %arg7[%swap3A_305, %swap3A_306] {strides = array<i32>} : memref<32x1024xf32, #tpu.memory_space<vmem>>, vector<1x16xf32>,
        %swap3A_308 = vector.shape_cast %swap3A_307 : vector<1x16xf32> to vector<16xf32>
        %swap3A_309 = vector.shape_cast %mul3A_304 : vector<16xf32> to vector<1x16xf32>
        tpu.vector_store %arg7[%swap3A_305, %swap3A_306], %swap3A_309 {strides = array<i32>} : memref<32x1024xf32, #tpu.memory_space<vmem>>, vector<1x16xf32>,
        %get3A_310 = arith.index_cast %scan3A_203 : i32 to index
        %get3A_311 = arith.constant 144 : index
        %get3A_312 = tpu.vector_load %arg7[%get3A_310, %get3A_311] {strides = array<i32>} : memref<32x1024xf32, #tpu.memory_space<vmem>>, vector<1x16xf32>,
        %get3A_313 = vector.shape_cast %get3A_312 : vector<1x16xf32> to vector<16xf32>
        %mul3A_314 = arith.constant 3.200000e+01 : f32
        %mul3A_315 = vector.broadcast %mul3A_314 : f32 to vector<16xf32>
        %mul3A_316 = arith.mulf %get3A_313, %mul3A_315 : vector<16xf32>
        %swap3A_317 = arith.index_cast %scan3A_203 : i32 to index
        %swap3A_318 = arith.constant 144 : index
        %swap3A_319 = tpu.vector_load %arg7[%swap3A_317, %swap3A_318] {strides = array<i32>} : memref<32x1024xf32, #tpu.memory_space<vmem>>, vector<1x16xf32>,
        %swap3A_320 = vector.shape_cast %swap3A_319 : vector<1x16xf32> to vector<16xf32>
        %swap3A_321 = vector.shape_cast %mul3A_316 : vector<16xf32> to vector<1x16xf32>
        tpu.vector_store %arg7[%swap3A_317, %swap3A_318], %swap3A_321 {strides = array<i32>} : memref<32x1024xf32, #tpu.memory_space<vmem>>, vector<1x16xf32>,
        %get3A_322 = arith.index_cast %scan3A_203 : i32 to index
        %get3A_323 = arith.constant 160 : index
        %get3A_324 = tpu.vector_load %arg7[%get3A_322, %get3A_323] {strides = array<i32>} : memref<32x1024xf32, #tpu.memory_space<vmem>>, vector<1x16xf32>,
        %get3A_325 = vector.shape_cast %get3A_324 : vector<1x16xf32> to vector<16xf32>
        %mul3A_326 = arith.constant 3.200000e+01 : f32
        %mul3A_327 = vector.broadcast %mul3A_326 : f32 to vector<16xf32>
        %mul3A_328 = arith.mulf %get3A_325, %mul3A_327 : vector<16xf32>
        %swap3A_329 = arith.index_cast %scan3A_203 : i32 to index
        %swap3A_330 = arith.constant 160 : index
        %swap3A_331 = tpu.vector_load %arg7[%swap3A_329, %swap3A_330] {strides = array<i32>} : memref<32x1024xf32, #tpu.memory_space<vmem>>, vector<1x16xf32>,
        %swap3A_332 = vector.shape_cast %swap3A_331 : vector<1x16xf32> to vector<16xf32>
        %swap3A_333 = vector.shape_cast %mul3A_328 : vector<16xf32> to vector<1x16xf32>
        tpu.vector_store %arg7[%swap3A_329, %swap3A_330], %swap3A_333 {strides = array<i32>} : memref<32x1024xf32, #tpu.memory_space<vmem>>, vector<1x16xf32>,
        %get3A_334 = arith.index_cast %scan3A_203 : i32 to index
        %get3A_335 = arith.constant 176 : index
        %get3A_336 = tpu.vector_load %arg7[%get3A_334, %get3A_335] {strides = array<i32>} : memref<32x1024xf32, #tpu.memory_space<vmem>>, vector<1x16xf32>,
        %get3A_337 = vector.shape_cast %get3A_336 : vector<1x16xf32> to vector<16xf32>
        %mul3A_338 = arith.constant 3.200000e+01 : f32
        %mul3A_339 = vector.broadcast %mul3A_338 : f32 to vector<16xf32>
        %mul3A_340 = arith.mulf %get3A_337, %mul3A_339 : vector<16xf32>
        %swap3A_341 = arith.index_cast %scan3A_203 : i32 to index
        %swap3A_342 = arith.constant 176 : index
        %swap3A_343 = tpu.vector_load %arg7[%swap3A_341, %swap3A_342] {strides = array<i32>} : memref<32x1024xf32, #tpu.memory_space<vmem>>, vector<1x16xf32>,
        %swap3A_344 = vector.shape_cast %swap3A_343 : vector<1x16xf32> to vector<16xf32>
        %swap3A_345 = vector.shape_cast %mul3A_340 : vector<16xf32> to vector<1x16xf32>
        tpu.vector_store %arg7[%swap3A_341, %swap3A_342], %swap3A_345 {strides = array<i32>} : memref<32x1024xf32, #tpu.memory_space<vmem>>, vector<1x16xf32>,
        %get3A_346 = arith.index_cast %scan3A_203 : i32 to index
        %get3A_347 = arith.constant 192 : index
        %get3A_348 = tpu.vector_load %arg7[%get3A_346, %get3A_347] {strides = array<i32>} : memref<32x1024xf32, #tpu.memory_space<vmem>>, vector<1x16xf32>,
        %get3A_349 = vector.shape_cast %get3A_348 : vector<1x16xf32> to vector<16xf32>
        %mul3A_350 = arith.constant 3.200000e+01 : f32
        %mul3A_351 = vector.broadcast %mul3A_350 : f32 to vector<16xf32>
        %mul3A_352 = arith.mulf %get3A_349, %mul3A_351 : vector<16xf32>
        %swap3A_353 = arith.index_cast %scan3A_203 : i32 to index
        %swap3A_354 = arith.constant 192 : index
        %swap3A_355 = tpu.vector_load %arg7[%swap3A_353, %swap3A_354] {strides = array<i32>} : memref<32x1024xf32, #tpu.memory_space<vmem>>, vector<1x16xf32>,
        %swap3A_356 = vector.shape_cast %swap3A_355 : vector<1x16xf32> to vector<16xf32>
        %swap3A_357 = vector.shape_cast %mul3A_352 : vector<16xf32> to vector<1x16xf32>
        tpu.vector_store %arg7[%swap3A_353, %swap3A_354], %swap3A_357 {strides = array<i32>} : memref<32x1024xf32, #tpu.memory_space<vmem>>, vector<1x16xf32>,
        %get3A_358 = arith.index_cast %scan3A_203 : i32 to index
        %get3A_359 = arith.constant 208 : index
        %get3A_360 = tpu.vector_load %arg7[%get3A_358, %get3A_359] {strides = array<i32>} : memref<32x1024xf32, #tpu.memory_space<vmem>>, vector<1x16xf32>,
        %get3A_361 = vector.shape_cast %get3A_360 : vector<1x16xf32> to vector<16xf32>
        %mul3A_362 = arith.constant 3.200000e+01 : f32
        %mul3A_363 = vector.broadcast %mul3A_362 : f32 to vector<16xf32>
        %mul3A_364 = arith.mulf %get3A_361, %mul3A_363 : vector<16xf32>
        %swap3A_365 = arith.index_cast %scan3A_203 : i32 to index
        %swap3A_366 = arith.constant 208 : index
        %swap3A_367 = tpu.vector_load %arg7[%swap3A_365, %swap3A_366] {strides = array<i32>} : memref<32x1024xf32, #tpu.memory_space<vmem>>, vector<1x16xf32>,
        %swap3A_368 = vector.shape_cast %swap3A_367 : vector<1x16xf32> to vector<16xf32>
        %swap3A_369 = vector.shape_cast %mul3A_364 : vector<16xf32> to vector<1x16xf32>
        tpu.vector_store %arg7[%swap3A_365, %swap3A_366], %swap3A_369 {strides = array<i32>} : memref<32x1024xf32, #tpu.memory_space<vmem>>, vector<1x16xf32>,
        %get3A_370 = arith.index_cast %scan3A_203 : i32 to index
        %get3A_371 = arith.constant 224 : index
        %get3A_372 = tpu.vector_load %arg7[%get3A_370, %get3A_371] {strides = array<i32>} : memref<32x1024xf32, #tpu.memory_space<vmem>>, vector<1x16xf32>,
        %get3A_373 = vector.shape_cast %get3A_372 : vector<1x16xf32> to vector<16xf32>
        %mul3A_374 = arith.constant 3.200000e+01 : f32
        %mul3A_375 = vector.broadcast %mul3A_374 : f32 to vector<16xf32>
        %mul3A_376 = arith.mulf %get3A_373, %mul3A_375 : vector<16xf32>
        %swap3A_377 = arith.index_cast %scan3A_203 : i32 to index
        %swap3A_378 = arith.constant 224 : index
        %swap3A_379 = tpu.vector_load %arg7[%swap3A_377, %swap3A_378] {strides = array<i32>} : memref<32x1024xf32, #tpu.memory_space<vmem>>, vector<1x16xf32>,
        %swap3A_380 = vector.shape_cast %swap3A_379 : vector<1x16xf32> to vector<16xf32>
        %swap3A_381 = vector.shape_cast %mul3A_376 : vector<16xf32> to vector<1x16xf32>
        tpu.vector_store %arg7[%swap3A_377, %swap3A_378], %swap3A_381 {strides = array<i32>} : memref<32x1024xf32, #tpu.memory_space<vmem>>, vector<1x16xf32>,
        %get3A_382 = arith.index_cast %scan3A_203 : i32 to index
        %get3A_383 = arith.constant 240 : index
        %get3A_384 = tpu.vector_load %arg7[%get3A_382, %get3A_383] {strides = array<i32>} : memref<32x1024xf32, #tpu.memory_space<vmem>>, vector<1x16xf32>,
        %get3A_385 = vector.shape_cast %get3A_384 : vector<1x16xf32> to vector<16xf32>
        %mul3A_386 = arith.constant 3.200000e+01 : f32
        %mul3A_387 = vector.broadcast %mul3A_386 : f32 to vector<16xf32>
        %mul3A_388 = arith.mulf %get3A_385, %mul3A_387 : vector<16xf32>
        %swap3A_389 = arith.index_cast %scan3A_203 : i32 to index
        %swap3A_390 = arith.constant 240 : index
        %swap3A_391 = tpu.vector_load %arg7[%swap3A_389, %swap3A_390] {strides = array<i32>} : memref<32x1024xf32, #tpu.memory_space<vmem>>, vector<1x16xf32>,
        %swap3A_392 = vector.shape_cast %swap3A_391 : vector<1x16xf32> to vector<16xf32>
        %swap3A_393 = vector.shape_cast %mul3A_388 : vector<16xf32> to vector<1x16xf32>
        tpu.vector_store %arg7[%swap3A_389, %swap3A_390], %swap3A_393 {strides = array<i32>} : memref<32x1024xf32, #tpu.memory_space<vmem>>, vector<1x16xf32>,
        %get3A_394 = arith.index_cast %scan3A_203 : i32 to index
        %get3A_395 = arith.constant 256 : index
        %get3A_396 = tpu.vector_load %arg7[%get3A_394, %get3A_395] {strides = array<i32>} : memref<32x1024xf32, #tpu.memory_space<vmem>>, vector<1x16xf32>,
        %get3A_397 = vector.shape_cast %get3A_396 : vector<1x16xf32> to vector<16xf32>
        %mul3A_398 = arith.constant 3.200000e+01 : f32
        %mul3A_399 = vector.broadcast %mul3A_398 : f32 to vector<16xf32>
        %mul3A_400 = arith.mulf %get3A_397, %mul3A_399 : vector<16xf32>
        %swap3A_401 = arith.index_cast %scan3A_203 : i32 to index
        %swap3A_402 = arith.constant 256 : index
        %swap3A_403 = tpu.vector_load %arg7[%swap3A_401, %swap3A_402] {strides = array<i32>} : memref<32x1024xf32, #tpu.memory_space<vmem>>, vector<1x16xf32>,
        %swap3A_404 = vector.shape_cast %swap3A_403 : vector<1x16xf32> to vector<16xf32>
        %swap3A_405 = vector.shape_cast %mul3A_400 : vector<16xf32> to vector<1x16xf32>
        tpu.vector_store %arg7[%swap3A_401, %swap3A_402], %swap3A_405 {strides = array<i32>} : memref<32x1024xf32, #tpu.memory_space<vmem>>, vector<1x16xf32>,
        %get3A_406 = arith.index_cast %scan3A_203 : i32 to index
        %get3A_407 = arith.constant 272 : index
        %get3A_408 = tpu.vector_load %arg7[%get3A_406, %get3A_407] {strides = array<i32>} : memref<32x1024xf32, #tpu.memory_space<vmem>>, vector<1x16xf32>,
        %get3A_409 = vector.shape_cast %get3A_408 : vector<1x16xf32> to vector<16xf32>
        %mul3A_410 = arith.constant 3.200000e+01 : f32
        %mul3A_411 = vector.broadcast %mul3A_410 : f32 to vector<16xf32>
        %mul3A_412 = arith.mulf %get3A_409, %mul3A_411 : vector<16xf32>
        %swap3A_413 = arith.index_cast %scan3A_203 : i32 to index
        %swap3A_414 = arith.constant 272 : index
        %swap3A_415 = tpu.vector_load %arg7[%swap3A_413, %swap3A_414] {strides = array<i32>} : memref<32x1024xf32, #tpu.memory_space<vmem>>, vector<1x16xf32>,
        %swap3A_416 = vector.shape_cast %swap3A_415 : vector<1x16xf32> to vector<16xf32>
        %swap3A_417 = vector.shape_cast %mul3A_412 : vector<16xf32> to vector<1x16xf32>
        tpu.vector_store %arg7[%swap3A_413, %swap3A_414], %swap3A_417 {strides = array<i32>} : memref<32x1024xf32, #tpu.memory_space<vmem>>, vector<1x16xf32>,
        %get3A_418 = arith.index_cast %scan3A_203 : i32 to index
        %get3A_419 = arith.constant 288 : index
        %get3A_420 = tpu.vector_load %arg7[%get3A_418, %get3A_419] {strides = array<i32>} : memref<32x1024xf32, #tpu.memory_space<vmem>>, vector<1x16xf32>,
        %get3A_421 = vector.shape_cast %get3A_420 : vector<1x16xf32> to vector<16xf32>
        %mul3A_422 = arith.constant 3.200000e+01 : f32
        %mul3A_423 = vector.broadcast %mul3A_422 : f32 to vector<16xf32>
        %mul3A_424 = arith.mulf %get3A_421, %mul3A_423 : vector<16xf32>
        %swap3A_425 = arith.index_cast %scan3A_203 : i32 to index
        %swap3A_426 = arith.constant 288 : index
        %swap3A_427 = tpu.vector_load %arg7[%swap3A_425, %swap3A_426] {strides = array<i32>} : memref<32x1024xf32, #tpu.memory_space<vmem>>, vector<1x16xf32>,
        %swap3A_428 = vector.shape_cast %swap3A_427 : vector<1x16xf32> to vector<16xf32>
        %swap3A_429 = vector.shape_cast %mul3A_424 : vector<16xf32> to vector<1x16xf32>
        tpu.vector_store %arg7[%swap3A_425, %swap3A_426], %swap3A_429 {strides = array<i32>} : memref<32x1024xf32, #tpu.memory_space<vmem>>, vector<1x16xf32>,
        %get3A_430 = arith.index_cast %scan3A_203 : i32 to index
        %get3A_431 = arith.constant 304 : index
        %get3A_432 = tpu.vector_load %arg7[%get3A_430, %get3A_431] {strides = array<i32>} : memref<32x1024xf32, #tpu.memory_space<vmem>>, vector<1x16xf32>,
        %get3A_433 = vector.shape_cast %get3A_432 : vector<1x16xf32> to vector<16xf32>
        %mul3A_434 = arith.constant 3.200000e+01 : f32
        %mul3A_435 = vector.broadcast %mul3A_434 : f32 to vector<16xf32>
        %mul3A_436 = arith.mulf %get3A_433, %mul3A_435 : vector<16xf32>
        %swap3A_437 = arith.index_cast %scan3A_203 : i32 to index
        %swap3A_438 = arith.constant 304 : index
        %swap3A_439 = tpu.vector_load %arg7[%swap3A_437, %swap3A_438] {strides = array<i32>} : memref<32x1024xf32, #tpu.memory_space<vmem>>, vector<1x16xf32>,
        %swap3A_440 = vector.shape_cast %swap3A_439 : vector<1x16xf32> to vector<16xf32>
        %swap3A_441 = vector.shape_cast %mul3A_436 : vector<16xf32> to vector<1x16xf32>
        tpu.vector_store %arg7[%swap3A_437, %swap3A_438], %swap3A_441 {strides = array<i32>} : memref<32x1024xf32, #tpu.memory_space<vmem>>, vector<1x16xf32>,
        %get3A_442 = arith.index_cast %scan3A_203 : i32 to index
        %get3A_443 = arith.constant 320 : index
        %get3A_444 = tpu.vector_load %arg7[%get3A_442, %get3A_443] {strides = array<i32>} : memref<32x1024xf32, #tpu.memory_space<vmem>>, vector<1x16xf32>,
        %get3A_445 = vector.shape_cast %get3A_444 : vector<1x16xf32> to vector<16xf32>
        %mul3A_446 = arith.constant 3.200000e+01 : f32
        %mul3A_447 = vector.broadcast %mul3A_446 : f32 to vector<16xf32>
        %mul3A_448 = arith.mulf %get3A_445, %mul3A_447 : vector<16xf32>
        %swap3A_449 = arith.index_cast %scan3A_203 : i32 to index
        %swap3A_450 = arith.constant 320 : index
        %swap3A_451 = tpu.vector_load %arg7[%swap3A_449, %swap3A_450] {strides = array<i32>} : memref<32x1024xf32, #tpu.memory_space<vmem>>, vector<1x16xf32>,
        %swap3A_452 = vector.shape_cast %swap3A_451 : vector<1x16xf32> to vector<16xf32>
        %swap3A_453 = vector.shape_cast %mul3A_448 : vector<16xf32> to vector<1x16xf32>
        tpu.vector_store %arg7[%swap3A_449, %swap3A_450], %swap3A_453 {strides = array<i32>} : memref<32x1024xf32, #tpu.memory_space<vmem>>, vector<1x16xf32>,
        %get3A_454 = arith.index_cast %scan3A_203 : i32 to index
        %get3A_455 = arith.constant 336 : index
        %get3A_456 = tpu.vector_load %arg7[%get3A_454, %get3A_455] {strides = array<i32>} : memref<32x1024xf32, #tpu.memory_space<vmem>>, vector<1x16xf32>,
        %get3A_457 = vector.shape_cast %get3A_456 : vector<1x16xf32> to vector<16xf32>
        %mul3A_458 = arith.constant 3.200000e+01 : f32
        %mul3A_459 = vector.broadcast %mul3A_458 : f32 to vector<16xf32>
        %mul3A_460 = arith.mulf %get3A_457, %mul3A_459 : vector<16xf32>
        %swap3A_461 = arith.index_cast %scan3A_203 : i32 to index
        %swap3A_462 = arith.constant 336 : index
        %swap3A_463 = tpu.vector_load %arg7[%swap3A_461, %swap3A_462] {strides = array<i32>} : memref<32x1024xf32, #tpu.memory_space<vmem>>, vector<1x16xf32>,
        %swap3A_464 = vector.shape_cast %swap3A_463 : vector<1x16xf32> to vector<16xf32>
        %swap3A_465 = vector.shape_cast %mul3A_460 : vector<16xf32> to vector<1x16xf32>
        tpu.vector_store %arg7[%swap3A_461, %swap3A_462], %swap3A_465 {strides = array<i32>} : memref<32x1024xf32, #tpu.memory_space<vmem>>, vector<1x16xf32>,
        %get3A_466 = arith.index_cast %scan3A_203 : i32 to index
        %get3A_467 = arith.constant 352 : index
        %get3A_468 = tpu.vector_load %arg7[%get3A_466, %get3A_467] {strides = array<i32>} : memref<32x1024xf32, #tpu.memory_space<vmem>>, vector<1x16xf32>,
        %get3A_469 = vector.shape_cast %get3A_468 : vector<1x16xf32> to vector<16xf32>
        %mul3A_470 = arith.constant 3.200000e+01 : f32
        %mul3A_471 = vector.broadcast %mul3A_470 : f32 to vector<16xf32>
        %mul3A_472 = arith.mulf %get3A_469, %mul3A_471 : vector<16xf32>
        %swap3A_473 = arith.index_cast %scan3A_203 : i32 to index
        %swap3A_474 = arith.constant 352 : index
        %swap3A_475 = tpu.vector_load %arg7[%swap3A_473, %swap3A_474] {strides = array<i32>} : memref<32x1024xf32, #tpu.memory_space<vmem>>, vector<1x16xf32>,
        %swap3A_476 = vector.shape_cast %swap3A_475 : vector<1x16xf32> to vector<16xf32>
        %swap3A_477 = vector.shape_cast %mul3A_472 : vector<16xf32> to vector<1x16xf32>
        tpu.vector_store %arg7[%swap3A_473, %swap3A_474], %swap3A_477 {strides = array<i32>} : memref<32x1024xf32, #tpu.memory_space<vmem>>, vector<1x16xf32>,
        %get3A_478 = arith.index_cast %scan3A_203 : i32 to index
        %get3A_479 = arith.constant 368 : index
        %get3A_480 = tpu.vector_load %arg7[%get3A_478, %get3A_479] {strides = array<i32>} : memref<32x1024xf32, #tpu.memory_space<vmem>>, vector<1x16xf32>,
        %get3A_481 = vector.shape_cast %get3A_480 : vector<1x16xf32> to vector<16xf32>
        %mul3A_482 = arith.constant 3.200000e+01 : f32
        %mul3A_483 = vector.broadcast %mul3A_482 : f32 to vector<16xf32>
        %mul3A_484 = arith.mulf %get3A_481, %mul3A_483 : vector<16xf32>
        %swap3A_485 = arith.index_cast %scan3A_203 : i32 to index
        %swap3A_486 = arith.constant 368 : index
        %swap3A_487 = tpu.vector_load %arg7[%swap3A_485, %swap3A_486] {strides = array<i32>} : memref<32x1024xf32, #tpu.memory_space<vmem>>, vector<1x16xf32>,
        %swap3A_488 = vector.shape_cast %swap3A_487 : vector<1x16xf32> to vector<16xf32>
        %swap3A_489 = vector.shape_cast %mul3A_484 : vector<16xf32> to vector<1x16xf32>
        tpu.vector_store %arg7[%swap3A_485, %swap3A_486], %swap3A_489 {strides = array<i32>} : memref<32x1024xf32, #tpu.memory_space<vmem>>, vector<1x16xf32>,
        %get3A_490 = arith.index_cast %scan3A_203 : i32 to index
        %get3A_491 = arith.constant 384 : index
        %get3A_492 = tpu.vector_load %arg7[%get3A_490, %get3A_491] {strides = array<i32>} : memref<32x1024xf32, #tpu.memory_space<vmem>>, vector<1x16xf32>,
        %get3A_493 = vector.shape_cast %get3A_492 : vector<1x16xf32> to vector<16xf32>
        %mul3A_494 = arith.constant 3.200000e+01 : f32
        %mul3A_495 = vector.broadcast %mul3A_494 : f32 to vector<16xf32>
        %mul3A_496 = arith.mulf %get3A_493, %mul3A_495 : vector<16xf32>
        %swap3A_497 = arith.index_cast %scan3A_203 : i32 to index
        %swap3A_498 = arith.constant 384 : index
        %swap3A_499 = tpu.vector_load %arg7[%swap3A_497, %swap3A_498] {strides = array<i32>} : memref<32x1024xf32, #tpu.memory_space<vmem>>, vector<1x16xf32>,
        %swap3A_500 = vector.shape_cast %swap3A_499 : vector<1x16xf32> to vector<16xf32>
        %swap3A_501 = vector.shape_cast %mul3A_496 : vector<16xf32> to vector<1x16xf32>
        tpu.vector_store %arg7[%swap3A_497, %swap3A_498], %swap3A_501 {strides = array<i32>} : memref<32x1024xf32, #tpu.memory_space<vmem>>, vector<1x16xf32>,
        %get3A_502 = arith.index_cast %scan3A_203 : i32 to index
        %get3A_503 = arith.constant 400 : index
        %get3A_504 = tpu.vector_load %arg7[%get3A_502, %get3A_503] {strides = array<i32>} : memref<32x1024xf32, #tpu.memory_space<vmem>>, vector<1x16xf32>,
        %get3A_505 = vector.shape_cast %get3A_504 : vector<1x16xf32> to vector<16xf32>
        %mul3A_506 = arith.constant 3.200000e+01 : f32
        %mul3A_507 = vector.broadcast %mul3A_506 : f32 to vector<16xf32>
        %mul3A_508 = arith.mulf %get3A_505, %mul3A_507 : vector<16xf32>
        %swap3A_509 = arith.index_cast %scan3A_203 : i32 to index
        %swap3A_510 = arith.constant 400 : index
        %swap3A_511 = tpu.vector_load %arg7[%swap3A_509, %swap3A_510] {strides = array<i32>} : memref<32x1024xf32, #tpu.memory_space<vmem>>, vector<1x16xf32>,
        %swap3A_512 = vector.shape_cast %swap3A_511 : vector<1x16xf32> to vector<16xf32>
        %swap3A_513 = vector.shape_cast %mul3A_508 : vector<16xf32> to vector<1x16xf32>
        tpu.vector_store %arg7[%swap3A_509, %swap3A_510], %swap3A_513 {strides = array<i32>} : memref<32x1024xf32, #tpu.memory_space<vmem>>, vector<1x16xf32>,
        %get3A_514 = arith.index_cast %scan3A_203 : i32 to index
        %get3A_515 = arith.constant 416 : index
        %get3A_516 = tpu.vector_load %arg7[%get3A_514, %get3A_515] {strides = array<i32>} : memref<32x1024xf32, #tpu.memory_space<vmem>>, vector<1x16xf32>,
        %get3A_517 = vector.shape_cast %get3A_516 : vector<1x16xf32> to vector<16xf32>
        %mul3A_518 = arith.constant 3.200000e+01 : f32
        %mul3A_519 = vector.broadcast %mul3A_518 : f32 to vector<16xf32>
        %mul3A_520 = arith.mulf %get3A_517, %mul3A_519 : vector<16xf32>
        %swap3A_521 = arith.index_cast %scan3A_203 : i32 to index
        %swap3A_522 = arith.constant 416 : index
        %swap3A_523 = tpu.vector_load %arg7[%swap3A_521, %swap3A_522] {strides = array<i32>} : memref<32x1024xf32, #tpu.memory_space<vmem>>, vector<1x16xf32>,
        %swap3A_524 = vector.shape_cast %swap3A_523 : vector<1x16xf32> to vector<16xf32>
        %swap3A_525 = vector.shape_cast %mul3A_520 : vector<16xf32> to vector<1x16xf32>
        tpu.vector_store %arg7[%swap3A_521, %swap3A_522], %swap3A_525 {strides = array<i32>} : memref<32x1024xf32, #tpu.memory_space<vmem>>, vector<1x16xf32>,
        %get3A_526 = arith.index_cast %scan3A_203 : i32 to index
        %get3A_527 = arith.constant 432 : index
        %get3A_528 = tpu.vector_load %arg7[%get3A_526, %get3A_527] {strides = array<i32>} : memref<32x1024xf32, #tpu.memory_space<vmem>>, vector<1x16xf32>,
        %get3A_529 = vector.shape_cast %get3A_528 : vector<1x16xf32> to vector<16xf32>
        %mul3A_530 = arith.constant 3.200000e+01 : f32
        %mul3A_531 = vector.broadcast %mul3A_530 : f32 to vector<16xf32>
        %mul3A_532 = arith.mulf %get3A_529, %mul3A_531 : vector<16xf32>
        %swap3A_533 = arith.index_cast %scan3A_203 : i32 to index
        %swap3A_534 = arith.constant 432 : index
        %swap3A_535 = tpu.vector_load %arg7[%swap3A_533, %swap3A_534] {strides = array<i32>} : memref<32x1024xf32, #tpu.memory_space<vmem>>, vector<1x16xf32>,
        %swap3A_536 = vector.shape_cast %swap3A_535 : vector<1x16xf32> to vector<16xf32>
        %swap3A_537 = vector.shape_cast %mul3A_532 : vector<16xf32> to vector<1x16xf32>
        tpu.vector_store %arg7[%swap3A_533, %swap3A_534], %swap3A_537 {strides = array<i32>} : memref<32x1024xf32, #tpu.memory_space<vmem>>, vector<1x16xf32>,
        %get3A_538 = arith.index_cast %scan3A_203 : i32 to index
        %get3A_539 = arith.constant 448 : index
        %get3A_540 = tpu.vector_load %arg7[%get3A_538, %get3A_539] {strides = array<i32>} : memref<32x1024xf32, #tpu.memory_space<vmem>>, vector<1x16xf32>,
        %get3A_541 = vector.shape_cast %get3A_540 : vector<1x16xf32> to vector<16xf32>
        %mul3A_542 = arith.constant 3.200000e+01 : f32
        %mul3A_543 = vector.broadcast %mul3A_542 : f32 to vector<16xf32>
        %mul3A_544 = arith.mulf %get3A_541, %mul3A_543 : vector<16xf32>
        %swap3A_545 = arith.index_cast %scan3A_203 : i32 to index
        %swap3A_546 = arith.constant 448 : index
        %swap3A_547 = tpu.vector_load %arg7[%swap3A_545, %swap3A_546] {strides = array<i32>} : memref<32x1024xf32, #tpu.memory_space<vmem>>, vector<1x16xf32>,
        %swap3A_548 = vector.shape_cast %swap3A_547 : vector<1x16xf32> to vector<16xf32>
        %swap3A_549 = vector.shape_cast %mul3A_544 : vector<16xf32> to vector<1x16xf32>
        tpu.vector_store %arg7[%swap3A_545, %swap3A_546], %swap3A_549 {strides = array<i32>} : memref<32x1024xf32, #tpu.memory_space<vmem>>, vector<1x16xf32>,
        %get3A_550 = arith.index_cast %scan3A_203 : i32 to index
        %get3A_551 = arith.constant 464 : index
        %get3A_552 = tpu.vector_load %arg7[%get3A_550, %get3A_551] {strides = array<i32>} : memref<32x1024xf32, #tpu.memory_space<vmem>>, vector<1x16xf32>,
        %get3A_553 = vector.shape_cast %get3A_552 : vector<1x16xf32> to vector<16xf32>
        %mul3A_554 = arith.constant 3.200000e+01 : f32
        %mul3A_555 = vector.broadcast %mul3A_554 : f32 to vector<16xf32>
        %mul3A_556 = arith.mulf %get3A_553, %mul3A_555 : vector<16xf32>
        %swap3A_557 = arith.index_cast %scan3A_203 : i32 to index
        %swap3A_558 = arith.constant 464 : index
        %swap3A_559 = tpu.vector_load %arg7[%swap3A_557, %swap3A_558] {strides = array<i32>} : memref<32x1024xf32, #tpu.memory_space<vmem>>, vector<1x16xf32>,
        %swap3A_560 = vector.shape_cast %swap3A_559 : vector<1x16xf32> to vector<16xf32>
        %swap3A_561 = vector.shape_cast %mul3A_556 : vector<16xf32> to vector<1x16xf32>
        tpu.vector_store %arg7[%swap3A_557, %swap3A_558], %swap3A_561 {strides = array<i32>} : memref<32x1024xf32, #tpu.memory_space<vmem>>, vector<1x16xf32>,
        %get3A_562 = arith.index_cast %scan3A_203 : i32 to index
        %get3A_563 = arith.constant 480 : index
        %get3A_564 = tpu.vector_load %arg7[%get3A_562, %get3A_563] {strides = array<i32>} : memref<32x1024xf32, #tpu.memory_space<vmem>>, vector<1x16xf32>,
        %get3A_565 = vector.shape_cast %get3A_564 : vector<1x16xf32> to vector<16xf32>
        %mul3A_566 = arith.constant 3.200000e+01 : f32
        %mul3A_567 = vector.broadcast %mul3A_566 : f32 to vector<16xf32>
        %mul3A_568 = arith.mulf %get3A_565, %mul3A_567 : vector<16xf32>
        %swap3A_569 = arith.index_cast %scan3A_203 : i32 to index
        %swap3A_570 = arith.constant 480 : index
        %swap3A_571 = tpu.vector_load %arg7[%swap3A_569, %swap3A_570] {strides = array<i32>} : memref<32x1024xf32, #tpu.memory_space<vmem>>, vector<1x16xf32>,
        %swap3A_572 = vector.shape_cast %swap3A_571 : vector<1x16xf32> to vector<16xf32>
        %swap3A_573 = vector.shape_cast %mul3A_568 : vector<16xf32> to vector<1x16xf32>
        tpu.vector_store %arg7[%swap3A_569, %swap3A_570], %swap3A_573 {strides = array<i32>} : memref<32x1024xf32, #tpu.memory_space<vmem>>, vector<1x16xf32>,
        %get3A_574 = arith.index_cast %scan3A_203 : i32 to index
        %get3A_575 = arith.constant 496 : index
        %get3A_576 = tpu.vector_load %arg7[%get3A_574, %get3A_575] {strides = array<i32>} : memref<32x1024xf32, #tpu.memory_space<vmem>>, vector<1x16xf32>,
        %get3A_577 = vector.shape_cast %get3A_576 : vector<1x16xf32> to vector<16xf32>
        %mul3A_578 = arith.constant 3.200000e+01 : f32
        %mul3A_579 = vector.broadcast %mul3A_578 : f32 to vector<16xf32>
        %mul3A_580 = arith.mulf %get3A_577, %mul3A_579 : vector<16xf32>
        %swap3A_581 = arith.index_cast %scan3A_203 : i32 to index
        %swap3A_582 = arith.constant 496 : index
        %swap3A_583 = tpu.vector_load %arg7[%swap3A_581, %swap3A_582] {strides = array<i32>} : memref<32x1024xf32, #tpu.memory_space<vmem>>, vector<1x16xf32>,
        %swap3A_584 = vector.shape_cast %swap3A_583 : vector<1x16xf32> to vector<16xf32>
        %swap3A_585 = vector.shape_cast %mul3A_580 : vector<16xf32> to vector<1x16xf32>
        tpu.vector_store %arg7[%swap3A_581, %swap3A_582], %swap3A_585 {strides = array<i32>} : memref<32x1024xf32, #tpu.memory_space<vmem>>, vector<1x16xf32>,
        %get3A_586 = arith.index_cast %scan3A_203 : i32 to index
        %get3A_587 = arith.constant 512 : index
        %get3A_588 = tpu.vector_load %arg7[%get3A_586, %get3A_587] {strides = array<i32>} : memref<32x1024xf32, #tpu.memory_space<vmem>>, vector<1x16xf32>,
        %get3A_589 = vector.shape_cast %get3A_588 : vector<1x16xf32> to vector<16xf32>
        %mul3A_590 = arith.constant 3.200000e+01 : f32
        %mul3A_591 = vector.broadcast %mul3A_590 : f32 to vector<16xf32>
        %mul3A_592 = arith.mulf %get3A_589, %mul3A_591 : vector<16xf32>
        %swap3A_593 = arith.index_cast %scan3A_203 : i32 to index
        %swap3A_594 = arith.constant 512 : index
        %swap3A_595 = tpu.vector_load %arg7[%swap3A_593, %swap3A_594] {strides = array<i32>} : memref<32x1024xf32, #tpu.memory_space<vmem>>, vector<1x16xf32>,
        %swap3A_596 = vector.shape_cast %swap3A_595 : vector<1x16xf32> to vector<16xf32>
        %swap3A_597 = vector.shape_cast %mul3A_592 : vector<16xf32> to vector<1x16xf32>
        tpu.vector_store %arg7[%swap3A_593, %swap3A_594], %swap3A_597 {strides = array<i32>} : memref<32x1024xf32, #tpu.memory_space<vmem>>, vector<1x16xf32>,
        %get3A_598 = arith.index_cast %scan3A_203 : i32 to index
        %get3A_599 = arith.constant 528 : index
        %get3A_600 = tpu.vector_load %arg7[%get3A_598, %get3A_599] {strides = array<i32>} : memref<32x1024xf32, #tpu.memory_space<vmem>>, vector<1x16xf32>,
        %get3A_601 = vector.shape_cast %get3A_600 : vector<1x16xf32> to vector<16xf32>
        %mul3A_602 = arith.constant 3.200000e+01 : f32
        %mul3A_603 = vector.broadcast %mul3A_602 : f32 to vector<16xf32>
        %mul3A_604 = arith.mulf %get3A_601, %mul3A_603 : vector<16xf32>
        %swap3A_605 = arith.index_cast %scan3A_203 : i32 to index
        %swap3A_606 = arith.constant 528 : index
        %swap3A_607 = tpu.vector_load %arg7[%swap3A_605, %swap3A_606] {strides = array<i32>} : memref<32x1024xf32, #tpu.memory_space<vmem>>, vector<1x16xf32>,
        %swap3A_608 = vector.shape_cast %swap3A_607 : vector<1x16xf32> to vector<16xf32>
        %swap3A_609 = vector.shape_cast %mul3A_604 : vector<16xf32> to vector<1x16xf32>
        tpu.vector_store %arg7[%swap3A_605, %swap3A_606], %swap3A_609 {strides = array<i32>} : memref<32x1024xf32, #tpu.memory_space<vmem>>, vector<1x16xf32>,
        %get3A_610 = arith.index_cast %scan3A_203 : i32 to index
        %get3A_611 = arith.constant 544 : index
        %get3A_612 = tpu.vector_load %arg7[%get3A_610, %get3A_611] {strides = array<i32>} : memref<32x1024xf32, #tpu.memory_space<vmem>>, vector<1x16xf32>,
        %get3A_613 = vector.shape_cast %get3A_612 : vector<1x16xf32> to vector<16xf32>
        %mul3A_614 = arith.constant 3.200000e+01 : f32
        %mul3A_615 = vector.broadcast %mul3A_614 : f32 to vector<16xf32>
        %mul3A_616 = arith.mulf %get3A_613, %mul3A_615 : vector<16xf32>
        %swap3A_617 = arith.index_cast %scan3A_203 : i32 to index
        %swap3A_618 = arith.constant 544 : index
        %swap3A_619 = tpu.vector_load %arg7[%swap3A_617, %swap3A_618] {strides = array<i32>} : memref<32x1024xf32, #tpu.memory_space<vmem>>, vector<1x16xf32>,
        %swap3A_620 = vector.shape_cast %swap3A_619 : vector<1x16xf32> to vector<16xf32>
        %swap3A_621 = vector.shape_cast %mul3A_616 : vector<16xf32> to vector<1x16xf32>
        tpu.vector_store %arg7[%swap3A_617, %swap3A_618], %swap3A_621 {strides = array<i32>} : memref<32x1024xf32, #tpu.memory_space<vmem>>, vector<1x16xf32>,
        %get3A_622 = arith.index_cast %scan3A_203 : i32 to index
        %get3A_623 = arith.constant 560 : index
        %get3A_624 = tpu.vector_load %arg7[%get3A_622, %get3A_623] {strides = array<i32>} : memref<32x1024xf32, #tpu.memory_space<vmem>>, vector<1x16xf32>,
        %get3A_625 = vector.shape_cast %get3A_624 : vector<1x16xf32> to vector<16xf32>
        %mul3A_626 = arith.constant 3.200000e+01 : f32
        %mul3A_627 = vector.broadcast %mul3A_626 : f32 to vector<16xf32>
        %mul3A_628 = arith.mulf %get3A_625, %mul3A_627 : vector<16xf32>
        %swap3A_629 = arith.index_cast %scan3A_203 : i32 to index
        %swap3A_630 = arith.constant 560 : index
        %swap3A_631 = tpu.vector_load %arg7[%swap3A_629, %swap3A_630] {strides = array<i32>} : memref<32x1024xf32, #tpu.memory_space<vmem>>, vector<1x16xf32>,
        %swap3A_632 = vector.shape_cast %swap3A_631 : vector<1x16xf32> to vector<16xf32>
        %swap3A_633 = vector.shape_cast %mul3A_628 : vector<16xf32> to vector<1x16xf32>
        tpu.vector_store %arg7[%swap3A_629, %swap3A_630], %swap3A_633 {strides = array<i32>} : memref<32x1024xf32, #tpu.memory_space<vmem>>, vector<1x16xf32>,
        %get3A_634 = arith.index_cast %scan3A_203 : i32 to index
        %get3A_635 = arith.constant 576 : index
        %get3A_636 = tpu.vector_load %arg7[%get3A_634, %get3A_635] {strides = array<i32>} : memref<32x1024xf32, #tpu.memory_space<vmem>>, vector<1x16xf32>,
        %get3A_637 = vector.shape_cast %get3A_636 : vector<1x16xf32> to vector<16xf32>
        %mul3A_638 = arith.constant 3.200000e+01 : f32
        %mul3A_639 = vector.broadcast %mul3A_638 : f32 to vector<16xf32>
        %mul3A_640 = arith.mulf %get3A_637, %mul3A_639 : vector<16xf32>
        %swap3A_641 = arith.index_cast %scan3A_203 : i32 to index
        %swap3A_642 = arith.constant 576 : index
        %swap3A_643 = tpu.vector_load %arg7[%swap3A_641, %swap3A_642] {strides = array<i32>} : memref<32x1024xf32, #tpu.memory_space<vmem>>, vector<1x16xf32>,
        %swap3A_644 = vector.shape_cast %swap3A_643 : vector<1x16xf32> to vector<16xf32>
        %swap3A_645 = vector.shape_cast %mul3A_640 : vector<16xf32> to vector<1x16xf32>
        tpu.vector_store %arg7[%swap3A_641, %swap3A_642], %swap3A_645 {strides = array<i32>} : memref<32x1024xf32, #tpu.memory_space<vmem>>, vector<1x16xf32>,
        %get3A_646 = arith.index_cast %scan3A_203 : i32 to index
        %get3A_647 = arith.constant 592 : index
        %get3A_648 = tpu.vector_load %arg7[%get3A_646, %get3A_647] {strides = array<i32>} : memref<32x1024xf32, #tpu.memory_space<vmem>>, vector<1x16xf32>,
        %get3A_649 = vector.shape_cast %get3A_648 : vector<1x16xf32> to vector<16xf32>
        %mul3A_650 = arith.constant 3.200000e+01 : f32
        %mul3A_651 = vector.broadcast %mul3A_650 : f32 to vector<16xf32>
        %mul3A_652 = arith.mulf %get3A_649, %mul3A_651 : vector<16xf32>
        %swap3A_653 = arith.index_cast %scan3A_203 : i32 to index
        %swap3A_654 = arith.constant 592 : index
        %swap3A_655 = tpu.vector_load %arg7[%swap3A_653, %swap3A_654] {strides = array<i32>} : memref<32x1024xf32, #tpu.memory_space<vmem>>, vector<1x16xf32>,
        %swap3A_656 = vector.shape_cast %swap3A_655 : vector<1x16xf32> to vector<16xf32>
        %swap3A_657 = vector.shape_cast %mul3A_652 : vector<16xf32> to vector<1x16xf32>
        tpu.vector_store %arg7[%swap3A_653, %swap3A_654], %swap3A_657 {strides = array<i32>} : memref<32x1024xf32, #tpu.memory_space<vmem>>, vector<1x16xf32>,
        %get3A_658 = arith.index_cast %scan3A_203 : i32 to index
        %get3A_659 = arith.constant 608 : index
        %get3A_660 = tpu.vector_load %arg7[%get3A_658, %get3A_659] {strides = array<i32>} : memref<32x1024xf32, #tpu.memory_space<vmem>>, vector<1x16xf32>,
        %get3A_661 = vector.shape_cast %get3A_660 : vector<1x16xf32> to vector<16xf32>
        %mul3A_662 = arith.constant 3.200000e+01 : f32
        %mul3A_663 = vector.broadcast %mul3A_662 : f32 to vector<16xf32>
        %mul3A_664 = arith.mulf %get3A_661, %mul3A_663 : vector<16xf32>
        %swap3A_665 = arith.index_cast %scan3A_203 : i32 to index
        %swap3A_666 = arith.constant 608 : index
        %swap3A_667 = tpu.vector_load %arg7[%swap3A_665, %swap3A_666] {strides = array<i32>} : memref<32x1024xf32, #tpu.memory_space<vmem>>, vector<1x16xf32>,
        %swap3A_668 = vector.shape_cast %swap3A_667 : vector<1x16xf32> to vector<16xf32>
        %swap3A_669 = vector.shape_cast %mul3A_664 : vector<16xf32> to vector<1x16xf32>
        tpu.vector_store %arg7[%swap3A_665, %swap3A_666], %swap3A_669 {strides = array<i32>} : memref<32x1024xf32, #tpu.memory_space<vmem>>, vector<1x16xf32>,
        %get3A_670 = arith.index_cast %scan3A_203 : i32 to index
        %get3A_671 = arith.constant 624 : index
        %get3A_672 = tpu.vector_load %arg7[%get3A_670, %get3A_671] {strides = array<i32>} : memref<32x1024xf32, #tpu.memory_space<vmem>>, vector<1x16xf32>,
        %get3A_673 = vector.shape_cast %get3A_672 : vector<1x16xf32> to vector<16xf32>
        %mul3A_674 = arith.constant 3.200000e+01 : f32
        %mul3A_675 = vector.broadcast %mul3A_674 : f32 to vector<16xf32>
        %mul3A_676 = arith.mulf %get3A_673, %mul3A_675 : vector<16xf32>
        %swap3A_677 = arith.index_cast %scan3A_203 : i32 to index
        %swap3A_678 = arith.constant 624 : index
        %swap3A_679 = tpu.vector_load %arg7[%swap3A_677, %swap3A_678] {strides = array<i32>} : memref<32x1024xf32, #tpu.memory_space<vmem>>, vector<1x16xf32>,
        %swap3A_680 = vector.shape_cast %swap3A_679 : vector<1x16xf32> to vector<16xf32>
        %swap3A_681 = vector.shape_cast %mul3A_676 : vector<16xf32> to vector<1x16xf32>
        tpu.vector_store %arg7[%swap3A_677, %swap3A_678], %swap3A_681 {strides = array<i32>} : memref<32x1024xf32, #tpu.memory_space<vmem>>, vector<1x16xf32>,
        %get3A_682 = arith.index_cast %scan3A_203 : i32 to index
        %get3A_683 = arith.constant 640 : index
        %get3A_684 = tpu.vector_load %arg7[%get3A_682, %get3A_683] {strides = array<i32>} : memref<32x1024xf32, #tpu.memory_space<vmem>>, vector<1x16xf32>,
        %get3A_685 = vector.shape_cast %get3A_684 : vector<1x16xf32> to vector<16xf32>
        %mul3A_686 = arith.constant 3.200000e+01 : f32
        %mul3A_687 = vector.broadcast %mul3A_686 : f32 to vector<16xf32>
        %mul3A_688 = arith.mulf %get3A_685, %mul3A_687 : vector<16xf32>
        %swap3A_689 = arith.index_cast %scan3A_203 : i32 to index
        %swap3A_690 = arith.constant 640 : index
        %swap3A_691 = tpu.vector_load %arg7[%swap3A_689, %swap3A_690] {strides = array<i32>} : memref<32x1024xf32, #tpu.memory_space<vmem>>, vector<1x16xf32>,
        %swap3A_692 = vector.shape_cast %swap3A_691 : vector<1x16xf32> to vector<16xf32>
        %swap3A_693 = vector.shape_cast %mul3A_688 : vector<16xf32> to vector<1x16xf32>
        tpu.vector_store %arg7[%swap3A_689, %swap3A_690], %swap3A_693 {strides = array<i32>} : memref<32x1024xf32, #tpu.memory_space<vmem>>, vector<1x16xf32>,
        %get3A_694 = arith.index_cast %scan3A_203 : i32 to index
        %get3A_695 = arith.constant 656 : index
        %get3A_696 = tpu.vector_load %arg7[%get3A_694, %get3A_695] {strides = array<i32>} : memref<32x1024xf32, #tpu.memory_space<vmem>>, vector<1x16xf32>,
        %get3A_697 = vector.shape_cast %get3A_696 : vector<1x16xf32> to vector<16xf32>
        %mul3A_698 = arith.constant 3.200000e+01 : f32
        %mul3A_699 = vector.broadcast %mul3A_698 : f32 to vector<16xf32>
        %mul3A_700 = arith.mulf %get3A_697, %mul3A_699 : vector<16xf32>
        %swap3A_701 = arith.index_cast %scan3A_203 : i32 to index
        %swap3A_702 = arith.constant 656 : index
        %swap3A_703 = tpu.vector_load %arg7[%swap3A_701, %swap3A_702] {strides = array<i32>} : memref<32x1024xf32, #tpu.memory_space<vmem>>, vector<1x16xf32>,
        %swap3A_704 = vector.shape_cast %swap3A_703 : vector<1x16xf32> to vector<16xf32>
        %swap3A_705 = vector.shape_cast %mul3A_700 : vector<16xf32> to vector<1x16xf32>
        tpu.vector_store %arg7[%swap3A_701, %swap3A_702], %swap3A_705 {strides = array<i32>} : memref<32x1024xf32, #tpu.memory_space<vmem>>, vector<1x16xf32>,
        %get3A_706 = arith.index_cast %scan3A_203 : i32 to index
        %get3A_707 = arith.constant 672 : index
        %get3A_708 = tpu.vector_load %arg7[%get3A_706, %get3A_707] {strides = array<i32>} : memref<32x1024xf32, #tpu.memory_space<vmem>>, vector<1x16xf32>,
        %get3A_709 = vector.shape_cast %get3A_708 : vector<1x16xf32> to vector<16xf32>
        %mul3A_710 = arith.constant 3.200000e+01 : f32
        %mul3A_711 = vector.broadcast %mul3A_710 : f32 to vector<16xf32>
        %mul3A_712 = arith.mulf %get3A_709, %mul3A_711 : vector<16xf32>
        %swap3A_713 = arith.index_cast %scan3A_203 : i32 to index
        %swap3A_714 = arith.constant 672 : index
        %swap3A_715 = tpu.vector_load %arg7[%swap3A_713, %swap3A_714] {strides = array<i32>} : memref<32x1024xf32, #tpu.memory_space<vmem>>, vector<1x16xf32>,
        %swap3A_716 = vector.shape_cast %swap3A_715 : vector<1x16xf32> to vector<16xf32>
        %swap3A_717 = vector.shape_cast %mul3A_712 : vector<16xf32> to vector<1x16xf32>
        tpu.vector_store %arg7[%swap3A_713, %swap3A_714], %swap3A_717 {strides = array<i32>} : memref<32x1024xf32, #tpu.memory_space<vmem>>, vector<1x16xf32>,
        %get3A_718 = arith.index_cast %scan3A_203 : i32 to index
        %get3A_719 = arith.constant 688 : index
        %get3A_720 = tpu.vector_load %arg7[%get3A_718, %get3A_719] {strides = array<i32>} : memref<32x1024xf32, #tpu.memory_space<vmem>>, vector<1x16xf32>,
        %get3A_721 = vector.shape_cast %get3A_720 : vector<1x16xf32> to vector<16xf32>
        %mul3A_722 = arith.constant 3.200000e+01 : f32
        %mul3A_723 = vector.broadcast %mul3A_722 : f32 to vector<16xf32>
        %mul3A_724 = arith.mulf %get3A_721, %mul3A_723 : vector<16xf32>
        %swap3A_725 = arith.index_cast %scan3A_203 : i32 to index
        %swap3A_726 = arith.constant 688 : index
        %swap3A_727 = tpu.vector_load %arg7[%swap3A_725, %swap3A_726] {strides = array<i32>} : memref<32x1024xf32, #tpu.memory_space<vmem>>, vector<1x16xf32>,
        %swap3A_728 = vector.shape_cast %swap3A_727 : vector<1x16xf32> to vector<16xf32>
        %swap3A_729 = vector.shape_cast %mul3A_724 : vector<16xf32> to vector<1x16xf32>
        tpu.vector_store %arg7[%swap3A_725, %swap3A_726], %swap3A_729 {strides = array<i32>} : memref<32x1024xf32, #tpu.memory_space<vmem>>, vector<1x16xf32>,
        %get3A_730 = arith.index_cast %scan3A_203 : i32 to index
        %get3A_731 = arith.constant 704 : index
        %get3A_732 = tpu.vector_load %arg7[%get3A_730, %get3A_731] {strides = array<i32>} : memref<32x1024xf32, #tpu.memory_space<vmem>>, vector<1x16xf32>,
        %get3A_733 = vector.shape_cast %get3A_732 : vector<1x16xf32> to vector<16xf32>
        %mul3A_734 = arith.constant 3.200000e+01 : f32
        %mul3A_735 = vector.broadcast %mul3A_734 : f32 to vector<16xf32>
        %mul3A_736 = arith.mulf %get3A_733, %mul3A_735 : vector<16xf32>
        %swap3A_737 = arith.index_cast %scan3A_203 : i32 to index
        %swap3A_738 = arith.constant 704 : index
        %swap3A_739 = tpu.vector_load %arg7[%swap3A_737, %swap3A_738] {strides = array<i32>} : memref<32x1024xf32, #tpu.memory_space<vmem>>, vector<1x16xf32>,
        %swap3A_740 = vector.shape_cast %swap3A_739 : vector<1x16xf32> to vector<16xf32>
        %swap3A_741 = vector.shape_cast %mul3A_736 : vector<16xf32> to vector<1x16xf32>
        tpu.vector_store %arg7[%swap3A_737, %swap3A_738], %swap3A_741 {strides = array<i32>} : memref<32x1024xf32, #tpu.memory_space<vmem>>, vector<1x16xf32>,
        %get3A_742 = arith.index_cast %scan3A_203 : i32 to index
        %get3A_743 = arith.constant 720 : index
        %get3A_744 = tpu.vector_load %arg7[%get3A_742, %get3A_743] {strides = array<i32>} : memref<32x1024xf32, #tpu.memory_space<vmem>>, vector<1x16xf32>,
        %get3A_745 = vector.shape_cast %get3A_744 : vector<1x16xf32> to vector<16xf32>
        %mul3A_746 = arith.constant 3.200000e+01 : f32
        %mul3A_747 = vector.broadcast %mul3A_746 : f32 to vector<16xf32>
        %mul3A_748 = arith.mulf %get3A_745, %mul3A_747 : vector<16xf32>
        %swap3A_749 = arith.index_cast %scan3A_203 : i32 to index
        %swap3A_750 = arith.constant 720 : index
        %swap3A_751 = tpu.vector_load %arg7[%swap3A_749, %swap3A_750] {strides = array<i32>} : memref<32x1024xf32, #tpu.memory_space<vmem>>, vector<1x16xf32>,
        %swap3A_752 = vector.shape_cast %swap3A_751 : vector<1x16xf32> to vector<16xf32>
        %swap3A_753 = vector.shape_cast %mul3A_748 : vector<16xf32> to vector<1x16xf32>
        tpu.vector_store %arg7[%swap3A_749, %swap3A_750], %swap3A_753 {strides = array<i32>} : memref<32x1024xf32, #tpu.memory_space<vmem>>, vector<1x16xf32>,
        %get3A_754 = arith.index_cast %scan3A_203 : i32 to index
        %get3A_755 = arith.constant 736 : index
        %get3A_756 = tpu.vector_load %arg7[%get3A_754, %get3A_755] {strides = array<i32>} : memref<32x1024xf32, #tpu.memory_space<vmem>>, vector<1x16xf32>,
        %get3A_757 = vector.shape_cast %get3A_756 : vector<1x16xf32> to vector<16xf32>
        %mul3A_758 = arith.constant 3.200000e+01 : f32
        %mul3A_759 = vector.broadcast %mul3A_758 : f32 to vector<16xf32>
        %mul3A_760 = arith.mulf %get3A_757, %mul3A_759 : vector<16xf32>
        %swap3A_761 = arith.index_cast %scan3A_203 : i32 to index
        %swap3A_762 = arith.constant 736 : index
        %swap3A_763 = tpu.vector_load %arg7[%swap3A_761, %swap3A_762] {strides = array<i32>} : memref<32x1024xf32, #tpu.memory_space<vmem>>, vector<1x16xf32>,
        %swap3A_764 = vector.shape_cast %swap3A_763 : vector<1x16xf32> to vector<16xf32>
        %swap3A_765 = vector.shape_cast %mul3A_760 : vector<16xf32> to vector<1x16xf32>
        tpu.vector_store %arg7[%swap3A_761, %swap3A_762], %swap3A_765 {strides = array<i32>} : memref<32x1024xf32, #tpu.memory_space<vmem>>, vector<1x16xf32>,
        %get3A_766 = arith.index_cast %scan3A_203 : i32 to index
        %get3A_767 = arith.constant 752 : index
        %get3A_768 = tpu.vector_load %arg7[%get3A_766, %get3A_767] {strides = array<i32>} : memref<32x1024xf32, #tpu.memory_space<vmem>>, vector<1x16xf32>,
        %get3A_769 = vector.shape_cast %get3A_768 : vector<1x16xf32> to vector<16xf32>
        %mul3A_770 = arith.constant 3.200000e+01 : f32
        %mul3A_771 = vector.broadcast %mul3A_770 : f32 to vector<16xf32>
        %mul3A_772 = arith.mulf %get3A_769, %mul3A_771 : vector<16xf32>
        %swap3A_773 = arith.index_cast %scan3A_203 : i32 to index
        %swap3A_774 = arith.constant 752 : index
        %swap3A_775 = tpu.vector_load %arg7[%swap3A_773, %swap3A_774] {strides = array<i32>} : memref<32x1024xf32, #tpu.memory_space<vmem>>, vector<1x16xf32>,
        %swap3A_776 = vector.shape_cast %swap3A_775 : vector<1x16xf32> to vector<16xf32>
        %swap3A_777 = vector.shape_cast %mul3A_772 : vector<16xf32> to vector<1x16xf32>
        tpu.vector_store %arg7[%swap3A_773, %swap3A_774], %swap3A_777 {strides = array<i32>} : memref<32x1024xf32, #tpu.memory_space<vmem>>, vector<1x16xf32>,
        %get3A_778 = arith.index_cast %scan3A_203 : i32 to index
        %get3A_779 = arith.constant 768 : index
        %get3A_780 = tpu.vector_load %arg7[%get3A_778, %get3A_779] {strides = array<i32>} : memref<32x1024xf32, #tpu.memory_space<vmem>>, vector<1x16xf32>,
        %get3A_781 = vector.shape_cast %get3A_780 : vector<1x16xf32> to vector<16xf32>
        %mul3A_782 = arith.constant 3.200000e+01 : f32
        %mul3A_783 = vector.broadcast %mul3A_782 : f32 to vector<16xf32>
        %mul3A_784 = arith.mulf %get3A_781, %mul3A_783 : vector<16xf32>
        %swap3A_785 = arith.index_cast %scan3A_203 : i32 to index
        %swap3A_786 = arith.constant 768 : index
        %swap3A_787 = tpu.vector_load %arg7[%swap3A_785, %swap3A_786] {strides = array<i32>} : memref<32x1024xf32, #tpu.memory_space<vmem>>, vector<1x16xf32>,
        %swap3A_788 = vector.shape_cast %swap3A_787 : vector<1x16xf32> to vector<16xf32>
        %swap3A_789 = vector.shape_cast %mul3A_784 : vector<16xf32> to vector<1x16xf32>
        tpu.vector_store %arg7[%swap3A_785, %swap3A_786], %swap3A_789 {strides = array<i32>} : memref<32x1024xf32, #tpu.memory_space<vmem>>, vector<1x16xf32>,
        %get3A_790 = arith.index_cast %scan3A_203 : i32 to index
        %get3A_791 = arith.constant 784 : index
        %get3A_792 = tpu.vector_load %arg7[%get3A_790, %get3A_791] {strides = array<i32>} : memref<32x1024xf32, #tpu.memory_space<vmem>>, vector<1x16xf32>,
        %get3A_793 = vector.shape_cast %get3A_792 : vector<1x16xf32> to vector<16xf32>
        %mul3A_794 = arith.constant 3.200000e+01 : f32
        %mul3A_795 = vector.broadcast %mul3A_794 : f32 to vector<16xf32>
        %mul3A_796 = arith.mulf %get3A_793, %mul3A_795 : vector<16xf32>
        %swap3A_797 = arith.index_cast %scan3A_203 : i32 to index
        %swap3A_798 = arith.constant 784 : index
        %swap3A_799 = tpu.vector_load %arg7[%swap3A_797, %swap3A_798] {strides = array<i32>} : memref<32x1024xf32, #tpu.memory_space<vmem>>, vector<1x16xf32>,
        %swap3A_800 = vector.shape_cast %swap3A_799 : vector<1x16xf32> to vector<16xf32>
        %swap3A_801 = vector.shape_cast %mul3A_796 : vector<16xf32> to vector<1x16xf32>
        tpu.vector_store %arg7[%swap3A_797, %swap3A_798], %swap3A_801 {strides = array<i32>} : memref<32x1024xf32, #tpu.memory_space<vmem>>, vector<1x16xf32>,
        %get3A_802 = arith.index_cast %scan3A_203 : i32 to index
        %get3A_803 = arith.constant 800 : index
        %get3A_804 = tpu.vector_load %arg7[%get3A_802, %get3A_803] {strides = array<i32>} : memref<32x1024xf32, #tpu.memory_space<vmem>>, vector<1x16xf32>,
        %get3A_805 = vector.shape_cast %get3A_804 : vector<1x16xf32> to vector<16xf32>
        %mul3A_806 = arith.constant 3.200000e+01 : f32
        %mul3A_807 = vector.broadcast %mul3A_806 : f32 to vector<16xf32>
        %mul3A_808 = arith.mulf %get3A_805, %mul3A_807 : vector<16xf32>
        %swap3A_809 = arith.index_cast %scan3A_203 : i32 to index
        %swap3A_810 = arith.constant 800 : index
        %swap3A_811 = tpu.vector_load %arg7[%swap3A_809, %swap3A_810] {strides = array<i32>} : memref<32x1024xf32, #tpu.memory_space<vmem>>, vector<1x16xf32>,
        %swap3A_812 = vector.shape_cast %swap3A_811 : vector<1x16xf32> to vector<16xf32>
        %swap3A_813 = vector.shape_cast %mul3A_808 : vector<16xf32> to vector<1x16xf32>
        tpu.vector_store %arg7[%swap3A_809, %swap3A_810], %swap3A_813 {strides = array<i32>} : memref<32x1024xf32, #tpu.memory_space<vmem>>, vector<1x16xf32>,
        %get3A_814 = arith.index_cast %scan3A_203 : i32 to index
        %get3A_815 = arith.constant 816 : index
        %get3A_816 = tpu.vector_load %arg7[%get3A_814, %get3A_815] {strides = array<i32>} : memref<32x1024xf32, #tpu.memory_space<vmem>>, vector<1x16xf32>,
        %get3A_817 = vector.shape_cast %get3A_816 : vector<1x16xf32> to vector<16xf32>
        %mul3A_818 = arith.constant 3.200000e+01 : f32
        %mul3A_819 = vector.broadcast %mul3A_818 : f32 to vector<16xf32>
        %mul3A_820 = arith.mulf %get3A_817, %mul3A_819 : vector<16xf32>
        %swap3A_821 = arith.index_cast %scan3A_203 : i32 to index
        %swap3A_822 = arith.constant 816 : index
        %swap3A_823 = tpu.vector_load %arg7[%swap3A_821, %swap3A_822] {strides = array<i32>} : memref<32x1024xf32, #tpu.memory_space<vmem>>, vector<1x16xf32>,
        %swap3A_824 = vector.shape_cast %swap3A_823 : vector<1x16xf32> to vector<16xf32>
        %swap3A_825 = vector.shape_cast %mul3A_820 : vector<16xf32> to vector<1x16xf32>
        tpu.vector_store %arg7[%swap3A_821, %swap3A_822], %swap3A_825 {strides = array<i32>} : memref<32x1024xf32, #tpu.memory_space<vmem>>, vector<1x16xf32>,
        %get3A_826 = arith.index_cast %scan3A_203 : i32 to index
        %get3A_827 = arith.constant 832 : index
        %get3A_828 = tpu.vector_load %arg7[%get3A_826, %get3A_827] {strides = array<i32>} : memref<32x1024xf32, #tpu.memory_space<vmem>>, vector<1x16xf32>,
        %get3A_829 = vector.shape_cast %get3A_828 : vector<1x16xf32> to vector<16xf32>
        %mul3A_830 = arith.constant 3.200000e+01 : f32
        %mul3A_831 = vector.broadcast %mul3A_830 : f32 to vector<16xf32>
        %mul3A_832 = arith.mulf %get3A_829, %mul3A_831 : vector<16xf32>
        %swap3A_833 = arith.index_cast %scan3A_203 : i32 to index
        %swap3A_834 = arith.constant 832 : index
        %swap3A_835 = tpu.vector_load %arg7[%swap3A_833, %swap3A_834] {strides = array<i32>} : memref<32x1024xf32, #tpu.memory_space<vmem>>, vector<1x16xf32>,
        %swap3A_836 = vector.shape_cast %swap3A_835 : vector<1x16xf32> to vector<16xf32>
        %swap3A_837 = vector.shape_cast %mul3A_832 : vector<16xf32> to vector<1x16xf32>
        tpu.vector_store %arg7[%swap3A_833, %swap3A_834], %swap3A_837 {strides = array<i32>} : memref<32x1024xf32, #tpu.memory_space<vmem>>, vector<1x16xf32>,
        %get3A_838 = arith.index_cast %scan3A_203 : i32 to index
        %get3A_839 = arith.constant 848 : index
        %get3A_840 = tpu.vector_load %arg7[%get3A_838, %get3A_839] {strides = array<i32>} : memref<32x1024xf32, #tpu.memory_space<vmem>>, vector<1x16xf32>,
        %get3A_841 = vector.shape_cast %get3A_840 : vector<1x16xf32> to vector<16xf32>
        %mul3A_842 = arith.constant 3.200000e+01 : f32
        %mul3A_843 = vector.broadcast %mul3A_842 : f32 to vector<16xf32>
        %mul3A_844 = arith.mulf %get3A_841, %mul3A_843 : vector<16xf32>
        %swap3A_845 = arith.index_cast %scan3A_203 : i32 to index
        %swap3A_846 = arith.constant 848 : index
        %swap3A_847 = tpu.vector_load %arg7[%swap3A_845, %swap3A_846] {strides = array<i32>} : memref<32x1024xf32, #tpu.memory_space<vmem>>, vector<1x16xf32>,
        %swap3A_848 = vector.shape_cast %swap3A_847 : vector<1x16xf32> to vector<16xf32>
        %swap3A_849 = vector.shape_cast %mul3A_844 : vector<16xf32> to vector<1x16xf32>
        tpu.vector_store %arg7[%swap3A_845, %swap3A_846], %swap3A_849 {strides = array<i32>} : memref<32x1024xf32, #tpu.memory_space<vmem>>, vector<1x16xf32>,
        %get3A_850 = arith.index_cast %scan3A_203 : i32 to index
        %get3A_851 = arith.constant 864 : index
        %get3A_852 = tpu.vector_load %arg7[%get3A_850, %get3A_851] {strides = array<i32>} : memref<32x1024xf32, #tpu.memory_space<vmem>>, vector<1x16xf32>,
        %get3A_853 = vector.shape_cast %get3A_852 : vector<1x16xf32> to vector<16xf32>
        %mul3A_854 = arith.constant 3.200000e+01 : f32
        %mul3A_855 = vector.broadcast %mul3A_854 : f32 to vector<16xf32>
        %mul3A_856 = arith.mulf %get3A_853, %mul3A_855 : vector<16xf32>
        %swap3A_857 = arith.index_cast %scan3A_203 : i32 to index
        %swap3A_858 = arith.constant 864 : index
        %swap3A_859 = tpu.vector_load %arg7[%swap3A_857, %swap3A_858] {strides = array<i32>} : memref<32x1024xf32, #tpu.memory_space<vmem>>, vector<1x16xf32>,
        %swap3A_860 = vector.shape_cast %swap3A_859 : vector<1x16xf32> to vector<16xf32>
        %swap3A_861 = vector.shape_cast %mul3A_856 : vector<16xf32> to vector<1x16xf32>
        tpu.vector_store %arg7[%swap3A_857, %swap3A_858], %swap3A_861 {strides = array<i32>} : memref<32x1024xf32, #tpu.memory_space<vmem>>, vector<1x16xf32>,
        %get3A_862 = arith.index_cast %scan3A_203 : i32 to index
        %get3A_863 = arith.constant 880 : index
        %get3A_864 = tpu.vector_load %arg7[%get3A_862, %get3A_863] {strides = array<i32>} : memref<32x1024xf32, #tpu.memory_space<vmem>>, vector<1x16xf32>,
        %get3A_865 = vector.shape_cast %get3A_864 : vector<1x16xf32> to vector<16xf32>
        %mul3A_866 = arith.constant 3.200000e+01 : f32
        %mul3A_867 = vector.broadcast %mul3A_866 : f32 to vector<16xf32>
        %mul3A_868 = arith.mulf %get3A_865, %mul3A_867 : vector<16xf32>
        %swap3A_869 = arith.index_cast %scan3A_203 : i32 to index
        %swap3A_870 = arith.constant 880 : index
        %swap3A_871 = tpu.vector_load %arg7[%swap3A_869, %swap3A_870] {strides = array<i32>} : memref<32x1024xf32, #tpu.memory_space<vmem>>, vector<1x16xf32>,
        %swap3A_872 = vector.shape_cast %swap3A_871 : vector<1x16xf32> to vector<16xf32>
        %swap3A_873 = vector.shape_cast %mul3A_868 : vector<16xf32> to vector<1x16xf32>
        tpu.vector_store %arg7[%swap3A_869, %swap3A_870], %swap3A_873 {strides = array<i32>} : memref<32x1024xf32, #tpu.memory_space<vmem>>, vector<1x16xf32>,
        %get3A_874 = arith.index_cast %scan3A_203 : i32 to index
        %get3A_875 = arith.constant 896 : index
        %get3A_876 = tpu.vector_load %arg7[%get3A_874, %get3A_875] {strides = array<i32>} : memref<32x1024xf32, #tpu.memory_space<vmem>>, vector<1x16xf32>,
        %get3A_877 = vector.shape_cast %get3A_876 : vector<1x16xf32> to vector<16xf32>
        %mul3A_878 = arith.constant 3.200000e+01 : f32
        %mul3A_879 = vector.broadcast %mul3A_878 : f32 to vector<16xf32>
        %mul3A_880 = arith.mulf %get3A_877, %mul3A_879 : vector<16xf32>
        %swap3A_881 = arith.index_cast %scan3A_203 : i32 to index
        %swap3A_882 = arith.constant 896 : index
        %swap3A_883 = tpu.vector_load %arg7[%swap3A_881, %swap3A_882] {strides = array<i32>} : memref<32x1024xf32, #tpu.memory_space<vmem>>, vector<1x16xf32>,
        %swap3A_884 = vector.shape_cast %swap3A_883 : vector<1x16xf32> to vector<16xf32>
        %swap3A_885 = vector.shape_cast %mul3A_880 : vector<16xf32> to vector<1x16xf32>
        tpu.vector_store %arg7[%swap3A_881, %swap3A_882], %swap3A_885 {strides = array<i32>} : memref<32x1024xf32, #tpu.memory_space<vmem>>, vector<1x16xf32>,
        %get3A_886 = arith.index_cast %scan3A_203 : i32 to index
        %get3A_887 = arith.constant 912 : index
        %get3A_888 = tpu.vector_load %arg7[%get3A_886, %get3A_887] {strides = array<i32>} : memref<32x1024xf32, #tpu.memory_space<vmem>>, vector<1x16xf32>,
        %get3A_889 = vector.shape_cast %get3A_888 : vector<1x16xf32> to vector<16xf32>
        %mul3A_890 = arith.constant 3.200000e+01 : f32
        %mul3A_891 = vector.broadcast %mul3A_890 : f32 to vector<16xf32>
        %mul3A_892 = arith.mulf %get3A_889, %mul3A_891 : vector<16xf32>
        %swap3A_893 = arith.index_cast %scan3A_203 : i32 to index
        %swap3A_894 = arith.constant 912 : index
        %swap3A_895 = tpu.vector_load %arg7[%swap3A_893, %swap3A_894] {strides = array<i32>} : memref<32x1024xf32, #tpu.memory_space<vmem>>, vector<1x16xf32>,
        %swap3A_896 = vector.shape_cast %swap3A_895 : vector<1x16xf32> to vector<16xf32>
        %swap3A_897 = vector.shape_cast %mul3A_892 : vector<16xf32> to vector<1x16xf32>
        tpu.vector_store %arg7[%swap3A_893, %swap3A_894], %swap3A_897 {strides = array<i32>} : memref<32x1024xf32, #tpu.memory_space<vmem>>, vector<1x16xf32>,
        %get3A_898 = arith.index_cast %scan3A_203 : i32 to index
        %get3A_899 = arith.constant 928 : index
        %get3A_900 = tpu.vector_load %arg7[%get3A_898, %get3A_899] {strides = array<i32>} : memref<32x1024xf32, #tpu.memory_space<vmem>>, vector<1x16xf32>,
        %get3A_901 = vector.shape_cast %get3A_900 : vector<1x16xf32> to vector<16xf32>
        %mul3A_902 = arith.constant 3.200000e+01 : f32
        %mul3A_903 = vector.broadcast %mul3A_902 : f32 to vector<16xf32>
        %mul3A_904 = arith.mulf %get3A_901, %mul3A_903 : vector<16xf32>
        %swap3A_905 = arith.index_cast %scan3A_203 : i32 to index
        %swap3A_906 = arith.constant 928 : index
        %swap3A_907 = tpu.vector_load %arg7[%swap3A_905, %swap3A_906] {strides = array<i32>} : memref<32x1024xf32, #tpu.memory_space<vmem>>, vector<1x16xf32>,
        %swap3A_908 = vector.shape_cast %swap3A_907 : vector<1x16xf32> to vector<16xf32>
        %swap3A_909 = vector.shape_cast %mul3A_904 : vector<16xf32> to vector<1x16xf32>
        tpu.vector_store %arg7[%swap3A_905, %swap3A_906], %swap3A_909 {strides = array<i32>} : memref<32x1024xf32, #tpu.memory_space<vmem>>, vector<1x16xf32>,
        %get3A_910 = arith.index_cast %scan3A_203 : i32 to index
        %get3A_911 = arith.constant 944 : index
        %get3A_912 = tpu.vector_load %arg7[%get3A_910, %get3A_911] {strides = array<i32>} : memref<32x1024xf32, #tpu.memory_space<vmem>>, vector<1x16xf32>,
        %get3A_913 = vector.shape_cast %get3A_912 : vector<1x16xf32> to vector<16xf32>
        %mul3A_914 = arith.constant 3.200000e+01 : f32
        %mul3A_915 = vector.broadcast %mul3A_914 : f32 to vector<16xf32>
        %mul3A_916 = arith.mulf %get3A_913, %mul3A_915 : vector<16xf32>
        %swap3A_917 = arith.index_cast %scan3A_203 : i32 to index
        %swap3A_918 = arith.constant 944 : index
        %swap3A_919 = tpu.vector_load %arg7[%swap3A_917, %swap3A_918] {strides = array<i32>} : memref<32x1024xf32, #tpu.memory_space<vmem>>, vector<1x16xf32>,
        %swap3A_920 = vector.shape_cast %swap3A_919 : vector<1x16xf32> to vector<16xf32>
        %swap3A_921 = vector.shape_cast %mul3A_916 : vector<16xf32> to vector<1x16xf32>
        tpu.vector_store %arg7[%swap3A_917, %swap3A_918], %swap3A_921 {strides = array<i32>} : memref<32x1024xf32, #tpu.memory_space<vmem>>, vector<1x16xf32>,
        %get3A_922 = arith.index_cast %scan3A_203 : i32 to index
        %get3A_923 = arith.constant 960 : index
        %get3A_924 = tpu.vector_load %arg7[%get3A_922, %get3A_923] {strides = array<i32>} : memref<32x1024xf32, #tpu.memory_space<vmem>>, vector<1x16xf32>,
        %get3A_925 = vector.shape_cast %get3A_924 : vector<1x16xf32> to vector<16xf32>
        %mul3A_926 = arith.constant 3.200000e+01 : f32
        %mul3A_927 = vector.broadcast %mul3A_926 : f32 to vector<16xf32>
        %mul3A_928 = arith.mulf %get3A_925, %mul3A_927 : vector<16xf32>
        %swap3A_929 = arith.index_cast %scan3A_203 : i32 to index
        %swap3A_930 = arith.constant 960 : index
        %swap3A_931 = tpu.vector_load %arg7[%swap3A_929, %swap3A_930] {strides = array<i32>} : memref<32x1024xf32, #tpu.memory_space<vmem>>, vector<1x16xf32>,
        %swap3A_932 = vector.shape_cast %swap3A_931 : vector<1x16xf32> to vector<16xf32>
        %swap3A_933 = vector.shape_cast %mul3A_928 : vector<16xf32> to vector<1x16xf32>
        tpu.vector_store %arg7[%swap3A_929, %swap3A_930], %swap3A_933 {strides = array<i32>} : memref<32x1024xf32, #tpu.memory_space<vmem>>, vector<1x16xf32>,
        %get3A_934 = arith.index_cast %scan3A_203 : i32 to index
        %get3A_935 = arith.constant 976 : index
        %get3A_936 = tpu.vector_load %arg7[%get3A_934, %get3A_935] {strides = array<i32>} : memref<32x1024xf32, #tpu.memory_space<vmem>>, vector<1x16xf32>,
        %get3A_937 = vector.shape_cast %get3A_936 : vector<1x16xf32> to vector<16xf32>
        %mul3A_938 = arith.constant 3.200000e+01 : f32
        %mul3A_939 = vector.broadcast %mul3A_938 : f32 to vector<16xf32>
        %mul3A_940 = arith.mulf %get3A_937, %mul3A_939 : vector<16xf32>
        %swap3A_941 = arith.index_cast %scan3A_203 : i32 to index
        %swap3A_942 = arith.constant 976 : index
        %swap3A_943 = tpu.vector_load %arg7[%swap3A_941, %swap3A_942] {strides = array<i32>} : memref<32x1024xf32, #tpu.memory_space<vmem>>, vector<1x16xf32>,
        %swap3A_944 = vector.shape_cast %swap3A_943 : vector<1x16xf32> to vector<16xf32>
        %swap3A_945 = vector.shape_cast %mul3A_940 : vector<16xf32> to vector<1x16xf32>
        tpu.vector_store %arg7[%swap3A_941, %swap3A_942], %swap3A_945 {strides = array<i32>} : memref<32x1024xf32, #tpu.memory_space<vmem>>, vector<1x16xf32>,
        %get3A_946 = arith.index_cast %scan3A_203 : i32 to index
        %get3A_947 = arith.constant 992 : index
        %get3A_948 = tpu.vector_load %arg7[%get3A_946, %get3A_947] {strides = array<i32>} : memref<32x1024xf32, #tpu.memory_space<vmem>>, vector<1x16xf32>,
        %get3A_949 = vector.shape_cast %get3A_948 : vector<1x16xf32> to vector<16xf32>
        %mul3A_950 = arith.constant 3.200000e+01 : f32
        %mul3A_951 = vector.broadcast %mul3A_950 : f32 to vector<16xf32>
        %mul3A_952 = arith.mulf %get3A_949, %mul3A_951 : vector<16xf32>
        %swap3A_953 = arith.index_cast %scan3A_203 : i32 to index
        %swap3A_954 = arith.constant 992 : index
        %swap3A_955 = tpu.vector_load %arg7[%swap3A_953, %swap3A_954] {strides = array<i32>} : memref<32x1024xf32, #tpu.memory_space<vmem>>, vector<1x16xf32>,
        %swap3A_956 = vector.shape_cast %swap3A_955 : vector<1x16xf32> to vector<16xf32>
        %swap3A_957 = vector.shape_cast %mul3A_952 : vector<16xf32> to vector<1x16xf32>
        tpu.vector_store %arg7[%swap3A_953, %swap3A_954], %swap3A_957 {strides = array<i32>} : memref<32x1024xf32, #tpu.memory_space<vmem>>, vector<1x16xf32>,
        %get3A_958 = arith.index_cast %scan3A_203 : i32 to index
        %get3A_959 = arith.constant 1008 : index
        %get3A_960 = tpu.vector_load %arg7[%get3A_958, %get3A_959] {strides = array<i32>} : memref<32x1024xf32, #tpu.memory_space<vmem>>, vector<1x16xf32>,
        %get3A_961 = vector.shape_cast %get3A_960 : vector<1x16xf32> to vector<16xf32>
        %mul3A_962 = arith.constant 3.200000e+01 : f32
        %mul3A_963 = vector.broadcast %mul3A_962 : f32 to vector<16xf32>
        %mul3A_964 = arith.mulf %get3A_961, %mul3A_963 : vector<16xf32>
        %swap3A_965 = arith.index_cast %scan3A_203 : i32 to index
        %swap3A_966 = arith.constant 1008 : index
        %swap3A_967 = tpu.vector_load %arg7[%swap3A_965, %swap3A_966] {strides = array<i32>} : memref<32x1024xf32, #tpu.memory_space<vmem>>, vector<1x16xf32>,
        %swap3A_968 = vector.shape_cast %swap3A_967 : vector<1x16xf32> to vector<16xf32>
        %swap3A_969 = vector.shape_cast %mul3A_964 : vector<16xf32> to vector<1x16xf32>
        tpu.vector_store %arg7[%swap3A_965, %swap3A_966], %swap3A_969 {strides = array<i32>} : memref<32x1024xf32, #tpu.memory_space<vmem>>, vector<1x16xf32>,
      }
      %scan3A_154 = arith.constant 32 : i32
      %mul3A_155 = arith.constant 32 : i32
      %mul3A_156 = arith.muli %add3A_142, %mul3A_155 : i32
      %add3A_157 = arith.addi %mul3A_32, %mul3A_156 : i32
      %dma_start3A_158 = arith.constant 0 : i32
      %dma_start3A_159 = tpu.memref_slice %arg4[%select_n3A, %add3A_157, %dma_start3A_158] : memref<4x8192x1024xf32, #tpu.memory_space<hbm>> -> memref<1x32x1024xf32, #tpu.memory_space<hbm>>
      %dma_start3A_160 = tpu.memref_squeeze %dma_start3A_159 : memref<1x32x1024xf32, #tpu.memory_space<hbm>> -> memref<32x1024xf32, #tpu.memory_space<hbm>>
      %dma_start3A_161 = arith.constant 0 : i32
      %dma_start3A_162 = tpu.memref_slice %arg4[%select_n3A, %add3A_157, %dma_start3A_161] : memref<4x8192x1024xf32, #tpu.memory_space<hbm>> -> memref<1x32x1024xf32, #tpu.memory_space<hbm>>
      %dma_start3A_163 = tpu.memref_squeeze %dma_start3A_162 : memref<1x32x1024xf32, #tpu.memory_space<hbm>> -> memref<32x1024xf32, #tpu.memory_space<hbm>>
      tpu.enqueue_dma source(%arg7 : memref<32x1024xf32, #tpu.memory_space<vmem>>) target(%dma_start3A_163 : memref<32x1024xf32, #tpu.memory_space<hbm>>) target_semaphore(%arg13 : memref<!tpu.dma_semaphore, #tpu.memory_space<semaphore_mem>>)
      %add3A_164 = arith.constant 2 : i32
      %add3A_165 = arith.addi %add3A_142, %add3A_164 : i32
      %lt3A_166 = arith.constant 32 : i32
      %lt3A_167 = arith.cmpi slt, %add3A_165, %lt3A_166 : i32
      %convert_element_type3A_168 = arith.extui %lt3A_167 : i1 to i32
      %cond3A_169 = arith.constant 0 : i32
      %cond3A_170 = arith.cmpi ne, %convert_element_type3A_168, %cond3A_169 : i32
      scf.if %cond3A_170 {
        %ge3A = arith.constant 3 : i32
        %ge3A_203 = arith.cmpi sge, %add3A_165, %ge3A : i32
        %convert_element_type3A_204 = arith.extui %ge3A_203 : i1 to i32
        %cond3A_205 = arith.constant 0 : i32
        %cond3A_206 = arith.cmpi ne, %convert_element_type3A_204, %cond3A_205 : i32
        scf.if %cond3A_206 {
          %sub3A_213 = arith.constant 3 : i32
          %sub3A_214 = arith.subi %add3A_165, %sub3A_213 : i32
          %mul3A_215 = arith.constant 32 : i32
          %mul3A_216 = arith.muli %sub3A_214, %mul3A_215 : i32
          %add3A_217 = arith.addi %mul3A_32, %mul3A_216 : i32
          %dma_wait3A_218 = arith.constant 0 : i32
          %dma_wait3A_219 = tpu.memref_slice %arg4[%select_n3A, %add3A_217, %dma_wait3A_218] : memref<4x8192x1024xf32, #tpu.memory_space<hbm>> -> memref<1x32x1024xf32, #tpu.memory_space<hbm>>
          %dma_wait3A_220 = tpu.memref_squeeze %dma_wait3A_219 : memref<1x32x1024xf32, #tpu.memory_space<hbm>> -> memref<32x1024xf32, #tpu.memory_space<hbm>>
          %dma_wait3A_221 = arith.constant 0 : i32
          %dma_wait3A_222 = tpu.memref_slice %arg4[%select_n3A, %add3A_217, %dma_wait3A_221] : memref<4x8192x1024xf32, #tpu.memory_space<hbm>> -> memref<1x32x1024xf32, #tpu.memory_space<hbm>>
          %dma_wait3A_223 = tpu.memref_squeeze %dma_wait3A_222 : memref<1x32x1024xf32, #tpu.memory_space<hbm>> -> memref<32x1024xf32, #tpu.memory_space<hbm>>
          tpu.wait_dma2 semaphore(%arg12 : memref<!tpu.dma_semaphore, #tpu.memory_space<semaphore_mem>>) src(%arg6 : memref<32x1024xf32, #tpu.memory_space<vmem>>) dst(%dma_wait3A_223 : memref<32x1024xf32, #tpu.memory_space<hbm>>)
        } else {
        }
        %mul3A_207 = arith.constant 32 : i32
        %mul3A_208 = arith.muli %add3A_165, %mul3A_207 : i32
        %dma_start3A_209 = tpu.memref_slice %arg5[%mul3A_208] : memref<1024xi32, #tpu.memory_space<vmem>> -> memref<32xi32, #tpu.memory_space<vmem>>
        %dma_start3A_210 = arith.constant 0 : i32
        %dma_start3A_211 = arith.constant 0 : i32
        %dma_start3A_212 = tpu.memref_slice %arg3[%dma_start3A_210, %dma_start3A_211] : memref<100000x1024xf32, #tpu.memory_space<hbm>> -> memref<100000x1024xf32, #tpu.memory_space<hbm>>
        tpu.enqueue_indirect_dma source(%dma_start3A_212 : memref<100000x1024xf32, #tpu.memory_space<hbm>>) target(%arg6 : memref<32x1024xf32, #tpu.memory_space<vmem>>) offsets(%dma_start3A_209 : memref<32xi32, #tpu.memory_space<vmem>>) semaphore(%arg9 : memref<!tpu.dma_semaphore, #tpu.memory_space<semaphore_mem>>)
      } else {
      }
      %mul3A_171 = arith.constant 3 : i32
      %mul3A_172 = arith.muli %scan3A_108, %mul3A_171 : i32
      %add3A_173 = arith.constant 2 : i32
      %add3A_174 = arith.addi %mul3A_172, %add3A_173 : i32
      %mul3A_175 = arith.constant 32 : i32
      %mul3A_176 = arith.muli %add3A_174, %mul3A_175 : i32
      %dma_wait3A_177 = tpu.memref_slice %arg5[%mul3A_176] : memref<1024xi32, #tpu.memory_space<vmem>> -> memref<32xi32, #tpu.memory_space<vmem>>
      %dma_wait3A_178 = arith.constant 0 : i32
      %dma_wait3A_179 = arith.constant 0 : i32
      %dma_wait3A_180 = tpu.memref_slice %arg3[%dma_wait3A_178, %dma_wait3A_179] : memref<100000x1024xf32, #tpu.memory_space<hbm>> -> memref<100000x1024xf32, #tpu.memory_space<hbm>>
      tpu.wait_indirect_dma semaphore(%arg11 : memref<!tpu.dma_semaphore, #tpu.memory_space<semaphore_mem>>) src(%dma_wait3A_180 : memref<100000x1024xf32, #tpu.memory_space<hbm>>) dst(%arg8 : memref<32x1024xf32, #tpu.memory_space<vmem>>)
      %scan3A_181 = arith.constant 0 : i32
      %scan3A_182 = arith.constant 0 : i32
      %scan3A_183 = arith.constant 32 : i32
      %scan3A_184 = arith.addi %scan3A_182, %scan3A_183 : i32
      %scan3A_185 = arith.constant 1 : i32
      scf.for %scan3A_203 = %scan3A_182 to %scan3A_184 step %scan3A_185  : i32 {
        %get3A = arith.index_cast %scan3A_203 : i32 to index
        %get3A_204 = arith.constant 0 : index
        %get3A_205 = tpu.vector_load %arg8[%get3A, %get3A_204] {strides = array<i32>} : memref<32x1024xf32, #tpu.memory_space<vmem>>, vector<1x16xf32>,
        %get3A_206 = vector.shape_cast %get3A_205 : vector<1x16xf32> to vector<16xf32>
        %mul3A_207 = arith.constant 3.200000e+01 : f32
        %mul3A_208 = vector.broadcast %mul3A_207 : f32 to vector<16xf32>
        %mul3A_209 = arith.mulf %get3A_206, %mul3A_208 : vector<16xf32>
        %swap3A = arith.index_cast %scan3A_203 : i32 to index
        %swap3A_210 = arith.constant 0 : index
        %swap3A_211 = tpu.vector_load %arg8[%swap3A, %swap3A_210] {strides = array<i32>} : memref<32x1024xf32, #tpu.memory_space<vmem>>, vector<1x16xf32>,
        %swap3A_212 = vector.shape_cast %swap3A_211 : vector<1x16xf32> to vector<16xf32>
        %swap3A_213 = vector.shape_cast %mul3A_209 : vector<16xf32> to vector<1x16xf32>
        tpu.vector_store %arg8[%swap3A, %swap3A_210], %swap3A_213 {strides = array<i32>} : memref<32x1024xf32, #tpu.memory_space<vmem>>, vector<1x16xf32>,
        %get3A_214 = arith.index_cast %scan3A_203 : i32 to index
        %get3A_215 = arith.constant 16 : index
        %get3A_216 = tpu.vector_load %arg8[%get3A_214, %get3A_215] {strides = array<i32>} : memref<32x1024xf32, #tpu.memory_space<vmem>>, vector<1x16xf32>,
        %get3A_217 = vector.shape_cast %get3A_216 : vector<1x16xf32> to vector<16xf32>
        %mul3A_218 = arith.constant 3.200000e+01 : f32
        %mul3A_219 = vector.broadcast %mul3A_218 : f32 to vector<16xf32>
        %mul3A_220 = arith.mulf %get3A_217, %mul3A_219 : vector<16xf32>
        %swap3A_221 = arith.index_cast %scan3A_203 : i32 to index
        %swap3A_222 = arith.constant 16 : index
        %swap3A_223 = tpu.vector_load %arg8[%swap3A_221, %swap3A_222] {strides = array<i32>} : memref<32x1024xf32, #tpu.memory_space<vmem>>, vector<1x16xf32>,
        %swap3A_224 = vector.shape_cast %swap3A_223 : vector<1x16xf32> to vector<16xf32>
        %swap3A_225 = vector.shape_cast %mul3A_220 : vector<16xf32> to vector<1x16xf32>
        tpu.vector_store %arg8[%swap3A_221, %swap3A_222], %swap3A_225 {strides = array<i32>} : memref<32x1024xf32, #tpu.memory_space<vmem>>, vector<1x16xf32>,
        %get3A_226 = arith.index_cast %scan3A_203 : i32 to index
        %get3A_227 = arith.constant 32 : index
        %get3A_228 = tpu.vector_load %arg8[%get3A_226, %get3A_227] {strides = array<i32>} : memref<32x1024xf32, #tpu.memory_space<vmem>>, vector<1x16xf32>,
        %get3A_229 = vector.shape_cast %get3A_228 : vector<1x16xf32> to vector<16xf32>
        %mul3A_230 = arith.constant 3.200000e+01 : f32
        %mul3A_231 = vector.broadcast %mul3A_230 : f32 to vector<16xf32>
        %mul3A_232 = arith.mulf %get3A_229, %mul3A_231 : vector<16xf32>
        %swap3A_233 = arith.index_cast %scan3A_203 : i32 to index
        %swap3A_234 = arith.constant 32 : index
        %swap3A_235 = tpu.vector_load %arg8[%swap3A_233, %swap3A_234] {strides = array<i32>} : memref<32x1024xf32, #tpu.memory_space<vmem>>, vector<1x16xf32>,
        %swap3A_236 = vector.shape_cast %swap3A_235 : vector<1x16xf32> to vector<16xf32>
        %swap3A_237 = vector.shape_cast %mul3A_232 : vector<16xf32> to vector<1x16xf32>
        tpu.vector_store %arg8[%swap3A_233, %swap3A_234], %swap3A_237 {strides = array<i32>} : memref<32x1024xf32, #tpu.memory_space<vmem>>, vector<1x16xf32>,
        %get3A_238 = arith.index_cast %scan3A_203 : i32 to index
        %get3A_239 = arith.constant 48 : index
        %get3A_240 = tpu.vector_load %arg8[%get3A_238, %get3A_239] {strides = array<i32>} : memref<32x1024xf32, #tpu.memory_space<vmem>>, vector<1x16xf32>,
        %get3A_241 = vector.shape_cast %get3A_240 : vector<1x16xf32> to vector<16xf32>
        %mul3A_242 = arith.constant 3.200000e+01 : f32
        %mul3A_243 = vector.broadcast %mul3A_242 : f32 to vector<16xf32>
        %mul3A_244 = arith.mulf %get3A_241, %mul3A_243 : vector<16xf32>
        %swap3A_245 = arith.index_cast %scan3A_203 : i32 to index
        %swap3A_246 = arith.constant 48 : index
        %swap3A_247 = tpu.vector_load %arg8[%swap3A_245, %swap3A_246] {strides = array<i32>} : memref<32x1024xf32, #tpu.memory_space<vmem>>, vector<1x16xf32>,
        %swap3A_248 = vector.shape_cast %swap3A_247 : vector<1x16xf32> to vector<16xf32>
        %swap3A_249 = vector.shape_cast %mul3A_244 : vector<16xf32> to vector<1x16xf32>
        tpu.vector_store %arg8[%swap3A_245, %swap3A_246], %swap3A_249 {strides = array<i32>} : memref<32x1024xf32, #tpu.memory_space<vmem>>, vector<1x16xf32>,
        %get3A_250 = arith.index_cast %scan3A_203 : i32 to index
        %get3A_251 = arith.constant 64 : index
        %get3A_252 = tpu.vector_load %arg8[%get3A_250, %get3A_251] {strides = array<i32>} : memref<32x1024xf32, #tpu.memory_space<vmem>>, vector<1x16xf32>,
        %get3A_253 = vector.shape_cast %get3A_252 : vector<1x16xf32> to vector<16xf32>
        %mul3A_254 = arith.constant 3.200000e+01 : f32
        %mul3A_255 = vector.broadcast %mul3A_254 : f32 to vector<16xf32>
        %mul3A_256 = arith.mulf %get3A_253, %mul3A_255 : vector<16xf32>
        %swap3A_257 = arith.index_cast %scan3A_203 : i32 to index
        %swap3A_258 = arith.constant 64 : index
        %swap3A_259 = tpu.vector_load %arg8[%swap3A_257, %swap3A_258] {strides = array<i32>} : memref<32x1024xf32, #tpu.memory_space<vmem>>, vector<1x16xf32>,
        %swap3A_260 = vector.shape_cast %swap3A_259 : vector<1x16xf32> to vector<16xf32>
        %swap3A_261 = vector.shape_cast %mul3A_256 : vector<16xf32> to vector<1x16xf32>
        tpu.vector_store %arg8[%swap3A_257, %swap3A_258], %swap3A_261 {strides = array<i32>} : memref<32x1024xf32, #tpu.memory_space<vmem>>, vector<1x16xf32>,
        %get3A_262 = arith.index_cast %scan3A_203 : i32 to index
        %get3A_263 = arith.constant 80 : index
        %get3A_264 = tpu.vector_load %arg8[%get3A_262, %get3A_263] {strides = array<i32>} : memref<32x1024xf32, #tpu.memory_space<vmem>>, vector<1x16xf32>,
        %get3A_265 = vector.shape_cast %get3A_264 : vector<1x16xf32> to vector<16xf32>
        %mul3A_266 = arith.constant 3.200000e+01 : f32
        %mul3A_267 = vector.broadcast %mul3A_266 : f32 to vector<16xf32>
        %mul3A_268 = arith.mulf %get3A_265, %mul3A_267 : vector<16xf32>
        %swap3A_269 = arith.index_cast %scan3A_203 : i32 to index
        %swap3A_270 = arith.constant 80 : index
        %swap3A_271 = tpu.vector_load %arg8[%swap3A_269, %swap3A_270] {strides = array<i32>} : memref<32x1024xf32, #tpu.memory_space<vmem>>, vector<1x16xf32>,
        %swap3A_272 = vector.shape_cast %swap3A_271 : vector<1x16xf32> to vector<16xf32>
        %swap3A_273 = vector.shape_cast %mul3A_268 : vector<16xf32> to vector<1x16xf32>
        tpu.vector_store %arg8[%swap3A_269, %swap3A_270], %swap3A_273 {strides = array<i32>} : memref<32x1024xf32, #tpu.memory_space<vmem>>, vector<1x16xf32>,
        %get3A_274 = arith.index_cast %scan3A_203 : i32 to index
        %get3A_275 = arith.constant 96 : index
        %get3A_276 = tpu.vector_load %arg8[%get3A_274, %get3A_275] {strides = array<i32>} : memref<32x1024xf32, #tpu.memory_space<vmem>>, vector<1x16xf32>,
        %get3A_277 = vector.shape_cast %get3A_276 : vector<1x16xf32> to vector<16xf32>
        %mul3A_278 = arith.constant 3.200000e+01 : f32
        %mul3A_279 = vector.broadcast %mul3A_278 : f32 to vector<16xf32>
        %mul3A_280 = arith.mulf %get3A_277, %mul3A_279 : vector<16xf32>
        %swap3A_281 = arith.index_cast %scan3A_203 : i32 to index
        %swap3A_282 = arith.constant 96 : index
        %swap3A_283 = tpu.vector_load %arg8[%swap3A_281, %swap3A_282] {strides = array<i32>} : memref<32x1024xf32, #tpu.memory_space<vmem>>, vector<1x16xf32>,
        %swap3A_284 = vector.shape_cast %swap3A_283 : vector<1x16xf32> to vector<16xf32>
        %swap3A_285 = vector.shape_cast %mul3A_280 : vector<16xf32> to vector<1x16xf32>
        tpu.vector_store %arg8[%swap3A_281, %swap3A_282], %swap3A_285 {strides = array<i32>} : memref<32x1024xf32, #tpu.memory_space<vmem>>, vector<1x16xf32>,
        %get3A_286 = arith.index_cast %scan3A_203 : i32 to index
        %get3A_287 = arith.constant 112 : index
        %get3A_288 = tpu.vector_load %arg8[%get3A_286, %get3A_287] {strides = array<i32>} : memref<32x1024xf32, #tpu.memory_space<vmem>>, vector<1x16xf32>,
        %get3A_289 = vector.shape_cast %get3A_288 : vector<1x16xf32> to vector<16xf32>
        %mul3A_290 = arith.constant 3.200000e+01 : f32
        %mul3A_291 = vector.broadcast %mul3A_290 : f32 to vector<16xf32>
        %mul3A_292 = arith.mulf %get3A_289, %mul3A_291 : vector<16xf32>
        %swap3A_293 = arith.index_cast %scan3A_203 : i32 to index
        %swap3A_294 = arith.constant 112 : index
        %swap3A_295 = tpu.vector_load %arg8[%swap3A_293, %swap3A_294] {strides = array<i32>} : memref<32x1024xf32, #tpu.memory_space<vmem>>, vector<1x16xf32>,
        %swap3A_296 = vector.shape_cast %swap3A_295 : vector<1x16xf32> to vector<16xf32>
        %swap3A_297 = vector.shape_cast %mul3A_292 : vector<16xf32> to vector<1x16xf32>
        tpu.vector_store %arg8[%swap3A_293, %swap3A_294], %swap3A_297 {strides = array<i32>} : memref<32x1024xf32, #tpu.memory_space<vmem>>, vector<1x16xf32>,
        %get3A_298 = arith.index_cast %scan3A_203 : i32 to index
        %get3A_299 = arith.constant 128 : index
        %get3A_300 = tpu.vector_load %arg8[%get3A_298, %get3A_299] {strides = array<i32>} : memref<32x1024xf32, #tpu.memory_space<vmem>>, vector<1x16xf32>,
        %get3A_301 = vector.shape_cast %get3A_300 : vector<1x16xf32> to vector<16xf32>
        %mul3A_302 = arith.constant 3.200000e+01 : f32
        %mul3A_303 = vector.broadcast %mul3A_302 : f32 to vector<16xf32>
        %mul3A_304 = arith.mulf %get3A_301, %mul3A_303 : vector<16xf32>
        %swap3A_305 = arith.index_cast %scan3A_203 : i32 to index
        %swap3A_306 = arith.constant 128 : index
        %swap3A_307 = tpu.vector_load %arg8[%swap3A_305, %swap3A_306] {strides = array<i32>} : memref<32x1024xf32, #tpu.memory_space<vmem>>, vector<1x16xf32>,
        %swap3A_308 = vector.shape_cast %swap3A_307 : vector<1x16xf32> to vector<16xf32>
        %swap3A_309 = vector.shape_cast %mul3A_304 : vector<16xf32> to vector<1x16xf32>
        tpu.vector_store %arg8[%swap3A_305, %swap3A_306], %swap3A_309 {strides = array<i32>} : memref<32x1024xf32, #tpu.memory_space<vmem>>, vector<1x16xf32>,
        %get3A_310 = arith.index_cast %scan3A_203 : i32 to index
        %get3A_311 = arith.constant 144 : index
        %get3A_312 = tpu.vector_load %arg8[%get3A_310, %get3A_311] {strides = array<i32>} : memref<32x1024xf32, #tpu.memory_space<vmem>>, vector<1x16xf32>,
        %get3A_313 = vector.shape_cast %get3A_312 : vector<1x16xf32> to vector<16xf32>
        %mul3A_314 = arith.constant 3.200000e+01 : f32
        %mul3A_315 = vector.broadcast %mul3A_314 : f32 to vector<16xf32>
        %mul3A_316 = arith.mulf %get3A_313, %mul3A_315 : vector<16xf32>
        %swap3A_317 = arith.index_cast %scan3A_203 : i32 to index
        %swap3A_318 = arith.constant 144 : index
        %swap3A_319 = tpu.vector_load %arg8[%swap3A_317, %swap3A_318] {strides = array<i32>} : memref<32x1024xf32, #tpu.memory_space<vmem>>, vector<1x16xf32>,
        %swap3A_320 = vector.shape_cast %swap3A_319 : vector<1x16xf32> to vector<16xf32>
        %swap3A_321 = vector.shape_cast %mul3A_316 : vector<16xf32> to vector<1x16xf32>
        tpu.vector_store %arg8[%swap3A_317, %swap3A_318], %swap3A_321 {strides = array<i32>} : memref<32x1024xf32, #tpu.memory_space<vmem>>, vector<1x16xf32>,
        %get3A_322 = arith.index_cast %scan3A_203 : i32 to index
        %get3A_323 = arith.constant 160 : index
        %get3A_324 = tpu.vector_load %arg8[%get3A_322, %get3A_323] {strides = array<i32>} : memref<32x1024xf32, #tpu.memory_space<vmem>>, vector<1x16xf32>,
        %get3A_325 = vector.shape_cast %get3A_324 : vector<1x16xf32> to vector<16xf32>
        %mul3A_326 = arith.constant 3.200000e+01 : f32
        %mul3A_327 = vector.broadcast %mul3A_326 : f32 to vector<16xf32>
        %mul3A_328 = arith.mulf %get3A_325, %mul3A_327 : vector<16xf32>
        %swap3A_329 = arith.index_cast %scan3A_203 : i32 to index
        %swap3A_330 = arith.constant 160 : index
        %swap3A_331 = tpu.vector_load %arg8[%swap3A_329, %swap3A_330] {strides = array<i32>} : memref<32x1024xf32, #tpu.memory_space<vmem>>, vector<1x16xf32>,
        %swap3A_332 = vector.shape_cast %swap3A_331 : vector<1x16xf32> to vector<16xf32>
        %swap3A_333 = vector.shape_cast %mul3A_328 : vector<16xf32> to vector<1x16xf32>
        tpu.vector_store %arg8[%swap3A_329, %swap3A_330], %swap3A_333 {strides = array<i32>} : memref<32x1024xf32, #tpu.memory_space<vmem>>, vector<1x16xf32>,
        %get3A_334 = arith.index_cast %scan3A_203 : i32 to index
        %get3A_335 = arith.constant 176 : index
        %get3A_336 = tpu.vector_load %arg8[%get3A_334, %get3A_335] {strides = array<i32>} : memref<32x1024xf32, #tpu.memory_space<vmem>>, vector<1x16xf32>,
        %get3A_337 = vector.shape_cast %get3A_336 : vector<1x16xf32> to vector<16xf32>
        %mul3A_338 = arith.constant 3.200000e+01 : f32
        %mul3A_339 = vector.broadcast %mul3A_338 : f32 to vector<16xf32>
        %mul3A_340 = arith.mulf %get3A_337, %mul3A_339 : vector<16xf32>
        %swap3A_341 = arith.index_cast %scan3A_203 : i32 to index
        %swap3A_342 = arith.constant 176 : index
        %swap3A_343 = tpu.vector_load %arg8[%swap3A_341, %swap3A_342] {strides = array<i32>} : memref<32x1024xf32, #tpu.memory_space<vmem>>, vector<1x16xf32>,
        %swap3A_344 = vector.shape_cast %swap3A_343 : vector<1x16xf32> to vector<16xf32>
        %swap3A_345 = vector.shape_cast %mul3A_340 : vector<16xf32> to vector<1x16xf32>
        tpu.vector_store %arg8[%swap3A_341, %swap3A_342], %swap3A_345 {strides = array<i32>} : memref<32x1024xf32, #tpu.memory_space<vmem>>, vector<1x16xf32>,
        %get3A_346 = arith.index_cast %scan3A_203 : i32 to index
        %get3A_347 = arith.constant 192 : index
        %get3A_348 = tpu.vector_load %arg8[%get3A_346, %get3A_347] {strides = array<i32>} : memref<32x1024xf32, #tpu.memory_space<vmem>>, vector<1x16xf32>,
        %get3A_349 = vector.shape_cast %get3A_348 : vector<1x16xf32> to vector<16xf32>
        %mul3A_350 = arith.constant 3.200000e+01 : f32
        %mul3A_351 = vector.broadcast %mul3A_350 : f32 to vector<16xf32>
        %mul3A_352 = arith.mulf %get3A_349, %mul3A_351 : vector<16xf32>
        %swap3A_353 = arith.index_cast %scan3A_203 : i32 to index
        %swap3A_354 = arith.constant 192 : index
        %swap3A_355 = tpu.vector_load %arg8[%swap3A_353, %swap3A_354] {strides = array<i32>} : memref<32x1024xf32, #tpu.memory_space<vmem>>, vector<1x16xf32>,
        %swap3A_356 = vector.shape_cast %swap3A_355 : vector<1x16xf32> to vector<16xf32>
        %swap3A_357 = vector.shape_cast %mul3A_352 : vector<16xf32> to vector<1x16xf32>
        tpu.vector_store %arg8[%swap3A_353, %swap3A_354], %swap3A_357 {strides = array<i32>} : memref<32x1024xf32, #tpu.memory_space<vmem>>, vector<1x16xf32>,
        %get3A_358 = arith.index_cast %scan3A_203 : i32 to index
        %get3A_359 = arith.constant 208 : index
        %get3A_360 = tpu.vector_load %arg8[%get3A_358, %get3A_359] {strides = array<i32>} : memref<32x1024xf32, #tpu.memory_space<vmem>>, vector<1x16xf32>,
        %get3A_361 = vector.shape_cast %get3A_360 : vector<1x16xf32> to vector<16xf32>
        %mul3A_362 = arith.constant 3.200000e+01 : f32
        %mul3A_363 = vector.broadcast %mul3A_362 : f32 to vector<16xf32>
        %mul3A_364 = arith.mulf %get3A_361, %mul3A_363 : vector<16xf32>
        %swap3A_365 = arith.index_cast %scan3A_203 : i32 to index
        %swap3A_366 = arith.constant 208 : index
        %swap3A_367 = tpu.vector_load %arg8[%swap3A_365, %swap3A_366] {strides = array<i32>} : memref<32x1024xf32, #tpu.memory_space<vmem>>, vector<1x16xf32>,
        %swap3A_368 = vector.shape_cast %swap3A_367 : vector<1x16xf32> to vector<16xf32>
        %swap3A_369 = vector.shape_cast %mul3A_364 : vector<16xf32> to vector<1x16xf32>
        tpu.vector_store %arg8[%swap3A_365, %swap3A_366], %swap3A_369 {strides = array<i32>} : memref<32x1024xf32, #tpu.memory_space<vmem>>, vector<1x16xf32>,
        %get3A_370 = arith.index_cast %scan3A_203 : i32 to index
        %get3A_371 = arith.constant 224 : index
        %get3A_372 = tpu.vector_load %arg8[%get3A_370, %get3A_371] {strides = array<i32>} : memref<32x1024xf32, #tpu.memory_space<vmem>>, vector<1x16xf32>,
        %get3A_373 = vector.shape_cast %get3A_372 : vector<1x16xf32> to vector<16xf32>
        %mul3A_374 = arith.constant 3.200000e+01 : f32
        %mul3A_375 = vector.broadcast %mul3A_374 : f32 to vector<16xf32>
        %mul3A_376 = arith.mulf %get3A_373, %mul3A_375 : vector<16xf32>
        %swap3A_377 = arith.index_cast %scan3A_203 : i32 to index
        %swap3A_378 = arith.constant 224 : index
        %swap3A_379 = tpu.vector_load %arg8[%swap3A_377, %swap3A_378] {strides = array<i32>} : memref<32x1024xf32, #tpu.memory_space<vmem>>, vector<1x16xf32>,
        %swap3A_380 = vector.shape_cast %swap3A_379 : vector<1x16xf32> to vector<16xf32>
        %swap3A_381 = vector.shape_cast %mul3A_376 : vector<16xf32> to vector<1x16xf32>
        tpu.vector_store %arg8[%swap3A_377, %swap3A_378], %swap3A_381 {strides = array<i32>} : memref<32x1024xf32, #tpu.memory_space<vmem>>, vector<1x16xf32>,
        %get3A_382 = arith.index_cast %scan3A_203 : i32 to index
        %get3A_383 = arith.constant 240 : index
        %get3A_384 = tpu.vector_load %arg8[%get3A_382, %get3A_383] {strides = array<i32>} : memref<32x1024xf32, #tpu.memory_space<vmem>>, vector<1x16xf32>,
        %get3A_385 = vector.shape_cast %get3A_384 : vector<1x16xf32> to vector<16xf32>
        %mul3A_386 = arith.constant 3.200000e+01 : f32
        %mul3A_387 = vector.broadcast %mul3A_386 : f32 to vector<16xf32>
        %mul3A_388 = arith.mulf %get3A_385, %mul3A_387 : vector<16xf32>
        %swap3A_389 = arith.index_cast %scan3A_203 : i32 to index
        %swap3A_390 = arith.constant 240 : index
        %swap3A_391 = tpu.vector_load %arg8[%swap3A_389, %swap3A_390] {strides = array<i32>} : memref<32x1024xf32, #tpu.memory_space<vmem>>, vector<1x16xf32>,
        %swap3A_392 = vector.shape_cast %swap3A_391 : vector<1x16xf32> to vector<16xf32>
        %swap3A_393 = vector.shape_cast %mul3A_388 : vector<16xf32> to vector<1x16xf32>
        tpu.vector_store %arg8[%swap3A_389, %swap3A_390], %swap3A_393 {strides = array<i32>} : memref<32x1024xf32, #tpu.memory_space<vmem>>, vector<1x16xf32>,
        %get3A_394 = arith.index_cast %scan3A_203 : i32 to index
        %get3A_395 = arith.constant 256 : index
        %get3A_396 = tpu.vector_load %arg8[%get3A_394, %get3A_395] {strides = array<i32>} : memref<32x1024xf32, #tpu.memory_space<vmem>>, vector<1x16xf32>,
        %get3A_397 = vector.shape_cast %get3A_396 : vector<1x16xf32> to vector<16xf32>
        %mul3A_398 = arith.constant 3.200000e+01 : f32
        %mul3A_399 = vector.broadcast %mul3A_398 : f32 to vector<16xf32>
        %mul3A_400 = arith.mulf %get3A_397, %mul3A_399 : vector<16xf32>
        %swap3A_401 = arith.index_cast %scan3A_203 : i32 to index
        %swap3A_402 = arith.constant 256 : index
        %swap3A_403 = tpu.vector_load %arg8[%swap3A_401, %swap3A_402] {strides = array<i32>} : memref<32x1024xf32, #tpu.memory_space<vmem>>, vector<1x16xf32>,
        %swap3A_404 = vector.shape_cast %swap3A_403 : vector<1x16xf32> to vector<16xf32>
        %swap3A_405 = vector.shape_cast %mul3A_400 : vector<16xf32> to vector<1x16xf32>
        tpu.vector_store %arg8[%swap3A_401, %swap3A_402], %swap3A_405 {strides = array<i32>} : memref<32x1024xf32, #tpu.memory_space<vmem>>, vector<1x16xf32>,
        %get3A_406 = arith.index_cast %scan3A_203 : i32 to index
        %get3A_407 = arith.constant 272 : index
        %get3A_408 = tpu.vector_load %arg8[%get3A_406, %get3A_407] {strides = array<i32>} : memref<32x1024xf32, #tpu.memory_space<vmem>>, vector<1x16xf32>,
        %get3A_409 = vector.shape_cast %get3A_408 : vector<1x16xf32> to vector<16xf32>
        %mul3A_410 = arith.constant 3.200000e+01 : f32
        %mul3A_411 = vector.broadcast %mul3A_410 : f32 to vector<16xf32>
        %mul3A_412 = arith.mulf %get3A_409, %mul3A_411 : vector<16xf32>
        %swap3A_413 = arith.index_cast %scan3A_203 : i32 to index
        %swap3A_414 = arith.constant 272 : index
        %swap3A_415 = tpu.vector_load %arg8[%swap3A_413, %swap3A_414] {strides = array<i32>} : memref<32x1024xf32, #tpu.memory_space<vmem>>, vector<1x16xf32>,
        %swap3A_416 = vector.shape_cast %swap3A_415 : vector<1x16xf32> to vector<16xf32>
        %swap3A_417 = vector.shape_cast %mul3A_412 : vector<16xf32> to vector<1x16xf32>
        tpu.vector_store %arg8[%swap3A_413, %swap3A_414], %swap3A_417 {strides = array<i32>} : memref<32x1024xf32, #tpu.memory_space<vmem>>, vector<1x16xf32>,
        %get3A_418 = arith.index_cast %scan3A_203 : i32 to index
        %get3A_419 = arith.constant 288 : index
        %get3A_420 = tpu.vector_load %arg8[%get3A_418, %get3A_419] {strides = array<i32>} : memref<32x1024xf32, #tpu.memory_space<vmem>>, vector<1x16xf32>,
        %get3A_421 = vector.shape_cast %get3A_420 : vector<1x16xf32> to vector<16xf32>
        %mul3A_422 = arith.constant 3.200000e+01 : f32
        %mul3A_423 = vector.broadcast %mul3A_422 : f32 to vector<16xf32>
        %mul3A_424 = arith.mulf %get3A_421, %mul3A_423 : vector<16xf32>
        %swap3A_425 = arith.index_cast %scan3A_203 : i32 to index
        %swap3A_426 = arith.constant 288 : index
        %swap3A_427 = tpu.vector_load %arg8[%swap3A_425, %swap3A_426] {strides = array<i32>} : memref<32x1024xf32, #tpu.memory_space<vmem>>, vector<1x16xf32>,
        %swap3A_428 = vector.shape_cast %swap3A_427 : vector<1x16xf32> to vector<16xf32>
        %swap3A_429 = vector.shape_cast %mul3A_424 : vector<16xf32> to vector<1x16xf32>
        tpu.vector_store %arg8[%swap3A_425, %swap3A_426], %swap3A_429 {strides = array<i32>} : memref<32x1024xf32, #tpu.memory_space<vmem>>, vector<1x16xf32>,
        %get3A_430 = arith.index_cast %scan3A_203 : i32 to index
        %get3A_431 = arith.constant 304 : index
        %get3A_432 = tpu.vector_load %arg8[%get3A_430, %get3A_431] {strides = array<i32>} : memref<32x1024xf32, #tpu.memory_space<vmem>>, vector<1x16xf32>,
        %get3A_433 = vector.shape_cast %get3A_432 : vector<1x16xf32> to vector<16xf32>
        %mul3A_434 = arith.constant 3.200000e+01 : f32
        %mul3A_435 = vector.broadcast %mul3A_434 : f32 to vector<16xf32>
        %mul3A_436 = arith.mulf %get3A_433, %mul3A_435 : vector<16xf32>
        %swap3A_437 = arith.index_cast %scan3A_203 : i32 to index
        %swap3A_438 = arith.constant 304 : index
        %swap3A_439 = tpu.vector_load %arg8[%swap3A_437, %swap3A_438] {strides = array<i32>} : memref<32x1024xf32, #tpu.memory_space<vmem>>, vector<1x16xf32>,
        %swap3A_440 = vector.shape_cast %swap3A_439 : vector<1x16xf32> to vector<16xf32>
        %swap3A_441 = vector.shape_cast %mul3A_436 : vector<16xf32> to vector<1x16xf32>
        tpu.vector_store %arg8[%swap3A_437, %swap3A_438], %swap3A_441 {strides = array<i32>} : memref<32x1024xf32, #tpu.memory_space<vmem>>, vector<1x16xf32>,
        %get3A_442 = arith.index_cast %scan3A_203 : i32 to index
        %get3A_443 = arith.constant 320 : index
        %get3A_444 = tpu.vector_load %arg8[%get3A_442, %get3A_443] {strides = array<i32>} : memref<32x1024xf32, #tpu.memory_space<vmem>>, vector<1x16xf32>,
        %get3A_445 = vector.shape_cast %get3A_444 : vector<1x16xf32> to vector<16xf32>
        %mul3A_446 = arith.constant 3.200000e+01 : f32
        %mul3A_447 = vector.broadcast %mul3A_446 : f32 to vector<16xf32>
        %mul3A_448 = arith.mulf %get3A_445, %mul3A_447 : vector<16xf32>
        %swap3A_449 = arith.index_cast %scan3A_203 : i32 to index
        %swap3A_450 = arith.constant 320 : index
        %swap3A_451 = tpu.vector_load %arg8[%swap3A_449, %swap3A_450] {strides = array<i32>} : memref<32x1024xf32, #tpu.memory_space<vmem>>, vector<1x16xf32>,
        %swap3A_452 = vector.shape_cast %swap3A_451 : vector<1x16xf32> to vector<16xf32>
        %swap3A_453 = vector.shape_cast %mul3A_448 : vector<16xf32> to vector<1x16xf32>
        tpu.vector_store %arg8[%swap3A_449, %swap3A_450], %swap3A_453 {strides = array<i32>} : memref<32x1024xf32, #tpu.memory_space<vmem>>, vector<1x16xf32>,
        %get3A_454 = arith.index_cast %scan3A_203 : i32 to index
        %get3A_455 = arith.constant 336 : index
        %get3A_456 = tpu.vector_load %arg8[%get3A_454, %get3A_455] {strides = array<i32>} : memref<32x1024xf32, #tpu.memory_space<vmem>>, vector<1x16xf32>,
        %get3A_457 = vector.shape_cast %get3A_456 : vector<1x16xf32> to vector<16xf32>
        %mul3A_458 = arith.constant 3.200000e+01 : f32
        %mul3A_459 = vector.broadcast %mul3A_458 : f32 to vector<16xf32>
        %mul3A_460 = arith.mulf %get3A_457, %mul3A_459 : vector<16xf32>
        %swap3A_461 = arith.index_cast %scan3A_203 : i32 to index
        %swap3A_462 = arith.constant 336 : index
        %swap3A_463 = tpu.vector_load %arg8[%swap3A_461, %swap3A_462] {strides = array<i32>} : memref<32x1024xf32, #tpu.memory_space<vmem>>, vector<1x16xf32>,
        %swap3A_464 = vector.shape_cast %swap3A_463 : vector<1x16xf32> to vector<16xf32>
        %swap3A_465 = vector.shape_cast %mul3A_460 : vector<16xf32> to vector<1x16xf32>
        tpu.vector_store %arg8[%swap3A_461, %swap3A_462], %swap3A_465 {strides = array<i32>} : memref<32x1024xf32, #tpu.memory_space<vmem>>, vector<1x16xf32>,
        %get3A_466 = arith.index_cast %scan3A_203 : i32 to index
        %get3A_467 = arith.constant 352 : index
        %get3A_468 = tpu.vector_load %arg8[%get3A_466, %get3A_467] {strides = array<i32>} : memref<32x1024xf32, #tpu.memory_space<vmem>>, vector<1x16xf32>,
        %get3A_469 = vector.shape_cast %get3A_468 : vector<1x16xf32> to vector<16xf32>
        %mul3A_470 = arith.constant 3.200000e+01 : f32
        %mul3A_471 = vector.broadcast %mul3A_470 : f32 to vector<16xf32>
        %mul3A_472 = arith.mulf %get3A_469, %mul3A_471 : vector<16xf32>
        %swap3A_473 = arith.index_cast %scan3A_203 : i32 to index
        %swap3A_474 = arith.constant 352 : index
        %swap3A_475 = tpu.vector_load %arg8[%swap3A_473, %swap3A_474] {strides = array<i32>} : memref<32x1024xf32, #tpu.memory_space<vmem>>, vector<1x16xf32>,
        %swap3A_476 = vector.shape_cast %swap3A_475 : vector<1x16xf32> to vector<16xf32>
        %swap3A_477 = vector.shape_cast %mul3A_472 : vector<16xf32> to vector<1x16xf32>
        tpu.vector_store %arg8[%swap3A_473, %swap3A_474], %swap3A_477 {strides = array<i32>} : memref<32x1024xf32, #tpu.memory_space<vmem>>, vector<1x16xf32>,
        %get3A_478 = arith.index_cast %scan3A_203 : i32 to index
        %get3A_479 = arith.constant 368 : index
        %get3A_480 = tpu.vector_load %arg8[%get3A_478, %get3A_479] {strides = array<i32>} : memref<32x1024xf32, #tpu.memory_space<vmem>>, vector<1x16xf32>,
        %get3A_481 = vector.shape_cast %get3A_480 : vector<1x16xf32> to vector<16xf32>
        %mul3A_482 = arith.constant 3.200000e+01 : f32
        %mul3A_483 = vector.broadcast %mul3A_482 : f32 to vector<16xf32>
        %mul3A_484 = arith.mulf %get3A_481, %mul3A_483 : vector<16xf32>
        %swap3A_485 = arith.index_cast %scan3A_203 : i32 to index
        %swap3A_486 = arith.constant 368 : index
        %swap3A_487 = tpu.vector_load %arg8[%swap3A_485, %swap3A_486] {strides = array<i32>} : memref<32x1024xf32, #tpu.memory_space<vmem>>, vector<1x16xf32>,
        %swap3A_488 = vector.shape_cast %swap3A_487 : vector<1x16xf32> to vector<16xf32>
        %swap3A_489 = vector.shape_cast %mul3A_484 : vector<16xf32> to vector<1x16xf32>
        tpu.vector_store %arg8[%swap3A_485, %swap3A_486], %swap3A_489 {strides = array<i32>} : memref<32x1024xf32, #tpu.memory_space<vmem>>, vector<1x16xf32>,
        %get3A_490 = arith.index_cast %scan3A_203 : i32 to index
        %get3A_491 = arith.constant 384 : index
        %get3A_492 = tpu.vector_load %arg8[%get3A_490, %get3A_491] {strides = array<i32>} : memref<32x1024xf32, #tpu.memory_space<vmem>>, vector<1x16xf32>,
        %get3A_493 = vector.shape_cast %get3A_492 : vector<1x16xf32> to vector<16xf32>
        %mul3A_494 = arith.constant 3.200000e+01 : f32
        %mul3A_495 = vector.broadcast %mul3A_494 : f32 to vector<16xf32>
        %mul3A_496 = arith.mulf %get3A_493, %mul3A_495 : vector<16xf32>
        %swap3A_497 = arith.index_cast %scan3A_203 : i32 to index
        %swap3A_498 = arith.constant 384 : index
        %swap3A_499 = tpu.vector_load %arg8[%swap3A_497, %swap3A_498] {strides = array<i32>} : memref<32x1024xf32, #tpu.memory_space<vmem>>, vector<1x16xf32>,
        %swap3A_500 = vector.shape_cast %swap3A_499 : vector<1x16xf32> to vector<16xf32>
        %swap3A_501 = vector.shape_cast %mul3A_496 : vector<16xf32> to vector<1x16xf32>
        tpu.vector_store %arg8[%swap3A_497, %swap3A_498], %swap3A_501 {strides = array<i32>} : memref<32x1024xf32, #tpu.memory_space<vmem>>, vector<1x16xf32>,
        %get3A_502 = arith.index_cast %scan3A_203 : i32 to index
        %get3A_503 = arith.constant 400 : index
        %get3A_504 = tpu.vector_load %arg8[%get3A_502, %get3A_503] {strides = array<i32>} : memref<32x1024xf32, #tpu.memory_space<vmem>>, vector<1x16xf32>,
        %get3A_505 = vector.shape_cast %get3A_504 : vector<1x16xf32> to vector<16xf32>
        %mul3A_506 = arith.constant 3.200000e+01 : f32
        %mul3A_507 = vector.broadcast %mul3A_506 : f32 to vector<16xf32>
        %mul3A_508 = arith.mulf %get3A_505, %mul3A_507 : vector<16xf32>
        %swap3A_509 = arith.index_cast %scan3A_203 : i32 to index
        %swap3A_510 = arith.constant 400 : index
        %swap3A_511 = tpu.vector_load %arg8[%swap3A_509, %swap3A_510] {strides = array<i32>} : memref<32x1024xf32, #tpu.memory_space<vmem>>, vector<1x16xf32>,
        %swap3A_512 = vector.shape_cast %swap3A_511 : vector<1x16xf32> to vector<16xf32>
        %swap3A_513 = vector.shape_cast %mul3A_508 : vector<16xf32> to vector<1x16xf32>
        tpu.vector_store %arg8[%swap3A_509, %swap3A_510], %swap3A_513 {strides = array<i32>} : memref<32x1024xf32, #tpu.memory_space<vmem>>, vector<1x16xf32>,
        %get3A_514 = arith.index_cast %scan3A_203 : i32 to index
        %get3A_515 = arith.constant 416 : index
        %get3A_516 = tpu.vector_load %arg8[%get3A_514, %get3A_515] {strides = array<i32>} : memref<32x1024xf32, #tpu.memory_space<vmem>>, vector<1x16xf32>,
        %get3A_517 = vector.shape_cast %get3A_516 : vector<1x16xf32> to vector<16xf32>
        %mul3A_518 = arith.constant 3.200000e+01 : f32
        %mul3A_519 = vector.broadcast %mul3A_518 : f32 to vector<16xf32>
        %mul3A_520 = arith.mulf %get3A_517, %mul3A_519 : vector<16xf32>
        %swap3A_521 = arith.index_cast %scan3A_203 : i32 to index
        %swap3A_522 = arith.constant 416 : index
        %swap3A_523 = tpu.vector_load %arg8[%swap3A_521, %swap3A_522] {strides = array<i32>} : memref<32x1024xf32, #tpu.memory_space<vmem>>, vector<1x16xf32>,
        %swap3A_524 = vector.shape_cast %swap3A_523 : vector<1x16xf32> to vector<16xf32>
        %swap3A_525 = vector.shape_cast %mul3A_520 : vector<16xf32> to vector<1x16xf32>
        tpu.vector_store %arg8[%swap3A_521, %swap3A_522], %swap3A_525 {strides = array<i32>} : memref<32x1024xf32, #tpu.memory_space<vmem>>, vector<1x16xf32>,
        %get3A_526 = arith.index_cast %scan3A_203 : i32 to index
        %get3A_527 = arith.constant 432 : index
        %get3A_528 = tpu.vector_load %arg8[%get3A_526, %get3A_527] {strides = array<i32>} : memref<32x1024xf32, #tpu.memory_space<vmem>>, vector<1x16xf32>,
        %get3A_529 = vector.shape_cast %get3A_528 : vector<1x16xf32> to vector<16xf32>
        %mul3A_530 = arith.constant 3.200000e+01 : f32
        %mul3A_531 = vector.broadcast %mul3A_530 : f32 to vector<16xf32>
        %mul3A_532 = arith.mulf %get3A_529, %mul3A_531 : vector<16xf32>
        %swap3A_533 = arith.index_cast %scan3A_203 : i32 to index
        %swap3A_534 = arith.constant 432 : index
        %swap3A_535 = tpu.vector_load %arg8[%swap3A_533, %swap3A_534] {strides = array<i32>} : memref<32x1024xf32, #tpu.memory_space<vmem>>, vector<1x16xf32>,
        %swap3A_536 = vector.shape_cast %swap3A_535 : vector<1x16xf32> to vector<16xf32>
        %swap3A_537 = vector.shape_cast %mul3A_532 : vector<16xf32> to vector<1x16xf32>
        tpu.vector_store %arg8[%swap3A_533, %swap3A_534], %swap3A_537 {strides = array<i32>} : memref<32x1024xf32, #tpu.memory_space<vmem>>, vector<1x16xf32>,
        %get3A_538 = arith.index_cast %scan3A_203 : i32 to index
        %get3A_539 = arith.constant 448 : index
        %get3A_540 = tpu.vector_load %arg8[%get3A_538, %get3A_539] {strides = array<i32>} : memref<32x1024xf32, #tpu.memory_space<vmem>>, vector<1x16xf32>,
        %get3A_541 = vector.shape_cast %get3A_540 : vector<1x16xf32> to vector<16xf32>
        %mul3A_542 = arith.constant 3.200000e+01 : f32
        %mul3A_543 = vector.broadcast %mul3A_542 : f32 to vector<16xf32>
        %mul3A_544 = arith.mulf %get3A_541, %mul3A_543 : vector<16xf32>
        %swap3A_545 = arith.index_cast %scan3A_203 : i32 to index
        %swap3A_546 = arith.constant 448 : index
        %swap3A_547 = tpu.vector_load %arg8[%swap3A_545, %swap3A_546] {strides = array<i32>} : memref<32x1024xf32, #tpu.memory_space<vmem>>, vector<1x16xf32>,
        %swap3A_548 = vector.shape_cast %swap3A_547 : vector<1x16xf32> to vector<16xf32>
        %swap3A_549 = vector.shape_cast %mul3A_544 : vector<16xf32> to vector<1x16xf32>
        tpu.vector_store %arg8[%swap3A_545, %swap3A_546], %swap3A_549 {strides = array<i32>} : memref<32x1024xf32, #tpu.memory_space<vmem>>, vector<1x16xf32>,
        %get3A_550 = arith.index_cast %scan3A_203 : i32 to index
        %get3A_551 = arith.constant 464 : index
        %get3A_552 = tpu.vector_load %arg8[%get3A_550, %get3A_551] {strides = array<i32>} : memref<32x1024xf32, #tpu.memory_space<vmem>>, vector<1x16xf32>,
        %get3A_553 = vector.shape_cast %get3A_552 : vector<1x16xf32> to vector<16xf32>
        %mul3A_554 = arith.constant 3.200000e+01 : f32
        %mul3A_555 = vector.broadcast %mul3A_554 : f32 to vector<16xf32>
        %mul3A_556 = arith.mulf %get3A_553, %mul3A_555 : vector<16xf32>
        %swap3A_557 = arith.index_cast %scan3A_203 : i32 to index
        %swap3A_558 = arith.constant 464 : index
        %swap3A_559 = tpu.vector_load %arg8[%swap3A_557, %swap3A_558] {strides = array<i32>} : memref<32x1024xf32, #tpu.memory_space<vmem>>, vector<1x16xf32>,
        %swap3A_560 = vector.shape_cast %swap3A_559 : vector<1x16xf32> to vector<16xf32>
        %swap3A_561 = vector.shape_cast %mul3A_556 : vector<16xf32> to vector<1x16xf32>
        tpu.vector_store %arg8[%swap3A_557, %swap3A_558], %swap3A_561 {strides = array<i32>} : memref<32x1024xf32, #tpu.memory_space<vmem>>, vector<1x16xf32>,
        %get3A_562 = arith.index_cast %scan3A_203 : i32 to index
        %get3A_563 = arith.constant 480 : index
        %get3A_564 = tpu.vector_load %arg8[%get3A_562, %get3A_563] {strides = array<i32>} : memref<32x1024xf32, #tpu.memory_space<vmem>>, vector<1x16xf32>,
        %get3A_565 = vector.shape_cast %get3A_564 : vector<1x16xf32> to vector<16xf32>
        %mul3A_566 = arith.constant 3.200000e+01 : f32
        %mul3A_567 = vector.broadcast %mul3A_566 : f32 to vector<16xf32>
        %mul3A_568 = arith.mulf %get3A_565, %mul3A_567 : vector<16xf32>
        %swap3A_569 = arith.index_cast %scan3A_203 : i32 to index
        %swap3A_570 = arith.constant 480 : index
        %swap3A_571 = tpu.vector_load %arg8[%swap3A_569, %swap3A_570] {strides = array<i32>} : memref<32x1024xf32, #tpu.memory_space<vmem>>, vector<1x16xf32>,
        %swap3A_572 = vector.shape_cast %swap3A_571 : vector<1x16xf32> to vector<16xf32>
        %swap3A_573 = vector.shape_cast %mul3A_568 : vector<16xf32> to vector<1x16xf32>
        tpu.vector_store %arg8[%swap3A_569, %swap3A_570], %swap3A_573 {strides = array<i32>} : memref<32x1024xf32, #tpu.memory_space<vmem>>, vector<1x16xf32>,
        %get3A_574 = arith.index_cast %scan3A_203 : i32 to index
        %get3A_575 = arith.constant 496 : index
        %get3A_576 = tpu.vector_load %arg8[%get3A_574, %get3A_575] {strides = array<i32>} : memref<32x1024xf32, #tpu.memory_space<vmem>>, vector<1x16xf32>,
        %get3A_577 = vector.shape_cast %get3A_576 : vector<1x16xf32> to vector<16xf32>
        %mul3A_578 = arith.constant 3.200000e+01 : f32
        %mul3A_579 = vector.broadcast %mul3A_578 : f32 to vector<16xf32>
        %mul3A_580 = arith.mulf %get3A_577, %mul3A_579 : vector<16xf32>
        %swap3A_581 = arith.index_cast %scan3A_203 : i32 to index
        %swap3A_582 = arith.constant 496 : index
        %swap3A_583 = tpu.vector_load %arg8[%swap3A_581, %swap3A_582] {strides = array<i32>} : memref<32x1024xf32, #tpu.memory_space<vmem>>, vector<1x16xf32>,
        %swap3A_584 = vector.shape_cast %swap3A_583 : vector<1x16xf32> to vector<16xf32>
        %swap3A_585 = vector.shape_cast %mul3A_580 : vector<16xf32> to vector<1x16xf32>
        tpu.vector_store %arg8[%swap3A_581, %swap3A_582], %swap3A_585 {strides = array<i32>} : memref<32x1024xf32, #tpu.memory_space<vmem>>, vector<1x16xf32>,
        %get3A_586 = arith.index_cast %scan3A_203 : i32 to index
        %get3A_587 = arith.constant 512 : index
        %get3A_588 = tpu.vector_load %arg8[%get3A_586, %get3A_587] {strides = array<i32>} : memref<32x1024xf32, #tpu.memory_space<vmem>>, vector<1x16xf32>,
        %get3A_589 = vector.shape_cast %get3A_588 : vector<1x16xf32> to vector<16xf32>
        %mul3A_590 = arith.constant 3.200000e+01 : f32
        %mul3A_591 = vector.broadcast %mul3A_590 : f32 to vector<16xf32>
        %mul3A_592 = arith.mulf %get3A_589, %mul3A_591 : vector<16xf32>
        %swap3A_593 = arith.index_cast %scan3A_203 : i32 to index
        %swap3A_594 = arith.constant 512 : index
        %swap3A_595 = tpu.vector_load %arg8[%swap3A_593, %swap3A_594] {strides = array<i32>} : memref<32x1024xf32, #tpu.memory_space<vmem>>, vector<1x16xf32>,
        %swap3A_596 = vector.shape_cast %swap3A_595 : vector<1x16xf32> to vector<16xf32>
        %swap3A_597 = vector.shape_cast %mul3A_592 : vector<16xf32> to vector<1x16xf32>
        tpu.vector_store %arg8[%swap3A_593, %swap3A_594], %swap3A_597 {strides = array<i32>} : memref<32x1024xf32, #tpu.memory_space<vmem>>, vector<1x16xf32>,
        %get3A_598 = arith.index_cast %scan3A_203 : i32 to index
        %get3A_599 = arith.constant 528 : index
        %get3A_600 = tpu.vector_load %arg8[%get3A_598, %get3A_599] {strides = array<i32>} : memref<32x1024xf32, #tpu.memory_space<vmem>>, vector<1x16xf32>,
        %get3A_601 = vector.shape_cast %get3A_600 : vector<1x16xf32> to vector<16xf32>
        %mul3A_602 = arith.constant 3.200000e+01 : f32
        %mul3A_603 = vector.broadcast %mul3A_602 : f32 to vector<16xf32>
        %mul3A_604 = arith.mulf %get3A_601, %mul3A_603 : vector<16xf32>
        %swap3A_605 = arith.index_cast %scan3A_203 : i32 to index
        %swap3A_606 = arith.constant 528 : index
        %swap3A_607 = tpu.vector_load %arg8[%swap3A_605, %swap3A_606] {strides = array<i32>} : memref<32x1024xf32, #tpu.memory_space<vmem>>, vector<1x16xf32>,
        %swap3A_608 = vector.shape_cast %swap3A_607 : vector<1x16xf32> to vector<16xf32>
        %swap3A_609 = vector.shape_cast %mul3A_604 : vector<16xf32> to vector<1x16xf32>
        tpu.vector_store %arg8[%swap3A_605, %swap3A_606], %swap3A_609 {strides = array<i32>} : memref<32x1024xf32, #tpu.memory_space<vmem>>, vector<1x16xf32>,
        %get3A_610 = arith.index_cast %scan3A_203 : i32 to index
        %get3A_611 = arith.constant 544 : index
        %get3A_612 = tpu.vector_load %arg8[%get3A_610, %get3A_611] {strides = array<i32>} : memref<32x1024xf32, #tpu.memory_space<vmem>>, vector<1x16xf32>,
        %get3A_613 = vector.shape_cast %get3A_612 : vector<1x16xf32> to vector<16xf32>
        %mul3A_614 = arith.constant 3.200000e+01 : f32
        %mul3A_615 = vector.broadcast %mul3A_614 : f32 to vector<16xf32>
        %mul3A_616 = arith.mulf %get3A_613, %mul3A_615 : vector<16xf32>
        %swap3A_617 = arith.index_cast %scan3A_203 : i32 to index
        %swap3A_618 = arith.constant 544 : index
        %swap3A_619 = tpu.vector_load %arg8[%swap3A_617, %swap3A_618] {strides = array<i32>} : memref<32x1024xf32, #tpu.memory_space<vmem>>, vector<1x16xf32>,
        %swap3A_620 = vector.shape_cast %swap3A_619 : vector<1x16xf32> to vector<16xf32>
        %swap3A_621 = vector.shape_cast %mul3A_616 : vector<16xf32> to vector<1x16xf32>
        tpu.vector_store %arg8[%swap3A_617, %swap3A_618], %swap3A_621 {strides = array<i32>} : memref<32x1024xf32, #tpu.memory_space<vmem>>, vector<1x16xf32>,
        %get3A_622 = arith.index_cast %scan3A_203 : i32 to index
        %get3A_623 = arith.constant 560 : index
        %get3A_624 = tpu.vector_load %arg8[%get3A_622, %get3A_623] {strides = array<i32>} : memref<32x1024xf32, #tpu.memory_space<vmem>>, vector<1x16xf32>,
        %get3A_625 = vector.shape_cast %get3A_624 : vector<1x16xf32> to vector<16xf32>
        %mul3A_626 = arith.constant 3.200000e+01 : f32
        %mul3A_627 = vector.broadcast %mul3A_626 : f32 to vector<16xf32>
        %mul3A_628 = arith.mulf %get3A_625, %mul3A_627 : vector<16xf32>
        %swap3A_629 = arith.index_cast %scan3A_203 : i32 to index
        %swap3A_630 = arith.constant 560 : index
        %swap3A_631 = tpu.vector_load %arg8[%swap3A_629, %swap3A_630] {strides = array<i32>} : memref<32x1024xf32, #tpu.memory_space<vmem>>, vector<1x16xf32>,
        %swap3A_632 = vector.shape_cast %swap3A_631 : vector<1x16xf32> to vector<16xf32>
        %swap3A_633 = vector.shape_cast %mul3A_628 : vector<16xf32> to vector<1x16xf32>
        tpu.vector_store %arg8[%swap3A_629, %swap3A_630], %swap3A_633 {strides = array<i32>} : memref<32x1024xf32, #tpu.memory_space<vmem>>, vector<1x16xf32>,
        %get3A_634 = arith.index_cast %scan3A_203 : i32 to index
        %get3A_635 = arith.constant 576 : index
        %get3A_636 = tpu.vector_load %arg8[%get3A_634, %get3A_635] {strides = array<i32>} : memref<32x1024xf32, #tpu.memory_space<vmem>>, vector<1x16xf32>,
        %get3A_637 = vector.shape_cast %get3A_636 : vector<1x16xf32> to vector<16xf32>
        %mul3A_638 = arith.constant 3.200000e+01 : f32
        %mul3A_639 = vector.broadcast %mul3A_638 : f32 to vector<16xf32>
        %mul3A_640 = arith.mulf %get3A_637, %mul3A_639 : vector<16xf32>
        %swap3A_641 = arith.index_cast %scan3A_203 : i32 to index
        %swap3A_642 = arith.constant 576 : index
        %swap3A_643 = tpu.vector_load %arg8[%swap3A_641, %swap3A_642] {strides = array<i32>} : memref<32x1024xf32, #tpu.memory_space<vmem>>, vector<1x16xf32>,
        %swap3A_644 = vector.shape_cast %swap3A_643 : vector<1x16xf32> to vector<16xf32>
        %swap3A_645 = vector.shape_cast %mul3A_640 : vector<16xf32> to vector<1x16xf32>
        tpu.vector_store %arg8[%swap3A_641, %swap3A_642], %swap3A_645 {strides = array<i32>} : memref<32x1024xf32, #tpu.memory_space<vmem>>, vector<1x16xf32>,
        %get3A_646 = arith.index_cast %scan3A_203 : i32 to index
        %get3A_647 = arith.constant 592 : index
        %get3A_648 = tpu.vector_load %arg8[%get3A_646, %get3A_647] {strides = array<i32>} : memref<32x1024xf32, #tpu.memory_space<vmem>>, vector<1x16xf32>,
        %get3A_649 = vector.shape_cast %get3A_648 : vector<1x16xf32> to vector<16xf32>
        %mul3A_650 = arith.constant 3.200000e+01 : f32
        %mul3A_651 = vector.broadcast %mul3A_650 : f32 to vector<16xf32>
        %mul3A_652 = arith.mulf %get3A_649, %mul3A_651 : vector<16xf32>
        %swap3A_653 = arith.index_cast %scan3A_203 : i32 to index
        %swap3A_654 = arith.constant 592 : index
        %swap3A_655 = tpu.vector_load %arg8[%swap3A_653, %swap3A_654] {strides = array<i32>} : memref<32x1024xf32, #tpu.memory_space<vmem>>, vector<1x16xf32>,
        %swap3A_656 = vector.shape_cast %swap3A_655 : vector<1x16xf32> to vector<16xf32>
        %swap3A_657 = vector.shape_cast %mul3A_652 : vector<16xf32> to vector<1x16xf32>
        tpu.vector_store %arg8[%swap3A_653, %swap3A_654], %swap3A_657 {strides = array<i32>} : memref<32x1024xf32, #tpu.memory_space<vmem>>, vector<1x16xf32>,
        %get3A_658 = arith.index_cast %scan3A_203 : i32 to index
        %get3A_659 = arith.constant 608 : index
        %get3A_660 = tpu.vector_load %arg8[%get3A_658, %get3A_659] {strides = array<i32>} : memref<32x1024xf32, #tpu.memory_space<vmem>>, vector<1x16xf32>,
        %get3A_661 = vector.shape_cast %get3A_660 : vector<1x16xf32> to vector<16xf32>
        %mul3A_662 = arith.constant 3.200000e+01 : f32
        %mul3A_663 = vector.broadcast %mul3A_662 : f32 to vector<16xf32>
        %mul3A_664 = arith.mulf %get3A_661, %mul3A_663 : vector<16xf32>
        %swap3A_665 = arith.index_cast %scan3A_203 : i32 to index
        %swap3A_666 = arith.constant 608 : index
        %swap3A_667 = tpu.vector_load %arg8[%swap3A_665, %swap3A_666] {strides = array<i32>} : memref<32x1024xf32, #tpu.memory_space<vmem>>, vector<1x16xf32>,
        %swap3A_668 = vector.shape_cast %swap3A_667 : vector<1x16xf32> to vector<16xf32>
        %swap3A_669 = vector.shape_cast %mul3A_664 : vector<16xf32> to vector<1x16xf32>
        tpu.vector_store %arg8[%swap3A_665, %swap3A_666], %swap3A_669 {strides = array<i32>} : memref<32x1024xf32, #tpu.memory_space<vmem>>, vector<1x16xf32>,
        %get3A_670 = arith.index_cast %scan3A_203 : i32 to index
        %get3A_671 = arith.constant 624 : index
        %get3A_672 = tpu.vector_load %arg8[%get3A_670, %get3A_671] {strides = array<i32>} : memref<32x1024xf32, #tpu.memory_space<vmem>>, vector<1x16xf32>,
        %get3A_673 = vector.shape_cast %get3A_672 : vector<1x16xf32> to vector<16xf32>
        %mul3A_674 = arith.constant 3.200000e+01 : f32
        %mul3A_675 = vector.broadcast %mul3A_674 : f32 to vector<16xf32>
        %mul3A_676 = arith.mulf %get3A_673, %mul3A_675 : vector<16xf32>
        %swap3A_677 = arith.index_cast %scan3A_203 : i32 to index
        %swap3A_678 = arith.constant 624 : index
        %swap3A_679 = tpu.vector_load %arg8[%swap3A_677, %swap3A_678] {strides = array<i32>} : memref<32x1024xf32, #tpu.memory_space<vmem>>, vector<1x16xf32>,
        %swap3A_680 = vector.shape_cast %swap3A_679 : vector<1x16xf32> to vector<16xf32>
        %swap3A_681 = vector.shape_cast %mul3A_676 : vector<16xf32> to vector<1x16xf32>
        tpu.vector_store %arg8[%swap3A_677, %swap3A_678], %swap3A_681 {strides = array<i32>} : memref<32x1024xf32, #tpu.memory_space<vmem>>, vector<1x16xf32>,
        %get3A_682 = arith.index_cast %scan3A_203 : i32 to index
        %get3A_683 = arith.constant 640 : index
        %get3A_684 = tpu.vector_load %arg8[%get3A_682, %get3A_683] {strides = array<i32>} : memref<32x1024xf32, #tpu.memory_space<vmem>>, vector<1x16xf32>,
        %get3A_685 = vector.shape_cast %get3A_684 : vector<1x16xf32> to vector<16xf32>
        %mul3A_686 = arith.constant 3.200000e+01 : f32
        %mul3A_687 = vector.broadcast %mul3A_686 : f32 to vector<16xf32>
        %mul3A_688 = arith.mulf %get3A_685, %mul3A_687 : vector<16xf32>
        %swap3A_689 = arith.index_cast %scan3A_203 : i32 to index
        %swap3A_690 = arith.constant 640 : index
        %swap3A_691 = tpu.vector_load %arg8[%swap3A_689, %swap3A_690] {strides = array<i32>} : memref<32x1024xf32, #tpu.memory_space<vmem>>, vector<1x16xf32>,
        %swap3A_692 = vector.shape_cast %swap3A_691 : vector<1x16xf32> to vector<16xf32>
        %swap3A_693 = vector.shape_cast %mul3A_688 : vector<16xf32> to vector<1x16xf32>
        tpu.vector_store %arg8[%swap3A_689, %swap3A_690], %swap3A_693 {strides = array<i32>} : memref<32x1024xf32, #tpu.memory_space<vmem>>, vector<1x16xf32>,
        %get3A_694 = arith.index_cast %scan3A_203 : i32 to index
        %get3A_695 = arith.constant 656 : index
        %get3A_696 = tpu.vector_load %arg8[%get3A_694, %get3A_695] {strides = array<i32>} : memref<32x1024xf32, #tpu.memory_space<vmem>>, vector<1x16xf32>,
        %get3A_697 = vector.shape_cast %get3A_696 : vector<1x16xf32> to vector<16xf32>
        %mul3A_698 = arith.constant 3.200000e+01 : f32
        %mul3A_699 = vector.broadcast %mul3A_698 : f32 to vector<16xf32>
        %mul3A_700 = arith.mulf %get3A_697, %mul3A_699 : vector<16xf32>
        %swap3A_701 = arith.index_cast %scan3A_203 : i32 to index
        %swap3A_702 = arith.constant 656 : index
        %swap3A_703 = tpu.vector_load %arg8[%swap3A_701, %swap3A_702] {strides = array<i32>} : memref<32x1024xf32, #tpu.memory_space<vmem>>, vector<1x16xf32>,
        %swap3A_704 = vector.shape_cast %swap3A_703 : vector<1x16xf32> to vector<16xf32>
        %swap3A_705 = vector.shape_cast %mul3A_700 : vector<16xf32> to vector<1x16xf32>
        tpu.vector_store %arg8[%swap3A_701, %swap3A_702], %swap3A_705 {strides = array<i32>} : memref<32x1024xf32, #tpu.memory_space<vmem>>, vector<1x16xf32>,
        %get3A_706 = arith.index_cast %scan3A_203 : i32 to index
        %get3A_707 = arith.constant 672 : index
        %get3A_708 = tpu.vector_load %arg8[%get3A_706, %get3A_707] {strides = array<i32>} : memref<32x1024xf32, #tpu.memory_space<vmem>>, vector<1x16xf32>,
        %get3A_709 = vector.shape_cast %get3A_708 : vector<1x16xf32> to vector<16xf32>
        %mul3A_710 = arith.constant 3.200000e+01 : f32
        %mul3A_711 = vector.broadcast %mul3A_710 : f32 to vector<16xf32>
        %mul3A_712 = arith.mulf %get3A_709, %mul3A_711 : vector<16xf32>
        %swap3A_713 = arith.index_cast %scan3A_203 : i32 to index
        %swap3A_714 = arith.constant 672 : index
        %swap3A_715 = tpu.vector_load %arg8[%swap3A_713, %swap3A_714] {strides = array<i32>} : memref<32x1024xf32, #tpu.memory_space<vmem>>, vector<1x16xf32>,
        %swap3A_716 = vector.shape_cast %swap3A_715 : vector<1x16xf32> to vector<16xf32>
        %swap3A_717 = vector.shape_cast %mul3A_712 : vector<16xf32> to vector<1x16xf32>
        tpu.vector_store %arg8[%swap3A_713, %swap3A_714], %swap3A_717 {strides = array<i32>} : memref<32x1024xf32, #tpu.memory_space<vmem>>, vector<1x16xf32>,
        %get3A_718 = arith.index_cast %scan3A_203 : i32 to index
        %get3A_719 = arith.constant 688 : index
        %get3A_720 = tpu.vector_load %arg8[%get3A_718, %get3A_719] {strides = array<i32>} : memref<32x1024xf32, #tpu.memory_space<vmem>>, vector<1x16xf32>,
        %get3A_721 = vector.shape_cast %get3A_720 : vector<1x16xf32> to vector<16xf32>
        %mul3A_722 = arith.constant 3.200000e+01 : f32
        %mul3A_723 = vector.broadcast %mul3A_722 : f32 to vector<16xf32>
        %mul3A_724 = arith.mulf %get3A_721, %mul3A_723 : vector<16xf32>
        %swap3A_725 = arith.index_cast %scan3A_203 : i32 to index
        %swap3A_726 = arith.constant 688 : index
        %swap3A_727 = tpu.vector_load %arg8[%swap3A_725, %swap3A_726] {strides = array<i32>} : memref<32x1024xf32, #tpu.memory_space<vmem>>, vector<1x16xf32>,
        %swap3A_728 = vector.shape_cast %swap3A_727 : vector<1x16xf32> to vector<16xf32>
        %swap3A_729 = vector.shape_cast %mul3A_724 : vector<16xf32> to vector<1x16xf32>
        tpu.vector_store %arg8[%swap3A_725, %swap3A_726], %swap3A_729 {strides = array<i32>} : memref<32x1024xf32, #tpu.memory_space<vmem>>, vector<1x16xf32>,
        %get3A_730 = arith.index_cast %scan3A_203 : i32 to index
        %get3A_731 = arith.constant 704 : index
        %get3A_732 = tpu.vector_load %arg8[%get3A_730, %get3A_731] {strides = array<i32>} : memref<32x1024xf32, #tpu.memory_space<vmem>>, vector<1x16xf32>,
        %get3A_733 = vector.shape_cast %get3A_732 : vector<1x16xf32> to vector<16xf32>
        %mul3A_734 = arith.constant 3.200000e+01 : f32
        %mul3A_735 = vector.broadcast %mul3A_734 : f32 to vector<16xf32>
        %mul3A_736 = arith.mulf %get3A_733, %mul3A_735 : vector<16xf32>
        %swap3A_737 = arith.index_cast %scan3A_203 : i32 to index
        %swap3A_738 = arith.constant 704 : index
        %swap3A_739 = tpu.vector_load %arg8[%swap3A_737, %swap3A_738] {strides = array<i32>} : memref<32x1024xf32, #tpu.memory_space<vmem>>, vector<1x16xf32>,
        %swap3A_740 = vector.shape_cast %swap3A_739 : vector<1x16xf32> to vector<16xf32>
        %swap3A_741 = vector.shape_cast %mul3A_736 : vector<16xf32> to vector<1x16xf32>
        tpu.vector_store %arg8[%swap3A_737, %swap3A_738], %swap3A_741 {strides = array<i32>} : memref<32x1024xf32, #tpu.memory_space<vmem>>, vector<1x16xf32>,
        %get3A_742 = arith.index_cast %scan3A_203 : i32 to index
        %get3A_743 = arith.constant 720 : index
        %get3A_744 = tpu.vector_load %arg8[%get3A_742, %get3A_743] {strides = array<i32>} : memref<32x1024xf32, #tpu.memory_space<vmem>>, vector<1x16xf32>,
        %get3A_745 = vector.shape_cast %get3A_744 : vector<1x16xf32> to vector<16xf32>
        %mul3A_746 = arith.constant 3.200000e+01 : f32
        %mul3A_747 = vector.broadcast %mul3A_746 : f32 to vector<16xf32>
        %mul3A_748 = arith.mulf %get3A_745, %mul3A_747 : vector<16xf32>
        %swap3A_749 = arith.index_cast %scan3A_203 : i32 to index
        %swap3A_750 = arith.constant 720 : index
        %swap3A_751 = tpu.vector_load %arg8[%swap3A_749, %swap3A_750] {strides = array<i32>} : memref<32x1024xf32, #tpu.memory_space<vmem>>, vector<1x16xf32>,
        %swap3A_752 = vector.shape_cast %swap3A_751 : vector<1x16xf32> to vector<16xf32>
        %swap3A_753 = vector.shape_cast %mul3A_748 : vector<16xf32> to vector<1x16xf32>
        tpu.vector_store %arg8[%swap3A_749, %swap3A_750], %swap3A_753 {strides = array<i32>} : memref<32x1024xf32, #tpu.memory_space<vmem>>, vector<1x16xf32>,
        %get3A_754 = arith.index_cast %scan3A_203 : i32 to index
        %get3A_755 = arith.constant 736 : index
        %get3A_756 = tpu.vector_load %arg8[%get3A_754, %get3A_755] {strides = array<i32>} : memref<32x1024xf32, #tpu.memory_space<vmem>>, vector<1x16xf32>,
        %get3A_757 = vector.shape_cast %get3A_756 : vector<1x16xf32> to vector<16xf32>
        %mul3A_758 = arith.constant 3.200000e+01 : f32
        %mul3A_759 = vector.broadcast %mul3A_758 : f32 to vector<16xf32>
        %mul3A_760 = arith.mulf %get3A_757, %mul3A_759 : vector<16xf32>
        %swap3A_761 = arith.index_cast %scan3A_203 : i32 to index
        %swap3A_762 = arith.constant 736 : index
        %swap3A_763 = tpu.vector_load %arg8[%swap3A_761, %swap3A_762] {strides = array<i32>} : memref<32x1024xf32, #tpu.memory_space<vmem>>, vector<1x16xf32>,
        %swap3A_764 = vector.shape_cast %swap3A_763 : vector<1x16xf32> to vector<16xf32>
        %swap3A_765 = vector.shape_cast %mul3A_760 : vector<16xf32> to vector<1x16xf32>
        tpu.vector_store %arg8[%swap3A_761, %swap3A_762], %swap3A_765 {strides = array<i32>} : memref<32x1024xf32, #tpu.memory_space<vmem>>, vector<1x16xf32>,
        %get3A_766 = arith.index_cast %scan3A_203 : i32 to index
        %get3A_767 = arith.constant 752 : index
        %get3A_768 = tpu.vector_load %arg8[%get3A_766, %get3A_767] {strides = array<i32>} : memref<32x1024xf32, #tpu.memory_space<vmem>>, vector<1x16xf32>,
        %get3A_769 = vector.shape_cast %get3A_768 : vector<1x16xf32> to vector<16xf32>
        %mul3A_770 = arith.constant 3.200000e+01 : f32
        %mul3A_771 = vector.broadcast %mul3A_770 : f32 to vector<16xf32>
        %mul3A_772 = arith.mulf %get3A_769, %mul3A_771 : vector<16xf32>
        %swap3A_773 = arith.index_cast %scan3A_203 : i32 to index
        %swap3A_774 = arith.constant 752 : index
        %swap3A_775 = tpu.vector_load %arg8[%swap3A_773, %swap3A_774] {strides = array<i32>} : memref<32x1024xf32, #tpu.memory_space<vmem>>, vector<1x16xf32>,
        %swap3A_776 = vector.shape_cast %swap3A_775 : vector<1x16xf32> to vector<16xf32>
        %swap3A_777 = vector.shape_cast %mul3A_772 : vector<16xf32> to vector<1x16xf32>
        tpu.vector_store %arg8[%swap3A_773, %swap3A_774], %swap3A_777 {strides = array<i32>} : memref<32x1024xf32, #tpu.memory_space<vmem>>, vector<1x16xf32>,
        %get3A_778 = arith.index_cast %scan3A_203 : i32 to index
        %get3A_779 = arith.constant 768 : index
        %get3A_780 = tpu.vector_load %arg8[%get3A_778, %get3A_779] {strides = array<i32>} : memref<32x1024xf32, #tpu.memory_space<vmem>>, vector<1x16xf32>,
        %get3A_781 = vector.shape_cast %get3A_780 : vector<1x16xf32> to vector<16xf32>
        %mul3A_782 = arith.constant 3.200000e+01 : f32
        %mul3A_783 = vector.broadcast %mul3A_782 : f32 to vector<16xf32>
        %mul3A_784 = arith.mulf %get3A_781, %mul3A_783 : vector<16xf32>
        %swap3A_785 = arith.index_cast %scan3A_203 : i32 to index
        %swap3A_786 = arith.constant 768 : index
        %swap3A_787 = tpu.vector_load %arg8[%swap3A_785, %swap3A_786] {strides = array<i32>} : memref<32x1024xf32, #tpu.memory_space<vmem>>, vector<1x16xf32>,
        %swap3A_788 = vector.shape_cast %swap3A_787 : vector<1x16xf32> to vector<16xf32>
        %swap3A_789 = vector.shape_cast %mul3A_784 : vector<16xf32> to vector<1x16xf32>
        tpu.vector_store %arg8[%swap3A_785, %swap3A_786], %swap3A_789 {strides = array<i32>} : memref<32x1024xf32, #tpu.memory_space<vmem>>, vector<1x16xf32>,
        %get3A_790 = arith.index_cast %scan3A_203 : i32 to index
        %get3A_791 = arith.constant 784 : index
        %get3A_792 = tpu.vector_load %arg8[%get3A_790, %get3A_791] {strides = array<i32>} : memref<32x1024xf32, #tpu.memory_space<vmem>>, vector<1x16xf32>,
        %get3A_793 = vector.shape_cast %get3A_792 : vector<1x16xf32> to vector<16xf32>
        %mul3A_794 = arith.constant 3.200000e+01 : f32
        %mul3A_795 = vector.broadcast %mul3A_794 : f32 to vector<16xf32>
        %mul3A_796 = arith.mulf %get3A_793, %mul3A_795 : vector<16xf32>
        %swap3A_797 = arith.index_cast %scan3A_203 : i32 to index
        %swap3A_798 = arith.constant 784 : index
        %swap3A_799 = tpu.vector_load %arg8[%swap3A_797, %swap3A_798] {strides = array<i32>} : memref<32x1024xf32, #tpu.memory_space<vmem>>, vector<1x16xf32>,
        %swap3A_800 = vector.shape_cast %swap3A_799 : vector<1x16xf32> to vector<16xf32>
        %swap3A_801 = vector.shape_cast %mul3A_796 : vector<16xf32> to vector<1x16xf32>
        tpu.vector_store %arg8[%swap3A_797, %swap3A_798], %swap3A_801 {strides = array<i32>} : memref<32x1024xf32, #tpu.memory_space<vmem>>, vector<1x16xf32>,
        %get3A_802 = arith.index_cast %scan3A_203 : i32 to index
        %get3A_803 = arith.constant 800 : index
        %get3A_804 = tpu.vector_load %arg8[%get3A_802, %get3A_803] {strides = array<i32>} : memref<32x1024xf32, #tpu.memory_space<vmem>>, vector<1x16xf32>,
        %get3A_805 = vector.shape_cast %get3A_804 : vector<1x16xf32> to vector<16xf32>
        %mul3A_806 = arith.constant 3.200000e+01 : f32
        %mul3A_807 = vector.broadcast %mul3A_806 : f32 to vector<16xf32>
        %mul3A_808 = arith.mulf %get3A_805, %mul3A_807 : vector<16xf32>
        %swap3A_809 = arith.index_cast %scan3A_203 : i32 to index
        %swap3A_810 = arith.constant 800 : index
        %swap3A_811 = tpu.vector_load %arg8[%swap3A_809, %swap3A_810] {strides = array<i32>} : memref<32x1024xf32, #tpu.memory_space<vmem>>, vector<1x16xf32>,
        %swap3A_812 = vector.shape_cast %swap3A_811 : vector<1x16xf32> to vector<16xf32>
        %swap3A_813 = vector.shape_cast %mul3A_808 : vector<16xf32> to vector<1x16xf32>
        tpu.vector_store %arg8[%swap3A_809, %swap3A_810], %swap3A_813 {strides = array<i32>} : memref<32x1024xf32, #tpu.memory_space<vmem>>, vector<1x16xf32>,
        %get3A_814 = arith.index_cast %scan3A_203 : i32 to index
        %get3A_815 = arith.constant 816 : index
        %get3A_816 = tpu.vector_load %arg8[%get3A_814, %get3A_815] {strides = array<i32>} : memref<32x1024xf32, #tpu.memory_space<vmem>>, vector<1x16xf32>,
        %get3A_817 = vector.shape_cast %get3A_816 : vector<1x16xf32> to vector<16xf32>
        %mul3A_818 = arith.constant 3.200000e+01 : f32
        %mul3A_819 = vector.broadcast %mul3A_818 : f32 to vector<16xf32>
        %mul3A_820 = arith.mulf %get3A_817, %mul3A_819 : vector<16xf32>
        %swap3A_821 = arith.index_cast %scan3A_203 : i32 to index
        %swap3A_822 = arith.constant 816 : index
        %swap3A_823 = tpu.vector_load %arg8[%swap3A_821, %swap3A_822] {strides = array<i32>} : memref<32x1024xf32, #tpu.memory_space<vmem>>, vector<1x16xf32>,
        %swap3A_824 = vector.shape_cast %swap3A_823 : vector<1x16xf32> to vector<16xf32>
        %swap3A_825 = vector.shape_cast %mul3A_820 : vector<16xf32> to vector<1x16xf32>
        tpu.vector_store %arg8[%swap3A_821, %swap3A_822], %swap3A_825 {strides = array<i32>} : memref<32x1024xf32, #tpu.memory_space<vmem>>, vector<1x16xf32>,
        %get3A_826 = arith.index_cast %scan3A_203 : i32 to index
        %get3A_827 = arith.constant 832 : index
        %get3A_828 = tpu.vector_load %arg8[%get3A_826, %get3A_827] {strides = array<i32>} : memref<32x1024xf32, #tpu.memory_space<vmem>>, vector<1x16xf32>,
        %get3A_829 = vector.shape_cast %get3A_828 : vector<1x16xf32> to vector<16xf32>
        %mul3A_830 = arith.constant 3.200000e+01 : f32
        %mul3A_831 = vector.broadcast %mul3A_830 : f32 to vector<16xf32>
        %mul3A_832 = arith.mulf %get3A_829, %mul3A_831 : vector<16xf32>
        %swap3A_833 = arith.index_cast %scan3A_203 : i32 to index
        %swap3A_834 = arith.constant 832 : index
        %swap3A_835 = tpu.vector_load %arg8[%swap3A_833, %swap3A_834] {strides = array<i32>} : memref<32x1024xf32, #tpu.memory_space<vmem>>, vector<1x16xf32>,
        %swap3A_836 = vector.shape_cast %swap3A_835 : vector<1x16xf32> to vector<16xf32>
        %swap3A_837 = vector.shape_cast %mul3A_832 : vector<16xf32> to vector<1x16xf32>
        tpu.vector_store %arg8[%swap3A_833, %swap3A_834], %swap3A_837 {strides = array<i32>} : memref<32x1024xf32, #tpu.memory_space<vmem>>, vector<1x16xf32>,
        %get3A_838 = arith.index_cast %scan3A_203 : i32 to index
        %get3A_839 = arith.constant 848 : index
        %get3A_840 = tpu.vector_load %arg8[%get3A_838, %get3A_839] {strides = array<i32>} : memref<32x1024xf32, #tpu.memory_space<vmem>>, vector<1x16xf32>,
        %get3A_841 = vector.shape_cast %get3A_840 : vector<1x16xf32> to vector<16xf32>
        %mul3A_842 = arith.constant 3.200000e+01 : f32
        %mul3A_843 = vector.broadcast %mul3A_842 : f32 to vector<16xf32>
        %mul3A_844 = arith.mulf %get3A_841, %mul3A_843 : vector<16xf32>
        %swap3A_845 = arith.index_cast %scan3A_203 : i32 to index
        %swap3A_846 = arith.constant 848 : index
        %swap3A_847 = tpu.vector_load %arg8[%swap3A_845, %swap3A_846] {strides = array<i32>} : memref<32x1024xf32, #tpu.memory_space<vmem>>, vector<1x16xf32>,
        %swap3A_848 = vector.shape_cast %swap3A_847 : vector<1x16xf32> to vector<16xf32>
        %swap3A_849 = vector.shape_cast %mul3A_844 : vector<16xf32> to vector<1x16xf32>
        tpu.vector_store %arg8[%swap3A_845, %swap3A_846], %swap3A_849 {strides = array<i32>} : memref<32x1024xf32, #tpu.memory_space<vmem>>, vector<1x16xf32>,
        %get3A_850 = arith.index_cast %scan3A_203 : i32 to index
        %get3A_851 = arith.constant 864 : index
        %get3A_852 = tpu.vector_load %arg8[%get3A_850, %get3A_851] {strides = array<i32>} : memref<32x1024xf32, #tpu.memory_space<vmem>>, vector<1x16xf32>,
        %get3A_853 = vector.shape_cast %get3A_852 : vector<1x16xf32> to vector<16xf32>
        %mul3A_854 = arith.constant 3.200000e+01 : f32
        %mul3A_855 = vector.broadcast %mul3A_854 : f32 to vector<16xf32>
        %mul3A_856 = arith.mulf %get3A_853, %mul3A_855 : vector<16xf32>
        %swap3A_857 = arith.index_cast %scan3A_203 : i32 to index
        %swap3A_858 = arith.constant 864 : index
        %swap3A_859 = tpu.vector_load %arg8[%swap3A_857, %swap3A_858] {strides = array<i32>} : memref<32x1024xf32, #tpu.memory_space<vmem>>, vector<1x16xf32>,
        %swap3A_860 = vector.shape_cast %swap3A_859 : vector<1x16xf32> to vector<16xf32>
        %swap3A_861 = vector.shape_cast %mul3A_856 : vector<16xf32> to vector<1x16xf32>
        tpu.vector_store %arg8[%swap3A_857, %swap3A_858], %swap3A_861 {strides = array<i32>} : memref<32x1024xf32, #tpu.memory_space<vmem>>, vector<1x16xf32>,
        %get3A_862 = arith.index_cast %scan3A_203 : i32 to index
        %get3A_863 = arith.constant 880 : index
        %get3A_864 = tpu.vector_load %arg8[%get3A_862, %get3A_863] {strides = array<i32>} : memref<32x1024xf32, #tpu.memory_space<vmem>>, vector<1x16xf32>,
        %get3A_865 = vector.shape_cast %get3A_864 : vector<1x16xf32> to vector<16xf32>
        %mul3A_866 = arith.constant 3.200000e+01 : f32
        %mul3A_867 = vector.broadcast %mul3A_866 : f32 to vector<16xf32>
        %mul3A_868 = arith.mulf %get3A_865, %mul3A_867 : vector<16xf32>
        %swap3A_869 = arith.index_cast %scan3A_203 : i32 to index
        %swap3A_870 = arith.constant 880 : index
        %swap3A_871 = tpu.vector_load %arg8[%swap3A_869, %swap3A_870] {strides = array<i32>} : memref<32x1024xf32, #tpu.memory_space<vmem>>, vector<1x16xf32>,
        %swap3A_872 = vector.shape_cast %swap3A_871 : vector<1x16xf32> to vector<16xf32>
        %swap3A_873 = vector.shape_cast %mul3A_868 : vector<16xf32> to vector<1x16xf32>
        tpu.vector_store %arg8[%swap3A_869, %swap3A_870], %swap3A_873 {strides = array<i32>} : memref<32x1024xf32, #tpu.memory_space<vmem>>, vector<1x16xf32>,
        %get3A_874 = arith.index_cast %scan3A_203 : i32 to index
        %get3A_875 = arith.constant 896 : index
        %get3A_876 = tpu.vector_load %arg8[%get3A_874, %get3A_875] {strides = array<i32>} : memref<32x1024xf32, #tpu.memory_space<vmem>>, vector<1x16xf32>,
        %get3A_877 = vector.shape_cast %get3A_876 : vector<1x16xf32> to vector<16xf32>
        %mul3A_878 = arith.constant 3.200000e+01 : f32
        %mul3A_879 = vector.broadcast %mul3A_878 : f32 to vector<16xf32>
        %mul3A_880 = arith.mulf %get3A_877, %mul3A_879 : vector<16xf32>
        %swap3A_881 = arith.index_cast %scan3A_203 : i32 to index
        %swap3A_882 = arith.constant 896 : index
        %swap3A_883 = tpu.vector_load %arg8[%swap3A_881, %swap3A_882] {strides = array<i32>} : memref<32x1024xf32, #tpu.memory_space<vmem>>, vector<1x16xf32>,
        %swap3A_884 = vector.shape_cast %swap3A_883 : vector<1x16xf32> to vector<16xf32>
        %swap3A_885 = vector.shape_cast %mul3A_880 : vector<16xf32> to vector<1x16xf32>
        tpu.vector_store %arg8[%swap3A_881, %swap3A_882], %swap3A_885 {strides = array<i32>} : memref<32x1024xf32, #tpu.memory_space<vmem>>, vector<1x16xf32>,
        %get3A_886 = arith.index_cast %scan3A_203 : i32 to index
        %get3A_887 = arith.constant 912 : index
        %get3A_888 = tpu.vector_load %arg8[%get3A_886, %get3A_887] {strides = array<i32>} : memref<32x1024xf32, #tpu.memory_space<vmem>>, vector<1x16xf32>,
        %get3A_889 = vector.shape_cast %get3A_888 : vector<1x16xf32> to vector<16xf32>
        %mul3A_890 = arith.constant 3.200000e+01 : f32
        %mul3A_891 = vector.broadcast %mul3A_890 : f32 to vector<16xf32>
        %mul3A_892 = arith.mulf %get3A_889, %mul3A_891 : vector<16xf32>
        %swap3A_893 = arith.index_cast %scan3A_203 : i32 to index
        %swap3A_894 = arith.constant 912 : index
        %swap3A_895 = tpu.vector_load %arg8[%swap3A_893, %swap3A_894] {strides = array<i32>} : memref<32x1024xf32, #tpu.memory_space<vmem>>, vector<1x16xf32>,
        %swap3A_896 = vector.shape_cast %swap3A_895 : vector<1x16xf32> to vector<16xf32>
        %swap3A_897 = vector.shape_cast %mul3A_892 : vector<16xf32> to vector<1x16xf32>
        tpu.vector_store %arg8[%swap3A_893, %swap3A_894], %swap3A_897 {strides = array<i32>} : memref<32x1024xf32, #tpu.memory_space<vmem>>, vector<1x16xf32>,
        %get3A_898 = arith.index_cast %scan3A_203 : i32 to index
        %get3A_899 = arith.constant 928 : index
        %get3A_900 = tpu.vector_load %arg8[%get3A_898, %get3A_899] {strides = array<i32>} : memref<32x1024xf32, #tpu.memory_space<vmem>>, vector<1x16xf32>,
        %get3A_901 = vector.shape_cast %get3A_900 : vector<1x16xf32> to vector<16xf32>
        %mul3A_902 = arith.constant 3.200000e+01 : f32
        %mul3A_903 = vector.broadcast %mul3A_902 : f32 to vector<16xf32>
        %mul3A_904 = arith.mulf %get3A_901, %mul3A_903 : vector<16xf32>
        %swap3A_905 = arith.index_cast %scan3A_203 : i32 to index
        %swap3A_906 = arith.constant 928 : index
        %swap3A_907 = tpu.vector_load %arg8[%swap3A_905, %swap3A_906] {strides = array<i32>} : memref<32x1024xf32, #tpu.memory_space<vmem>>, vector<1x16xf32>,
        %swap3A_908 = vector.shape_cast %swap3A_907 : vector<1x16xf32> to vector<16xf32>
        %swap3A_909 = vector.shape_cast %mul3A_904 : vector<16xf32> to vector<1x16xf32>
        tpu.vector_store %arg8[%swap3A_905, %swap3A_906], %swap3A_909 {strides = array<i32>} : memref<32x1024xf32, #tpu.memory_space<vmem>>, vector<1x16xf32>,
        %get3A_910 = arith.index_cast %scan3A_203 : i32 to index
        %get3A_911 = arith.constant 944 : index
        %get3A_912 = tpu.vector_load %arg8[%get3A_910, %get3A_911] {strides = array<i32>} : memref<32x1024xf32, #tpu.memory_space<vmem>>, vector<1x16xf32>,
        %get3A_913 = vector.shape_cast %get3A_912 : vector<1x16xf32> to vector<16xf32>
        %mul3A_914 = arith.constant 3.200000e+01 : f32
        %mul3A_915 = vector.broadcast %mul3A_914 : f32 to vector<16xf32>
        %mul3A_916 = arith.mulf %get3A_913, %mul3A_915 : vector<16xf32>
        %swap3A_917 = arith.index_cast %scan3A_203 : i32 to index
        %swap3A_918 = arith.constant 944 : index
        %swap3A_919 = tpu.vector_load %arg8[%swap3A_917, %swap3A_918] {strides = array<i32>} : memref<32x1024xf32, #tpu.memory_space<vmem>>, vector<1x16xf32>,
        %swap3A_920 = vector.shape_cast %swap3A_919 : vector<1x16xf32> to vector<16xf32>
        %swap3A_921 = vector.shape_cast %mul3A_916 : vector<16xf32> to vector<1x16xf32>
        tpu.vector_store %arg8[%swap3A_917, %swap3A_918], %swap3A_921 {strides = array<i32>} : memref<32x1024xf32, #tpu.memory_space<vmem>>, vector<1x16xf32>,
        %get3A_922 = arith.index_cast %scan3A_203 : i32 to index
        %get3A_923 = arith.constant 960 : index
        %get3A_924 = tpu.vector_load %arg8[%get3A_922, %get3A_923] {strides = array<i32>} : memref<32x1024xf32, #tpu.memory_space<vmem>>, vector<1x16xf32>,
        %get3A_925 = vector.shape_cast %get3A_924 : vector<1x16xf32> to vector<16xf32>
        %mul3A_926 = arith.constant 3.200000e+01 : f32
        %mul3A_927 = vector.broadcast %mul3A_926 : f32 to vector<16xf32>
        %mul3A_928 = arith.mulf %get3A_925, %mul3A_927 : vector<16xf32>
        %swap3A_929 = arith.index_cast %scan3A_203 : i32 to index
        %swap3A_930 = arith.constant 960 : index
        %swap3A_931 = tpu.vector_load %arg8[%swap3A_929, %swap3A_930] {strides = array<i32>} : memref<32x1024xf32, #tpu.memory_space<vmem>>, vector<1x16xf32>,
        %swap3A_932 = vector.shape_cast %swap3A_931 : vector<1x16xf32> to vector<16xf32>
        %swap3A_933 = vector.shape_cast %mul3A_928 : vector<16xf32> to vector<1x16xf32>
        tpu.vector_store %arg8[%swap3A_929, %swap3A_930], %swap3A_933 {strides = array<i32>} : memref<32x1024xf32, #tpu.memory_space<vmem>>, vector<1x16xf32>,
        %get3A_934 = arith.index_cast %scan3A_203 : i32 to index
        %get3A_935 = arith.constant 976 : index
        %get3A_936 = tpu.vector_load %arg8[%get3A_934, %get3A_935] {strides = array<i32>} : memref<32x1024xf32, #tpu.memory_space<vmem>>, vector<1x16xf32>,
        %get3A_937 = vector.shape_cast %get3A_936 : vector<1x16xf32> to vector<16xf32>
        %mul3A_938 = arith.constant 3.200000e+01 : f32
        %mul3A_939 = vector.broadcast %mul3A_938 : f32 to vector<16xf32>
        %mul3A_940 = arith.mulf %get3A_937, %mul3A_939 : vector<16xf32>
        %swap3A_941 = arith.index_cast %scan3A_203 : i32 to index
        %swap3A_942 = arith.constant 976 : index
        %swap3A_943 = tpu.vector_load %arg8[%swap3A_941, %swap3A_942] {strides = array<i32>} : memref<32x1024xf32, #tpu.memory_space<vmem>>, vector<1x16xf32>,
        %swap3A_944 = vector.shape_cast %swap3A_943 : vector<1x16xf32> to vector<16xf32>
        %swap3A_945 = vector.shape_cast %mul3A_940 : vector<16xf32> to vector<1x16xf32>
        tpu.vector_store %arg8[%swap3A_941, %swap3A_942], %swap3A_945 {strides = array<i32>} : memref<32x1024xf32, #tpu.memory_space<vmem>>, vector<1x16xf32>,
        %get3A_946 = arith.index_cast %scan3A_203 : i32 to index
        %get3A_947 = arith.constant 992 : index
        %get3A_948 = tpu.vector_load %arg8[%get3A_946, %get3A_947] {strides = array<i32>} : memref<32x1024xf32, #tpu.memory_space<vmem>>, vector<1x16xf32>,
        %get3A_949 = vector.shape_cast %get3A_948 : vector<1x16xf32> to vector<16xf32>
        %mul3A_950 = arith.constant 3.200000e+01 : f32
        %mul3A_951 = vector.broadcast %mul3A_950 : f32 to vector<16xf32>
        %mul3A_952 = arith.mulf %get3A_949, %mul3A_951 : vector<16xf32>
        %swap3A_953 = arith.index_cast %scan3A_203 : i32 to index
        %swap3A_954 = arith.constant 992 : index
        %swap3A_955 = tpu.vector_load %arg8[%swap3A_953, %swap3A_954] {strides = array<i32>} : memref<32x1024xf32, #tpu.memory_space<vmem>>, vector<1x16xf32>,
        %swap3A_956 = vector.shape_cast %swap3A_955 : vector<1x16xf32> to vector<16xf32>
        %swap3A_957 = vector.shape_cast %mul3A_952 : vector<16xf32> to vector<1x16xf32>
        tpu.vector_store %arg8[%swap3A_953, %swap3A_954], %swap3A_957 {strides = array<i32>} : memref<32x1024xf32, #tpu.memory_space<vmem>>, vector<1x16xf32>,
        %get3A_958 = arith.index_cast %scan3A_203 : i32 to index
        %get3A_959 = arith.constant 1008 : index
        %get3A_960 = tpu.vector_load %arg8[%get3A_958, %get3A_959] {strides = array<i32>} : memref<32x1024xf32, #tpu.memory_space<vmem>>, vector<1x16xf32>,
        %get3A_961 = vector.shape_cast %get3A_960 : vector<1x16xf32> to vector<16xf32>
        %mul3A_962 = arith.constant 3.200000e+01 : f32
        %mul3A_963 = vector.broadcast %mul3A_962 : f32 to vector<16xf32>
        %mul3A_964 = arith.mulf %get3A_961, %mul3A_963 : vector<16xf32>
        %swap3A_965 = arith.index_cast %scan3A_203 : i32 to index
        %swap3A_966 = arith.constant 1008 : index
        %swap3A_967 = tpu.vector_load %arg8[%swap3A_965, %swap3A_966] {strides = array<i32>} : memref<32x1024xf32, #tpu.memory_space<vmem>>, vector<1x16xf32>,
        %swap3A_968 = vector.shape_cast %swap3A_967 : vector<1x16xf32> to vector<16xf32>
        %swap3A_969 = vector.shape_cast %mul3A_964 : vector<16xf32> to vector<1x16xf32>
        tpu.vector_store %arg8[%swap3A_965, %swap3A_966], %swap3A_969 {strides = array<i32>} : memref<32x1024xf32, #tpu.memory_space<vmem>>, vector<1x16xf32>,
      }
      %scan3A_186 = arith.constant 32 : i32
      %mul3A_187 = arith.constant 32 : i32
      %mul3A_188 = arith.muli %add3A_174, %mul3A_187 : i32
      %add3A_189 = arith.addi %mul3A_32, %mul3A_188 : i32
      %dma_start3A_190 = arith.constant 0 : i32
      %dma_start3A_191 = tpu.memref_slice %arg4[%select_n3A, %add3A_189, %dma_start3A_190] : memref<4x8192x1024xf32, #tpu.memory_space<hbm>> -> memref<1x32x1024xf32, #tpu.memory_space<hbm>>
      %dma_start3A_192 = tpu.memref_squeeze %dma_start3A_191 : memref<1x32x1024xf32, #tpu.memory_space<hbm>> -> memref<32x1024xf32, #tpu.memory_space<hbm>>
      %dma_start3A_193 = arith.constant 0 : i32
      %dma_start3A_194 = tpu.memref_slice %arg4[%select_n3A, %add3A_189, %dma_start3A_193] : memref<4x8192x1024xf32, #tpu.memory_space<hbm>> -> memref<1x32x1024xf32, #tpu.memory_space<hbm>>
      %dma_start3A_195 = tpu.memref_squeeze %dma_start3A_194 : memref<1x32x1024xf32, #tpu.memory_space<hbm>> -> memref<32x1024xf32, #tpu.memory_space<hbm>>
      tpu.enqueue_dma source(%arg8 : memref<32x1024xf32, #tpu.memory_space<vmem>>) target(%dma_start3A_195 : memref<32x1024xf32, #tpu.memory_space<hbm>>) target_semaphore(%arg14 : memref<!tpu.dma_semaphore, #tpu.memory_space<semaphore_mem>>)
      %add3A_196 = arith.constant 2 : i32
      %add3A_197 = arith.addi %add3A_174, %add3A_196 : i32
      %lt3A_198 = arith.constant 32 : i32
      %lt3A_199 = arith.cmpi slt, %add3A_197, %lt3A_198 : i32
      %convert_element_type3A_200 = arith.extui %lt3A_199 : i1 to i32
      %cond3A_201 = arith.constant 0 : i32
      %cond3A_202 = arith.cmpi ne, %convert_element_type3A_200, %cond3A_201 : i32
      scf.if %cond3A_202 {
        %ge3A = arith.constant 3 : i32
        %ge3A_203 = arith.cmpi sge, %add3A_197, %ge3A : i32
        %convert_element_type3A_204 = arith.extui %ge3A_203 : i1 to i32
        %cond3A_205 = arith.constant 0 : i32
        %cond3A_206 = arith.cmpi ne, %convert_element_type3A_204, %cond3A_205 : i32
        scf.if %cond3A_206 {
          %sub3A_213 = arith.constant 3 : i32
          %sub3A_214 = arith.subi %add3A_197, %sub3A_213 : i32
          %mul3A_215 = arith.constant 32 : i32
          %mul3A_216 = arith.muli %sub3A_214, %mul3A_215 : i32
          %add3A_217 = arith.addi %mul3A_32, %mul3A_216 : i32
          %dma_wait3A_218 = arith.constant 0 : i32
          %dma_wait3A_219 = tpu.memref_slice %arg4[%select_n3A, %add3A_217, %dma_wait3A_218] : memref<4x8192x1024xf32, #tpu.memory_space<hbm>> -> memref<1x32x1024xf32, #tpu.memory_space<hbm>>
          %dma_wait3A_220 = tpu.memref_squeeze %dma_wait3A_219 : memref<1x32x1024xf32, #tpu.memory_space<hbm>> -> memref<32x1024xf32, #tpu.memory_space<hbm>>
          %dma_wait3A_221 = arith.constant 0 : i32
          %dma_wait3A_222 = tpu.memref_slice %arg4[%select_n3A, %add3A_217, %dma_wait3A_221] : memref<4x8192x1024xf32, #tpu.memory_space<hbm>> -> memref<1x32x1024xf32, #tpu.memory_space<hbm>>
          %dma_wait3A_223 = tpu.memref_squeeze %dma_wait3A_222 : memref<1x32x1024xf32, #tpu.memory_space<hbm>> -> memref<32x1024xf32, #tpu.memory_space<hbm>>
          tpu.wait_dma2 semaphore(%arg13 : memref<!tpu.dma_semaphore, #tpu.memory_space<semaphore_mem>>) src(%arg7 : memref<32x1024xf32, #tpu.memory_space<vmem>>) dst(%dma_wait3A_223 : memref<32x1024xf32, #tpu.memory_space<hbm>>)
        } else {
        }
        %mul3A_207 = arith.constant 32 : i32
        %mul3A_208 = arith.muli %add3A_197, %mul3A_207 : i32
        %dma_start3A_209 = tpu.memref_slice %arg5[%mul3A_208] : memref<1024xi32, #tpu.memory_space<vmem>> -> memref<32xi32, #tpu.memory_space<vmem>>
        %dma_start3A_210 = arith.constant 0 : i32
        %dma_start3A_211 = arith.constant 0 : i32
        %dma_start3A_212 = tpu.memref_slice %arg3[%dma_start3A_210, %dma_start3A_211] : memref<100000x1024xf32, #tpu.memory_space<hbm>> -> memref<100000x1024xf32, #tpu.memory_space<hbm>>
        tpu.enqueue_indirect_dma source(%dma_start3A_212 : memref<100000x1024xf32, #tpu.memory_space<hbm>>) target(%arg7 : memref<32x1024xf32, #tpu.memory_space<vmem>>) offsets(%dma_start3A_209 : memref<32xi32, #tpu.memory_space<vmem>>) semaphore(%arg10 : memref<!tpu.dma_semaphore, #tpu.memory_space<semaphore_mem>>)
      } else {
      }
    }
    %scan3A_46 = arith.constant 10 : i32
    %dma_wait3A = arith.constant 960 : i32
    %dma_wait3A_47 = tpu.memref_slice %arg5[%dma_wait3A] : memref<1024xi32, #tpu.memory_space<vmem>> -> memref<32xi32, #tpu.memory_space<vmem>>
    %dma_wait3A_48 = arith.constant 0 : i32
    %dma_wait3A_49 = arith.constant 0 : i32
    %dma_wait3A_50 = tpu.memref_slice %arg3[%dma_wait3A_48, %dma_wait3A_49] : memref<100000x1024xf32, #tpu.memory_space<hbm>> -> memref<100000x1024xf32, #tpu.memory_space<hbm>>
    tpu.wait_indirect_dma semaphore(%arg9 : memref<!tpu.dma_semaphore, #tpu.memory_space<semaphore_mem>>) src(%dma_wait3A_50 : memref<100000x1024xf32, #tpu.memory_space<hbm>>) dst(%arg6 : memref<32x1024xf32, #tpu.memory_space<vmem>>)
    %scan3A_51 = arith.constant 0 : i32
    %scan3A_52 = arith.constant 0 : i32
    %scan3A_53 = arith.constant 32 : i32
    %scan3A_54 = arith.addi %scan3A_52, %scan3A_53 : i32
    %scan3A_55 = arith.constant 1 : i32
    scf.for %scan3A_108 = %scan3A_52 to %scan3A_54 step %scan3A_55  : i32 {
      %get3A = arith.index_cast %scan3A_108 : i32 to index
      %get3A_109 = arith.constant 0 : index
      %get3A_110 = tpu.vector_load %arg6[%get3A, %get3A_109] {strides = array<i32>} : memref<32x1024xf32, #tpu.memory_space<vmem>>, vector<1x16xf32>,
      %get3A_111 = vector.shape_cast %get3A_110 : vector<1x16xf32> to vector<16xf32>
      %mul3A_112 = arith.constant 3.200000e+01 : f32
      %mul3A_113 = vector.broadcast %mul3A_112 : f32 to vector<16xf32>
      %mul3A_114 = arith.mulf %get3A_111, %mul3A_113 : vector<16xf32>
      %swap3A = arith.index_cast %scan3A_108 : i32 to index
      %swap3A_115 = arith.constant 0 : index
      %swap3A_116 = tpu.vector_load %arg6[%swap3A, %swap3A_115] {strides = array<i32>} : memref<32x1024xf32, #tpu.memory_space<vmem>>, vector<1x16xf32>,
      %swap3A_117 = vector.shape_cast %swap3A_116 : vector<1x16xf32> to vector<16xf32>
      %swap3A_118 = vector.shape_cast %mul3A_114 : vector<16xf32> to vector<1x16xf32>
      tpu.vector_store %arg6[%swap3A, %swap3A_115], %swap3A_118 {strides = array<i32>} : memref<32x1024xf32, #tpu.memory_space<vmem>>, vector<1x16xf32>,
      %get3A_119 = arith.index_cast %scan3A_108 : i32 to index
      %get3A_120 = arith.constant 16 : index
      %get3A_121 = tpu.vector_load %arg6[%get3A_119, %get3A_120] {strides = array<i32>} : memref<32x1024xf32, #tpu.memory_space<vmem>>, vector<1x16xf32>,
      %get3A_122 = vector.shape_cast %get3A_121 : vector<1x16xf32> to vector<16xf32>
      %mul3A_123 = arith.constant 3.200000e+01 : f32
      %mul3A_124 = vector.broadcast %mul3A_123 : f32 to vector<16xf32>
      %mul3A_125 = arith.mulf %get3A_122, %mul3A_124 : vector<16xf32>
      %swap3A_126 = arith.index_cast %scan3A_108 : i32 to index
      %swap3A_127 = arith.constant 16 : index
      %swap3A_128 = tpu.vector_load %arg6[%swap3A_126, %swap3A_127] {strides = array<i32>} : memref<32x1024xf32, #tpu.memory_space<vmem>>, vector<1x16xf32>,
      %swap3A_129 = vector.shape_cast %swap3A_128 : vector<1x16xf32> to vector<16xf32>
      %swap3A_130 = vector.shape_cast %mul3A_125 : vector<16xf32> to vector<1x16xf32>
      tpu.vector_store %arg6[%swap3A_126, %swap3A_127], %swap3A_130 {strides = array<i32>} : memref<32x1024xf32, #tpu.memory_space<vmem>>, vector<1x16xf32>,
      %get3A_131 = arith.index_cast %scan3A_108 : i32 to index
      %get3A_132 = arith.constant 32 : index
      %get3A_133 = tpu.vector_load %arg6[%get3A_131, %get3A_132] {strides = array<i32>} : memref<32x1024xf32, #tpu.memory_space<vmem>>, vector<1x16xf32>,
      %get3A_134 = vector.shape_cast %get3A_133 : vector<1x16xf32> to vector<16xf32>
      %mul3A_135 = arith.constant 3.200000e+01 : f32
      %mul3A_136 = vector.broadcast %mul3A_135 : f32 to vector<16xf32>
      %mul3A_137 = arith.mulf %get3A_134, %mul3A_136 : vector<16xf32>
      %swap3A_138 = arith.index_cast %scan3A_108 : i32 to index
      %swap3A_139 = arith.constant 32 : index
      %swap3A_140 = tpu.vector_load %arg6[%swap3A_138, %swap3A_139] {strides = array<i32>} : memref<32x1024xf32, #tpu.memory_space<vmem>>, vector<1x16xf32>,
      %swap3A_141 = vector.shape_cast %swap3A_140 : vector<1x16xf32> to vector<16xf32>
      %swap3A_142 = vector.shape_cast %mul3A_137 : vector<16xf32> to vector<1x16xf32>
      tpu.vector_store %arg6[%swap3A_138, %swap3A_139], %swap3A_142 {strides = array<i32>} : memref<32x1024xf32, #tpu.memory_space<vmem>>, vector<1x16xf32>,
      %get3A_143 = arith.index_cast %scan3A_108 : i32 to index
      %get3A_144 = arith.constant 48 : index
      %get3A_145 = tpu.vector_load %arg6[%get3A_143, %get3A_144] {strides = array<i32>} : memref<32x1024xf32, #tpu.memory_space<vmem>>, vector<1x16xf32>,
      %get3A_146 = vector.shape_cast %get3A_145 : vector<1x16xf32> to vector<16xf32>
      %mul3A_147 = arith.constant 3.200000e+01 : f32
      %mul3A_148 = vector.broadcast %mul3A_147 : f32 to vector<16xf32>
      %mul3A_149 = arith.mulf %get3A_146, %mul3A_148 : vector<16xf32>
      %swap3A_150 = arith.index_cast %scan3A_108 : i32 to index
      %swap3A_151 = arith.constant 48 : index
      %swap3A_152 = tpu.vector_load %arg6[%swap3A_150, %swap3A_151] {strides = array<i32>} : memref<32x1024xf32, #tpu.memory_space<vmem>>, vector<1x16xf32>,
      %swap3A_153 = vector.shape_cast %swap3A_152 : vector<1x16xf32> to vector<16xf32>
      %swap3A_154 = vector.shape_cast %mul3A_149 : vector<16xf32> to vector<1x16xf32>
      tpu.vector_store %arg6[%swap3A_150, %swap3A_151], %swap3A_154 {strides = array<i32>} : memref<32x1024xf32, #tpu.memory_space<vmem>>, vector<1x16xf32>,
      %get3A_155 = arith.index_cast %scan3A_108 : i32 to index
      %get3A_156 = arith.constant 64 : index
      %get3A_157 = tpu.vector_load %arg6[%get3A_155, %get3A_156] {strides = array<i32>} : memref<32x1024xf32, #tpu.memory_space<vmem>>, vector<1x16xf32>,
      %get3A_158 = vector.shape_cast %get3A_157 : vector<1x16xf32> to vector<16xf32>
      %mul3A_159 = arith.constant 3.200000e+01 : f32
      %mul3A_160 = vector.broadcast %mul3A_159 : f32 to vector<16xf32>
      %mul3A_161 = arith.mulf %get3A_158, %mul3A_160 : vector<16xf32>
      %swap3A_162 = arith.index_cast %scan3A_108 : i32 to index
      %swap3A_163 = arith.constant 64 : index
      %swap3A_164 = tpu.vector_load %arg6[%swap3A_162, %swap3A_163] {strides = array<i32>} : memref<32x1024xf32, #tpu.memory_space<vmem>>, vector<1x16xf32>,
      %swap3A_165 = vector.shape_cast %swap3A_164 : vector<1x16xf32> to vector<16xf32>
      %swap3A_166 = vector.shape_cast %mul3A_161 : vector<16xf32> to vector<1x16xf32>
      tpu.vector_store %arg6[%swap3A_162, %swap3A_163], %swap3A_166 {strides = array<i32>} : memref<32x1024xf32, #tpu.memory_space<vmem>>, vector<1x16xf32>,
      %get3A_167 = arith.index_cast %scan3A_108 : i32 to index
      %get3A_168 = arith.constant 80 : index
      %get3A_169 = tpu.vector_load %arg6[%get3A_167, %get3A_168] {strides = array<i32>} : memref<32x1024xf32, #tpu.memory_space<vmem>>, vector<1x16xf32>,
      %get3A_170 = vector.shape_cast %get3A_169 : vector<1x16xf32> to vector<16xf32>
      %mul3A_171 = arith.constant 3.200000e+01 : f32
      %mul3A_172 = vector.broadcast %mul3A_171 : f32 to vector<16xf32>
      %mul3A_173 = arith.mulf %get3A_170, %mul3A_172 : vector<16xf32>
      %swap3A_174 = arith.index_cast %scan3A_108 : i32 to index
      %swap3A_175 = arith.constant 80 : index
      %swap3A_176 = tpu.vector_load %arg6[%swap3A_174, %swap3A_175] {strides = array<i32>} : memref<32x1024xf32, #tpu.memory_space<vmem>>, vector<1x16xf32>,
      %swap3A_177 = vector.shape_cast %swap3A_176 : vector<1x16xf32> to vector<16xf32>
      %swap3A_178 = vector.shape_cast %mul3A_173 : vector<16xf32> to vector<1x16xf32>
      tpu.vector_store %arg6[%swap3A_174, %swap3A_175], %swap3A_178 {strides = array<i32>} : memref<32x1024xf32, #tpu.memory_space<vmem>>, vector<1x16xf32>,
      %get3A_179 = arith.index_cast %scan3A_108 : i32 to index
      %get3A_180 = arith.constant 96 : index
      %get3A_181 = tpu.vector_load %arg6[%get3A_179, %get3A_180] {strides = array<i32>} : memref<32x1024xf32, #tpu.memory_space<vmem>>, vector<1x16xf32>,
      %get3A_182 = vector.shape_cast %get3A_181 : vector<1x16xf32> to vector<16xf32>
      %mul3A_183 = arith.constant 3.200000e+01 : f32
      %mul3A_184 = vector.broadcast %mul3A_183 : f32 to vector<16xf32>
      %mul3A_185 = arith.mulf %get3A_182, %mul3A_184 : vector<16xf32>
      %swap3A_186 = arith.index_cast %scan3A_108 : i32 to index
      %swap3A_187 = arith.constant 96 : index
      %swap3A_188 = tpu.vector_load %arg6[%swap3A_186, %swap3A_187] {strides = array<i32>} : memref<32x1024xf32, #tpu.memory_space<vmem>>, vector<1x16xf32>,
      %swap3A_189 = vector.shape_cast %swap3A_188 : vector<1x16xf32> to vector<16xf32>
      %swap3A_190 = vector.shape_cast %mul3A_185 : vector<16xf32> to vector<1x16xf32>
      tpu.vector_store %arg6[%swap3A_186, %swap3A_187], %swap3A_190 {strides = array<i32>} : memref<32x1024xf32, #tpu.memory_space<vmem>>, vector<1x16xf32>,
      %get3A_191 = arith.index_cast %scan3A_108 : i32 to index
      %get3A_192 = arith.constant 112 : index
      %get3A_193 = tpu.vector_load %arg6[%get3A_191, %get3A_192] {strides = array<i32>} : memref<32x1024xf32, #tpu.memory_space<vmem>>, vector<1x16xf32>,
      %get3A_194 = vector.shape_cast %get3A_193 : vector<1x16xf32> to vector<16xf32>
      %mul3A_195 = arith.constant 3.200000e+01 : f32
      %mul3A_196 = vector.broadcast %mul3A_195 : f32 to vector<16xf32>
      %mul3A_197 = arith.mulf %get3A_194, %mul3A_196 : vector<16xf32>
      %swap3A_198 = arith.index_cast %scan3A_108 : i32 to index
      %swap3A_199 = arith.constant 112 : index
      %swap3A_200 = tpu.vector_load %arg6[%swap3A_198, %swap3A_199] {strides = array<i32>} : memref<32x1024xf32, #tpu.memory_space<vmem>>, vector<1x16xf32>,
      %swap3A_201 = vector.shape_cast %swap3A_200 : vector<1x16xf32> to vector<16xf32>
      %swap3A_202 = vector.shape_cast %mul3A_197 : vector<16xf32> to vector<1x16xf32>
      tpu.vector_store %arg6[%swap3A_198, %swap3A_199], %swap3A_202 {strides = array<i32>} : memref<32x1024xf32, #tpu.memory_space<vmem>>, vector<1x16xf32>,
      %get3A_203 = arith.index_cast %scan3A_108 : i32 to index
      %get3A_204 = arith.constant 128 : index
      %get3A_205 = tpu.vector_load %arg6[%get3A_203, %get3A_204] {strides = array<i32>} : memref<32x1024xf32, #tpu.memory_space<vmem>>, vector<1x16xf32>,
      %get3A_206 = vector.shape_cast %get3A_205 : vector<1x16xf32> to vector<16xf32>
      %mul3A_207 = arith.constant 3.200000e+01 : f32
      %mul3A_208 = vector.broadcast %mul3A_207 : f32 to vector<16xf32>
      %mul3A_209 = arith.mulf %get3A_206, %mul3A_208 : vector<16xf32>
      %swap3A_210 = arith.index_cast %scan3A_108 : i32 to index
      %swap3A_211 = arith.constant 128 : index
      %swap3A_212 = tpu.vector_load %arg6[%swap3A_210, %swap3A_211] {strides = array<i32>} : memref<32x1024xf32, #tpu.memory_space<vmem>>, vector<1x16xf32>,
      %swap3A_213 = vector.shape_cast %swap3A_212 : vector<1x16xf32> to vector<16xf32>
      %swap3A_214 = vector.shape_cast %mul3A_209 : vector<16xf32> to vector<1x16xf32>
      tpu.vector_store %arg6[%swap3A_210, %swap3A_211], %swap3A_214 {strides = array<i32>} : memref<32x1024xf32, #tpu.memory_space<vmem>>, vector<1x16xf32>,
      %get3A_215 = arith.index_cast %scan3A_108 : i32 to index
      %get3A_216 = arith.constant 144 : index
      %get3A_217 = tpu.vector_load %arg6[%get3A_215, %get3A_216] {strides = array<i32>} : memref<32x1024xf32, #tpu.memory_space<vmem>>, vector<1x16xf32>,
      %get3A_218 = vector.shape_cast %get3A_217 : vector<1x16xf32> to vector<16xf32>
      %mul3A_219 = arith.constant 3.200000e+01 : f32
      %mul3A_220 = vector.broadcast %mul3A_219 : f32 to vector<16xf32>
      %mul3A_221 = arith.mulf %get3A_218, %mul3A_220 : vector<16xf32>
      %swap3A_222 = arith.index_cast %scan3A_108 : i32 to index
      %swap3A_223 = arith.constant 144 : index
      %swap3A_224 = tpu.vector_load %arg6[%swap3A_222, %swap3A_223] {strides = array<i32>} : memref<32x1024xf32, #tpu.memory_space<vmem>>, vector<1x16xf32>,
      %swap3A_225 = vector.shape_cast %swap3A_224 : vector<1x16xf32> to vector<16xf32>
      %swap3A_226 = vector.shape_cast %mul3A_221 : vector<16xf32> to vector<1x16xf32>
      tpu.vector_store %arg6[%swap3A_222, %swap3A_223], %swap3A_226 {strides = array<i32>} : memref<32x1024xf32, #tpu.memory_space<vmem>>, vector<1x16xf32>,
      %get3A_227 = arith.index_cast %scan3A_108 : i32 to index
      %get3A_228 = arith.constant 160 : index
      %get3A_229 = tpu.vector_load %arg6[%get3A_227, %get3A_228] {strides = array<i32>} : memref<32x1024xf32, #tpu.memory_space<vmem>>, vector<1x16xf32>,
      %get3A_230 = vector.shape_cast %get3A_229 : vector<1x16xf32> to vector<16xf32>
      %mul3A_231 = arith.constant 3.200000e+01 : f32
      %mul3A_232 = vector.broadcast %mul3A_231 : f32 to vector<16xf32>
      %mul3A_233 = arith.mulf %get3A_230, %mul3A_232 : vector<16xf32>
      %swap3A_234 = arith.index_cast %scan3A_108 : i32 to index
      %swap3A_235 = arith.constant 160 : index
      %swap3A_236 = tpu.vector_load %arg6[%swap3A_234, %swap3A_235] {strides = array<i32>} : memref<32x1024xf32, #tpu.memory_space<vmem>>, vector<1x16xf32>,
      %swap3A_237 = vector.shape_cast %swap3A_236 : vector<1x16xf32> to vector<16xf32>
      %swap3A_238 = vector.shape_cast %mul3A_233 : vector<16xf32> to vector<1x16xf32>
      tpu.vector_store %arg6[%swap3A_234, %swap3A_235], %swap3A_238 {strides = array<i32>} : memref<32x1024xf32, #tpu.memory_space<vmem>>, vector<1x16xf32>,
      %get3A_239 = arith.index_cast %scan3A_108 : i32 to index
      %get3A_240 = arith.constant 176 : index
      %get3A_241 = tpu.vector_load %arg6[%get3A_239, %get3A_240] {strides = array<i32>} : memref<32x1024xf32, #tpu.memory_space<vmem>>, vector<1x16xf32>,
      %get3A_242 = vector.shape_cast %get3A_241 : vector<1x16xf32> to vector<16xf32>
      %mul3A_243 = arith.constant 3.200000e+01 : f32
      %mul3A_244 = vector.broadcast %mul3A_243 : f32 to vector<16xf32>
      %mul3A_245 = arith.mulf %get3A_242, %mul3A_244 : vector<16xf32>
      %swap3A_246 = arith.index_cast %scan3A_108 : i32 to index
      %swap3A_247 = arith.constant 176 : index
      %swap3A_248 = tpu.vector_load %arg6[%swap3A_246, %swap3A_247] {strides = array<i32>} : memref<32x1024xf32, #tpu.memory_space<vmem>>, vector<1x16xf32>,
      %swap3A_249 = vector.shape_cast %swap3A_248 : vector<1x16xf32> to vector<16xf32>
      %swap3A_250 = vector.shape_cast %mul3A_245 : vector<16xf32> to vector<1x16xf32>
      tpu.vector_store %arg6[%swap3A_246, %swap3A_247], %swap3A_250 {strides = array<i32>} : memref<32x1024xf32, #tpu.memory_space<vmem>>, vector<1x16xf32>,
      %get3A_251 = arith.index_cast %scan3A_108 : i32 to index
      %get3A_252 = arith.constant 192 : index
      %get3A_253 = tpu.vector_load %arg6[%get3A_251, %get3A_252] {strides = array<i32>} : memref<32x1024xf32, #tpu.memory_space<vmem>>, vector<1x16xf32>,
      %get3A_254 = vector.shape_cast %get3A_253 : vector<1x16xf32> to vector<16xf32>
      %mul3A_255 = arith.constant 3.200000e+01 : f32
      %mul3A_256 = vector.broadcast %mul3A_255 : f32 to vector<16xf32>
      %mul3A_257 = arith.mulf %get3A_254, %mul3A_256 : vector<16xf32>
      %swap3A_258 = arith.index_cast %scan3A_108 : i32 to index
      %swap3A_259 = arith.constant 192 : index
      %swap3A_260 = tpu.vector_load %arg6[%swap3A_258, %swap3A_259] {strides = array<i32>} : memref<32x1024xf32, #tpu.memory_space<vmem>>, vector<1x16xf32>,
      %swap3A_261 = vector.shape_cast %swap3A_260 : vector<1x16xf32> to vector<16xf32>
      %swap3A_262 = vector.shape_cast %mul3A_257 : vector<16xf32> to vector<1x16xf32>
      tpu.vector_store %arg6[%swap3A_258, %swap3A_259], %swap3A_262 {strides = array<i32>} : memref<32x1024xf32, #tpu.memory_space<vmem>>, vector<1x16xf32>,
      %get3A_263 = arith.index_cast %scan3A_108 : i32 to index
      %get3A_264 = arith.constant 208 : index
      %get3A_265 = tpu.vector_load %arg6[%get3A_263, %get3A_264] {strides = array<i32>} : memref<32x1024xf32, #tpu.memory_space<vmem>>, vector<1x16xf32>,
      %get3A_266 = vector.shape_cast %get3A_265 : vector<1x16xf32> to vector<16xf32>
      %mul3A_267 = arith.constant 3.200000e+01 : f32
      %mul3A_268 = vector.broadcast %mul3A_267 : f32 to vector<16xf32>
      %mul3A_269 = arith.mulf %get3A_266, %mul3A_268 : vector<16xf32>
      %swap3A_270 = arith.index_cast %scan3A_108 : i32 to index
      %swap3A_271 = arith.constant 208 : index
      %swap3A_272 = tpu.vector_load %arg6[%swap3A_270, %swap3A_271] {strides = array<i32>} : memref<32x1024xf32, #tpu.memory_space<vmem>>, vector<1x16xf32>,
      %swap3A_273 = vector.shape_cast %swap3A_272 : vector<1x16xf32> to vector<16xf32>
      %swap3A_274 = vector.shape_cast %mul3A_269 : vector<16xf32> to vector<1x16xf32>
      tpu.vector_store %arg6[%swap3A_270, %swap3A_271], %swap3A_274 {strides = array<i32>} : memref<32x1024xf32, #tpu.memory_space<vmem>>, vector<1x16xf32>,
      %get3A_275 = arith.index_cast %scan3A_108 : i32 to index
      %get3A_276 = arith.constant 224 : index
      %get3A_277 = tpu.vector_load %arg6[%get3A_275, %get3A_276] {strides = array<i32>} : memref<32x1024xf32, #tpu.memory_space<vmem>>, vector<1x16xf32>,
      %get3A_278 = vector.shape_cast %get3A_277 : vector<1x16xf32> to vector<16xf32>
      %mul3A_279 = arith.constant 3.200000e+01 : f32
      %mul3A_280 = vector.broadcast %mul3A_279 : f32 to vector<16xf32>
      %mul3A_281 = arith.mulf %get3A_278, %mul3A_280 : vector<16xf32>
      %swap3A_282 = arith.index_cast %scan3A_108 : i32 to index
      %swap3A_283 = arith.constant 224 : index
      %swap3A_284 = tpu.vector_load %arg6[%swap3A_282, %swap3A_283] {strides = array<i32>} : memref<32x1024xf32, #tpu.memory_space<vmem>>, vector<1x16xf32>,
      %swap3A_285 = vector.shape_cast %swap3A_284 : vector<1x16xf32> to vector<16xf32>
      %swap3A_286 = vector.shape_cast %mul3A_281 : vector<16xf32> to vector<1x16xf32>
      tpu.vector_store %arg6[%swap3A_282, %swap3A_283], %swap3A_286 {strides = array<i32>} : memref<32x1024xf32, #tpu.memory_space<vmem>>, vector<1x16xf32>,
      %get3A_287 = arith.index_cast %scan3A_108 : i32 to index
      %get3A_288 = arith.constant 240 : index
      %get3A_289 = tpu.vector_load %arg6[%get3A_287, %get3A_288] {strides = array<i32>} : memref<32x1024xf32, #tpu.memory_space<vmem>>, vector<1x16xf32>,
      %get3A_290 = vector.shape_cast %get3A_289 : vector<1x16xf32> to vector<16xf32>
      %mul3A_291 = arith.constant 3.200000e+01 : f32
      %mul3A_292 = vector.broadcast %mul3A_291 : f32 to vector<16xf32>
      %mul3A_293 = arith.mulf %get3A_290, %mul3A_292 : vector<16xf32>
      %swap3A_294 = arith.index_cast %scan3A_108 : i32 to index
      %swap3A_295 = arith.constant 240 : index
      %swap3A_296 = tpu.vector_load %arg6[%swap3A_294, %swap3A_295] {strides = array<i32>} : memref<32x1024xf32, #tpu.memory_space<vmem>>, vector<1x16xf32>,
      %swap3A_297 = vector.shape_cast %swap3A_296 : vector<1x16xf32> to vector<16xf32>
      %swap3A_298 = vector.shape_cast %mul3A_293 : vector<16xf32> to vector<1x16xf32>
      tpu.vector_store %arg6[%swap3A_294, %swap3A_295], %swap3A_298 {strides = array<i32>} : memref<32x1024xf32, #tpu.memory_space<vmem>>, vector<1x16xf32>,
      %get3A_299 = arith.index_cast %scan3A_108 : i32 to index
      %get3A_300 = arith.constant 256 : index
      %get3A_301 = tpu.vector_load %arg6[%get3A_299, %get3A_300] {strides = array<i32>} : memref<32x1024xf32, #tpu.memory_space<vmem>>, vector<1x16xf32>,
      %get3A_302 = vector.shape_cast %get3A_301 : vector<1x16xf32> to vector<16xf32>
      %mul3A_303 = arith.constant 3.200000e+01 : f32
      %mul3A_304 = vector.broadcast %mul3A_303 : f32 to vector<16xf32>
      %mul3A_305 = arith.mulf %get3A_302, %mul3A_304 : vector<16xf32>
      %swap3A_306 = arith.index_cast %scan3A_108 : i32 to index
      %swap3A_307 = arith.constant 256 : index
      %swap3A_308 = tpu.vector_load %arg6[%swap3A_306, %swap3A_307] {strides = array<i32>} : memref<32x1024xf32, #tpu.memory_space<vmem>>, vector<1x16xf32>,
      %swap3A_309 = vector.shape_cast %swap3A_308 : vector<1x16xf32> to vector<16xf32>
      %swap3A_310 = vector.shape_cast %mul3A_305 : vector<16xf32> to vector<1x16xf32>
      tpu.vector_store %arg6[%swap3A_306, %swap3A_307], %swap3A_310 {strides = array<i32>} : memref<32x1024xf32, #tpu.memory_space<vmem>>, vector<1x16xf32>,
      %get3A_311 = arith.index_cast %scan3A_108 : i32 to index
      %get3A_312 = arith.constant 272 : index
      %get3A_313 = tpu.vector_load %arg6[%get3A_311, %get3A_312] {strides = array<i32>} : memref<32x1024xf32, #tpu.memory_space<vmem>>, vector<1x16xf32>,
      %get3A_314 = vector.shape_cast %get3A_313 : vector<1x16xf32> to vector<16xf32>
      %mul3A_315 = arith.constant 3.200000e+01 : f32
      %mul3A_316 = vector.broadcast %mul3A_315 : f32 to vector<16xf32>
      %mul3A_317 = arith.mulf %get3A_314, %mul3A_316 : vector<16xf32>
      %swap3A_318 = arith.index_cast %scan3A_108 : i32 to index
      %swap3A_319 = arith.constant 272 : index
      %swap3A_320 = tpu.vector_load %arg6[%swap3A_318, %swap3A_319] {strides = array<i32>} : memref<32x1024xf32, #tpu.memory_space<vmem>>, vector<1x16xf32>,
      %swap3A_321 = vector.shape_cast %swap3A_320 : vector<1x16xf32> to vector<16xf32>
      %swap3A_322 = vector.shape_cast %mul3A_317 : vector<16xf32> to vector<1x16xf32>
      tpu.vector_store %arg6[%swap3A_318, %swap3A_319], %swap3A_322 {strides = array<i32>} : memref<32x1024xf32, #tpu.memory_space<vmem>>, vector<1x16xf32>,
      %get3A_323 = arith.index_cast %scan3A_108 : i32 to index
      %get3A_324 = arith.constant 288 : index
      %get3A_325 = tpu.vector_load %arg6[%get3A_323, %get3A_324] {strides = array<i32>} : memref<32x1024xf32, #tpu.memory_space<vmem>>, vector<1x16xf32>,
      %get3A_326 = vector.shape_cast %get3A_325 : vector<1x16xf32> to vector<16xf32>
      %mul3A_327 = arith.constant 3.200000e+01 : f32
      %mul3A_328 = vector.broadcast %mul3A_327 : f32 to vector<16xf32>
      %mul3A_329 = arith.mulf %get3A_326, %mul3A_328 : vector<16xf32>
      %swap3A_330 = arith.index_cast %scan3A_108 : i32 to index
      %swap3A_331 = arith.constant 288 : index
      %swap3A_332 = tpu.vector_load %arg6[%swap3A_330, %swap3A_331] {strides = array<i32>} : memref<32x1024xf32, #tpu.memory_space<vmem>>, vector<1x16xf32>,
      %swap3A_333 = vector.shape_cast %swap3A_332 : vector<1x16xf32> to vector<16xf32>
      %swap3A_334 = vector.shape_cast %mul3A_329 : vector<16xf32> to vector<1x16xf32>
      tpu.vector_store %arg6[%swap3A_330, %swap3A_331], %swap3A_334 {strides = array<i32>} : memref<32x1024xf32, #tpu.memory_space<vmem>>, vector<1x16xf32>,
      %get3A_335 = arith.index_cast %scan3A_108 : i32 to index
      %get3A_336 = arith.constant 304 : index
      %get3A_337 = tpu.vector_load %arg6[%get3A_335, %get3A_336] {strides = array<i32>} : memref<32x1024xf32, #tpu.memory_space<vmem>>, vector<1x16xf32>,
      %get3A_338 = vector.shape_cast %get3A_337 : vector<1x16xf32> to vector<16xf32>
      %mul3A_339 = arith.constant 3.200000e+01 : f32
      %mul3A_340 = vector.broadcast %mul3A_339 : f32 to vector<16xf32>
      %mul3A_341 = arith.mulf %get3A_338, %mul3A_340 : vector<16xf32>
      %swap3A_342 = arith.index_cast %scan3A_108 : i32 to index
      %swap3A_343 = arith.constant 304 : index
      %swap3A_344 = tpu.vector_load %arg6[%swap3A_342, %swap3A_343] {strides = array<i32>} : memref<32x1024xf32, #tpu.memory_space<vmem>>, vector<1x16xf32>,
      %swap3A_345 = vector.shape_cast %swap3A_344 : vector<1x16xf32> to vector<16xf32>
      %swap3A_346 = vector.shape_cast %mul3A_341 : vector<16xf32> to vector<1x16xf32>
      tpu.vector_store %arg6[%swap3A_342, %swap3A_343], %swap3A_346 {strides = array<i32>} : memref<32x1024xf32, #tpu.memory_space<vmem>>, vector<1x16xf32>,
      %get3A_347 = arith.index_cast %scan3A_108 : i32 to index
      %get3A_348 = arith.constant 320 : index
      %get3A_349 = tpu.vector_load %arg6[%get3A_347, %get3A_348] {strides = array<i32>} : memref<32x1024xf32, #tpu.memory_space<vmem>>, vector<1x16xf32>,
      %get3A_350 = vector.shape_cast %get3A_349 : vector<1x16xf32> to vector<16xf32>
      %mul3A_351 = arith.constant 3.200000e+01 : f32
      %mul3A_352 = vector.broadcast %mul3A_351 : f32 to vector<16xf32>
      %mul3A_353 = arith.mulf %get3A_350, %mul3A_352 : vector<16xf32>
      %swap3A_354 = arith.index_cast %scan3A_108 : i32 to index
      %swap3A_355 = arith.constant 320 : index
      %swap3A_356 = tpu.vector_load %arg6[%swap3A_354, %swap3A_355] {strides = array<i32>} : memref<32x1024xf32, #tpu.memory_space<vmem>>, vector<1x16xf32>,
      %swap3A_357 = vector.shape_cast %swap3A_356 : vector<1x16xf32> to vector<16xf32>
      %swap3A_358 = vector.shape_cast %mul3A_353 : vector<16xf32> to vector<1x16xf32>
      tpu.vector_store %arg6[%swap3A_354, %swap3A_355], %swap3A_358 {strides = array<i32>} : memref<32x1024xf32, #tpu.memory_space<vmem>>, vector<1x16xf32>,
      %get3A_359 = arith.index_cast %scan3A_108 : i32 to index
      %get3A_360 = arith.constant 336 : index
      %get3A_361 = tpu.vector_load %arg6[%get3A_359, %get3A_360] {strides = array<i32>} : memref<32x1024xf32, #tpu.memory_space<vmem>>, vector<1x16xf32>,
      %get3A_362 = vector.shape_cast %get3A_361 : vector<1x16xf32> to vector<16xf32>
      %mul3A_363 = arith.constant 3.200000e+01 : f32
      %mul3A_364 = vector.broadcast %mul3A_363 : f32 to vector<16xf32>
      %mul3A_365 = arith.mulf %get3A_362, %mul3A_364 : vector<16xf32>
      %swap3A_366 = arith.index_cast %scan3A_108 : i32 to index
      %swap3A_367 = arith.constant 336 : index
      %swap3A_368 = tpu.vector_load %arg6[%swap3A_366, %swap3A_367] {strides = array<i32>} : memref<32x1024xf32, #tpu.memory_space<vmem>>, vector<1x16xf32>,
      %swap3A_369 = vector.shape_cast %swap3A_368 : vector<1x16xf32> to vector<16xf32>
      %swap3A_370 = vector.shape_cast %mul3A_365 : vector<16xf32> to vector<1x16xf32>
      tpu.vector_store %arg6[%swap3A_366, %swap3A_367], %swap3A_370 {strides = array<i32>} : memref<32x1024xf32, #tpu.memory_space<vmem>>, vector<1x16xf32>,
      %get3A_371 = arith.index_cast %scan3A_108 : i32 to index
      %get3A_372 = arith.constant 352 : index
      %get3A_373 = tpu.vector_load %arg6[%get3A_371, %get3A_372] {strides = array<i32>} : memref<32x1024xf32, #tpu.memory_space<vmem>>, vector<1x16xf32>,
      %get3A_374 = vector.shape_cast %get3A_373 : vector<1x16xf32> to vector<16xf32>
      %mul3A_375 = arith.constant 3.200000e+01 : f32
      %mul3A_376 = vector.broadcast %mul3A_375 : f32 to vector<16xf32>
      %mul3A_377 = arith.mulf %get3A_374, %mul3A_376 : vector<16xf32>
      %swap3A_378 = arith.index_cast %scan3A_108 : i32 to index
      %swap3A_379 = arith.constant 352 : index
      %swap3A_380 = tpu.vector_load %arg6[%swap3A_378, %swap3A_379] {strides = array<i32>} : memref<32x1024xf32, #tpu.memory_space<vmem>>, vector<1x16xf32>,
      %swap3A_381 = vector.shape_cast %swap3A_380 : vector<1x16xf32> to vector<16xf32>
      %swap3A_382 = vector.shape_cast %mul3A_377 : vector<16xf32> to vector<1x16xf32>
      tpu.vector_store %arg6[%swap3A_378, %swap3A_379], %swap3A_382 {strides = array<i32>} : memref<32x1024xf32, #tpu.memory_space<vmem>>, vector<1x16xf32>,
      %get3A_383 = arith.index_cast %scan3A_108 : i32 to index
      %get3A_384 = arith.constant 368 : index
      %get3A_385 = tpu.vector_load %arg6[%get3A_383, %get3A_384] {strides = array<i32>} : memref<32x1024xf32, #tpu.memory_space<vmem>>, vector<1x16xf32>,
      %get3A_386 = vector.shape_cast %get3A_385 : vector<1x16xf32> to vector<16xf32>
      %mul3A_387 = arith.constant 3.200000e+01 : f32
      %mul3A_388 = vector.broadcast %mul3A_387 : f32 to vector<16xf32>
      %mul3A_389 = arith.mulf %get3A_386, %mul3A_388 : vector<16xf32>
      %swap3A_390 = arith.index_cast %scan3A_108 : i32 to index
      %swap3A_391 = arith.constant 368 : index
      %swap3A_392 = tpu.vector_load %arg6[%swap3A_390, %swap3A_391] {strides = array<i32>} : memref<32x1024xf32, #tpu.memory_space<vmem>>, vector<1x16xf32>,
      %swap3A_393 = vector.shape_cast %swap3A_392 : vector<1x16xf32> to vector<16xf32>
      %swap3A_394 = vector.shape_cast %mul3A_389 : vector<16xf32> to vector<1x16xf32>
      tpu.vector_store %arg6[%swap3A_390, %swap3A_391], %swap3A_394 {strides = array<i32>} : memref<32x1024xf32, #tpu.memory_space<vmem>>, vector<1x16xf32>,
      %get3A_395 = arith.index_cast %scan3A_108 : i32 to index
      %get3A_396 = arith.constant 384 : index
      %get3A_397 = tpu.vector_load %arg6[%get3A_395, %get3A_396] {strides = array<i32>} : memref<32x1024xf32, #tpu.memory_space<vmem>>, vector<1x16xf32>,
      %get3A_398 = vector.shape_cast %get3A_397 : vector<1x16xf32> to vector<16xf32>
      %mul3A_399 = arith.constant 3.200000e+01 : f32
      %mul3A_400 = vector.broadcast %mul3A_399 : f32 to vector<16xf32>
      %mul3A_401 = arith.mulf %get3A_398, %mul3A_400 : vector<16xf32>
      %swap3A_402 = arith.index_cast %scan3A_108 : i32 to index
      %swap3A_403 = arith.constant 384 : index
      %swap3A_404 = tpu.vector_load %arg6[%swap3A_402, %swap3A_403] {strides = array<i32>} : memref<32x1024xf32, #tpu.memory_space<vmem>>, vector<1x16xf32>,
      %swap3A_405 = vector.shape_cast %swap3A_404 : vector<1x16xf32> to vector<16xf32>
      %swap3A_406 = vector.shape_cast %mul3A_401 : vector<16xf32> to vector<1x16xf32>
      tpu.vector_store %arg6[%swap3A_402, %swap3A_403], %swap3A_406 {strides = array<i32>} : memref<32x1024xf32, #tpu.memory_space<vmem>>, vector<1x16xf32>,
      %get3A_407 = arith.index_cast %scan3A_108 : i32 to index
      %get3A_408 = arith.constant 400 : index
      %get3A_409 = tpu.vector_load %arg6[%get3A_407, %get3A_408] {strides = array<i32>} : memref<32x1024xf32, #tpu.memory_space<vmem>>, vector<1x16xf32>,
      %get3A_410 = vector.shape_cast %get3A_409 : vector<1x16xf32> to vector<16xf32>
      %mul3A_411 = arith.constant 3.200000e+01 : f32
      %mul3A_412 = vector.broadcast %mul3A_411 : f32 to vector<16xf32>
      %mul3A_413 = arith.mulf %get3A_410, %mul3A_412 : vector<16xf32>
      %swap3A_414 = arith.index_cast %scan3A_108 : i32 to index
      %swap3A_415 = arith.constant 400 : index
      %swap3A_416 = tpu.vector_load %arg6[%swap3A_414, %swap3A_415] {strides = array<i32>} : memref<32x1024xf32, #tpu.memory_space<vmem>>, vector<1x16xf32>,
      %swap3A_417 = vector.shape_cast %swap3A_416 : vector<1x16xf32> to vector<16xf32>
      %swap3A_418 = vector.shape_cast %mul3A_413 : vector<16xf32> to vector<1x16xf32>
      tpu.vector_store %arg6[%swap3A_414, %swap3A_415], %swap3A_418 {strides = array<i32>} : memref<32x1024xf32, #tpu.memory_space<vmem>>, vector<1x16xf32>,
      %get3A_419 = arith.index_cast %scan3A_108 : i32 to index
      %get3A_420 = arith.constant 416 : index
      %get3A_421 = tpu.vector_load %arg6[%get3A_419, %get3A_420] {strides = array<i32>} : memref<32x1024xf32, #tpu.memory_space<vmem>>, vector<1x16xf32>,
      %get3A_422 = vector.shape_cast %get3A_421 : vector<1x16xf32> to vector<16xf32>
      %mul3A_423 = arith.constant 3.200000e+01 : f32
      %mul3A_424 = vector.broadcast %mul3A_423 : f32 to vector<16xf32>
      %mul3A_425 = arith.mulf %get3A_422, %mul3A_424 : vector<16xf32>
      %swap3A_426 = arith.index_cast %scan3A_108 : i32 to index
      %swap3A_427 = arith.constant 416 : index
      %swap3A_428 = tpu.vector_load %arg6[%swap3A_426, %swap3A_427] {strides = array<i32>} : memref<32x1024xf32, #tpu.memory_space<vmem>>, vector<1x16xf32>,
      %swap3A_429 = vector.shape_cast %swap3A_428 : vector<1x16xf32> to vector<16xf32>
      %swap3A_430 = vector.shape_cast %mul3A_425 : vector<16xf32> to vector<1x16xf32>
      tpu.vector_store %arg6[%swap3A_426, %swap3A_427], %swap3A_430 {strides = array<i32>} : memref<32x1024xf32, #tpu.memory_space<vmem>>, vector<1x16xf32>,
      %get3A_431 = arith.index_cast %scan3A_108 : i32 to index
      %get3A_432 = arith.constant 432 : index
      %get3A_433 = tpu.vector_load %arg6[%get3A_431, %get3A_432] {strides = array<i32>} : memref<32x1024xf32, #tpu.memory_space<vmem>>, vector<1x16xf32>,
      %get3A_434 = vector.shape_cast %get3A_433 : vector<1x16xf32> to vector<16xf32>
      %mul3A_435 = arith.constant 3.200000e+01 : f32
      %mul3A_436 = vector.broadcast %mul3A_435 : f32 to vector<16xf32>
      %mul3A_437 = arith.mulf %get3A_434, %mul3A_436 : vector<16xf32>
      %swap3A_438 = arith.index_cast %scan3A_108 : i32 to index
      %swap3A_439 = arith.constant 432 : index
      %swap3A_440 = tpu.vector_load %arg6[%swap3A_438, %swap3A_439] {strides = array<i32>} : memref<32x1024xf32, #tpu.memory_space<vmem>>, vector<1x16xf32>,
      %swap3A_441 = vector.shape_cast %swap3A_440 : vector<1x16xf32> to vector<16xf32>
      %swap3A_442 = vector.shape_cast %mul3A_437 : vector<16xf32> to vector<1x16xf32>
      tpu.vector_store %arg6[%swap3A_438, %swap3A_439], %swap3A_442 {strides = array<i32>} : memref<32x1024xf32, #tpu.memory_space<vmem>>, vector<1x16xf32>,
      %get3A_443 = arith.index_cast %scan3A_108 : i32 to index
      %get3A_444 = arith.constant 448 : index
      %get3A_445 = tpu.vector_load %arg6[%get3A_443, %get3A_444] {strides = array<i32>} : memref<32x1024xf32, #tpu.memory_space<vmem>>, vector<1x16xf32>,
      %get3A_446 = vector.shape_cast %get3A_445 : vector<1x16xf32> to vector<16xf32>
      %mul3A_447 = arith.constant 3.200000e+01 : f32
      %mul3A_448 = vector.broadcast %mul3A_447 : f32 to vector<16xf32>
      %mul3A_449 = arith.mulf %get3A_446, %mul3A_448 : vector<16xf32>
      %swap3A_450 = arith.index_cast %scan3A_108 : i32 to index
      %swap3A_451 = arith.constant 448 : index
      %swap3A_452 = tpu.vector_load %arg6[%swap3A_450, %swap3A_451] {strides = array<i32>} : memref<32x1024xf32, #tpu.memory_space<vmem>>, vector<1x16xf32>,
      %swap3A_453 = vector.shape_cast %swap3A_452 : vector<1x16xf32> to vector<16xf32>
      %swap3A_454 = vector.shape_cast %mul3A_449 : vector<16xf32> to vector<1x16xf32>
      tpu.vector_store %arg6[%swap3A_450, %swap3A_451], %swap3A_454 {strides = array<i32>} : memref<32x1024xf32, #tpu.memory_space<vmem>>, vector<1x16xf32>,
      %get3A_455 = arith.index_cast %scan3A_108 : i32 to index
      %get3A_456 = arith.constant 464 : index
      %get3A_457 = tpu.vector_load %arg6[%get3A_455, %get3A_456] {strides = array<i32>} : memref<32x1024xf32, #tpu.memory_space<vmem>>, vector<1x16xf32>,
      %get3A_458 = vector.shape_cast %get3A_457 : vector<1x16xf32> to vector<16xf32>
      %mul3A_459 = arith.constant 3.200000e+01 : f32
      %mul3A_460 = vector.broadcast %mul3A_459 : f32 to vector<16xf32>
      %mul3A_461 = arith.mulf %get3A_458, %mul3A_460 : vector<16xf32>
      %swap3A_462 = arith.index_cast %scan3A_108 : i32 to index
      %swap3A_463 = arith.constant 464 : index
      %swap3A_464 = tpu.vector_load %arg6[%swap3A_462, %swap3A_463] {strides = array<i32>} : memref<32x1024xf32, #tpu.memory_space<vmem>>, vector<1x16xf32>,
      %swap3A_465 = vector.shape_cast %swap3A_464 : vector<1x16xf32> to vector<16xf32>
      %swap3A_466 = vector.shape_cast %mul3A_461 : vector<16xf32> to vector<1x16xf32>
      tpu.vector_store %arg6[%swap3A_462, %swap3A_463], %swap3A_466 {strides = array<i32>} : memref<32x1024xf32, #tpu.memory_space<vmem>>, vector<1x16xf32>,
      %get3A_467 = arith.index_cast %scan3A_108 : i32 to index
      %get3A_468 = arith.constant 480 : index
      %get3A_469 = tpu.vector_load %arg6[%get3A_467, %get3A_468] {strides = array<i32>} : memref<32x1024xf32, #tpu.memory_space<vmem>>, vector<1x16xf32>,
      %get3A_470 = vector.shape_cast %get3A_469 : vector<1x16xf32> to vector<16xf32>
      %mul3A_471 = arith.constant 3.200000e+01 : f32
      %mul3A_472 = vector.broadcast %mul3A_471 : f32 to vector<16xf32>
      %mul3A_473 = arith.mulf %get3A_470, %mul3A_472 : vector<16xf32>
      %swap3A_474 = arith.index_cast %scan3A_108 : i32 to index
      %swap3A_475 = arith.constant 480 : index
      %swap3A_476 = tpu.vector_load %arg6[%swap3A_474, %swap3A_475] {strides = array<i32>} : memref<32x1024xf32, #tpu.memory_space<vmem>>, vector<1x16xf32>,
      %swap3A_477 = vector.shape_cast %swap3A_476 : vector<1x16xf32> to vector<16xf32>
      %swap3A_478 = vector.shape_cast %mul3A_473 : vector<16xf32> to vector<1x16xf32>
      tpu.vector_store %arg6[%swap3A_474, %swap3A_475], %swap3A_478 {strides = array<i32>} : memref<32x1024xf32, #tpu.memory_space<vmem>>, vector<1x16xf32>,
      %get3A_479 = arith.index_cast %scan3A_108 : i32 to index
      %get3A_480 = arith.constant 496 : index
      %get3A_481 = tpu.vector_load %arg6[%get3A_479, %get3A_480] {strides = array<i32>} : memref<32x1024xf32, #tpu.memory_space<vmem>>, vector<1x16xf32>,
      %get3A_482 = vector.shape_cast %get3A_481 : vector<1x16xf32> to vector<16xf32>
      %mul3A_483 = arith.constant 3.200000e+01 : f32
      %mul3A_484 = vector.broadcast %mul3A_483 : f32 to vector<16xf32>
      %mul3A_485 = arith.mulf %get3A_482, %mul3A_484 : vector<16xf32>
      %swap3A_486 = arith.index_cast %scan3A_108 : i32 to index
      %swap3A_487 = arith.constant 496 : index
      %swap3A_488 = tpu.vector_load %arg6[%swap3A_486, %swap3A_487] {strides = array<i32>} : memref<32x1024xf32, #tpu.memory_space<vmem>>, vector<1x16xf32>,
      %swap3A_489 = vector.shape_cast %swap3A_488 : vector<1x16xf32> to vector<16xf32>
      %swap3A_490 = vector.shape_cast %mul3A_485 : vector<16xf32> to vector<1x16xf32>
      tpu.vector_store %arg6[%swap3A_486, %swap3A_487], %swap3A_490 {strides = array<i32>} : memref<32x1024xf32, #tpu.memory_space<vmem>>, vector<1x16xf32>,
      %get3A_491 = arith.index_cast %scan3A_108 : i32 to index
      %get3A_492 = arith.constant 512 : index
      %get3A_493 = tpu.vector_load %arg6[%get3A_491, %get3A_492] {strides = array<i32>} : memref<32x1024xf32, #tpu.memory_space<vmem>>, vector<1x16xf32>,
      %get3A_494 = vector.shape_cast %get3A_493 : vector<1x16xf32> to vector<16xf32>
      %mul3A_495 = arith.constant 3.200000e+01 : f32
      %mul3A_496 = vector.broadcast %mul3A_495 : f32 to vector<16xf32>
      %mul3A_497 = arith.mulf %get3A_494, %mul3A_496 : vector<16xf32>
      %swap3A_498 = arith.index_cast %scan3A_108 : i32 to index
      %swap3A_499 = arith.constant 512 : index
      %swap3A_500 = tpu.vector_load %arg6[%swap3A_498, %swap3A_499] {strides = array<i32>} : memref<32x1024xf32, #tpu.memory_space<vmem>>, vector<1x16xf32>,
      %swap3A_501 = vector.shape_cast %swap3A_500 : vector<1x16xf32> to vector<16xf32>
      %swap3A_502 = vector.shape_cast %mul3A_497 : vector<16xf32> to vector<1x16xf32>
      tpu.vector_store %arg6[%swap3A_498, %swap3A_499], %swap3A_502 {strides = array<i32>} : memref<32x1024xf32, #tpu.memory_space<vmem>>, vector<1x16xf32>,
      %get3A_503 = arith.index_cast %scan3A_108 : i32 to index
      %get3A_504 = arith.constant 528 : index
      %get3A_505 = tpu.vector_load %arg6[%get3A_503, %get3A_504] {strides = array<i32>} : memref<32x1024xf32, #tpu.memory_space<vmem>>, vector<1x16xf32>,
      %get3A_506 = vector.shape_cast %get3A_505 : vector<1x16xf32> to vector<16xf32>
      %mul3A_507 = arith.constant 3.200000e+01 : f32
      %mul3A_508 = vector.broadcast %mul3A_507 : f32 to vector<16xf32>
      %mul3A_509 = arith.mulf %get3A_506, %mul3A_508 : vector<16xf32>
      %swap3A_510 = arith.index_cast %scan3A_108 : i32 to index
      %swap3A_511 = arith.constant 528 : index
      %swap3A_512 = tpu.vector_load %arg6[%swap3A_510, %swap3A_511] {strides = array<i32>} : memref<32x1024xf32, #tpu.memory_space<vmem>>, vector<1x16xf32>,
      %swap3A_513 = vector.shape_cast %swap3A_512 : vector<1x16xf32> to vector<16xf32>
      %swap3A_514 = vector.shape_cast %mul3A_509 : vector<16xf32> to vector<1x16xf32>
      tpu.vector_store %arg6[%swap3A_510, %swap3A_511], %swap3A_514 {strides = array<i32>} : memref<32x1024xf32, #tpu.memory_space<vmem>>, vector<1x16xf32>,
      %get3A_515 = arith.index_cast %scan3A_108 : i32 to index
      %get3A_516 = arith.constant 544 : index
      %get3A_517 = tpu.vector_load %arg6[%get3A_515, %get3A_516] {strides = array<i32>} : memref<32x1024xf32, #tpu.memory_space<vmem>>, vector<1x16xf32>,
      %get3A_518 = vector.shape_cast %get3A_517 : vector<1x16xf32> to vector<16xf32>
      %mul3A_519 = arith.constant 3.200000e+01 : f32
      %mul3A_520 = vector.broadcast %mul3A_519 : f32 to vector<16xf32>
      %mul3A_521 = arith.mulf %get3A_518, %mul3A_520 : vector<16xf32>
      %swap3A_522 = arith.index_cast %scan3A_108 : i32 to index
      %swap3A_523 = arith.constant 544 : index
      %swap3A_524 = tpu.vector_load %arg6[%swap3A_522, %swap3A_523] {strides = array<i32>} : memref<32x1024xf32, #tpu.memory_space<vmem>>, vector<1x16xf32>,
      %swap3A_525 = vector.shape_cast %swap3A_524 : vector<1x16xf32> to vector<16xf32>
      %swap3A_526 = vector.shape_cast %mul3A_521 : vector<16xf32> to vector<1x16xf32>
      tpu.vector_store %arg6[%swap3A_522, %swap3A_523], %swap3A_526 {strides = array<i32>} : memref<32x1024xf32, #tpu.memory_space<vmem>>, vector<1x16xf32>,
      %get3A_527 = arith.index_cast %scan3A_108 : i32 to index
      %get3A_528 = arith.constant 560 : index
      %get3A_529 = tpu.vector_load %arg6[%get3A_527, %get3A_528] {strides = array<i32>} : memref<32x1024xf32, #tpu.memory_space<vmem>>, vector<1x16xf32>,
      %get3A_530 = vector.shape_cast %get3A_529 : vector<1x16xf32> to vector<16xf32>
      %mul3A_531 = arith.constant 3.200000e+01 : f32
      %mul3A_532 = vector.broadcast %mul3A_531 : f32 to vector<16xf32>
      %mul3A_533 = arith.mulf %get3A_530, %mul3A_532 : vector<16xf32>
      %swap3A_534 = arith.index_cast %scan3A_108 : i32 to index
      %swap3A_535 = arith.constant 560 : index
      %swap3A_536 = tpu.vector_load %arg6[%swap3A_534, %swap3A_535] {strides = array<i32>} : memref<32x1024xf32, #tpu.memory_space<vmem>>, vector<1x16xf32>,
      %swap3A_537 = vector.shape_cast %swap3A_536 : vector<1x16xf32> to vector<16xf32>
      %swap3A_538 = vector.shape_cast %mul3A_533 : vector<16xf32> to vector<1x16xf32>
      tpu.vector_store %arg6[%swap3A_534, %swap3A_535], %swap3A_538 {strides = array<i32>} : memref<32x1024xf32, #tpu.memory_space<vmem>>, vector<1x16xf32>,
      %get3A_539 = arith.index_cast %scan3A_108 : i32 to index
      %get3A_540 = arith.constant 576 : index
      %get3A_541 = tpu.vector_load %arg6[%get3A_539, %get3A_540] {strides = array<i32>} : memref<32x1024xf32, #tpu.memory_space<vmem>>, vector<1x16xf32>,
      %get3A_542 = vector.shape_cast %get3A_541 : vector<1x16xf32> to vector<16xf32>
      %mul3A_543 = arith.constant 3.200000e+01 : f32
      %mul3A_544 = vector.broadcast %mul3A_543 : f32 to vector<16xf32>
      %mul3A_545 = arith.mulf %get3A_542, %mul3A_544 : vector<16xf32>
      %swap3A_546 = arith.index_cast %scan3A_108 : i32 to index
      %swap3A_547 = arith.constant 576 : index
      %swap3A_548 = tpu.vector_load %arg6[%swap3A_546, %swap3A_547] {strides = array<i32>} : memref<32x1024xf32, #tpu.memory_space<vmem>>, vector<1x16xf32>,
      %swap3A_549 = vector.shape_cast %swap3A_548 : vector<1x16xf32> to vector<16xf32>
      %swap3A_550 = vector.shape_cast %mul3A_545 : vector<16xf32> to vector<1x16xf32>
      tpu.vector_store %arg6[%swap3A_546, %swap3A_547], %swap3A_550 {strides = array<i32>} : memref<32x1024xf32, #tpu.memory_space<vmem>>, vector<1x16xf32>,
      %get3A_551 = arith.index_cast %scan3A_108 : i32 to index
      %get3A_552 = arith.constant 592 : index
      %get3A_553 = tpu.vector_load %arg6[%get3A_551, %get3A_552] {strides = array<i32>} : memref<32x1024xf32, #tpu.memory_space<vmem>>, vector<1x16xf32>,
      %get3A_554 = vector.shape_cast %get3A_553 : vector<1x16xf32> to vector<16xf32>
      %mul3A_555 = arith.constant 3.200000e+01 : f32
      %mul3A_556 = vector.broadcast %mul3A_555 : f32 to vector<16xf32>
      %mul3A_557 = arith.mulf %get3A_554, %mul3A_556 : vector<16xf32>
      %swap3A_558 = arith.index_cast %scan3A_108 : i32 to index
      %swap3A_559 = arith.constant 592 : index
      %swap3A_560 = tpu.vector_load %arg6[%swap3A_558, %swap3A_559] {strides = array<i32>} : memref<32x1024xf32, #tpu.memory_space<vmem>>, vector<1x16xf32>,
      %swap3A_561 = vector.shape_cast %swap3A_560 : vector<1x16xf32> to vector<16xf32>
      %swap3A_562 = vector.shape_cast %mul3A_557 : vector<16xf32> to vector<1x16xf32>
      tpu.vector_store %arg6[%swap3A_558, %swap3A_559], %swap3A_562 {strides = array<i32>} : memref<32x1024xf32, #tpu.memory_space<vmem>>, vector<1x16xf32>,
      %get3A_563 = arith.index_cast %scan3A_108 : i32 to index
      %get3A_564 = arith.constant 608 : index
      %get3A_565 = tpu.vector_load %arg6[%get3A_563, %get3A_564] {strides = array<i32>} : memref<32x1024xf32, #tpu.memory_space<vmem>>, vector<1x16xf32>,
      %get3A_566 = vector.shape_cast %get3A_565 : vector<1x16xf32> to vector<16xf32>
      %mul3A_567 = arith.constant 3.200000e+01 : f32
      %mul3A_568 = vector.broadcast %mul3A_567 : f32 to vector<16xf32>
      %mul3A_569 = arith.mulf %get3A_566, %mul3A_568 : vector<16xf32>
      %swap3A_570 = arith.index_cast %scan3A_108 : i32 to index
      %swap3A_571 = arith.constant 608 : index
      %swap3A_572 = tpu.vector_load %arg6[%swap3A_570, %swap3A_571] {strides = array<i32>} : memref<32x1024xf32, #tpu.memory_space<vmem>>, vector<1x16xf32>,
      %swap3A_573 = vector.shape_cast %swap3A_572 : vector<1x16xf32> to vector<16xf32>
      %swap3A_574 = vector.shape_cast %mul3A_569 : vector<16xf32> to vector<1x16xf32>
      tpu.vector_store %arg6[%swap3A_570, %swap3A_571], %swap3A_574 {strides = array<i32>} : memref<32x1024xf32, #tpu.memory_space<vmem>>, vector<1x16xf32>,
      %get3A_575 = arith.index_cast %scan3A_108 : i32 to index
      %get3A_576 = arith.constant 624 : index
      %get3A_577 = tpu.vector_load %arg6[%get3A_575, %get3A_576] {strides = array<i32>} : memref<32x1024xf32, #tpu.memory_space<vmem>>, vector<1x16xf32>,
      %get3A_578 = vector.shape_cast %get3A_577 : vector<1x16xf32> to vector<16xf32>
      %mul3A_579 = arith.constant 3.200000e+01 : f32
      %mul3A_580 = vector.broadcast %mul3A_579 : f32 to vector<16xf32>
      %mul3A_581 = arith.mulf %get3A_578, %mul3A_580 : vector<16xf32>
      %swap3A_582 = arith.index_cast %scan3A_108 : i32 to index
      %swap3A_583 = arith.constant 624 : index
      %swap3A_584 = tpu.vector_load %arg6[%swap3A_582, %swap3A_583] {strides = array<i32>} : memref<32x1024xf32, #tpu.memory_space<vmem>>, vector<1x16xf32>,
      %swap3A_585 = vector.shape_cast %swap3A_584 : vector<1x16xf32> to vector<16xf32>
      %swap3A_586 = vector.shape_cast %mul3A_581 : vector<16xf32> to vector<1x16xf32>
      tpu.vector_store %arg6[%swap3A_582, %swap3A_583], %swap3A_586 {strides = array<i32>} : memref<32x1024xf32, #tpu.memory_space<vmem>>, vector<1x16xf32>,
      %get3A_587 = arith.index_cast %scan3A_108 : i32 to index
      %get3A_588 = arith.constant 640 : index
      %get3A_589 = tpu.vector_load %arg6[%get3A_587, %get3A_588] {strides = array<i32>} : memref<32x1024xf32, #tpu.memory_space<vmem>>, vector<1x16xf32>,
      %get3A_590 = vector.shape_cast %get3A_589 : vector<1x16xf32> to vector<16xf32>
      %mul3A_591 = arith.constant 3.200000e+01 : f32
      %mul3A_592 = vector.broadcast %mul3A_591 : f32 to vector<16xf32>
      %mul3A_593 = arith.mulf %get3A_590, %mul3A_592 : vector<16xf32>
      %swap3A_594 = arith.index_cast %scan3A_108 : i32 to index
      %swap3A_595 = arith.constant 640 : index
      %swap3A_596 = tpu.vector_load %arg6[%swap3A_594, %swap3A_595] {strides = array<i32>} : memref<32x1024xf32, #tpu.memory_space<vmem>>, vector<1x16xf32>,
      %swap3A_597 = vector.shape_cast %swap3A_596 : vector<1x16xf32> to vector<16xf32>
      %swap3A_598 = vector.shape_cast %mul3A_593 : vector<16xf32> to vector<1x16xf32>
      tpu.vector_store %arg6[%swap3A_594, %swap3A_595], %swap3A_598 {strides = array<i32>} : memref<32x1024xf32, #tpu.memory_space<vmem>>, vector<1x16xf32>,
      %get3A_599 = arith.index_cast %scan3A_108 : i32 to index
      %get3A_600 = arith.constant 656 : index
      %get3A_601 = tpu.vector_load %arg6[%get3A_599, %get3A_600] {strides = array<i32>} : memref<32x1024xf32, #tpu.memory_space<vmem>>, vector<1x16xf32>,
      %get3A_602 = vector.shape_cast %get3A_601 : vector<1x16xf32> to vector<16xf32>
      %mul3A_603 = arith.constant 3.200000e+01 : f32
      %mul3A_604 = vector.broadcast %mul3A_603 : f32 to vector<16xf32>
      %mul3A_605 = arith.mulf %get3A_602, %mul3A_604 : vector<16xf32>
      %swap3A_606 = arith.index_cast %scan3A_108 : i32 to index
      %swap3A_607 = arith.constant 656 : index
      %swap3A_608 = tpu.vector_load %arg6[%swap3A_606, %swap3A_607] {strides = array<i32>} : memref<32x1024xf32, #tpu.memory_space<vmem>>, vector<1x16xf32>,
      %swap3A_609 = vector.shape_cast %swap3A_608 : vector<1x16xf32> to vector<16xf32>
      %swap3A_610 = vector.shape_cast %mul3A_605 : vector<16xf32> to vector<1x16xf32>
      tpu.vector_store %arg6[%swap3A_606, %swap3A_607], %swap3A_610 {strides = array<i32>} : memref<32x1024xf32, #tpu.memory_space<vmem>>, vector<1x16xf32>,
      %get3A_611 = arith.index_cast %scan3A_108 : i32 to index
      %get3A_612 = arith.constant 672 : index
      %get3A_613 = tpu.vector_load %arg6[%get3A_611, %get3A_612] {strides = array<i32>} : memref<32x1024xf32, #tpu.memory_space<vmem>>, vector<1x16xf32>,
      %get3A_614 = vector.shape_cast %get3A_613 : vector<1x16xf32> to vector<16xf32>
      %mul3A_615 = arith.constant 3.200000e+01 : f32
      %mul3A_616 = vector.broadcast %mul3A_615 : f32 to vector<16xf32>
      %mul3A_617 = arith.mulf %get3A_614, %mul3A_616 : vector<16xf32>
      %swap3A_618 = arith.index_cast %scan3A_108 : i32 to index
      %swap3A_619 = arith.constant 672 : index
      %swap3A_620 = tpu.vector_load %arg6[%swap3A_618, %swap3A_619] {strides = array<i32>} : memref<32x1024xf32, #tpu.memory_space<vmem>>, vector<1x16xf32>,
      %swap3A_621 = vector.shape_cast %swap3A_620 : vector<1x16xf32> to vector<16xf32>
      %swap3A_622 = vector.shape_cast %mul3A_617 : vector<16xf32> to vector<1x16xf32>
      tpu.vector_store %arg6[%swap3A_618, %swap3A_619], %swap3A_622 {strides = array<i32>} : memref<32x1024xf32, #tpu.memory_space<vmem>>, vector<1x16xf32>,
      %get3A_623 = arith.index_cast %scan3A_108 : i32 to index
      %get3A_624 = arith.constant 688 : index
      %get3A_625 = tpu.vector_load %arg6[%get3A_623, %get3A_624] {strides = array<i32>} : memref<32x1024xf32, #tpu.memory_space<vmem>>, vector<1x16xf32>,
      %get3A_626 = vector.shape_cast %get3A_625 : vector<1x16xf32> to vector<16xf32>
      %mul3A_627 = arith.constant 3.200000e+01 : f32
      %mul3A_628 = vector.broadcast %mul3A_627 : f32 to vector<16xf32>
      %mul3A_629 = arith.mulf %get3A_626, %mul3A_628 : vector<16xf32>
      %swap3A_630 = arith.index_cast %scan3A_108 : i32 to index
      %swap3A_631 = arith.constant 688 : index
      %swap3A_632 = tpu.vector_load %arg6[%swap3A_630, %swap3A_631] {strides = array<i32>} : memref<32x1024xf32, #tpu.memory_space<vmem>>, vector<1x16xf32>,
      %swap3A_633 = vector.shape_cast %swap3A_632 : vector<1x16xf32> to vector<16xf32>
      %swap3A_634 = vector.shape_cast %mul3A_629 : vector<16xf32> to vector<1x16xf32>
      tpu.vector_store %arg6[%swap3A_630, %swap3A_631], %swap3A_634 {strides = array<i32>} : memref<32x1024xf32, #tpu.memory_space<vmem>>, vector<1x16xf32>,
      %get3A_635 = arith.index_cast %scan3A_108 : i32 to index
      %get3A_636 = arith.constant 704 : index
      %get3A_637 = tpu.vector_load %arg6[%get3A_635, %get3A_636] {strides = array<i32>} : memref<32x1024xf32, #tpu.memory_space<vmem>>, vector<1x16xf32>,
      %get3A_638 = vector.shape_cast %get3A_637 : vector<1x16xf32> to vector<16xf32>
      %mul3A_639 = arith.constant 3.200000e+01 : f32
      %mul3A_640 = vector.broadcast %mul3A_639 : f32 to vector<16xf32>
      %mul3A_641 = arith.mulf %get3A_638, %mul3A_640 : vector<16xf32>
      %swap3A_642 = arith.index_cast %scan3A_108 : i32 to index
      %swap3A_643 = arith.constant 704 : index
      %swap3A_644 = tpu.vector_load %arg6[%swap3A_642, %swap3A_643] {strides = array<i32>} : memref<32x1024xf32, #tpu.memory_space<vmem>>, vector<1x16xf32>,
      %swap3A_645 = vector.shape_cast %swap3A_644 : vector<1x16xf32> to vector<16xf32>
      %swap3A_646 = vector.shape_cast %mul3A_641 : vector<16xf32> to vector<1x16xf32>
      tpu.vector_store %arg6[%swap3A_642, %swap3A_643], %swap3A_646 {strides = array<i32>} : memref<32x1024xf32, #tpu.memory_space<vmem>>, vector<1x16xf32>,
      %get3A_647 = arith.index_cast %scan3A_108 : i32 to index
      %get3A_648 = arith.constant 720 : index
      %get3A_649 = tpu.vector_load %arg6[%get3A_647, %get3A_648] {strides = array<i32>} : memref<32x1024xf32, #tpu.memory_space<vmem>>, vector<1x16xf32>,
      %get3A_650 = vector.shape_cast %get3A_649 : vector<1x16xf32> to vector<16xf32>
      %mul3A_651 = arith.constant 3.200000e+01 : f32
      %mul3A_652 = vector.broadcast %mul3A_651 : f32 to vector<16xf32>
      %mul3A_653 = arith.mulf %get3A_650, %mul3A_652 : vector<16xf32>
      %swap3A_654 = arith.index_cast %scan3A_108 : i32 to index
      %swap3A_655 = arith.constant 720 : index
      %swap3A_656 = tpu.vector_load %arg6[%swap3A_654, %swap3A_655] {strides = array<i32>} : memref<32x1024xf32, #tpu.memory_space<vmem>>, vector<1x16xf32>,
      %swap3A_657 = vector.shape_cast %swap3A_656 : vector<1x16xf32> to vector<16xf32>
      %swap3A_658 = vector.shape_cast %mul3A_653 : vector<16xf32> to vector<1x16xf32>
      tpu.vector_store %arg6[%swap3A_654, %swap3A_655], %swap3A_658 {strides = array<i32>} : memref<32x1024xf32, #tpu.memory_space<vmem>>, vector<1x16xf32>,
      %get3A_659 = arith.index_cast %scan3A_108 : i32 to index
      %get3A_660 = arith.constant 736 : index
      %get3A_661 = tpu.vector_load %arg6[%get3A_659, %get3A_660] {strides = array<i32>} : memref<32x1024xf32, #tpu.memory_space<vmem>>, vector<1x16xf32>,
      %get3A_662 = vector.shape_cast %get3A_661 : vector<1x16xf32> to vector<16xf32>
      %mul3A_663 = arith.constant 3.200000e+01 : f32
      %mul3A_664 = vector.broadcast %mul3A_663 : f32 to vector<16xf32>
      %mul3A_665 = arith.mulf %get3A_662, %mul3A_664 : vector<16xf32>
      %swap3A_666 = arith.index_cast %scan3A_108 : i32 to index
      %swap3A_667 = arith.constant 736 : index
      %swap3A_668 = tpu.vector_load %arg6[%swap3A_666, %swap3A_667] {strides = array<i32>} : memref<32x1024xf32, #tpu.memory_space<vmem>>, vector<1x16xf32>,
      %swap3A_669 = vector.shape_cast %swap3A_668 : vector<1x16xf32> to vector<16xf32>
      %swap3A_670 = vector.shape_cast %mul3A_665 : vector<16xf32> to vector<1x16xf32>
      tpu.vector_store %arg6[%swap3A_666, %swap3A_667], %swap3A_670 {strides = array<i32>} : memref<32x1024xf32, #tpu.memory_space<vmem>>, vector<1x16xf32>,
      %get3A_671 = arith.index_cast %scan3A_108 : i32 to index
      %get3A_672 = arith.constant 752 : index
      %get3A_673 = tpu.vector_load %arg6[%get3A_671, %get3A_672] {strides = array<i32>} : memref<32x1024xf32, #tpu.memory_space<vmem>>, vector<1x16xf32>,
      %get3A_674 = vector.shape_cast %get3A_673 : vector<1x16xf32> to vector<16xf32>
      %mul3A_675 = arith.constant 3.200000e+01 : f32
      %mul3A_676 = vector.broadcast %mul3A_675 : f32 to vector<16xf32>
      %mul3A_677 = arith.mulf %get3A_674, %mul3A_676 : vector<16xf32>
      %swap3A_678 = arith.index_cast %scan3A_108 : i32 to index
      %swap3A_679 = arith.constant 752 : index
      %swap3A_680 = tpu.vector_load %arg6[%swap3A_678, %swap3A_679] {strides = array<i32>} : memref<32x1024xf32, #tpu.memory_space<vmem>>, vector<1x16xf32>,
      %swap3A_681 = vector.shape_cast %swap3A_680 : vector<1x16xf32> to vector<16xf32>
      %swap3A_682 = vector.shape_cast %mul3A_677 : vector<16xf32> to vector<1x16xf32>
      tpu.vector_store %arg6[%swap3A_678, %swap3A_679], %swap3A_682 {strides = array<i32>} : memref<32x1024xf32, #tpu.memory_space<vmem>>, vector<1x16xf32>,
      %get3A_683 = arith.index_cast %scan3A_108 : i32 to index
      %get3A_684 = arith.constant 768 : index
      %get3A_685 = tpu.vector_load %arg6[%get3A_683, %get3A_684] {strides = array<i32>} : memref<32x1024xf32, #tpu.memory_space<vmem>>, vector<1x16xf32>,
      %get3A_686 = vector.shape_cast %get3A_685 : vector<1x16xf32> to vector<16xf32>
      %mul3A_687 = arith.constant 3.200000e+01 : f32
      %mul3A_688 = vector.broadcast %mul3A_687 : f32 to vector<16xf32>
      %mul3A_689 = arith.mulf %get3A_686, %mul3A_688 : vector<16xf32>
      %swap3A_690 = arith.index_cast %scan3A_108 : i32 to index
      %swap3A_691 = arith.constant 768 : index
      %swap3A_692 = tpu.vector_load %arg6[%swap3A_690, %swap3A_691] {strides = array<i32>} : memref<32x1024xf32, #tpu.memory_space<vmem>>, vector<1x16xf32>,
      %swap3A_693 = vector.shape_cast %swap3A_692 : vector<1x16xf32> to vector<16xf32>
      %swap3A_694 = vector.shape_cast %mul3A_689 : vector<16xf32> to vector<1x16xf32>
      tpu.vector_store %arg6[%swap3A_690, %swap3A_691], %swap3A_694 {strides = array<i32>} : memref<32x1024xf32, #tpu.memory_space<vmem>>, vector<1x16xf32>,
      %get3A_695 = arith.index_cast %scan3A_108 : i32 to index
      %get3A_696 = arith.constant 784 : index
      %get3A_697 = tpu.vector_load %arg6[%get3A_695, %get3A_696] {strides = array<i32>} : memref<32x1024xf32, #tpu.memory_space<vmem>>, vector<1x16xf32>,
      %get3A_698 = vector.shape_cast %get3A_697 : vector<1x16xf32> to vector<16xf32>
      %mul3A_699 = arith.constant 3.200000e+01 : f32
      %mul3A_700 = vector.broadcast %mul3A_699 : f32 to vector<16xf32>
      %mul3A_701 = arith.mulf %get3A_698, %mul3A_700 : vector<16xf32>
      %swap3A_702 = arith.index_cast %scan3A_108 : i32 to index
      %swap3A_703 = arith.constant 784 : index
      %swap3A_704 = tpu.vector_load %arg6[%swap3A_702, %swap3A_703] {strides = array<i32>} : memref<32x1024xf32, #tpu.memory_space<vmem>>, vector<1x16xf32>,
      %swap3A_705 = vector.shape_cast %swap3A_704 : vector<1x16xf32> to vector<16xf32>
      %swap3A_706 = vector.shape_cast %mul3A_701 : vector<16xf32> to vector<1x16xf32>
      tpu.vector_store %arg6[%swap3A_702, %swap3A_703], %swap3A_706 {strides = array<i32>} : memref<32x1024xf32, #tpu.memory_space<vmem>>, vector<1x16xf32>,
      %get3A_707 = arith.index_cast %scan3A_108 : i32 to index
      %get3A_708 = arith.constant 800 : index
      %get3A_709 = tpu.vector_load %arg6[%get3A_707, %get3A_708] {strides = array<i32>} : memref<32x1024xf32, #tpu.memory_space<vmem>>, vector<1x16xf32>,
      %get3A_710 = vector.shape_cast %get3A_709 : vector<1x16xf32> to vector<16xf32>
      %mul3A_711 = arith.constant 3.200000e+01 : f32
      %mul3A_712 = vector.broadcast %mul3A_711 : f32 to vector<16xf32>
      %mul3A_713 = arith.mulf %get3A_710, %mul3A_712 : vector<16xf32>
      %swap3A_714 = arith.index_cast %scan3A_108 : i32 to index
      %swap3A_715 = arith.constant 800 : index
      %swap3A_716 = tpu.vector_load %arg6[%swap3A_714, %swap3A_715] {strides = array<i32>} : memref<32x1024xf32, #tpu.memory_space<vmem>>, vector<1x16xf32>,
      %swap3A_717 = vector.shape_cast %swap3A_716 : vector<1x16xf32> to vector<16xf32>
      %swap3A_718 = vector.shape_cast %mul3A_713 : vector<16xf32> to vector<1x16xf32>
      tpu.vector_store %arg6[%swap3A_714, %swap3A_715], %swap3A_718 {strides = array<i32>} : memref<32x1024xf32, #tpu.memory_space<vmem>>, vector<1x16xf32>,
      %get3A_719 = arith.index_cast %scan3A_108 : i32 to index
      %get3A_720 = arith.constant 816 : index
      %get3A_721 = tpu.vector_load %arg6[%get3A_719, %get3A_720] {strides = array<i32>} : memref<32x1024xf32, #tpu.memory_space<vmem>>, vector<1x16xf32>,
      %get3A_722 = vector.shape_cast %get3A_721 : vector<1x16xf32> to vector<16xf32>
      %mul3A_723 = arith.constant 3.200000e+01 : f32
      %mul3A_724 = vector.broadcast %mul3A_723 : f32 to vector<16xf32>
      %mul3A_725 = arith.mulf %get3A_722, %mul3A_724 : vector<16xf32>
      %swap3A_726 = arith.index_cast %scan3A_108 : i32 to index
      %swap3A_727 = arith.constant 816 : index
      %swap3A_728 = tpu.vector_load %arg6[%swap3A_726, %swap3A_727] {strides = array<i32>} : memref<32x1024xf32, #tpu.memory_space<vmem>>, vector<1x16xf32>,
      %swap3A_729 = vector.shape_cast %swap3A_728 : vector<1x16xf32> to vector<16xf32>
      %swap3A_730 = vector.shape_cast %mul3A_725 : vector<16xf32> to vector<1x16xf32>
      tpu.vector_store %arg6[%swap3A_726, %swap3A_727], %swap3A_730 {strides = array<i32>} : memref<32x1024xf32, #tpu.memory_space<vmem>>, vector<1x16xf32>,
      %get3A_731 = arith.index_cast %scan3A_108 : i32 to index
      %get3A_732 = arith.constant 832 : index
      %get3A_733 = tpu.vector_load %arg6[%get3A_731, %get3A_732] {strides = array<i32>} : memref<32x1024xf32, #tpu.memory_space<vmem>>, vector<1x16xf32>,
      %get3A_734 = vector.shape_cast %get3A_733 : vector<1x16xf32> to vector<16xf32>
      %mul3A_735 = arith.constant 3.200000e+01 : f32
      %mul3A_736 = vector.broadcast %mul3A_735 : f32 to vector<16xf32>
      %mul3A_737 = arith.mulf %get3A_734, %mul3A_736 : vector<16xf32>
      %swap3A_738 = arith.index_cast %scan3A_108 : i32 to index
      %swap3A_739 = arith.constant 832 : index
      %swap3A_740 = tpu.vector_load %arg6[%swap3A_738, %swap3A_739] {strides = array<i32>} : memref<32x1024xf32, #tpu.memory_space<vmem>>, vector<1x16xf32>,
      %swap3A_741 = vector.shape_cast %swap3A_740 : vector<1x16xf32> to vector<16xf32>
      %swap3A_742 = vector.shape_cast %mul3A_737 : vector<16xf32> to vector<1x16xf32>
      tpu.vector_store %arg6[%swap3A_738, %swap3A_739], %swap3A_742 {strides = array<i32>} : memref<32x1024xf32, #tpu.memory_space<vmem>>, vector<1x16xf32>,
      %get3A_743 = arith.index_cast %scan3A_108 : i32 to index
      %get3A_744 = arith.constant 848 : index
      %get3A_745 = tpu.vector_load %arg6[%get3A_743, %get3A_744] {strides = array<i32>} : memref<32x1024xf32, #tpu.memory_space<vmem>>, vector<1x16xf32>,
      %get3A_746 = vector.shape_cast %get3A_745 : vector<1x16xf32> to vector<16xf32>
      %mul3A_747 = arith.constant 3.200000e+01 : f32
      %mul3A_748 = vector.broadcast %mul3A_747 : f32 to vector<16xf32>
      %mul3A_749 = arith.mulf %get3A_746, %mul3A_748 : vector<16xf32>
      %swap3A_750 = arith.index_cast %scan3A_108 : i32 to index
      %swap3A_751 = arith.constant 848 : index
      %swap3A_752 = tpu.vector_load %arg6[%swap3A_750, %swap3A_751] {strides = array<i32>} : memref<32x1024xf32, #tpu.memory_space<vmem>>, vector<1x16xf32>,
      %swap3A_753 = vector.shape_cast %swap3A_752 : vector<1x16xf32> to vector<16xf32>
      %swap3A_754 = vector.shape_cast %mul3A_749 : vector<16xf32> to vector<1x16xf32>
      tpu.vector_store %arg6[%swap3A_750, %swap3A_751], %swap3A_754 {strides = array<i32>} : memref<32x1024xf32, #tpu.memory_space<vmem>>, vector<1x16xf32>,
      %get3A_755 = arith.index_cast %scan3A_108 : i32 to index
      %get3A_756 = arith.constant 864 : index
      %get3A_757 = tpu.vector_load %arg6[%get3A_755, %get3A_756] {strides = array<i32>} : memref<32x1024xf32, #tpu.memory_space<vmem>>, vector<1x16xf32>,
      %get3A_758 = vector.shape_cast %get3A_757 : vector<1x16xf32> to vector<16xf32>
      %mul3A_759 = arith.constant 3.200000e+01 : f32
      %mul3A_760 = vector.broadcast %mul3A_759 : f32 to vector<16xf32>
      %mul3A_761 = arith.mulf %get3A_758, %mul3A_760 : vector<16xf32>
      %swap3A_762 = arith.index_cast %scan3A_108 : i32 to index
      %swap3A_763 = arith.constant 864 : index
      %swap3A_764 = tpu.vector_load %arg6[%swap3A_762, %swap3A_763] {strides = array<i32>} : memref<32x1024xf32, #tpu.memory_space<vmem>>, vector<1x16xf32>,
      %swap3A_765 = vector.shape_cast %swap3A_764 : vector<1x16xf32> to vector<16xf32>
      %swap3A_766 = vector.shape_cast %mul3A_761 : vector<16xf32> to vector<1x16xf32>
      tpu.vector_store %arg6[%swap3A_762, %swap3A_763], %swap3A_766 {strides = array<i32>} : memref<32x1024xf32, #tpu.memory_space<vmem>>, vector<1x16xf32>,
      %get3A_767 = arith.index_cast %scan3A_108 : i32 to index
      %get3A_768 = arith.constant 880 : index
      %get3A_769 = tpu.vector_load %arg6[%get3A_767, %get3A_768] {strides = array<i32>} : memref<32x1024xf32, #tpu.memory_space<vmem>>, vector<1x16xf32>,
      %get3A_770 = vector.shape_cast %get3A_769 : vector<1x16xf32> to vector<16xf32>
      %mul3A_771 = arith.constant 3.200000e+01 : f32
      %mul3A_772 = vector.broadcast %mul3A_771 : f32 to vector<16xf32>
      %mul3A_773 = arith.mulf %get3A_770, %mul3A_772 : vector<16xf32>
      %swap3A_774 = arith.index_cast %scan3A_108 : i32 to index
      %swap3A_775 = arith.constant 880 : index
      %swap3A_776 = tpu.vector_load %arg6[%swap3A_774, %swap3A_775] {strides = array<i32>} : memref<32x1024xf32, #tpu.memory_space<vmem>>, vector<1x16xf32>,
      %swap3A_777 = vector.shape_cast %swap3A_776 : vector<1x16xf32> to vector<16xf32>
      %swap3A_778 = vector.shape_cast %mul3A_773 : vector<16xf32> to vector<1x16xf32>
      tpu.vector_store %arg6[%swap3A_774, %swap3A_775], %swap3A_778 {strides = array<i32>} : memref<32x1024xf32, #tpu.memory_space<vmem>>, vector<1x16xf32>,
      %get3A_779 = arith.index_cast %scan3A_108 : i32 to index
      %get3A_780 = arith.constant 896 : index
      %get3A_781 = tpu.vector_load %arg6[%get3A_779, %get3A_780] {strides = array<i32>} : memref<32x1024xf32, #tpu.memory_space<vmem>>, vector<1x16xf32>,
      %get3A_782 = vector.shape_cast %get3A_781 : vector<1x16xf32> to vector<16xf32>
      %mul3A_783 = arith.constant 3.200000e+01 : f32
      %mul3A_784 = vector.broadcast %mul3A_783 : f32 to vector<16xf32>
      %mul3A_785 = arith.mulf %get3A_782, %mul3A_784 : vector<16xf32>
      %swap3A_786 = arith.index_cast %scan3A_108 : i32 to index
      %swap3A_787 = arith.constant 896 : index
      %swap3A_788 = tpu.vector_load %arg6[%swap3A_786, %swap3A_787] {strides = array<i32>} : memref<32x1024xf32, #tpu.memory_space<vmem>>, vector<1x16xf32>,
      %swap3A_789 = vector.shape_cast %swap3A_788 : vector<1x16xf32> to vector<16xf32>
      %swap3A_790 = vector.shape_cast %mul3A_785 : vector<16xf32> to vector<1x16xf32>
      tpu.vector_store %arg6[%swap3A_786, %swap3A_787], %swap3A_790 {strides = array<i32>} : memref<32x1024xf32, #tpu.memory_space<vmem>>, vector<1x16xf32>,
      %get3A_791 = arith.index_cast %scan3A_108 : i32 to index
      %get3A_792 = arith.constant 912 : index
      %get3A_793 = tpu.vector_load %arg6[%get3A_791, %get3A_792] {strides = array<i32>} : memref<32x1024xf32, #tpu.memory_space<vmem>>, vector<1x16xf32>,
      %get3A_794 = vector.shape_cast %get3A_793 : vector<1x16xf32> to vector<16xf32>
      %mul3A_795 = arith.constant 3.200000e+01 : f32
      %mul3A_796 = vector.broadcast %mul3A_795 : f32 to vector<16xf32>
      %mul3A_797 = arith.mulf %get3A_794, %mul3A_796 : vector<16xf32>
      %swap3A_798 = arith.index_cast %scan3A_108 : i32 to index
      %swap3A_799 = arith.constant 912 : index
      %swap3A_800 = tpu.vector_load %arg6[%swap3A_798, %swap3A_799] {strides = array<i32>} : memref<32x1024xf32, #tpu.memory_space<vmem>>, vector<1x16xf32>,
      %swap3A_801 = vector.shape_cast %swap3A_800 : vector<1x16xf32> to vector<16xf32>
      %swap3A_802 = vector.shape_cast %mul3A_797 : vector<16xf32> to vector<1x16xf32>
      tpu.vector_store %arg6[%swap3A_798, %swap3A_799], %swap3A_802 {strides = array<i32>} : memref<32x1024xf32, #tpu.memory_space<vmem>>, vector<1x16xf32>,
      %get3A_803 = arith.index_cast %scan3A_108 : i32 to index
      %get3A_804 = arith.constant 928 : index
      %get3A_805 = tpu.vector_load %arg6[%get3A_803, %get3A_804] {strides = array<i32>} : memref<32x1024xf32, #tpu.memory_space<vmem>>, vector<1x16xf32>,
      %get3A_806 = vector.shape_cast %get3A_805 : vector<1x16xf32> to vector<16xf32>
      %mul3A_807 = arith.constant 3.200000e+01 : f32
      %mul3A_808 = vector.broadcast %mul3A_807 : f32 to vector<16xf32>
      %mul3A_809 = arith.mulf %get3A_806, %mul3A_808 : vector<16xf32>
      %swap3A_810 = arith.index_cast %scan3A_108 : i32 to index
      %swap3A_811 = arith.constant 928 : index
      %swap3A_812 = tpu.vector_load %arg6[%swap3A_810, %swap3A_811] {strides = array<i32>} : memref<32x1024xf32, #tpu.memory_space<vmem>>, vector<1x16xf32>,
      %swap3A_813 = vector.shape_cast %swap3A_812 : vector<1x16xf32> to vector<16xf32>
      %swap3A_814 = vector.shape_cast %mul3A_809 : vector<16xf32> to vector<1x16xf32>
      tpu.vector_store %arg6[%swap3A_810, %swap3A_811], %swap3A_814 {strides = array<i32>} : memref<32x1024xf32, #tpu.memory_space<vmem>>, vector<1x16xf32>,
      %get3A_815 = arith.index_cast %scan3A_108 : i32 to index
      %get3A_816 = arith.constant 944 : index
      %get3A_817 = tpu.vector_load %arg6[%get3A_815, %get3A_816] {strides = array<i32>} : memref<32x1024xf32, #tpu.memory_space<vmem>>, vector<1x16xf32>,
      %get3A_818 = vector.shape_cast %get3A_817 : vector<1x16xf32> to vector<16xf32>
      %mul3A_819 = arith.constant 3.200000e+01 : f32
      %mul3A_820 = vector.broadcast %mul3A_819 : f32 to vector<16xf32>
      %mul3A_821 = arith.mulf %get3A_818, %mul3A_820 : vector<16xf32>
      %swap3A_822 = arith.index_cast %scan3A_108 : i32 to index
      %swap3A_823 = arith.constant 944 : index
      %swap3A_824 = tpu.vector_load %arg6[%swap3A_822, %swap3A_823] {strides = array<i32>} : memref<32x1024xf32, #tpu.memory_space<vmem>>, vector<1x16xf32>,
      %swap3A_825 = vector.shape_cast %swap3A_824 : vector<1x16xf32> to vector<16xf32>
      %swap3A_826 = vector.shape_cast %mul3A_821 : vector<16xf32> to vector<1x16xf32>
      tpu.vector_store %arg6[%swap3A_822, %swap3A_823], %swap3A_826 {strides = array<i32>} : memref<32x1024xf32, #tpu.memory_space<vmem>>, vector<1x16xf32>,
      %get3A_827 = arith.index_cast %scan3A_108 : i32 to index
      %get3A_828 = arith.constant 960 : index
      %get3A_829 = tpu.vector_load %arg6[%get3A_827, %get3A_828] {strides = array<i32>} : memref<32x1024xf32, #tpu.memory_space<vmem>>, vector<1x16xf32>,
      %get3A_830 = vector.shape_cast %get3A_829 : vector<1x16xf32> to vector<16xf32>
      %mul3A_831 = arith.constant 3.200000e+01 : f32
      %mul3A_832 = vector.broadcast %mul3A_831 : f32 to vector<16xf32>
      %mul3A_833 = arith.mulf %get3A_830, %mul3A_832 : vector<16xf32>
      %swap3A_834 = arith.index_cast %scan3A_108 : i32 to index
      %swap3A_835 = arith.constant 960 : index
      %swap3A_836 = tpu.vector_load %arg6[%swap3A_834, %swap3A_835] {strides = array<i32>} : memref<32x1024xf32, #tpu.memory_space<vmem>>, vector<1x16xf32>,
      %swap3A_837 = vector.shape_cast %swap3A_836 : vector<1x16xf32> to vector<16xf32>
      %swap3A_838 = vector.shape_cast %mul3A_833 : vector<16xf32> to vector<1x16xf32>
      tpu.vector_store %arg6[%swap3A_834, %swap3A_835], %swap3A_838 {strides = array<i32>} : memref<32x1024xf32, #tpu.memory_space<vmem>>, vector<1x16xf32>,
      %get3A_839 = arith.index_cast %scan3A_108 : i32 to index
      %get3A_840 = arith.constant 976 : index
      %get3A_841 = tpu.vector_load %arg6[%get3A_839, %get3A_840] {strides = array<i32>} : memref<32x1024xf32, #tpu.memory_space<vmem>>, vector<1x16xf32>,
      %get3A_842 = vector.shape_cast %get3A_841 : vector<1x16xf32> to vector<16xf32>
      %mul3A_843 = arith.constant 3.200000e+01 : f32
      %mul3A_844 = vector.broadcast %mul3A_843 : f32 to vector<16xf32>
      %mul3A_845 = arith.mulf %get3A_842, %mul3A_844 : vector<16xf32>
      %swap3A_846 = arith.index_cast %scan3A_108 : i32 to index
      %swap3A_847 = arith.constant 976 : index
      %swap3A_848 = tpu.vector_load %arg6[%swap3A_846, %swap3A_847] {strides = array<i32>} : memref<32x1024xf32, #tpu.memory_space<vmem>>, vector<1x16xf32>,
      %swap3A_849 = vector.shape_cast %swap3A_848 : vector<1x16xf32> to vector<16xf32>
      %swap3A_850 = vector.shape_cast %mul3A_845 : vector<16xf32> to vector<1x16xf32>
      tpu.vector_store %arg6[%swap3A_846, %swap3A_847], %swap3A_850 {strides = array<i32>} : memref<32x1024xf32, #tpu.memory_space<vmem>>, vector<1x16xf32>,
      %get3A_851 = arith.index_cast %scan3A_108 : i32 to index
      %get3A_852 = arith.constant 992 : index
      %get3A_853 = tpu.vector_load %arg6[%get3A_851, %get3A_852] {strides = array<i32>} : memref<32x1024xf32, #tpu.memory_space<vmem>>, vector<1x16xf32>,
      %get3A_854 = vector.shape_cast %get3A_853 : vector<1x16xf32> to vector<16xf32>
      %mul3A_855 = arith.constant 3.200000e+01 : f32
      %mul3A_856 = vector.broadcast %mul3A_855 : f32 to vector<16xf32>
      %mul3A_857 = arith.mulf %get3A_854, %mul3A_856 : vector<16xf32>
      %swap3A_858 = arith.index_cast %scan3A_108 : i32 to index
      %swap3A_859 = arith.constant 992 : index
      %swap3A_860 = tpu.vector_load %arg6[%swap3A_858, %swap3A_859] {strides = array<i32>} : memref<32x1024xf32, #tpu.memory_space<vmem>>, vector<1x16xf32>,
      %swap3A_861 = vector.shape_cast %swap3A_860 : vector<1x16xf32> to vector<16xf32>
      %swap3A_862 = vector.shape_cast %mul3A_857 : vector<16xf32> to vector<1x16xf32>
      tpu.vector_store %arg6[%swap3A_858, %swap3A_859], %swap3A_862 {strides = array<i32>} : memref<32x1024xf32, #tpu.memory_space<vmem>>, vector<1x16xf32>,
      %get3A_863 = arith.index_cast %scan3A_108 : i32 to index
      %get3A_864 = arith.constant 1008 : index
      %get3A_865 = tpu.vector_load %arg6[%get3A_863, %get3A_864] {strides = array<i32>} : memref<32x1024xf32, #tpu.memory_space<vmem>>, vector<1x16xf32>,
      %get3A_866 = vector.shape_cast %get3A_865 : vector<1x16xf32> to vector<16xf32>
      %mul3A_867 = arith.constant 3.200000e+01 : f32
      %mul3A_868 = vector.broadcast %mul3A_867 : f32 to vector<16xf32>
      %mul3A_869 = arith.mulf %get3A_866, %mul3A_868 : vector<16xf32>
      %swap3A_870 = arith.index_cast %scan3A_108 : i32 to index
      %swap3A_871 = arith.constant 1008 : index
      %swap3A_872 = tpu.vector_load %arg6[%swap3A_870, %swap3A_871] {strides = array<i32>} : memref<32x1024xf32, #tpu.memory_space<vmem>>, vector<1x16xf32>,
      %swap3A_873 = vector.shape_cast %swap3A_872 : vector<1x16xf32> to vector<16xf32>
      %swap3A_874 = vector.shape_cast %mul3A_869 : vector<16xf32> to vector<1x16xf32>
      tpu.vector_store %arg6[%swap3A_870, %swap3A_871], %swap3A_874 {strides = array<i32>} : memref<32x1024xf32, #tpu.memory_space<vmem>>, vector<1x16xf32>,
    }
    %scan3A_56 = arith.constant 32 : i32
    %add3A_57 = arith.constant 960 : i32
    %add3A_58 = arith.addi %mul3A_32, %add3A_57 : i32
    %dma_start3A_59 = arith.constant 0 : i32
    %dma_start3A_60 = tpu.memref_slice %arg4[%select_n3A, %add3A_58, %dma_start3A_59] : memref<4x8192x1024xf32, #tpu.memory_space<hbm>> -> memref<1x32x1024xf32, #tpu.memory_space<hbm>>
    %dma_start3A_61 = tpu.memref_squeeze %dma_start3A_60 : memref<1x32x1024xf32, #tpu.memory_space<hbm>> -> memref<32x1024xf32, #tpu.memory_space<hbm>>
    %dma_start3A_62 = arith.constant 0 : i32
    %dma_start3A_63 = tpu.memref_slice %arg4[%select_n3A, %add3A_58, %dma_start3A_62] : memref<4x8192x1024xf32, #tpu.memory_space<hbm>> -> memref<1x32x1024xf32, #tpu.memory_space<hbm>>
    %dma_start3A_64 = tpu.memref_squeeze %dma_start3A_63 : memref<1x32x1024xf32, #tpu.memory_space<hbm>> -> memref<32x1024xf32, #tpu.memory_space<hbm>>
    tpu.enqueue_dma source(%arg6 : memref<32x1024xf32, #tpu.memory_space<vmem>>) target(%dma_start3A_64 : memref<32x1024xf32, #tpu.memory_space<hbm>>) target_semaphore(%arg12 : memref<!tpu.dma_semaphore, #tpu.memory_space<semaphore_mem>>)
    %dma_wait3A_65 = arith.constant 992 : i32
    %dma_wait3A_66 = tpu.memref_slice %arg5[%dma_wait3A_65] : memref<1024xi32, #tpu.memory_space<vmem>> -> memref<32xi32, #tpu.memory_space<vmem>>
    %dma_wait3A_67 = arith.constant 0 : i32
    %dma_wait3A_68 = arith.constant 0 : i32
    %dma_wait3A_69 = tpu.memref_slice %arg3[%dma_wait3A_67, %dma_wait3A_68] : memref<100000x1024xf32, #tpu.memory_space<hbm>> -> memref<100000x1024xf32, #tpu.memory_space<hbm>>
    tpu.wait_indirect_dma semaphore(%arg10 : memref<!tpu.dma_semaphore, #tpu.memory_space<semaphore_mem>>) src(%dma_wait3A_69 : memref<100000x1024xf32, #tpu.memory_space<hbm>>) dst(%arg7 : memref<32x1024xf32, #tpu.memory_space<vmem>>)
    %scan3A_70 = arith.constant 0 : i32
    %scan3A_71 = arith.constant 0 : i32
    %scan3A_72 = arith.constant 32 : i32
    %scan3A_73 = arith.addi %scan3A_71, %scan3A_72 : i32
    %scan3A_74 = arith.constant 1 : i32
    scf.for %scan3A_108 = %scan3A_71 to %scan3A_73 step %scan3A_74  : i32 {
      %get3A = arith.index_cast %scan3A_108 : i32 to index
      %get3A_109 = arith.constant 0 : index
      %get3A_110 = tpu.vector_load %arg7[%get3A, %get3A_109] {strides = array<i32>} : memref<32x1024xf32, #tpu.memory_space<vmem>>, vector<1x16xf32>,
      %get3A_111 = vector.shape_cast %get3A_110 : vector<1x16xf32> to vector<16xf32>
      %mul3A_112 = arith.constant 3.200000e+01 : f32
      %mul3A_113 = vector.broadcast %mul3A_112 : f32 to vector<16xf32>
      %mul3A_114 = arith.mulf %get3A_111, %mul3A_113 : vector<16xf32>
      %swap3A = arith.index_cast %scan3A_108 : i32 to index
      %swap3A_115 = arith.constant 0 : index
      %swap3A_116 = tpu.vector_load %arg7[%swap3A, %swap3A_115] {strides = array<i32>} : memref<32x1024xf32, #tpu.memory_space<vmem>>, vector<1x16xf32>,
      %swap3A_117 = vector.shape_cast %swap3A_116 : vector<1x16xf32> to vector<16xf32>
      %swap3A_118 = vector.shape_cast %mul3A_114 : vector<16xf32> to vector<1x16xf32>
      tpu.vector_store %arg7[%swap3A, %swap3A_115], %swap3A_118 {strides = array<i32>} : memref<32x1024xf32, #tpu.memory_space<vmem>>, vector<1x16xf32>,
      %get3A_119 = arith.index_cast %scan3A_108 : i32 to index
      %get3A_120 = arith.constant 16 : index
      %get3A_121 = tpu.vector_load %arg7[%get3A_119, %get3A_120] {strides = array<i32>} : memref<32x1024xf32, #tpu.memory_space<vmem>>, vector<1x16xf32>,
      %get3A_122 = vector.shape_cast %get3A_121 : vector<1x16xf32> to vector<16xf32>
      %mul3A_123 = arith.constant 3.200000e+01 : f32
      %mul3A_124 = vector.broadcast %mul3A_123 : f32 to vector<16xf32>
      %mul3A_125 = arith.mulf %get3A_122, %mul3A_124 : vector<16xf32>
      %swap3A_126 = arith.index_cast %scan3A_108 : i32 to index
      %swap3A_127 = arith.constant 16 : index
      %swap3A_128 = tpu.vector_load %arg7[%swap3A_126, %swap3A_127] {strides = array<i32>} : memref<32x1024xf32, #tpu.memory_space<vmem>>, vector<1x16xf32>,
      %swap3A_129 = vector.shape_cast %swap3A_128 : vector<1x16xf32> to vector<16xf32>
      %swap3A_130 = vector.shape_cast %mul3A_125 : vector<16xf32> to vector<1x16xf32>
      tpu.vector_store %arg7[%swap3A_126, %swap3A_127], %swap3A_130 {strides = array<i32>} : memref<32x1024xf32, #tpu.memory_space<vmem>>, vector<1x16xf32>,
      %get3A_131 = arith.index_cast %scan3A_108 : i32 to index
      %get3A_132 = arith.constant 32 : index
      %get3A_133 = tpu.vector_load %arg7[%get3A_131, %get3A_132] {strides = array<i32>} : memref<32x1024xf32, #tpu.memory_space<vmem>>, vector<1x16xf32>,
      %get3A_134 = vector.shape_cast %get3A_133 : vector<1x16xf32> to vector<16xf32>
      %mul3A_135 = arith.constant 3.200000e+01 : f32
      %mul3A_136 = vector.broadcast %mul3A_135 : f32 to vector<16xf32>
      %mul3A_137 = arith.mulf %get3A_134, %mul3A_136 : vector<16xf32>
      %swap3A_138 = arith.index_cast %scan3A_108 : i32 to index
      %swap3A_139 = arith.constant 32 : index
      %swap3A_140 = tpu.vector_load %arg7[%swap3A_138, %swap3A_139] {strides = array<i32>} : memref<32x1024xf32, #tpu.memory_space<vmem>>, vector<1x16xf32>,
      %swap3A_141 = vector.shape_cast %swap3A_140 : vector<1x16xf32> to vector<16xf32>
      %swap3A_142 = vector.shape_cast %mul3A_137 : vector<16xf32> to vector<1x16xf32>
      tpu.vector_store %arg7[%swap3A_138, %swap3A_139], %swap3A_142 {strides = array<i32>} : memref<32x1024xf32, #tpu.memory_space<vmem>>, vector<1x16xf32>,
      %get3A_143 = arith.index_cast %scan3A_108 : i32 to index
      %get3A_144 = arith.constant 48 : index
      %get3A_145 = tpu.vector_load %arg7[%get3A_143, %get3A_144] {strides = array<i32>} : memref<32x1024xf32, #tpu.memory_space<vmem>>, vector<1x16xf32>,
      %get3A_146 = vector.shape_cast %get3A_145 : vector<1x16xf32> to vector<16xf32>
      %mul3A_147 = arith.constant 3.200000e+01 : f32
      %mul3A_148 = vector.broadcast %mul3A_147 : f32 to vector<16xf32>
      %mul3A_149 = arith.mulf %get3A_146, %mul3A_148 : vector<16xf32>
      %swap3A_150 = arith.index_cast %scan3A_108 : i32 to index
      %swap3A_151 = arith.constant 48 : index
      %swap3A_152 = tpu.vector_load %arg7[%swap3A_150, %swap3A_151] {strides = array<i32>} : memref<32x1024xf32, #tpu.memory_space<vmem>>, vector<1x16xf32>,
      %swap3A_153 = vector.shape_cast %swap3A_152 : vector<1x16xf32> to vector<16xf32>
      %swap3A_154 = vector.shape_cast %mul3A_149 : vector<16xf32> to vector<1x16xf32>
      tpu.vector_store %arg7[%swap3A_150, %swap3A_151], %swap3A_154 {strides = array<i32>} : memref<32x1024xf32, #tpu.memory_space<vmem>>, vector<1x16xf32>,
      %get3A_155 = arith.index_cast %scan3A_108 : i32 to index
      %get3A_156 = arith.constant 64 : index
      %get3A_157 = tpu.vector_load %arg7[%get3A_155, %get3A_156] {strides = array<i32>} : memref<32x1024xf32, #tpu.memory_space<vmem>>, vector<1x16xf32>,
      %get3A_158 = vector.shape_cast %get3A_157 : vector<1x16xf32> to vector<16xf32>
      %mul3A_159 = arith.constant 3.200000e+01 : f32
      %mul3A_160 = vector.broadcast %mul3A_159 : f32 to vector<16xf32>
      %mul3A_161 = arith.mulf %get3A_158, %mul3A_160 : vector<16xf32>
      %swap3A_162 = arith.index_cast %scan3A_108 : i32 to index
      %swap3A_163 = arith.constant 64 : index
      %swap3A_164 = tpu.vector_load %arg7[%swap3A_162, %swap3A_163] {strides = array<i32>} : memref<32x1024xf32, #tpu.memory_space<vmem>>, vector<1x16xf32>,
      %swap3A_165 = vector.shape_cast %swap3A_164 : vector<1x16xf32> to vector<16xf32>
      %swap3A_166 = vector.shape_cast %mul3A_161 : vector<16xf32> to vector<1x16xf32>
      tpu.vector_store %arg7[%swap3A_162, %swap3A_163], %swap3A_166 {strides = array<i32>} : memref<32x1024xf32, #tpu.memory_space<vmem>>, vector<1x16xf32>,
      %get3A_167 = arith.index_cast %scan3A_108 : i32 to index
      %get3A_168 = arith.constant 80 : index
      %get3A_169 = tpu.vector_load %arg7[%get3A_167, %get3A_168] {strides = array<i32>} : memref<32x1024xf32, #tpu.memory_space<vmem>>, vector<1x16xf32>,
      %get3A_170 = vector.shape_cast %get3A_169 : vector<1x16xf32> to vector<16xf32>
      %mul3A_171 = arith.constant 3.200000e+01 : f32
      %mul3A_172 = vector.broadcast %mul3A_171 : f32 to vector<16xf32>
      %mul3A_173 = arith.mulf %get3A_170, %mul3A_172 : vector<16xf32>
      %swap3A_174 = arith.index_cast %scan3A_108 : i32 to index
      %swap3A_175 = arith.constant 80 : index
      %swap3A_176 = tpu.vector_load %arg7[%swap3A_174, %swap3A_175] {strides = array<i32>} : memref<32x1024xf32, #tpu.memory_space<vmem>>, vector<1x16xf32>,
      %swap3A_177 = vector.shape_cast %swap3A_176 : vector<1x16xf32> to vector<16xf32>
      %swap3A_178 = vector.shape_cast %mul3A_173 : vector<16xf32> to vector<1x16xf32>
      tpu.vector_store %arg7[%swap3A_174, %swap3A_175], %swap3A_178 {strides = array<i32>} : memref<32x1024xf32, #tpu.memory_space<vmem>>, vector<1x16xf32>,
      %get3A_179 = arith.index_cast %scan3A_108 : i32 to index
      %get3A_180 = arith.constant 96 : index
      %get3A_181 = tpu.vector_load %arg7[%get3A_179, %get3A_180] {strides = array<i32>} : memref<32x1024xf32, #tpu.memory_space<vmem>>, vector<1x16xf32>,
      %get3A_182 = vector.shape_cast %get3A_181 : vector<1x16xf32> to vector<16xf32>
      %mul3A_183 = arith.constant 3.200000e+01 : f32
      %mul3A_184 = vector.broadcast %mul3A_183 : f32 to vector<16xf32>
      %mul3A_185 = arith.mulf %get3A_182, %mul3A_184 : vector<16xf32>
      %swap3A_186 = arith.index_cast %scan3A_108 : i32 to index
      %swap3A_187 = arith.constant 96 : index
      %swap3A_188 = tpu.vector_load %arg7[%swap3A_186, %swap3A_187] {strides = array<i32>} : memref<32x1024xf32, #tpu.memory_space<vmem>>, vector<1x16xf32>,
      %swap3A_189 = vector.shape_cast %swap3A_188 : vector<1x16xf32> to vector<16xf32>
      %swap3A_190 = vector.shape_cast %mul3A_185 : vector<16xf32> to vector<1x16xf32>
      tpu.vector_store %arg7[%swap3A_186, %swap3A_187], %swap3A_190 {strides = array<i32>} : memref<32x1024xf32, #tpu.memory_space<vmem>>, vector<1x16xf32>,
      %get3A_191 = arith.index_cast %scan3A_108 : i32 to index
      %get3A_192 = arith.constant 112 : index
      %get3A_193 = tpu.vector_load %arg7[%get3A_191, %get3A_192] {strides = array<i32>} : memref<32x1024xf32, #tpu.memory_space<vmem>>, vector<1x16xf32>,
      %get3A_194 = vector.shape_cast %get3A_193 : vector<1x16xf32> to vector<16xf32>
      %mul3A_195 = arith.constant 3.200000e+01 : f32
      %mul3A_196 = vector.broadcast %mul3A_195 : f32 to vector<16xf32>
      %mul3A_197 = arith.mulf %get3A_194, %mul3A_196 : vector<16xf32>
      %swap3A_198 = arith.index_cast %scan3A_108 : i32 to index
      %swap3A_199 = arith.constant 112 : index
      %swap3A_200 = tpu.vector_load %arg7[%swap3A_198, %swap3A_199] {strides = array<i32>} : memref<32x1024xf32, #tpu.memory_space<vmem>>, vector<1x16xf32>,
      %swap3A_201 = vector.shape_cast %swap3A_200 : vector<1x16xf32> to vector<16xf32>
      %swap3A_202 = vector.shape_cast %mul3A_197 : vector<16xf32> to vector<1x16xf32>
      tpu.vector_store %arg7[%swap3A_198, %swap3A_199], %swap3A_202 {strides = array<i32>} : memref<32x1024xf32, #tpu.memory_space<vmem>>, vector<1x16xf32>,
      %get3A_203 = arith.index_cast %scan3A_108 : i32 to index
      %get3A_204 = arith.constant 128 : index
      %get3A_205 = tpu.vector_load %arg7[%get3A_203, %get3A_204] {strides = array<i32>} : memref<32x1024xf32, #tpu.memory_space<vmem>>, vector<1x16xf32>,
      %get3A_206 = vector.shape_cast %get3A_205 : vector<1x16xf32> to vector<16xf32>
      %mul3A_207 = arith.constant 3.200000e+01 : f32
      %mul3A_208 = vector.broadcast %mul3A_207 : f32 to vector<16xf32>
      %mul3A_209 = arith.mulf %get3A_206, %mul3A_208 : vector<16xf32>
      %swap3A_210 = arith.index_cast %scan3A_108 : i32 to index
      %swap3A_211 = arith.constant 128 : index
      %swap3A_212 = tpu.vector_load %arg7[%swap3A_210, %swap3A_211] {strides = array<i32>} : memref<32x1024xf32, #tpu.memory_space<vmem>>, vector<1x16xf32>,
      %swap3A_213 = vector.shape_cast %swap3A_212 : vector<1x16xf32> to vector<16xf32>
      %swap3A_214 = vector.shape_cast %mul3A_209 : vector<16xf32> to vector<1x16xf32>
      tpu.vector_store %arg7[%swap3A_210, %swap3A_211], %swap3A_214 {strides = array<i32>} : memref<32x1024xf32, #tpu.memory_space<vmem>>, vector<1x16xf32>,
      %get3A_215 = arith.index_cast %scan3A_108 : i32 to index
      %get3A_216 = arith.constant 144 : index
      %get3A_217 = tpu.vector_load %arg7[%get3A_215, %get3A_216] {strides = array<i32>} : memref<32x1024xf32, #tpu.memory_space<vmem>>, vector<1x16xf32>,
      %get3A_218 = vector.shape_cast %get3A_217 : vector<1x16xf32> to vector<16xf32>
      %mul3A_219 = arith.constant 3.200000e+01 : f32
      %mul3A_220 = vector.broadcast %mul3A_219 : f32 to vector<16xf32>
      %mul3A_221 = arith.mulf %get3A_218, %mul3A_220 : vector<16xf32>
      %swap3A_222 = arith.index_cast %scan3A_108 : i32 to index
      %swap3A_223 = arith.constant 144 : index
      %swap3A_224 = tpu.vector_load %arg7[%swap3A_222, %swap3A_223] {strides = array<i32>} : memref<32x1024xf32, #tpu.memory_space<vmem>>, vector<1x16xf32>,
      %swap3A_225 = vector.shape_cast %swap3A_224 : vector<1x16xf32> to vector<16xf32>
      %swap3A_226 = vector.shape_cast %mul3A_221 : vector<16xf32> to vector<1x16xf32>
      tpu.vector_store %arg7[%swap3A_222, %swap3A_223], %swap3A_226 {strides = array<i32>} : memref<32x1024xf32, #tpu.memory_space<vmem>>, vector<1x16xf32>,
      %get3A_227 = arith.index_cast %scan3A_108 : i32 to index
      %get3A_228 = arith.constant 160 : index
      %get3A_229 = tpu.vector_load %arg7[%get3A_227, %get3A_228] {strides = array<i32>} : memref<32x1024xf32, #tpu.memory_space<vmem>>, vector<1x16xf32>,
      %get3A_230 = vector.shape_cast %get3A_229 : vector<1x16xf32> to vector<16xf32>
      %mul3A_231 = arith.constant 3.200000e+01 : f32
      %mul3A_232 = vector.broadcast %mul3A_231 : f32 to vector<16xf32>
      %mul3A_233 = arith.mulf %get3A_230, %mul3A_232 : vector<16xf32>
      %swap3A_234 = arith.index_cast %scan3A_108 : i32 to index
      %swap3A_235 = arith.constant 160 : index
      %swap3A_236 = tpu.vector_load %arg7[%swap3A_234, %swap3A_235] {strides = array<i32>} : memref<32x1024xf32, #tpu.memory_space<vmem>>, vector<1x16xf32>,
      %swap3A_237 = vector.shape_cast %swap3A_236 : vector<1x16xf32> to vector<16xf32>
      %swap3A_238 = vector.shape_cast %mul3A_233 : vector<16xf32> to vector<1x16xf32>
      tpu.vector_store %arg7[%swap3A_234, %swap3A_235], %swap3A_238 {strides = array<i32>} : memref<32x1024xf32, #tpu.memory_space<vmem>>, vector<1x16xf32>,
      %get3A_239 = arith.index_cast %scan3A_108 : i32 to index
      %get3A_240 = arith.constant 176 : index
      %get3A_241 = tpu.vector_load %arg7[%get3A_239, %get3A_240] {strides = array<i32>} : memref<32x1024xf32, #tpu.memory_space<vmem>>, vector<1x16xf32>,
      %get3A_242 = vector.shape_cast %get3A_241 : vector<1x16xf32> to vector<16xf32>
      %mul3A_243 = arith.constant 3.200000e+01 : f32
      %mul3A_244 = vector.broadcast %mul3A_243 : f32 to vector<16xf32>
      %mul3A_245 = arith.mulf %get3A_242, %mul3A_244 : vector<16xf32>
      %swap3A_246 = arith.index_cast %scan3A_108 : i32 to index
      %swap3A_247 = arith.constant 176 : index
      %swap3A_248 = tpu.vector_load %arg7[%swap3A_246, %swap3A_247] {strides = array<i32>} : memref<32x1024xf32, #tpu.memory_space<vmem>>, vector<1x16xf32>,
      %swap3A_249 = vector.shape_cast %swap3A_248 : vector<1x16xf32> to vector<16xf32>
      %swap3A_250 = vector.shape_cast %mul3A_245 : vector<16xf32> to vector<1x16xf32>
      tpu.vector_store %arg7[%swap3A_246, %swap3A_247], %swap3A_250 {strides = array<i32>} : memref<32x1024xf32, #tpu.memory_space<vmem>>, vector<1x16xf32>,
      %get3A_251 = arith.index_cast %scan3A_108 : i32 to index
      %get3A_252 = arith.constant 192 : index
      %get3A_253 = tpu.vector_load %arg7[%get3A_251, %get3A_252] {strides = array<i32>} : memref<32x1024xf32, #tpu.memory_space<vmem>>, vector<1x16xf32>,
      %get3A_254 = vector.shape_cast %get3A_253 : vector<1x16xf32> to vector<16xf32>
      %mul3A_255 = arith.constant 3.200000e+01 : f32
      %mul3A_256 = vector.broadcast %mul3A_255 : f32 to vector<16xf32>
      %mul3A_257 = arith.mulf %get3A_254, %mul3A_256 : vector<16xf32>
      %swap3A_258 = arith.index_cast %scan3A_108 : i32 to index
      %swap3A_259 = arith.constant 192 : index
      %swap3A_260 = tpu.vector_load %arg7[%swap3A_258, %swap3A_259] {strides = array<i32>} : memref<32x1024xf32, #tpu.memory_space<vmem>>, vector<1x16xf32>,
      %swap3A_261 = vector.shape_cast %swap3A_260 : vector<1x16xf32> to vector<16xf32>
      %swap3A_262 = vector.shape_cast %mul3A_257 : vector<16xf32> to vector<1x16xf32>
      tpu.vector_store %arg7[%swap3A_258, %swap3A_259], %swap3A_262 {strides = array<i32>} : memref<32x1024xf32, #tpu.memory_space<vmem>>, vector<1x16xf32>,
      %get3A_263 = arith.index_cast %scan3A_108 : i32 to index
      %get3A_264 = arith.constant 208 : index
      %get3A_265 = tpu.vector_load %arg7[%get3A_263, %get3A_264] {strides = array<i32>} : memref<32x1024xf32, #tpu.memory_space<vmem>>, vector<1x16xf32>,
      %get3A_266 = vector.shape_cast %get3A_265 : vector<1x16xf32> to vector<16xf32>
      %mul3A_267 = arith.constant 3.200000e+01 : f32
      %mul3A_268 = vector.broadcast %mul3A_267 : f32 to vector<16xf32>
      %mul3A_269 = arith.mulf %get3A_266, %mul3A_268 : vector<16xf32>
      %swap3A_270 = arith.index_cast %scan3A_108 : i32 to index
      %swap3A_271 = arith.constant 208 : index
      %swap3A_272 = tpu.vector_load %arg7[%swap3A_270, %swap3A_271] {strides = array<i32>} : memref<32x1024xf32, #tpu.memory_space<vmem>>, vector<1x16xf32>,
      %swap3A_273 = vector.shape_cast %swap3A_272 : vector<1x16xf32> to vector<16xf32>
      %swap3A_274 = vector.shape_cast %mul3A_269 : vector<16xf32> to vector<1x16xf32>
      tpu.vector_store %arg7[%swap3A_270, %swap3A_271], %swap3A_274 {strides = array<i32>} : memref<32x1024xf32, #tpu.memory_space<vmem>>, vector<1x16xf32>,
      %get3A_275 = arith.index_cast %scan3A_108 : i32 to index
      %get3A_276 = arith.constant 224 : index
      %get3A_277 = tpu.vector_load %arg7[%get3A_275, %get3A_276] {strides = array<i32>} : memref<32x1024xf32, #tpu.memory_space<vmem>>, vector<1x16xf32>,
      %get3A_278 = vector.shape_cast %get3A_277 : vector<1x16xf32> to vector<16xf32>
      %mul3A_279 = arith.constant 3.200000e+01 : f32
      %mul3A_280 = vector.broadcast %mul3A_279 : f32 to vector<16xf32>
      %mul3A_281 = arith.mulf %get3A_278, %mul3A_280 : vector<16xf32>
      %swap3A_282 = arith.index_cast %scan3A_108 : i32 to index
      %swap3A_283 = arith.constant 224 : index
      %swap3A_284 = tpu.vector_load %arg7[%swap3A_282, %swap3A_283] {strides = array<i32>} : memref<32x1024xf32, #tpu.memory_space<vmem>>, vector<1x16xf32>,
      %swap3A_285 = vector.shape_cast %swap3A_284 : vector<1x16xf32> to vector<16xf32>
      %swap3A_286 = vector.shape_cast %mul3A_281 : vector<16xf32> to vector<1x16xf32>
      tpu.vector_store %arg7[%swap3A_282, %swap3A_283], %swap3A_286 {strides = array<i32>} : memref<32x1024xf32, #tpu.memory_space<vmem>>, vector<1x16xf32>,
      %get3A_287 = arith.index_cast %scan3A_108 : i32 to index
      %get3A_288 = arith.constant 240 : index
      %get3A_289 = tpu.vector_load %arg7[%get3A_287, %get3A_288] {strides = array<i32>} : memref<32x1024xf32, #tpu.memory_space<vmem>>, vector<1x16xf32>,
      %get3A_290 = vector.shape_cast %get3A_289 : vector<1x16xf32> to vector<16xf32>
      %mul3A_291 = arith.constant 3.200000e+01 : f32
      %mul3A_292 = vector.broadcast %mul3A_291 : f32 to vector<16xf32>
      %mul3A_293 = arith.mulf %get3A_290, %mul3A_292 : vector<16xf32>
      %swap3A_294 = arith.index_cast %scan3A_108 : i32 to index
      %swap3A_295 = arith.constant 240 : index
      %swap3A_296 = tpu.vector_load %arg7[%swap3A_294, %swap3A_295] {strides = array<i32>} : memref<32x1024xf32, #tpu.memory_space<vmem>>, vector<1x16xf32>,
      %swap3A_297 = vector.shape_cast %swap3A_296 : vector<1x16xf32> to vector<16xf32>
      %swap3A_298 = vector.shape_cast %mul3A_293 : vector<16xf32> to vector<1x16xf32>
      tpu.vector_store %arg7[%swap3A_294, %swap3A_295], %swap3A_298 {strides = array<i32>} : memref<32x1024xf32, #tpu.memory_space<vmem>>, vector<1x16xf32>,
      %get3A_299 = arith.index_cast %scan3A_108 : i32 to index
      %get3A_300 = arith.constant 256 : index
      %get3A_301 = tpu.vector_load %arg7[%get3A_299, %get3A_300] {strides = array<i32>} : memref<32x1024xf32, #tpu.memory_space<vmem>>, vector<1x16xf32>,
      %get3A_302 = vector.shape_cast %get3A_301 : vector<1x16xf32> to vector<16xf32>
      %mul3A_303 = arith.constant 3.200000e+01 : f32
      %mul3A_304 = vector.broadcast %mul3A_303 : f32 to vector<16xf32>
      %mul3A_305 = arith.mulf %get3A_302, %mul3A_304 : vector<16xf32>
      %swap3A_306 = arith.index_cast %scan3A_108 : i32 to index
      %swap3A_307 = arith.constant 256 : index
      %swap3A_308 = tpu.vector_load %arg7[%swap3A_306, %swap3A_307] {strides = array<i32>} : memref<32x1024xf32, #tpu.memory_space<vmem>>, vector<1x16xf32>,
      %swap3A_309 = vector.shape_cast %swap3A_308 : vector<1x16xf32> to vector<16xf32>
      %swap3A_310 = vector.shape_cast %mul3A_305 : vector<16xf32> to vector<1x16xf32>
      tpu.vector_store %arg7[%swap3A_306, %swap3A_307], %swap3A_310 {strides = array<i32>} : memref<32x1024xf32, #tpu.memory_space<vmem>>, vector<1x16xf32>,
      %get3A_311 = arith.index_cast %scan3A_108 : i32 to index
      %get3A_312 = arith.constant 272 : index
      %get3A_313 = tpu.vector_load %arg7[%get3A_311, %get3A_312] {strides = array<i32>} : memref<32x1024xf32, #tpu.memory_space<vmem>>, vector<1x16xf32>,
      %get3A_314 = vector.shape_cast %get3A_313 : vector<1x16xf32> to vector<16xf32>
      %mul3A_315 = arith.constant 3.200000e+01 : f32
      %mul3A_316 = vector.broadcast %mul3A_315 : f32 to vector<16xf32>
      %mul3A_317 = arith.mulf %get3A_314, %mul3A_316 : vector<16xf32>
      %swap3A_318 = arith.index_cast %scan3A_108 : i32 to index
      %swap3A_319 = arith.constant 272 : index
      %swap3A_320 = tpu.vector_load %arg7[%swap3A_318, %swap3A_319] {strides = array<i32>} : memref<32x1024xf32, #tpu.memory_space<vmem>>, vector<1x16xf32>,
      %swap3A_321 = vector.shape_cast %swap3A_320 : vector<1x16xf32> to vector<16xf32>
      %swap3A_322 = vector.shape_cast %mul3A_317 : vector<16xf32> to vector<1x16xf32>
      tpu.vector_store %arg7[%swap3A_318, %swap3A_319], %swap3A_322 {strides = array<i32>} : memref<32x1024xf32, #tpu.memory_space<vmem>>, vector<1x16xf32>,
      %get3A_323 = arith.index_cast %scan3A_108 : i32 to index
      %get3A_324 = arith.constant 288 : index
      %get3A_325 = tpu.vector_load %arg7[%get3A_323, %get3A_324] {strides = array<i32>} : memref<32x1024xf32, #tpu.memory_space<vmem>>, vector<1x16xf32>,
      %get3A_326 = vector.shape_cast %get3A_325 : vector<1x16xf32> to vector<16xf32>
      %mul3A_327 = arith.constant 3.200000e+01 : f32
      %mul3A_328 = vector.broadcast %mul3A_327 : f32 to vector<16xf32>
      %mul3A_329 = arith.mulf %get3A_326, %mul3A_328 : vector<16xf32>
      %swap3A_330 = arith.index_cast %scan3A_108 : i32 to index
      %swap3A_331 = arith.constant 288 : index
      %swap3A_332 = tpu.vector_load %arg7[%swap3A_330, %swap3A_331] {strides = array<i32>} : memref<32x1024xf32, #tpu.memory_space<vmem>>, vector<1x16xf32>,
      %swap3A_333 = vector.shape_cast %swap3A_332 : vector<1x16xf32> to vector<16xf32>
      %swap3A_334 = vector.shape_cast %mul3A_329 : vector<16xf32> to vector<1x16xf32>
      tpu.vector_store %arg7[%swap3A_330, %swap3A_331], %swap3A_334 {strides = array<i32>} : memref<32x1024xf32, #tpu.memory_space<vmem>>, vector<1x16xf32>,
      %get3A_335 = arith.index_cast %scan3A_108 : i32 to index
      %get3A_336 = arith.constant 304 : index
      %get3A_337 = tpu.vector_load %arg7[%get3A_335, %get3A_336] {strides = array<i32>} : memref<32x1024xf32, #tpu.memory_space<vmem>>, vector<1x16xf32>,
      %get3A_338 = vector.shape_cast %get3A_337 : vector<1x16xf32> to vector<16xf32>
      %mul3A_339 = arith.constant 3.200000e+01 : f32
      %mul3A_340 = vector.broadcast %mul3A_339 : f32 to vector<16xf32>
      %mul3A_341 = arith.mulf %get3A_338, %mul3A_340 : vector<16xf32>
      %swap3A_342 = arith.index_cast %scan3A_108 : i32 to index
      %swap3A_343 = arith.constant 304 : index
      %swap3A_344 = tpu.vector_load %arg7[%swap3A_342, %swap3A_343] {strides = array<i32>} : memref<32x1024xf32, #tpu.memory_space<vmem>>, vector<1x16xf32>,
      %swap3A_345 = vector.shape_cast %swap3A_344 : vector<1x16xf32> to vector<16xf32>
      %swap3A_346 = vector.shape_cast %mul3A_341 : vector<16xf32> to vector<1x16xf32>
      tpu.vector_store %arg7[%swap3A_342, %swap3A_343], %swap3A_346 {strides = array<i32>} : memref<32x1024xf32, #tpu.memory_space<vmem>>, vector<1x16xf32>,
      %get3A_347 = arith.index_cast %scan3A_108 : i32 to index
      %get3A_348 = arith.constant 320 : index
      %get3A_349 = tpu.vector_load %arg7[%get3A_347, %get3A_348] {strides = array<i32>} : memref<32x1024xf32, #tpu.memory_space<vmem>>, vector<1x16xf32>,
      %get3A_350 = vector.shape_cast %get3A_349 : vector<1x16xf32> to vector<16xf32>
      %mul3A_351 = arith.constant 3.200000e+01 : f32
      %mul3A_352 = vector.broadcast %mul3A_351 : f32 to vector<16xf32>
      %mul3A_353 = arith.mulf %get3A_350, %mul3A_352 : vector<16xf32>
      %swap3A_354 = arith.index_cast %scan3A_108 : i32 to index
      %swap3A_355 = arith.constant 320 : index
      %swap3A_356 = tpu.vector_load %arg7[%swap3A_354, %swap3A_355] {strides = array<i32>} : memref<32x1024xf32, #tpu.memory_space<vmem>>, vector<1x16xf32>,
      %swap3A_357 = vector.shape_cast %swap3A_356 : vector<1x16xf32> to vector<16xf32>
      %swap3A_358 = vector.shape_cast %mul3A_353 : vector<16xf32> to vector<1x16xf32>
      tpu.vector_store %arg7[%swap3A_354, %swap3A_355], %swap3A_358 {strides = array<i32>} : memref<32x1024xf32, #tpu.memory_space<vmem>>, vector<1x16xf32>,
      %get3A_359 = arith.index_cast %scan3A_108 : i32 to index
      %get3A_360 = arith.constant 336 : index
      %get3A_361 = tpu.vector_load %arg7[%get3A_359, %get3A_360] {strides = array<i32>} : memref<32x1024xf32, #tpu.memory_space<vmem>>, vector<1x16xf32>,
      %get3A_362 = vector.shape_cast %get3A_361 : vector<1x16xf32> to vector<16xf32>
      %mul3A_363 = arith.constant 3.200000e+01 : f32
      %mul3A_364 = vector.broadcast %mul3A_363 : f32 to vector<16xf32>
      %mul3A_365 = arith.mulf %get3A_362, %mul3A_364 : vector<16xf32>
      %swap3A_366 = arith.index_cast %scan3A_108 : i32 to index
      %swap3A_367 = arith.constant 336 : index
      %swap3A_368 = tpu.vector_load %arg7[%swap3A_366, %swap3A_367] {strides = array<i32>} : memref<32x1024xf32, #tpu.memory_space<vmem>>, vector<1x16xf32>,
      %swap3A_369 = vector.shape_cast %swap3A_368 : vector<1x16xf32> to vector<16xf32>
      %swap3A_370 = vector.shape_cast %mul3A_365 : vector<16xf32> to vector<1x16xf32>
      tpu.vector_store %arg7[%swap3A_366, %swap3A_367], %swap3A_370 {strides = array<i32>} : memref<32x1024xf32, #tpu.memory_space<vmem>>, vector<1x16xf32>,
      %get3A_371 = arith.index_cast %scan3A_108 : i32 to index
      %get3A_372 = arith.constant 352 : index
      %get3A_373 = tpu.vector_load %arg7[%get3A_371, %get3A_372] {strides = array<i32>} : memref<32x1024xf32, #tpu.memory_space<vmem>>, vector<1x16xf32>,
      %get3A_374 = vector.shape_cast %get3A_373 : vector<1x16xf32> to vector<16xf32>
      %mul3A_375 = arith.constant 3.200000e+01 : f32
      %mul3A_376 = vector.broadcast %mul3A_375 : f32 to vector<16xf32>
      %mul3A_377 = arith.mulf %get3A_374, %mul3A_376 : vector<16xf32>
      %swap3A_378 = arith.index_cast %scan3A_108 : i32 to index
      %swap3A_379 = arith.constant 352 : index
      %swap3A_380 = tpu.vector_load %arg7[%swap3A_378, %swap3A_379] {strides = array<i32>} : memref<32x1024xf32, #tpu.memory_space<vmem>>, vector<1x16xf32>,
      %swap3A_381 = vector.shape_cast %swap3A_380 : vector<1x16xf32> to vector<16xf32>
      %swap3A_382 = vector.shape_cast %mul3A_377 : vector<16xf32> to vector<1x16xf32>
      tpu.vector_store %arg7[%swap3A_378, %swap3A_379], %swap3A_382 {strides = array<i32>} : memref<32x1024xf32, #tpu.memory_space<vmem>>, vector<1x16xf32>,
      %get3A_383 = arith.index_cast %scan3A_108 : i32 to index
      %get3A_384 = arith.constant 368 : index
      %get3A_385 = tpu.vector_load %arg7[%get3A_383, %get3A_384] {strides = array<i32>} : memref<32x1024xf32, #tpu.memory_space<vmem>>, vector<1x16xf32>,
      %get3A_386 = vector.shape_cast %get3A_385 : vector<1x16xf32> to vector<16xf32>
      %mul3A_387 = arith.constant 3.200000e+01 : f32
      %mul3A_388 = vector.broadcast %mul3A_387 : f32 to vector<16xf32>
      %mul3A_389 = arith.mulf %get3A_386, %mul3A_388 : vector<16xf32>
      %swap3A_390 = arith.index_cast %scan3A_108 : i32 to index
      %swap3A_391 = arith.constant 368 : index
      %swap3A_392 = tpu.vector_load %arg7[%swap3A_390, %swap3A_391] {strides = array<i32>} : memref<32x1024xf32, #tpu.memory_space<vmem>>, vector<1x16xf32>,
      %swap3A_393 = vector.shape_cast %swap3A_392 : vector<1x16xf32> to vector<16xf32>
      %swap3A_394 = vector.shape_cast %mul3A_389 : vector<16xf32> to vector<1x16xf32>
      tpu.vector_store %arg7[%swap3A_390, %swap3A_391], %swap3A_394 {strides = array<i32>} : memref<32x1024xf32, #tpu.memory_space<vmem>>, vector<1x16xf32>,
      %get3A_395 = arith.index_cast %scan3A_108 : i32 to index
      %get3A_396 = arith.constant 384 : index
      %get3A_397 = tpu.vector_load %arg7[%get3A_395, %get3A_396] {strides = array<i32>} : memref<32x1024xf32, #tpu.memory_space<vmem>>, vector<1x16xf32>,
      %get3A_398 = vector.shape_cast %get3A_397 : vector<1x16xf32> to vector<16xf32>
      %mul3A_399 = arith.constant 3.200000e+01 : f32
      %mul3A_400 = vector.broadcast %mul3A_399 : f32 to vector<16xf32>
      %mul3A_401 = arith.mulf %get3A_398, %mul3A_400 : vector<16xf32>
      %swap3A_402 = arith.index_cast %scan3A_108 : i32 to index
      %swap3A_403 = arith.constant 384 : index
      %swap3A_404 = tpu.vector_load %arg7[%swap3A_402, %swap3A_403] {strides = array<i32>} : memref<32x1024xf32, #tpu.memory_space<vmem>>, vector<1x16xf32>,
      %swap3A_405 = vector.shape_cast %swap3A_404 : vector<1x16xf32> to vector<16xf32>
      %swap3A_406 = vector.shape_cast %mul3A_401 : vector<16xf32> to vector<1x16xf32>
      tpu.vector_store %arg7[%swap3A_402, %swap3A_403], %swap3A_406 {strides = array<i32>} : memref<32x1024xf32, #tpu.memory_space<vmem>>, vector<1x16xf32>,
      %get3A_407 = arith.index_cast %scan3A_108 : i32 to index
      %get3A_408 = arith.constant 400 : index
      %get3A_409 = tpu.vector_load %arg7[%get3A_407, %get3A_408] {strides = array<i32>} : memref<32x1024xf32, #tpu.memory_space<vmem>>, vector<1x16xf32>,
      %get3A_410 = vector.shape_cast %get3A_409 : vector<1x16xf32> to vector<16xf32>
      %mul3A_411 = arith.constant 3.200000e+01 : f32
      %mul3A_412 = vector.broadcast %mul3A_411 : f32 to vector<16xf32>
      %mul3A_413 = arith.mulf %get3A_410, %mul3A_412 : vector<16xf32>
      %swap3A_414 = arith.index_cast %scan3A_108 : i32 to index
      %swap3A_415 = arith.constant 400 : index
      %swap3A_416 = tpu.vector_load %arg7[%swap3A_414, %swap3A_415] {strides = array<i32>} : memref<32x1024xf32, #tpu.memory_space<vmem>>, vector<1x16xf32>,
      %swap3A_417 = vector.shape_cast %swap3A_416 : vector<1x16xf32> to vector<16xf32>
      %swap3A_418 = vector.shape_cast %mul3A_413 : vector<16xf32> to vector<1x16xf32>
      tpu.vector_store %arg7[%swap3A_414, %swap3A_415], %swap3A_418 {strides = array<i32>} : memref<32x1024xf32, #tpu.memory_space<vmem>>, vector<1x16xf32>,
      %get3A_419 = arith.index_cast %scan3A_108 : i32 to index
      %get3A_420 = arith.constant 416 : index
      %get3A_421 = tpu.vector_load %arg7[%get3A_419, %get3A_420] {strides = array<i32>} : memref<32x1024xf32, #tpu.memory_space<vmem>>, vector<1x16xf32>,
      %get3A_422 = vector.shape_cast %get3A_421 : vector<1x16xf32> to vector<16xf32>
      %mul3A_423 = arith.constant 3.200000e+01 : f32
      %mul3A_424 = vector.broadcast %mul3A_423 : f32 to vector<16xf32>
      %mul3A_425 = arith.mulf %get3A_422, %mul3A_424 : vector<16xf32>
      %swap3A_426 = arith.index_cast %scan3A_108 : i32 to index
      %swap3A_427 = arith.constant 416 : index
      %swap3A_428 = tpu.vector_load %arg7[%swap3A_426, %swap3A_427] {strides = array<i32>} : memref<32x1024xf32, #tpu.memory_space<vmem>>, vector<1x16xf32>,
      %swap3A_429 = vector.shape_cast %swap3A_428 : vector<1x16xf32> to vector<16xf32>
      %swap3A_430 = vector.shape_cast %mul3A_425 : vector<16xf32> to vector<1x16xf32>
      tpu.vector_store %arg7[%swap3A_426, %swap3A_427], %swap3A_430 {strides = array<i32>} : memref<32x1024xf32, #tpu.memory_space<vmem>>, vector<1x16xf32>,
      %get3A_431 = arith.index_cast %scan3A_108 : i32 to index
      %get3A_432 = arith.constant 432 : index
      %get3A_433 = tpu.vector_load %arg7[%get3A_431, %get3A_432] {strides = array<i32>} : memref<32x1024xf32, #tpu.memory_space<vmem>>, vector<1x16xf32>,
      %get3A_434 = vector.shape_cast %get3A_433 : vector<1x16xf32> to vector<16xf32>
      %mul3A_435 = arith.constant 3.200000e+01 : f32
      %mul3A_436 = vector.broadcast %mul3A_435 : f32 to vector<16xf32>
      %mul3A_437 = arith.mulf %get3A_434, %mul3A_436 : vector<16xf32>
      %swap3A_438 = arith.index_cast %scan3A_108 : i32 to index
      %swap3A_439 = arith.constant 432 : index
      %swap3A_440 = tpu.vector_load %arg7[%swap3A_438, %swap3A_439] {strides = array<i32>} : memref<32x1024xf32, #tpu.memory_space<vmem>>, vector<1x16xf32>,
      %swap3A_441 = vector.shape_cast %swap3A_440 : vector<1x16xf32> to vector<16xf32>
      %swap3A_442 = vector.shape_cast %mul3A_437 : vector<16xf32> to vector<1x16xf32>
      tpu.vector_store %arg7[%swap3A_438, %swap3A_439], %swap3A_442 {strides = array<i32>} : memref<32x1024xf32, #tpu.memory_space<vmem>>, vector<1x16xf32>,
      %get3A_443 = arith.index_cast %scan3A_108 : i32 to index
      %get3A_444 = arith.constant 448 : index
      %get3A_445 = tpu.vector_load %arg7[%get3A_443, %get3A_444] {strides = array<i32>} : memref<32x1024xf32, #tpu.memory_space<vmem>>, vector<1x16xf32>,
      %get3A_446 = vector.shape_cast %get3A_445 : vector<1x16xf32> to vector<16xf32>
      %mul3A_447 = arith.constant 3.200000e+01 : f32
      %mul3A_448 = vector.broadcast %mul3A_447 : f32 to vector<16xf32>
      %mul3A_449 = arith.mulf %get3A_446, %mul3A_448 : vector<16xf32>
      %swap3A_450 = arith.index_cast %scan3A_108 : i32 to index
      %swap3A_451 = arith.constant 448 : index
      %swap3A_452 = tpu.vector_load %arg7[%swap3A_450, %swap3A_451] {strides = array<i32>} : memref<32x1024xf32, #tpu.memory_space<vmem>>, vector<1x16xf32>,
      %swap3A_453 = vector.shape_cast %swap3A_452 : vector<1x16xf32> to vector<16xf32>
      %swap3A_454 = vector.shape_cast %mul3A_449 : vector<16xf32> to vector<1x16xf32>
      tpu.vector_store %arg7[%swap3A_450, %swap3A_451], %swap3A_454 {strides = array<i32>} : memref<32x1024xf32, #tpu.memory_space<vmem>>, vector<1x16xf32>,
      %get3A_455 = arith.index_cast %scan3A_108 : i32 to index
      %get3A_456 = arith.constant 464 : index
      %get3A_457 = tpu.vector_load %arg7[%get3A_455, %get3A_456] {strides = array<i32>} : memref<32x1024xf32, #tpu.memory_space<vmem>>, vector<1x16xf32>,
      %get3A_458 = vector.shape_cast %get3A_457 : vector<1x16xf32> to vector<16xf32>
      %mul3A_459 = arith.constant 3.200000e+01 : f32
      %mul3A_460 = vector.broadcast %mul3A_459 : f32 to vector<16xf32>
      %mul3A_461 = arith.mulf %get3A_458, %mul3A_460 : vector<16xf32>
      %swap3A_462 = arith.index_cast %scan3A_108 : i32 to index
      %swap3A_463 = arith.constant 464 : index
      %swap3A_464 = tpu.vector_load %arg7[%swap3A_462, %swap3A_463] {strides = array<i32>} : memref<32x1024xf32, #tpu.memory_space<vmem>>, vector<1x16xf32>,
      %swap3A_465 = vector.shape_cast %swap3A_464 : vector<1x16xf32> to vector<16xf32>
      %swap3A_466 = vector.shape_cast %mul3A_461 : vector<16xf32> to vector<1x16xf32>
      tpu.vector_store %arg7[%swap3A_462, %swap3A_463], %swap3A_466 {strides = array<i32>} : memref<32x1024xf32, #tpu.memory_space<vmem>>, vector<1x16xf32>,
      %get3A_467 = arith.index_cast %scan3A_108 : i32 to index
      %get3A_468 = arith.constant 480 : index
      %get3A_469 = tpu.vector_load %arg7[%get3A_467, %get3A_468] {strides = array<i32>} : memref<32x1024xf32, #tpu.memory_space<vmem>>, vector<1x16xf32>,
      %get3A_470 = vector.shape_cast %get3A_469 : vector<1x16xf32> to vector<16xf32>
      %mul3A_471 = arith.constant 3.200000e+01 : f32
      %mul3A_472 = vector.broadcast %mul3A_471 : f32 to vector<16xf32>
      %mul3A_473 = arith.mulf %get3A_470, %mul3A_472 : vector<16xf32>
      %swap3A_474 = arith.index_cast %scan3A_108 : i32 to index
      %swap3A_475 = arith.constant 480 : index
      %swap3A_476 = tpu.vector_load %arg7[%swap3A_474, %swap3A_475] {strides = array<i32>} : memref<32x1024xf32, #tpu.memory_space<vmem>>, vector<1x16xf32>,
      %swap3A_477 = vector.shape_cast %swap3A_476 : vector<1x16xf32> to vector<16xf32>
      %swap3A_478 = vector.shape_cast %mul3A_473 : vector<16xf32> to vector<1x16xf32>
      tpu.vector_store %arg7[%swap3A_474, %swap3A_475], %swap3A_478 {strides = array<i32>} : memref<32x1024xf32, #tpu.memory_space<vmem>>, vector<1x16xf32>,
      %get3A_479 = arith.index_cast %scan3A_108 : i32 to index
      %get3A_480 = arith.constant 496 : index
      %get3A_481 = tpu.vector_load %arg7[%get3A_479, %get3A_480] {strides = array<i32>} : memref<32x1024xf32, #tpu.memory_space<vmem>>, vector<1x16xf32>,
      %get3A_482 = vector.shape_cast %get3A_481 : vector<1x16xf32> to vector<16xf32>
      %mul3A_483 = arith.constant 3.200000e+01 : f32
      %mul3A_484 = vector.broadcast %mul3A_483 : f32 to vector<16xf32>
      %mul3A_485 = arith.mulf %get3A_482, %mul3A_484 : vector<16xf32>
      %swap3A_486 = arith.index_cast %scan3A_108 : i32 to index
      %swap3A_487 = arith.constant 496 : index
      %swap3A_488 = tpu.vector_load %arg7[%swap3A_486, %swap3A_487] {strides = array<i32>} : memref<32x1024xf32, #tpu.memory_space<vmem>>, vector<1x16xf32>,
      %swap3A_489 = vector.shape_cast %swap3A_488 : vector<1x16xf32> to vector<16xf32>
      %swap3A_490 = vector.shape_cast %mul3A_485 : vector<16xf32> to vector<1x16xf32>
      tpu.vector_store %arg7[%swap3A_486, %swap3A_487], %swap3A_490 {strides = array<i32>} : memref<32x1024xf32, #tpu.memory_space<vmem>>, vector<1x16xf32>,
      %get3A_491 = arith.index_cast %scan3A_108 : i32 to index
      %get3A_492 = arith.constant 512 : index
      %get3A_493 = tpu.vector_load %arg7[%get3A_491, %get3A_492] {strides = array<i32>} : memref<32x1024xf32, #tpu.memory_space<vmem>>, vector<1x16xf32>,
      %get3A_494 = vector.shape_cast %get3A_493 : vector<1x16xf32> to vector<16xf32>
      %mul3A_495 = arith.constant 3.200000e+01 : f32
      %mul3A_496 = vector.broadcast %mul3A_495 : f32 to vector<16xf32>
      %mul3A_497 = arith.mulf %get3A_494, %mul3A_496 : vector<16xf32>
      %swap3A_498 = arith.index_cast %scan3A_108 : i32 to index
      %swap3A_499 = arith.constant 512 : index
      %swap3A_500 = tpu.vector_load %arg7[%swap3A_498, %swap3A_499] {strides = array<i32>} : memref<32x1024xf32, #tpu.memory_space<vmem>>, vector<1x16xf32>,
      %swap3A_501 = vector.shape_cast %swap3A_500 : vector<1x16xf32> to vector<16xf32>
      %swap3A_502 = vector.shape_cast %mul3A_497 : vector<16xf32> to vector<1x16xf32>
      tpu.vector_store %arg7[%swap3A_498, %swap3A_499], %swap3A_502 {strides = array<i32>} : memref<32x1024xf32, #tpu.memory_space<vmem>>, vector<1x16xf32>,
      %get3A_503 = arith.index_cast %scan3A_108 : i32 to index
      %get3A_504 = arith.constant 528 : index
      %get3A_505 = tpu.vector_load %arg7[%get3A_503, %get3A_504] {strides = array<i32>} : memref<32x1024xf32, #tpu.memory_space<vmem>>, vector<1x16xf32>,
      %get3A_506 = vector.shape_cast %get3A_505 : vector<1x16xf32> to vector<16xf32>
      %mul3A_507 = arith.constant 3.200000e+01 : f32
      %mul3A_508 = vector.broadcast %mul3A_507 : f32 to vector<16xf32>
      %mul3A_509 = arith.mulf %get3A_506, %mul3A_508 : vector<16xf32>
      %swap3A_510 = arith.index_cast %scan3A_108 : i32 to index
      %swap3A_511 = arith.constant 528 : index
      %swap3A_512 = tpu.vector_load %arg7[%swap3A_510, %swap3A_511] {strides = array<i32>} : memref<32x1024xf32, #tpu.memory_space<vmem>>, vector<1x16xf32>,
      %swap3A_513 = vector.shape_cast %swap3A_512 : vector<1x16xf32> to vector<16xf32>
      %swap3A_514 = vector.shape_cast %mul3A_509 : vector<16xf32> to vector<1x16xf32>
      tpu.vector_store %arg7[%swap3A_510, %swap3A_511], %swap3A_514 {strides = array<i32>} : memref<32x1024xf32, #tpu.memory_space<vmem>>, vector<1x16xf32>,
      %get3A_515 = arith.index_cast %scan3A_108 : i32 to index
      %get3A_516 = arith.constant 544 : index
      %get3A_517 = tpu.vector_load %arg7[%get3A_515, %get3A_516] {strides = array<i32>} : memref<32x1024xf32, #tpu.memory_space<vmem>>, vector<1x16xf32>,
      %get3A_518 = vector.shape_cast %get3A_517 : vector<1x16xf32> to vector<16xf32>
      %mul3A_519 = arith.constant 3.200000e+01 : f32
      %mul3A_520 = vector.broadcast %mul3A_519 : f32 to vector<16xf32>
      %mul3A_521 = arith.mulf %get3A_518, %mul3A_520 : vector<16xf32>
      %swap3A_522 = arith.index_cast %scan3A_108 : i32 to index
      %swap3A_523 = arith.constant 544 : index
      %swap3A_524 = tpu.vector_load %arg7[%swap3A_522, %swap3A_523] {strides = array<i32>} : memref<32x1024xf32, #tpu.memory_space<vmem>>, vector<1x16xf32>,
      %swap3A_525 = vector.shape_cast %swap3A_524 : vector<1x16xf32> to vector<16xf32>
      %swap3A_526 = vector.shape_cast %mul3A_521 : vector<16xf32> to vector<1x16xf32>
      tpu.vector_store %arg7[%swap3A_522, %swap3A_523], %swap3A_526 {strides = array<i32>} : memref<32x1024xf32, #tpu.memory_space<vmem>>, vector<1x16xf32>,
      %get3A_527 = arith.index_cast %scan3A_108 : i32 to index
      %get3A_528 = arith.constant 560 : index
      %get3A_529 = tpu.vector_load %arg7[%get3A_527, %get3A_528] {strides = array<i32>} : memref<32x1024xf32, #tpu.memory_space<vmem>>, vector<1x16xf32>,
      %get3A_530 = vector.shape_cast %get3A_529 : vector<1x16xf32> to vector<16xf32>
      %mul3A_531 = arith.constant 3.200000e+01 : f32
      %mul3A_532 = vector.broadcast %mul3A_531 : f32 to vector<16xf32>
      %mul3A_533 = arith.mulf %get3A_530, %mul3A_532 : vector<16xf32>
      %swap3A_534 = arith.index_cast %scan3A_108 : i32 to index
      %swap3A_535 = arith.constant 560 : index
      %swap3A_536 = tpu.vector_load %arg7[%swap3A_534, %swap3A_535] {strides = array<i32>} : memref<32x1024xf32, #tpu.memory_space<vmem>>, vector<1x16xf32>,
      %swap3A_537 = vector.shape_cast %swap3A_536 : vector<1x16xf32> to vector<16xf32>
      %swap3A_538 = vector.shape_cast %mul3A_533 : vector<16xf32> to vector<1x16xf32>
      tpu.vector_store %arg7[%swap3A_534, %swap3A_535], %swap3A_538 {strides = array<i32>} : memref<32x1024xf32, #tpu.memory_space<vmem>>, vector<1x16xf32>,
      %get3A_539 = arith.index_cast %scan3A_108 : i32 to index
      %get3A_540 = arith.constant 576 : index
      %get3A_541 = tpu.vector_load %arg7[%get3A_539, %get3A_540] {strides = array<i32>} : memref<32x1024xf32, #tpu.memory_space<vmem>>, vector<1x16xf32>,
      %get3A_542 = vector.shape_cast %get3A_541 : vector<1x16xf32> to vector<16xf32>
      %mul3A_543 = arith.constant 3.200000e+01 : f32
      %mul3A_544 = vector.broadcast %mul3A_543 : f32 to vector<16xf32>
      %mul3A_545 = arith.mulf %get3A_542, %mul3A_544 : vector<16xf32>
      %swap3A_546 = arith.index_cast %scan3A_108 : i32 to index
      %swap3A_547 = arith.constant 576 : index
      %swap3A_548 = tpu.vector_load %arg7[%swap3A_546, %swap3A_547] {strides = array<i32>} : memref<32x1024xf32, #tpu.memory_space<vmem>>, vector<1x16xf32>,
      %swap3A_549 = vector.shape_cast %swap3A_548 : vector<1x16xf32> to vector<16xf32>
      %swap3A_550 = vector.shape_cast %mul3A_545 : vector<16xf32> to vector<1x16xf32>
      tpu.vector_store %arg7[%swap3A_546, %swap3A_547], %swap3A_550 {strides = array<i32>} : memref<32x1024xf32, #tpu.memory_space<vmem>>, vector<1x16xf32>,
      %get3A_551 = arith.index_cast %scan3A_108 : i32 to index
      %get3A_552 = arith.constant 592 : index
      %get3A_553 = tpu.vector_load %arg7[%get3A_551, %get3A_552] {strides = array<i32>} : memref<32x1024xf32, #tpu.memory_space<vmem>>, vector<1x16xf32>,
      %get3A_554 = vector.shape_cast %get3A_553 : vector<1x16xf32> to vector<16xf32>
      %mul3A_555 = arith.constant 3.200000e+01 : f32
      %mul3A_556 = vector.broadcast %mul3A_555 : f32 to vector<16xf32>
      %mul3A_557 = arith.mulf %get3A_554, %mul3A_556 : vector<16xf32>
      %swap3A_558 = arith.index_cast %scan3A_108 : i32 to index
      %swap3A_559 = arith.constant 592 : index
      %swap3A_560 = tpu.vector_load %arg7[%swap3A_558, %swap3A_559] {strides = array<i32>} : memref<32x1024xf32, #tpu.memory_space<vmem>>, vector<1x16xf32>,
      %swap3A_561 = vector.shape_cast %swap3A_560 : vector<1x16xf32> to vector<16xf32>
      %swap3A_562 = vector.shape_cast %mul3A_557 : vector<16xf32> to vector<1x16xf32>
      tpu.vector_store %arg7[%swap3A_558, %swap3A_559], %swap3A_562 {strides = array<i32>} : memref<32x1024xf32, #tpu.memory_space<vmem>>, vector<1x16xf32>,
      %get3A_563 = arith.index_cast %scan3A_108 : i32 to index
      %get3A_564 = arith.constant 608 : index
      %get3A_565 = tpu.vector_load %arg7[%get3A_563, %get3A_564] {strides = array<i32>} : memref<32x1024xf32, #tpu.memory_space<vmem>>, vector<1x16xf32>,
      %get3A_566 = vector.shape_cast %get3A_565 : vector<1x16xf32> to vector<16xf32>
      %mul3A_567 = arith.constant 3.200000e+01 : f32
      %mul3A_568 = vector.broadcast %mul3A_567 : f32 to vector<16xf32>
      %mul3A_569 = arith.mulf %get3A_566, %mul3A_568 : vector<16xf32>
      %swap3A_570 = arith.index_cast %scan3A_108 : i32 to index
      %swap3A_571 = arith.constant 608 : index
      %swap3A_572 = tpu.vector_load %arg7[%swap3A_570, %swap3A_571] {strides = array<i32>} : memref<32x1024xf32, #tpu.memory_space<vmem>>, vector<1x16xf32>,
      %swap3A_573 = vector.shape_cast %swap3A_572 : vector<1x16xf32> to vector<16xf32>
      %swap3A_574 = vector.shape_cast %mul3A_569 : vector<16xf32> to vector<1x16xf32>
      tpu.vector_store %arg7[%swap3A_570, %swap3A_571], %swap3A_574 {strides = array<i32>} : memref<32x1024xf32, #tpu.memory_space<vmem>>, vector<1x16xf32>,
      %get3A_575 = arith.index_cast %scan3A_108 : i32 to index
      %get3A_576 = arith.constant 624 : index
      %get3A_577 = tpu.vector_load %arg7[%get3A_575, %get3A_576] {strides = array<i32>} : memref<32x1024xf32, #tpu.memory_space<vmem>>, vector<1x16xf32>,
      %get3A_578 = vector.shape_cast %get3A_577 : vector<1x16xf32> to vector<16xf32>
      %mul3A_579 = arith.constant 3.200000e+01 : f32
      %mul3A_580 = vector.broadcast %mul3A_579 : f32 to vector<16xf32>
      %mul3A_581 = arith.mulf %get3A_578, %mul3A_580 : vector<16xf32>
      %swap3A_582 = arith.index_cast %scan3A_108 : i32 to index
      %swap3A_583 = arith.constant 624 : index
      %swap3A_584 = tpu.vector_load %arg7[%swap3A_582, %swap3A_583] {strides = array<i32>} : memref<32x1024xf32, #tpu.memory_space<vmem>>, vector<1x16xf32>,
      %swap3A_585 = vector.shape_cast %swap3A_584 : vector<1x16xf32> to vector<16xf32>
      %swap3A_586 = vector.shape_cast %mul3A_581 : vector<16xf32> to vector<1x16xf32>
      tpu.vector_store %arg7[%swap3A_582, %swap3A_583], %swap3A_586 {strides = array<i32>} : memref<32x1024xf32, #tpu.memory_space<vmem>>, vector<1x16xf32>,
      %get3A_587 = arith.index_cast %scan3A_108 : i32 to index
      %get3A_588 = arith.constant 640 : index
      %get3A_589 = tpu.vector_load %arg7[%get3A_587, %get3A_588] {strides = array<i32>} : memref<32x1024xf32, #tpu.memory_space<vmem>>, vector<1x16xf32>,
      %get3A_590 = vector.shape_cast %get3A_589 : vector<1x16xf32> to vector<16xf32>
      %mul3A_591 = arith.constant 3.200000e+01 : f32
      %mul3A_592 = vector.broadcast %mul3A_591 : f32 to vector<16xf32>
      %mul3A_593 = arith.mulf %get3A_590, %mul3A_592 : vector<16xf32>
      %swap3A_594 = arith.index_cast %scan3A_108 : i32 to index
      %swap3A_595 = arith.constant 640 : index
      %swap3A_596 = tpu.vector_load %arg7[%swap3A_594, %swap3A_595] {strides = array<i32>} : memref<32x1024xf32, #tpu.memory_space<vmem>>, vector<1x16xf32>,
      %swap3A_597 = vector.shape_cast %swap3A_596 : vector<1x16xf32> to vector<16xf32>
      %swap3A_598 = vector.shape_cast %mul3A_593 : vector<16xf32> to vector<1x16xf32>
      tpu.vector_store %arg7[%swap3A_594, %swap3A_595], %swap3A_598 {strides = array<i32>} : memref<32x1024xf32, #tpu.memory_space<vmem>>, vector<1x16xf32>,
      %get3A_599 = arith.index_cast %scan3A_108 : i32 to index
      %get3A_600 = arith.constant 656 : index
      %get3A_601 = tpu.vector_load %arg7[%get3A_599, %get3A_600] {strides = array<i32>} : memref<32x1024xf32, #tpu.memory_space<vmem>>, vector<1x16xf32>,
      %get3A_602 = vector.shape_cast %get3A_601 : vector<1x16xf32> to vector<16xf32>
      %mul3A_603 = arith.constant 3.200000e+01 : f32
      %mul3A_604 = vector.broadcast %mul3A_603 : f32 to vector<16xf32>
      %mul3A_605 = arith.mulf %get3A_602, %mul3A_604 : vector<16xf32>
      %swap3A_606 = arith.index_cast %scan3A_108 : i32 to index
      %swap3A_607 = arith.constant 656 : index
      %swap3A_608 = tpu.vector_load %arg7[%swap3A_606, %swap3A_607] {strides = array<i32>} : memref<32x1024xf32, #tpu.memory_space<vmem>>, vector<1x16xf32>,
      %swap3A_609 = vector.shape_cast %swap3A_608 : vector<1x16xf32> to vector<16xf32>
      %swap3A_610 = vector.shape_cast %mul3A_605 : vector<16xf32> to vector<1x16xf32>
      tpu.vector_store %arg7[%swap3A_606, %swap3A_607], %swap3A_610 {strides = array<i32>} : memref<32x1024xf32, #tpu.memory_space<vmem>>, vector<1x16xf32>,
      %get3A_611 = arith.index_cast %scan3A_108 : i32 to index
      %get3A_612 = arith.constant 672 : index
      %get3A_613 = tpu.vector_load %arg7[%get3A_611, %get3A_612] {strides = array<i32>} : memref<32x1024xf32, #tpu.memory_space<vmem>>, vector<1x16xf32>,
      %get3A_614 = vector.shape_cast %get3A_613 : vector<1x16xf32> to vector<16xf32>
      %mul3A_615 = arith.constant 3.200000e+01 : f32
      %mul3A_616 = vector.broadcast %mul3A_615 : f32 to vector<16xf32>
      %mul3A_617 = arith.mulf %get3A_614, %mul3A_616 : vector<16xf32>
      %swap3A_618 = arith.index_cast %scan3A_108 : i32 to index
      %swap3A_619 = arith.constant 672 : index
      %swap3A_620 = tpu.vector_load %arg7[%swap3A_618, %swap3A_619] {strides = array<i32>} : memref<32x1024xf32, #tpu.memory_space<vmem>>, vector<1x16xf32>,
      %swap3A_621 = vector.shape_cast %swap3A_620 : vector<1x16xf32> to vector<16xf32>
      %swap3A_622 = vector.shape_cast %mul3A_617 : vector<16xf32> to vector<1x16xf32>
      tpu.vector_store %arg7[%swap3A_618, %swap3A_619], %swap3A_622 {strides = array<i32>} : memref<32x1024xf32, #tpu.memory_space<vmem>>, vector<1x16xf32>,
      %get3A_623 = arith.index_cast %scan3A_108 : i32 to index
      %get3A_624 = arith.constant 688 : index
      %get3A_625 = tpu.vector_load %arg7[%get3A_623, %get3A_624] {strides = array<i32>} : memref<32x1024xf32, #tpu.memory_space<vmem>>, vector<1x16xf32>,
      %get3A_626 = vector.shape_cast %get3A_625 : vector<1x16xf32> to vector<16xf32>
      %mul3A_627 = arith.constant 3.200000e+01 : f32
      %mul3A_628 = vector.broadcast %mul3A_627 : f32 to vector<16xf32>
      %mul3A_629 = arith.mulf %get3A_626, %mul3A_628 : vector<16xf32>
      %swap3A_630 = arith.index_cast %scan3A_108 : i32 to index
      %swap3A_631 = arith.constant 688 : index
      %swap3A_632 = tpu.vector_load %arg7[%swap3A_630, %swap3A_631] {strides = array<i32>} : memref<32x1024xf32, #tpu.memory_space<vmem>>, vector<1x16xf32>,
      %swap3A_633 = vector.shape_cast %swap3A_632 : vector<1x16xf32> to vector<16xf32>
      %swap3A_634 = vector.shape_cast %mul3A_629 : vector<16xf32> to vector<1x16xf32>
      tpu.vector_store %arg7[%swap3A_630, %swap3A_631], %swap3A_634 {strides = array<i32>} : memref<32x1024xf32, #tpu.memory_space<vmem>>, vector<1x16xf32>,
      %get3A_635 = arith.index_cast %scan3A_108 : i32 to index
      %get3A_636 = arith.constant 704 : index
      %get3A_637 = tpu.vector_load %arg7[%get3A_635, %get3A_636] {strides = array<i32>} : memref<32x1024xf32, #tpu.memory_space<vmem>>, vector<1x16xf32>,
      %get3A_638 = vector.shape_cast %get3A_637 : vector<1x16xf32> to vector<16xf32>
      %mul3A_639 = arith.constant 3.200000e+01 : f32
      %mul3A_640 = vector.broadcast %mul3A_639 : f32 to vector<16xf32>
      %mul3A_641 = arith.mulf %get3A_638, %mul3A_640 : vector<16xf32>
      %swap3A_642 = arith.index_cast %scan3A_108 : i32 to index
      %swap3A_643 = arith.constant 704 : index
      %swap3A_644 = tpu.vector_load %arg7[%swap3A_642, %swap3A_643] {strides = array<i32>} : memref<32x1024xf32, #tpu.memory_space<vmem>>, vector<1x16xf32>,
      %swap3A_645 = vector.shape_cast %swap3A_644 : vector<1x16xf32> to vector<16xf32>
      %swap3A_646 = vector.shape_cast %mul3A_641 : vector<16xf32> to vector<1x16xf32>
      tpu.vector_store %arg7[%swap3A_642, %swap3A_643], %swap3A_646 {strides = array<i32>} : memref<32x1024xf32, #tpu.memory_space<vmem>>, vector<1x16xf32>,
      %get3A_647 = arith.index_cast %scan3A_108 : i32 to index
      %get3A_648 = arith.constant 720 : index
      %get3A_649 = tpu.vector_load %arg7[%get3A_647, %get3A_648] {strides = array<i32>} : memref<32x1024xf32, #tpu.memory_space<vmem>>, vector<1x16xf32>,
      %get3A_650 = vector.shape_cast %get3A_649 : vector<1x16xf32> to vector<16xf32>
      %mul3A_651 = arith.constant 3.200000e+01 : f32
      %mul3A_652 = vector.broadcast %mul3A_651 : f32 to vector<16xf32>
      %mul3A_653 = arith.mulf %get3A_650, %mul3A_652 : vector<16xf32>
      %swap3A_654 = arith.index_cast %scan3A_108 : i32 to index
      %swap3A_655 = arith.constant 720 : index
      %swap3A_656 = tpu.vector_load %arg7[%swap3A_654, %swap3A_655] {strides = array<i32>} : memref<32x1024xf32, #tpu.memory_space<vmem>>, vector<1x16xf32>,
      %swap3A_657 = vector.shape_cast %swap3A_656 : vector<1x16xf32> to vector<16xf32>
      %swap3A_658 = vector.shape_cast %mul3A_653 : vector<16xf32> to vector<1x16xf32>
      tpu.vector_store %arg7[%swap3A_654, %swap3A_655], %swap3A_658 {strides = array<i32>} : memref<32x1024xf32, #tpu.memory_space<vmem>>, vector<1x16xf32>,
      %get3A_659 = arith.index_cast %scan3A_108 : i32 to index
      %get3A_660 = arith.constant 736 : index
      %get3A_661 = tpu.vector_load %arg7[%get3A_659, %get3A_660] {strides = array<i32>} : memref<32x1024xf32, #tpu.memory_space<vmem>>, vector<1x16xf32>,
      %get3A_662 = vector.shape_cast %get3A_661 : vector<1x16xf32> to vector<16xf32>
      %mul3A_663 = arith.constant 3.200000e+01 : f32
      %mul3A_664 = vector.broadcast %mul3A_663 : f32 to vector<16xf32>
      %mul3A_665 = arith.mulf %get3A_662, %mul3A_664 : vector<16xf32>
      %swap3A_666 = arith.index_cast %scan3A_108 : i32 to index
      %swap3A_667 = arith.constant 736 : index
      %swap3A_668 = tpu.vector_load %arg7[%swap3A_666, %swap3A_667] {strides = array<i32>} : memref<32x1024xf32, #tpu.memory_space<vmem>>, vector<1x16xf32>,
      %swap3A_669 = vector.shape_cast %swap3A_668 : vector<1x16xf32> to vector<16xf32>
      %swap3A_670 = vector.shape_cast %mul3A_665 : vector<16xf32> to vector<1x16xf32>
      tpu.vector_store %arg7[%swap3A_666, %swap3A_667], %swap3A_670 {strides = array<i32>} : memref<32x1024xf32, #tpu.memory_space<vmem>>, vector<1x16xf32>,
      %get3A_671 = arith.index_cast %scan3A_108 : i32 to index
      %get3A_672 = arith.constant 752 : index
      %get3A_673 = tpu.vector_load %arg7[%get3A_671, %get3A_672] {strides = array<i32>} : memref<32x1024xf32, #tpu.memory_space<vmem>>, vector<1x16xf32>,
      %get3A_674 = vector.shape_cast %get3A_673 : vector<1x16xf32> to vector<16xf32>
      %mul3A_675 = arith.constant 3.200000e+01 : f32
      %mul3A_676 = vector.broadcast %mul3A_675 : f32 to vector<16xf32>
      %mul3A_677 = arith.mulf %get3A_674, %mul3A_676 : vector<16xf32>
      %swap3A_678 = arith.index_cast %scan3A_108 : i32 to index
      %swap3A_679 = arith.constant 752 : index
      %swap3A_680 = tpu.vector_load %arg7[%swap3A_678, %swap3A_679] {strides = array<i32>} : memref<32x1024xf32, #tpu.memory_space<vmem>>, vector<1x16xf32>,
      %swap3A_681 = vector.shape_cast %swap3A_680 : vector<1x16xf32> to vector<16xf32>
      %swap3A_682 = vector.shape_cast %mul3A_677 : vector<16xf32> to vector<1x16xf32>
      tpu.vector_store %arg7[%swap3A_678, %swap3A_679], %swap3A_682 {strides = array<i32>} : memref<32x1024xf32, #tpu.memory_space<vmem>>, vector<1x16xf32>,
      %get3A_683 = arith.index_cast %scan3A_108 : i32 to index
      %get3A_684 = arith.constant 768 : index
      %get3A_685 = tpu.vector_load %arg7[%get3A_683, %get3A_684] {strides = array<i32>} : memref<32x1024xf32, #tpu.memory_space<vmem>>, vector<1x16xf32>,
      %get3A_686 = vector.shape_cast %get3A_685 : vector<1x16xf32> to vector<16xf32>
      %mul3A_687 = arith.constant 3.200000e+01 : f32
      %mul3A_688 = vector.broadcast %mul3A_687 : f32 to vector<16xf32>
      %mul3A_689 = arith.mulf %get3A_686, %mul3A_688 : vector<16xf32>
      %swap3A_690 = arith.index_cast %scan3A_108 : i32 to index
      %swap3A_691 = arith.constant 768 : index
      %swap3A_692 = tpu.vector_load %arg7[%swap3A_690, %swap3A_691] {strides = array<i32>} : memref<32x1024xf32, #tpu.memory_space<vmem>>, vector<1x16xf32>,
      %swap3A_693 = vector.shape_cast %swap3A_692 : vector<1x16xf32> to vector<16xf32>
      %swap3A_694 = vector.shape_cast %mul3A_689 : vector<16xf32> to vector<1x16xf32>
      tpu.vector_store %arg7[%swap3A_690, %swap3A_691], %swap3A_694 {strides = array<i32>} : memref<32x1024xf32, #tpu.memory_space<vmem>>, vector<1x16xf32>,
      %get3A_695 = arith.index_cast %scan3A_108 : i32 to index
      %get3A_696 = arith.constant 784 : index
      %get3A_697 = tpu.vector_load %arg7[%get3A_695, %get3A_696] {strides = array<i32>} : memref<32x1024xf32, #tpu.memory_space<vmem>>, vector<1x16xf32>,
      %get3A_698 = vector.shape_cast %get3A_697 : vector<1x16xf32> to vector<16xf32>
      %mul3A_699 = arith.constant 3.200000e+01 : f32
      %mul3A_700 = vector.broadcast %mul3A_699 : f32 to vector<16xf32>
      %mul3A_701 = arith.mulf %get3A_698, %mul3A_700 : vector<16xf32>
      %swap3A_702 = arith.index_cast %scan3A_108 : i32 to index
      %swap3A_703 = arith.constant 784 : index
      %swap3A_704 = tpu.vector_load %arg7[%swap3A_702, %swap3A_703] {strides = array<i32>} : memref<32x1024xf32, #tpu.memory_space<vmem>>, vector<1x16xf32>,
      %swap3A_705 = vector.shape_cast %swap3A_704 : vector<1x16xf32> to vector<16xf32>
      %swap3A_706 = vector.shape_cast %mul3A_701 : vector<16xf32> to vector<1x16xf32>
      tpu.vector_store %arg7[%swap3A_702, %swap3A_703], %swap3A_706 {strides = array<i32>} : memref<32x1024xf32, #tpu.memory_space<vmem>>, vector<1x16xf32>,
      %get3A_707 = arith.index_cast %scan3A_108 : i32 to index
      %get3A_708 = arith.constant 800 : index
      %get3A_709 = tpu.vector_load %arg7[%get3A_707, %get3A_708] {strides = array<i32>} : memref<32x1024xf32, #tpu.memory_space<vmem>>, vector<1x16xf32>,
      %get3A_710 = vector.shape_cast %get3A_709 : vector<1x16xf32> to vector<16xf32>
      %mul3A_711 = arith.constant 3.200000e+01 : f32
      %mul3A_712 = vector.broadcast %mul3A_711 : f32 to vector<16xf32>
      %mul3A_713 = arith.mulf %get3A_710, %mul3A_712 : vector<16xf32>
      %swap3A_714 = arith.index_cast %scan3A_108 : i32 to index
      %swap3A_715 = arith.constant 800 : index
      %swap3A_716 = tpu.vector_load %arg7[%swap3A_714, %swap3A_715] {strides = array<i32>} : memref<32x1024xf32, #tpu.memory_space<vmem>>, vector<1x16xf32>,
      %swap3A_717 = vector.shape_cast %swap3A_716 : vector<1x16xf32> to vector<16xf32>
      %swap3A_718 = vector.shape_cast %mul3A_713 : vector<16xf32> to vector<1x16xf32>
      tpu.vector_store %arg7[%swap3A_714, %swap3A_715], %swap3A_718 {strides = array<i32>} : memref<32x1024xf32, #tpu.memory_space<vmem>>, vector<1x16xf32>,
      %get3A_719 = arith.index_cast %scan3A_108 : i32 to index
      %get3A_720 = arith.constant 816 : index
      %get3A_721 = tpu.vector_load %arg7[%get3A_719, %get3A_720] {strides = array<i32>} : memref<32x1024xf32, #tpu.memory_space<vmem>>, vector<1x16xf32>,
      %get3A_722 = vector.shape_cast %get3A_721 : vector<1x16xf32> to vector<16xf32>
      %mul3A_723 = arith.constant 3.200000e+01 : f32
      %mul3A_724 = vector.broadcast %mul3A_723 : f32 to vector<16xf32>
      %mul3A_725 = arith.mulf %get3A_722, %mul3A_724 : vector<16xf32>
      %swap3A_726 = arith.index_cast %scan3A_108 : i32 to index
      %swap3A_727 = arith.constant 816 : index
      %swap3A_728 = tpu.vector_load %arg7[%swap3A_726, %swap3A_727] {strides = array<i32>} : memref<32x1024xf32, #tpu.memory_space<vmem>>, vector<1x16xf32>,
      %swap3A_729 = vector.shape_cast %swap3A_728 : vector<1x16xf32> to vector<16xf32>
      %swap3A_730 = vector.shape_cast %mul3A_725 : vector<16xf32> to vector<1x16xf32>
      tpu.vector_store %arg7[%swap3A_726, %swap3A_727], %swap3A_730 {strides = array<i32>} : memref<32x1024xf32, #tpu.memory_space<vmem>>, vector<1x16xf32>,
      %get3A_731 = arith.index_cast %scan3A_108 : i32 to index
      %get3A_732 = arith.constant 832 : index
      %get3A_733 = tpu.vector_load %arg7[%get3A_731, %get3A_732] {strides = array<i32>} : memref<32x1024xf32, #tpu.memory_space<vmem>>, vector<1x16xf32>,
      %get3A_734 = vector.shape_cast %get3A_733 : vector<1x16xf32> to vector<16xf32>
      %mul3A_735 = arith.constant 3.200000e+01 : f32
      %mul3A_736 = vector.broadcast %mul3A_735 : f32 to vector<16xf32>
      %mul3A_737 = arith.mulf %get3A_734, %mul3A_736 : vector<16xf32>
      %swap3A_738 = arith.index_cast %scan3A_108 : i32 to index
      %swap3A_739 = arith.constant 832 : index
      %swap3A_740 = tpu.vector_load %arg7[%swap3A_738, %swap3A_739] {strides = array<i32>} : memref<32x1024xf32, #tpu.memory_space<vmem>>, vector<1x16xf32>,
      %swap3A_741 = vector.shape_cast %swap3A_740 : vector<1x16xf32> to vector<16xf32>
      %swap3A_742 = vector.shape_cast %mul3A_737 : vector<16xf32> to vector<1x16xf32>
      tpu.vector_store %arg7[%swap3A_738, %swap3A_739], %swap3A_742 {strides = array<i32>} : memref<32x1024xf32, #tpu.memory_space<vmem>>, vector<1x16xf32>,
      %get3A_743 = arith.index_cast %scan3A_108 : i32 to index
      %get3A_744 = arith.constant 848 : index
      %get3A_745 = tpu.vector_load %arg7[%get3A_743, %get3A_744] {strides = array<i32>} : memref<32x1024xf32, #tpu.memory_space<vmem>>, vector<1x16xf32>,
      %get3A_746 = vector.shape_cast %get3A_745 : vector<1x16xf32> to vector<16xf32>
      %mul3A_747 = arith.constant 3.200000e+01 : f32
      %mul3A_748 = vector.broadcast %mul3A_747 : f32 to vector<16xf32>
      %mul3A_749 = arith.mulf %get3A_746, %mul3A_748 : vector<16xf32>
      %swap3A_750 = arith.index_cast %scan3A_108 : i32 to index
      %swap3A_751 = arith.constant 848 : index
      %swap3A_752 = tpu.vector_load %arg7[%swap3A_750, %swap3A_751] {strides = array<i32>} : memref<32x1024xf32, #tpu.memory_space<vmem>>, vector<1x16xf32>,
      %swap3A_753 = vector.shape_cast %swap3A_752 : vector<1x16xf32> to vector<16xf32>
      %swap3A_754 = vector.shape_cast %mul3A_749 : vector<16xf32> to vector<1x16xf32>
      tpu.vector_store %arg7[%swap3A_750, %swap3A_751], %swap3A_754 {strides = array<i32>} : memref<32x1024xf32, #tpu.memory_space<vmem>>, vector<1x16xf32>,
      %get3A_755 = arith.index_cast %scan3A_108 : i32 to index
      %get3A_756 = arith.constant 864 : index
      %get3A_757 = tpu.vector_load %arg7[%get3A_755, %get3A_756] {strides = array<i32>} : memref<32x1024xf32, #tpu.memory_space<vmem>>, vector<1x16xf32>,
      %get3A_758 = vector.shape_cast %get3A_757 : vector<1x16xf32> to vector<16xf32>
      %mul3A_759 = arith.constant 3.200000e+01 : f32
      %mul3A_760 = vector.broadcast %mul3A_759 : f32 to vector<16xf32>
      %mul3A_761 = arith.mulf %get3A_758, %mul3A_760 : vector<16xf32>
      %swap3A_762 = arith.index_cast %scan3A_108 : i32 to index
      %swap3A_763 = arith.constant 864 : index
      %swap3A_764 = tpu.vector_load %arg7[%swap3A_762, %swap3A_763] {strides = array<i32>} : memref<32x1024xf32, #tpu.memory_space<vmem>>, vector<1x16xf32>,
      %swap3A_765 = vector.shape_cast %swap3A_764 : vector<1x16xf32> to vector<16xf32>
      %swap3A_766 = vector.shape_cast %mul3A_761 : vector<16xf32> to vector<1x16xf32>
      tpu.vector_store %arg7[%swap3A_762, %swap3A_763], %swap3A_766 {strides = array<i32>} : memref<32x1024xf32, #tpu.memory_space<vmem>>, vector<1x16xf32>,
      %get3A_767 = arith.index_cast %scan3A_108 : i32 to index
      %get3A_768 = arith.constant 880 : index
      %get3A_769 = tpu.vector_load %arg7[%get3A_767, %get3A_768] {strides = array<i32>} : memref<32x1024xf32, #tpu.memory_space<vmem>>, vector<1x16xf32>,
      %get3A_770 = vector.shape_cast %get3A_769 : vector<1x16xf32> to vector<16xf32>
      %mul3A_771 = arith.constant 3.200000e+01 : f32
      %mul3A_772 = vector.broadcast %mul3A_771 : f32 to vector<16xf32>
      %mul3A_773 = arith.mulf %get3A_770, %mul3A_772 : vector<16xf32>
      %swap3A_774 = arith.index_cast %scan3A_108 : i32 to index
      %swap3A_775 = arith.constant 880 : index
      %swap3A_776 = tpu.vector_load %arg7[%swap3A_774, %swap3A_775] {strides = array<i32>} : memref<32x1024xf32, #tpu.memory_space<vmem>>, vector<1x16xf32>,
      %swap3A_777 = vector.shape_cast %swap3A_776 : vector<1x16xf32> to vector<16xf32>
      %swap3A_778 = vector.shape_cast %mul3A_773 : vector<16xf32> to vector<1x16xf32>
      tpu.vector_store %arg7[%swap3A_774, %swap3A_775], %swap3A_778 {strides = array<i32>} : memref<32x1024xf32, #tpu.memory_space<vmem>>, vector<1x16xf32>,
      %get3A_779 = arith.index_cast %scan3A_108 : i32 to index
      %get3A_780 = arith.constant 896 : index
      %get3A_781 = tpu.vector_load %arg7[%get3A_779, %get3A_780] {strides = array<i32>} : memref<32x1024xf32, #tpu.memory_space<vmem>>, vector<1x16xf32>,
      %get3A_782 = vector.shape_cast %get3A_781 : vector<1x16xf32> to vector<16xf32>
      %mul3A_783 = arith.constant 3.200000e+01 : f32
      %mul3A_784 = vector.broadcast %mul3A_783 : f32 to vector<16xf32>
      %mul3A_785 = arith.mulf %get3A_782, %mul3A_784 : vector<16xf32>
      %swap3A_786 = arith.index_cast %scan3A_108 : i32 to index
      %swap3A_787 = arith.constant 896 : index
      %swap3A_788 = tpu.vector_load %arg7[%swap3A_786, %swap3A_787] {strides = array<i32>} : memref<32x1024xf32, #tpu.memory_space<vmem>>, vector<1x16xf32>,
      %swap3A_789 = vector.shape_cast %swap3A_788 : vector<1x16xf32> to vector<16xf32>
      %swap3A_790 = vector.shape_cast %mul3A_785 : vector<16xf32> to vector<1x16xf32>
      tpu.vector_store %arg7[%swap3A_786, %swap3A_787], %swap3A_790 {strides = array<i32>} : memref<32x1024xf32, #tpu.memory_space<vmem>>, vector<1x16xf32>,
      %get3A_791 = arith.index_cast %scan3A_108 : i32 to index
      %get3A_792 = arith.constant 912 : index
      %get3A_793 = tpu.vector_load %arg7[%get3A_791, %get3A_792] {strides = array<i32>} : memref<32x1024xf32, #tpu.memory_space<vmem>>, vector<1x16xf32>,
      %get3A_794 = vector.shape_cast %get3A_793 : vector<1x16xf32> to vector<16xf32>
      %mul3A_795 = arith.constant 3.200000e+01 : f32
      %mul3A_796 = vector.broadcast %mul3A_795 : f32 to vector<16xf32>
      %mul3A_797 = arith.mulf %get3A_794, %mul3A_796 : vector<16xf32>
      %swap3A_798 = arith.index_cast %scan3A_108 : i32 to index
      %swap3A_799 = arith.constant 912 : index
      %swap3A_800 = tpu.vector_load %arg7[%swap3A_798, %swap3A_799] {strides = array<i32>} : memref<32x1024xf32, #tpu.memory_space<vmem>>, vector<1x16xf32>,
      %swap3A_801 = vector.shape_cast %swap3A_800 : vector<1x16xf32> to vector<16xf32>
      %swap3A_802 = vector.shape_cast %mul3A_797 : vector<16xf32> to vector<1x16xf32>
      tpu.vector_store %arg7[%swap3A_798, %swap3A_799], %swap3A_802 {strides = array<i32>} : memref<32x1024xf32, #tpu.memory_space<vmem>>, vector<1x16xf32>,
      %get3A_803 = arith.index_cast %scan3A_108 : i32 to index
      %get3A_804 = arith.constant 928 : index
      %get3A_805 = tpu.vector_load %arg7[%get3A_803, %get3A_804] {strides = array<i32>} : memref<32x1024xf32, #tpu.memory_space<vmem>>, vector<1x16xf32>,
      %get3A_806 = vector.shape_cast %get3A_805 : vector<1x16xf32> to vector<16xf32>
      %mul3A_807 = arith.constant 3.200000e+01 : f32
      %mul3A_808 = vector.broadcast %mul3A_807 : f32 to vector<16xf32>
      %mul3A_809 = arith.mulf %get3A_806, %mul3A_808 : vector<16xf32>
      %swap3A_810 = arith.index_cast %scan3A_108 : i32 to index
      %swap3A_811 = arith.constant 928 : index
      %swap3A_812 = tpu.vector_load %arg7[%swap3A_810, %swap3A_811] {strides = array<i32>} : memref<32x1024xf32, #tpu.memory_space<vmem>>, vector<1x16xf32>,
      %swap3A_813 = vector.shape_cast %swap3A_812 : vector<1x16xf32> to vector<16xf32>
      %swap3A_814 = vector.shape_cast %mul3A_809 : vector<16xf32> to vector<1x16xf32>
      tpu.vector_store %arg7[%swap3A_810, %swap3A_811], %swap3A_814 {strides = array<i32>} : memref<32x1024xf32, #tpu.memory_space<vmem>>, vector<1x16xf32>,
      %get3A_815 = arith.index_cast %scan3A_108 : i32 to index
      %get3A_816 = arith.constant 944 : index
      %get3A_817 = tpu.vector_load %arg7[%get3A_815, %get3A_816] {strides = array<i32>} : memref<32x1024xf32, #tpu.memory_space<vmem>>, vector<1x16xf32>,
      %get3A_818 = vector.shape_cast %get3A_817 : vector<1x16xf32> to vector<16xf32>
      %mul3A_819 = arith.constant 3.200000e+01 : f32
      %mul3A_820 = vector.broadcast %mul3A_819 : f32 to vector<16xf32>
      %mul3A_821 = arith.mulf %get3A_818, %mul3A_820 : vector<16xf32>
      %swap3A_822 = arith.index_cast %scan3A_108 : i32 to index
      %swap3A_823 = arith.constant 944 : index
      %swap3A_824 = tpu.vector_load %arg7[%swap3A_822, %swap3A_823] {strides = array<i32>} : memref<32x1024xf32, #tpu.memory_space<vmem>>, vector<1x16xf32>,
      %swap3A_825 = vector.shape_cast %swap3A_824 : vector<1x16xf32> to vector<16xf32>
      %swap3A_826 = vector.shape_cast %mul3A_821 : vector<16xf32> to vector<1x16xf32>
      tpu.vector_store %arg7[%swap3A_822, %swap3A_823], %swap3A_826 {strides = array<i32>} : memref<32x1024xf32, #tpu.memory_space<vmem>>, vector<1x16xf32>,
      %get3A_827 = arith.index_cast %scan3A_108 : i32 to index
      %get3A_828 = arith.constant 960 : index
      %get3A_829 = tpu.vector_load %arg7[%get3A_827, %get3A_828] {strides = array<i32>} : memref<32x1024xf32, #tpu.memory_space<vmem>>, vector<1x16xf32>,
      %get3A_830 = vector.shape_cast %get3A_829 : vector<1x16xf32> to vector<16xf32>
      %mul3A_831 = arith.constant 3.200000e+01 : f32
      %mul3A_832 = vector.broadcast %mul3A_831 : f32 to vector<16xf32>
      %mul3A_833 = arith.mulf %get3A_830, %mul3A_832 : vector<16xf32>
      %swap3A_834 = arith.index_cast %scan3A_108 : i32 to index
      %swap3A_835 = arith.constant 960 : index
      %swap3A_836 = tpu.vector_load %arg7[%swap3A_834, %swap3A_835] {strides = array<i32>} : memref<32x1024xf32, #tpu.memory_space<vmem>>, vector<1x16xf32>,
      %swap3A_837 = vector.shape_cast %swap3A_836 : vector<1x16xf32> to vector<16xf32>
      %swap3A_838 = vector.shape_cast %mul3A_833 : vector<16xf32> to vector<1x16xf32>
      tpu.vector_store %arg7[%swap3A_834, %swap3A_835], %swap3A_838 {strides = array<i32>} : memref<32x1024xf32, #tpu.memory_space<vmem>>, vector<1x16xf32>,
      %get3A_839 = arith.index_cast %scan3A_108 : i32 to index
      %get3A_840 = arith.constant 976 : index
      %get3A_841 = tpu.vector_load %arg7[%get3A_839, %get3A_840] {strides = array<i32>} : memref<32x1024xf32, #tpu.memory_space<vmem>>, vector<1x16xf32>,
      %get3A_842 = vector.shape_cast %get3A_841 : vector<1x16xf32> to vector<16xf32>
      %mul3A_843 = arith.constant 3.200000e+01 : f32
      %mul3A_844 = vector.broadcast %mul3A_843 : f32 to vector<16xf32>
      %mul3A_845 = arith.mulf %get3A_842, %mul3A_844 : vector<16xf32>
      %swap3A_846 = arith.index_cast %scan3A_108 : i32 to index
      %swap3A_847 = arith.constant 976 : index
      %swap3A_848 = tpu.vector_load %arg7[%swap3A_846, %swap3A_847] {strides = array<i32>} : memref<32x1024xf32, #tpu.memory_space<vmem>>, vector<1x16xf32>,
      %swap3A_849 = vector.shape_cast %swap3A_848 : vector<1x16xf32> to vector<16xf32>
      %swap3A_850 = vector.shape_cast %mul3A_845 : vector<16xf32> to vector<1x16xf32>
      tpu.vector_store %arg7[%swap3A_846, %swap3A_847], %swap3A_850 {strides = array<i32>} : memref<32x1024xf32, #tpu.memory_space<vmem>>, vector<1x16xf32>,
      %get3A_851 = arith.index_cast %scan3A_108 : i32 to index
      %get3A_852 = arith.constant 992 : index
      %get3A_853 = tpu.vector_load %arg7[%get3A_851, %get3A_852] {strides = array<i32>} : memref<32x1024xf32, #tpu.memory_space<vmem>>, vector<1x16xf32>,
      %get3A_854 = vector.shape_cast %get3A_853 : vector<1x16xf32> to vector<16xf32>
      %mul3A_855 = arith.constant 3.200000e+01 : f32
      %mul3A_856 = vector.broadcast %mul3A_855 : f32 to vector<16xf32>
      %mul3A_857 = arith.mulf %get3A_854, %mul3A_856 : vector<16xf32>
      %swap3A_858 = arith.index_cast %scan3A_108 : i32 to index
      %swap3A_859 = arith.constant 992 : index
      %swap3A_860 = tpu.vector_load %arg7[%swap3A_858, %swap3A_859] {strides = array<i32>} : memref<32x1024xf32, #tpu.memory_space<vmem>>, vector<1x16xf32>,
      %swap3A_861 = vector.shape_cast %swap3A_860 : vector<1x16xf32> to vector<16xf32>
      %swap3A_862 = vector.shape_cast %mul3A_857 : vector<16xf32> to vector<1x16xf32>
      tpu.vector_store %arg7[%swap3A_858, %swap3A_859], %swap3A_862 {strides = array<i32>} : memref<32x1024xf32, #tpu.memory_space<vmem>>, vector<1x16xf32>,
      %get3A_863 = arith.index_cast %scan3A_108 : i32 to index
      %get3A_864 = arith.constant 1008 : index
      %get3A_865 = tpu.vector_load %arg7[%get3A_863, %get3A_864] {strides = array<i32>} : memref<32x1024xf32, #tpu.memory_space<vmem>>, vector<1x16xf32>,
      %get3A_866 = vector.shape_cast %get3A_865 : vector<1x16xf32> to vector<16xf32>
      %mul3A_867 = arith.constant 3.200000e+01 : f32
      %mul3A_868 = vector.broadcast %mul3A_867 : f32 to vector<16xf32>
      %mul3A_869 = arith.mulf %get3A_866, %mul3A_868 : vector<16xf32>
      %swap3A_870 = arith.index_cast %scan3A_108 : i32 to index
      %swap3A_871 = arith.constant 1008 : index
      %swap3A_872 = tpu.vector_load %arg7[%swap3A_870, %swap3A_871] {strides = array<i32>} : memref<32x1024xf32, #tpu.memory_space<vmem>>, vector<1x16xf32>,
      %swap3A_873 = vector.shape_cast %swap3A_872 : vector<1x16xf32> to vector<16xf32>
      %swap3A_874 = vector.shape_cast %mul3A_869 : vector<16xf32> to vector<1x16xf32>
      tpu.vector_store %arg7[%swap3A_870, %swap3A_871], %swap3A_874 {strides = array<i32>} : memref<32x1024xf32, #tpu.memory_space<vmem>>, vector<1x16xf32>,
    }
    %scan3A_75 = arith.constant 32 : i32
    %add3A_76 = arith.constant 992 : i32
    %add3A_77 = arith.addi %mul3A_32, %add3A_76 : i32
    %dma_start3A_78 = arith.constant 0 : i32
    %dma_start3A_79 = tpu.memref_slice %arg4[%select_n3A, %add3A_77, %dma_start3A_78] : memref<4x8192x1024xf32, #tpu.memory_space<hbm>> -> memref<1x32x1024xf32, #tpu.memory_space<hbm>>
    %dma_start3A_80 = tpu.memref_squeeze %dma_start3A_79 : memref<1x32x1024xf32, #tpu.memory_space<hbm>> -> memref<32x1024xf32, #tpu.memory_space<hbm>>
    %dma_start3A_81 = arith.constant 0 : i32
    %dma_start3A_82 = tpu.memref_slice %arg4[%select_n3A, %add3A_77, %dma_start3A_81] : memref<4x8192x1024xf32, #tpu.memory_space<hbm>> -> memref<1x32x1024xf32, #tpu.memory_space<hbm>>
    %dma_start3A_83 = tpu.memref_squeeze %dma_start3A_82 : memref<1x32x1024xf32, #tpu.memory_space<hbm>> -> memref<32x1024xf32, #tpu.memory_space<hbm>>
    tpu.enqueue_dma source(%arg7 : memref<32x1024xf32, #tpu.memory_space<vmem>>) target(%dma_start3A_83 : memref<32x1024xf32, #tpu.memory_space<hbm>>) target_semaphore(%arg13 : memref<!tpu.dma_semaphore, #tpu.memory_space<semaphore_mem>>)
    %add3A_84 = arith.constant 928 : i32
    %add3A_85 = arith.addi %mul3A_32, %add3A_84 : i32
    %dma_wait3A_86 = arith.constant 0 : i32
    %dma_wait3A_87 = tpu.memref_slice %arg4[%select_n3A, %add3A_85, %dma_wait3A_86] : memref<4x8192x1024xf32, #tpu.memory_space<hbm>> -> memref<1x32x1024xf32, #tpu.memory_space<hbm>>
    %dma_wait3A_88 = tpu.memref_squeeze %dma_wait3A_87 : memref<1x32x1024xf32, #tpu.memory_space<hbm>> -> memref<32x1024xf32, #tpu.memory_space<hbm>>
    %dma_wait3A_89 = arith.constant 0 : i32
    %dma_wait3A_90 = tpu.memref_slice %arg4[%select_n3A, %add3A_85, %dma_wait3A_89] : memref<4x8192x1024xf32, #tpu.memory_space<hbm>> -> memref<1x32x1024xf32, #tpu.memory_space<hbm>>
    %dma_wait3A_91 = tpu.memref_squeeze %dma_wait3A_90 : memref<1x32x1024xf32, #tpu.memory_space<hbm>> -> memref<32x1024xf32, #tpu.memory_space<hbm>>
    tpu.wait_dma2 semaphore(%arg14 : memref<!tpu.dma_semaphore, #tpu.memory_space<semaphore_mem>>) src(%arg8 : memref<32x1024xf32, #tpu.memory_space<vmem>>) dst(%dma_wait3A_91 : memref<32x1024xf32, #tpu.memory_space<hbm>>)
    %add3A_92 = arith.constant 960 : i32
    %add3A_93 = arith.addi %mul3A_32, %add3A_92 : i32
    %dma_wait3A_94 = arith.constant 0 : i32
    %dma_wait3A_95 = tpu.memref_slice %arg4[%select_n3A, %add3A_93, %dma_wait3A_94] : memref<4x8192x1024xf32, #tpu.memory_space<hbm>> -> memref<1x32x1024xf32, #tpu.memory_space<hbm>>
    %dma_wait3A_96 = tpu.memref_squeeze %dma_wait3A_95 : memref<1x32x1024xf32, #tpu.memory_space<hbm>> -> memref<32x1024xf32, #tpu.memory_space<hbm>>
    %dma_wait3A_97 = arith.constant 0 : i32
    %dma_wait3A_98 = tpu.memref_slice %arg4[%select_n3A, %add3A_93, %dma_wait3A_97] : memref<4x8192x1024xf32, #tpu.memory_space<hbm>> -> memref<1x32x1024xf32, #tpu.memory_space<hbm>>
    %dma_wait3A_99 = tpu.memref_squeeze %dma_wait3A_98 : memref<1x32x1024xf32, #tpu.memory_space<hbm>> -> memref<32x1024xf32, #tpu.memory_space<hbm>>
    tpu.wait_dma2 semaphore(%arg12 : memref<!tpu.dma_semaphore, #tpu.memory_space<semaphore_mem>>) src(%arg6 : memref<32x1024xf32, #tpu.memory_space<vmem>>) dst(%dma_wait3A_99 : memref<32x1024xf32, #tpu.memory_space<hbm>>)
    %add3A_100 = arith.constant 992 : i32
    %add3A_101 = arith.addi %mul3A_32, %add3A_100 : i32
    %dma_wait3A_102 = arith.constant 0 : i32
    %dma_wait3A_103 = tpu.memref_slice %arg4[%select_n3A, %add3A_101, %dma_wait3A_102] : memref<4x8192x1024xf32, #tpu.memory_space<hbm>> -> memref<1x32x1024xf32, #tpu.memory_space<hbm>>
    %dma_wait3A_104 = tpu.memref_squeeze %dma_wait3A_103 : memref<1x32x1024xf32, #tpu.memory_space<hbm>> -> memref<32x1024xf32, #tpu.memory_space<hbm>>
    %dma_wait3A_105 = arith.constant 0 : i32
    %dma_wait3A_106 = tpu.memref_slice %arg4[%select_n3A, %add3A_101, %dma_wait3A_105] : memref<4x8192x1024xf32, #tpu.memory_space<hbm>> -> memref<1x32x1024xf32, #tpu.memory_space<hbm>>
    %dma_wait3A_107 = tpu.memref_squeeze %dma_wait3A_106 : memref<1x32x1024xf32, #tpu.memory_space<hbm>> -> memref<32x1024xf32, #tpu.memory_space<hbm>>
    tpu.wait_dma2 semaphore(%arg13 : memref<!tpu.dma_semaphore, #tpu.memory_space<semaphore_mem>>) src(%arg7 : memref<32x1024xf32, #tpu.memory_space<vmem>>) dst(%dma_wait3A_107 : memref<32x1024xf32, #tpu.memory_space<hbm>>)
    return
  }
}

</mosaic_0001>

<sc_bundles>
// kernel: kernel.3.cloned.1.call-start
scs
__scs_entry_jumppad:
0x0: {  	(pc) =	sbr.rel $0x88, $3  }
0x1: {  	(tag) =	ssettag $0x0;
	lr =	simm.s32 $0x1  }
0x2: {  	[smem:$0x3F9F] =	sst lr;
	_ =	strace $0xD0000000  }
0x3: {  	_ = 	snop  }
0x4: {  	_ = 	snop  }
0x5: {  	_ = 	snop  }
0x6: {  	_ = 	snop  }
0x7: {  	_ = 	snop  }
__scs_overlays_trampoline_lowered:
0x8: {  	[smem:$0x3FAE] =	sst s0  }
0x9: {  	[smem:$0x3FAF] =	sst s1  }
0xa: {  	[smem:$0x3FB0] =	sst s2  }
0xb: {  	[smem:$0x3FB1] =	sst s3  }
0xc: {  	[smem:$0x3FB2] =	sst s4  }
0xd: {  	[smem:$0x3FB3] =	sst s5  }
0xe: {  	[smem:$0x3FB4] =	sst s6  }
0xf: {  	[smem:$0x3FB5] =	sst s7  }
0x10: {  	[smem:$0x3FB6] =	sst s8  }
0x11: {  	[smem:$0x3FB7] =	sst s9;
	s0 =	simm.s32 @!p0 $0x0  }
0x12: {  	s1 =	sld [smem:$0x3F9D];
	s0 =	simm.s32 @p0 $0x1  }
0x13: {  	[smem:$0x3FB8] =	sst s0;
	s0 =	simm.s32 @!p1 $0x0  }
0x14: {  	s2 =	sld [smem:$0x3F9C];
	s0 =	simm.s32 @p1 $0x1  }
0x15: {  	[smem:$0x3FB9] =	sst s0;
	s0 =	simm.s32 @!p2 $0x0  }
0x16: {  	s3 =	sld [smem:$0x3FDB];
	s0 =	simm.s32 @p2 $0x1  }
0x17: {  	s4 =	simm.s32 $0x1BF5;
	[smem:$0x3FBB] =	sst s0  }
0x18: {  	s0 =	sld [smem:$0x3F9E];
	_ =	swait.ge [sflag:s4], $0x0  }
0x19: {  	s7 =	sld [smem:$0x3F9F]  }
0x1a: {  	s8 =	sadd.s32 $0xFFFFE003, lr  }
0x1b: {  	s9 =	sadd.s32 $0xFFFFFEF7, lr;
	s5 =	simm.s32 $0xFFFFFFFF;
	p2 =	slt.u32 s8, $0xFFFFF086  }
0x1c: {  	p1 =	slt.u32 s9, $0xF7A;
	s5 =	simm.s32 @!p2 $0x0  }
0x1d: {  	s5 =	simm.s32 @p1 $0x1;
	p0 =	seq.s32 s7, s2  }
0x1e: {  	s7 =	smul.u32 @!p0 $0xF7A, s2;
	p2 =	seq.s32 @!p0 s5, $0x0  }
0x1f: {  	s9 =	smul.u32 $0xF7A, s1;
	s8 =	simm.s32 @!p0 $0x1BF5;
	p2 =	por !p2, p0  }
0x20: {  	[sflag:s8] =	ssyncset.s32 @!p0 $0xFFFFF086;
	s6 =	sadd.s32 @!p0 s3, s7;
	s7 =	simm.s32 @!p0 $0x108  }
0x21: {  	s3 =	sadd.s32 s3, s9;
	s6 =	sadd.s32 @!p0 $0x88, s6;
	s7 =	simm.s32 @p2 $0x1082  }
0x22: {  	[simem:s7], [sflag:s8] =	dma.local @!p0 [hbm:s6], $0xF7A  }
0x23: {  	s9 =	sor.u32 $0xD0000000, s2;
	s6 =	simm.s32 $0x108;
	_ =	swait.ge @!p0 [sflag:s8], $0x0  }
0x24: {  	s3 =	sadd.s32 $0x88, s3;
	s6 =	simm.s32 @!p1 $0x1082;
	[sflag:s4] =	ssyncset.s32 $0xFFFFF086  }
0x25: {  	[simem:s6], [sflag:s4] =	dma.local [hbm:s3], $0xF7A  }
0x26: {  	[smem:$0x3F9F] =	sst s1;
	(tag) =	ssettag s2;
	_ =	strace s9  }
0x27: {  	s1 =	sld [smem:$0x3FAF]  }
0x28: {  	s2 =	sld [smem:$0x3FB0]  }
0x29: {  	s4 =	sld [smem:$0x3FB2]  }
0x2a: {  	p0 =	seq.s32 s5, $0x0;
	s5 =	sld [smem:$0x3FB3]  }
0x2b: {  	s6 =	sld [smem:$0x3FB4]  }
0x2c: {  	s7 =	sld [smem:$0x3FB5]  }
0x2d: {  	s3 =	simm.s32 $0x108;
	s8 =	sld [smem:$0x3FB6]  }
0x2e: {  	s3 =	simm.s32 @!p0 $0x1082;
	s9 =	sld [smem:$0x3FB7]  }
0x2f: {  	lr =	sadd.s32 s0, s3;
	s0 =	sld [smem:$0x3FAE]  }
0x30: {  	s3 =	sld [smem:$0x3FB1]  }
0x31: {  	[smem:$0x3FBA] =	sst s10  }
0x32: {  	s10 =	sld [smem:$0x3FB8];
	_ =	sdelay $0x3  }
0x33: {  	p0 =	seq.s32 s10, $0x1;
	s10 =	sld [smem:$0x3FBA];
	_ =	sdelay $0x3  }
0x34: {  	[smem:$0x3FBA] =	sst s10  }
0x35: {  	s10 =	sld [smem:$0x3FB9];
	_ =	sdelay $0x3  }
0x36: {  	p1 =	seq.s32 s10, $0x1;
	s10 =	sld [smem:$0x3FBA];
	_ =	sdelay $0x3  }
0x37: {  	[smem:$0x3FBA] =	sst s10  }
0x38: {  	s10 =	sld [smem:$0x3FBB]  }
0x39: {  	_ = 	snop;
	(pc) =	sbr.ind lr, $3  }
0x3a: {  	_ = 	snop  }
0x3b: {  	_ = 	snop  }
0x3c: {  	p2 =	seq.s32 s10, $0x1;
	s10 =	sld [smem:$0x3FBA]  }
0x3d: {  	_ =	shalt  }
0x3e: {  	_ =	shalt  }
0x3f: {  	_ =	shalt  }
0x40: {  	_ =	shalt  }
0x41: {  	_ =	shalt  }
0x42: {  	_ =	shalt  }
0x43: {  	_ =	shalt  }
0x44: {  	_ =	shalt  }
0x45: {  	_ =	shalt  }
0x46: {  	_ =	shalt  }
0x47: {  	_ =	shalt  }
0x48: {  	_ =	shalt  }
0x49: {  	_ =	shalt  }
0x4a: {  	_ =	shalt  }
0x4b: {  	_ =	shalt  }
0x4c: {  	_ =	shalt  }
0x4d: {  	_ =	shalt  }
0x4e: {  	_ =	shalt  }
0x4f: {  	_ =	shalt  }
0x50: {  	_ =	shalt  }
0x51: {  	_ =	shalt  }
0x52: {  	_ =	shalt  }
0x53: {  	_ =	shalt  }
0x54: {  	_ =	shalt  }
0x55: {  	_ =	shalt  }
0x56: {  	_ =	shalt  }
0x57: {  	_ =	shalt  }
0x58: {  	_ =	shalt  }
0x59: {  	_ =	shalt  }
0x5a: {  	_ =	shalt  }
0x5b: {  	_ =	shalt  }
0x5c: {  	_ =	shalt  }
0x5d: {  	_ =	shalt  }
0x5e: {  	_ =	shalt  }
0x5f: {  	_ =	shalt  }
0x60: {  	_ =	shalt  }
0x61: {  	_ =	shalt  }
0x62: {  	_ =	shalt  }
0x63: {  	_ =	shalt  }
0x64: {  	_ =	shalt  }
0x65: {  	_ =	shalt  }
0x66: {  	_ =	shalt  }
0x67: {  	_ =	shalt  }
0x68: {  	_ =	shalt  }
0x69: {  	_ =	shalt  }
0x6a: {  	_ =	shalt  }
0x6b: {  	_ =	shalt  }
0x6c: {  	_ =	shalt  }
0x6d: {  	_ =	shalt  }
0x6e: {  	_ =	shalt  }
0x6f: {  	_ =	shalt  }
0x70: {  	_ =	shalt  }
0x71: {  	_ =	shalt  }
0x72: {  	_ =	shalt  }
0x73: {  	_ =	shalt  }
0x74: {  	_ =	shalt  }
0x75: {  	_ =	shalt  }
0x76: {  	_ =	shalt  }
0x77: {  	_ =	shalt  }
0x78: {  	_ =	shalt  }
0x79: {  	_ =	shalt  }
0x7a: {  	_ =	shalt  }
0x7b: {  	_ =	shalt  }
0x7c: {  	_ =	shalt  }
0x7d: {  	_ =	shalt  }
0x7e: {  	_ =	shalt  }
0x7f: {  	_ =	shalt  }
0x80: {  	_ =	shalt  }
0x81: {  	_ =	shalt  }
0x82: {  	_ =	shalt  }
0x83: {  	_ =	shalt  }
0x84: {  	_ =	shalt  }
0x85: {  	_ =	shalt  }
0x86: {  	_ =	shalt  }
0x87: {  	_ =	shalt  }
.Lfunc_end0:
.L_simem_size_0:
called_computation_lowered:
.L_overlay_start_0:
0x88: {  	s2 =	sld [smem:$0x3FD9]  }
0x89: {  	s3 =	sld [smem:$0x3FFE];
	_ =	sdelay $0x1  }
0x8a: {  	s1 =	srdreg.scid  }
0x8b: {  	s0 =	sand.u32 $0x1, s1  }
0x8c: {  	s18 =	sshll.u32 s0, $0xA;
	s2 =	sadd.s32 s3, s2  }
0x8d: {  	s2 =	sadd.s32 s2, s18  }
0x8e: {  	[smem:$0x3FC6] =	sst s2  }
0x8f: {  	_ = 	snop  }
0x90: {  	s2 =	sld [smem:$0x3FC9]  }
0x91: {  	s19 =	sld [smem:$0x3FC8]  }
0x92: {  	s4 =	sld [smem:$0x3FD0];
	(tm) =	ssettm $0x1  }
0x93: {  	s5 =	sld [smem:$0x3FFB];
	_ =	sdelay $0x3  }
0x94: {  	_ =	strace s5  }
0x95: {  	s5 =	sld [smem:$0x3FFC];
	_ =	sdelay $0x3  }
0x96: {  	_ =	strace s5  }
0x97: {  	s5 =	sld [smem:$0x3FFD];
	_ =	sdelay $0x3  }
0x98: {  	_ =	strace s5  }
0x99: {  	_ =	strace $0x8FFFFFFF  }
0x9a: {  	s20 =	sld [smem:$0x3FDB];
	_ =	sdelay $0x1  }
0x9b: {  	s6 =	simm.s32 $_scs_section_size  }
0x9c: {  	s7 =	simm.s32 $_size__tile_overlayer_lowered;
	s8 =	simm.s32 $_tile_overlayer_lowered  }
0x9d: {  	s23 =	simm.s32 $0x1BFF;
	s22 =	sshll.u32 s8, $0x1;
	s5 =	sadd.s32 s6, s20  }
0x9e: {  	s9 =	simm.s32 $0x0;
	s21 =	sshll.u32 s7, $0x1;
	s7 =	sadd.s32 s22, s5  }
0x9f: {  	[timem:s9], [sflag:s23] =	dma.local [hbm:s7], s21  }
0xa0: {  	_ =	swait.ge [sflag:s23], s21  }
0xa1: {  	s6 =	ssub.s32 $0x0, s21;
	[sflag:s23] =	ssyncset.done $0x0  }
0xa2: {  	[sflag:s23] =	ssyncadd.s32 s6;
	_ =	sdelay $0x1  }
0xa3: {  	s24 =	simm.s32 $0x1B8B  }
0xa4: {  	_ =	swait.ge [sflag:s24], $0x1  }
0xa5: {  	[sflag:s24] =	ssyncset.done $0x0  }
0xa6: {  	s25 =	simm.s32 $0x1B8E;
	[sflag:s24] =	ssyncadd.s32 $0xFFFFFFFF  }
0xa7: {  	s26 =	simm.s32 $execute0_lowered;
	[smem:$0x3FD2] =	sst s25  }
0xa8: {  	s6 =	sshll.u32 s26, $0x1;
	_ =	strace $0x80000046;
	[dreg:$0x1] =	wrdreg $0xFFFFFFFF  }
0xa9: {  	s28 =	simm.s32 $_size_execute0_lowered;
	s5 =	sadd.s32 s5, s6;
	[dreg:$0x0] =	wrdreg $0x0  }
0xaa: {  	s6 =	sshll.u32 s28, $0x1;
	[dreg:$0x2] =	wrdreg s5  }
0xab: {  	[dreg:$0x3] =	wrdreg s6  }
0xac: {  	[dreg:$0x4] =	wrdreg $0xC0  }
0xad: {  	_ =	task [dreg:s9], $0x5FFFF  }
0xae: {  	[dreg:$0x1] =	wrdreg $0xFFFFFFFF  }
0xaf: {  	[dreg:$0x0] =	wrdreg $0x60  }
0xb0: {  	[dreg:$0x2] =	wrdreg s2  }
0xb1: {  	[dreg:$0x3] =	wrdreg s19  }
0xb2: {  	[dreg:$0x4] =	wrdreg s4  }
0xb3: {  	[dreg:$0x5] =	wrdreg $0x9  }
0xb4: {  	_ =	task.clear_ibuf [dreg:s9], $0x6FFFF;
	_ =	strace $0x90000046  }
0xb5: {  	s29 =	simm.s32 $0x9;
	_ =	strace $0x80000048  }
0xb6: {  	_ =	swait.ge [sflag:s29], $0x1  }
0xb7: {  	[sflag:s29] =	ssyncadd.s32 $0xFFFFFFFF  }
0xb8: {  	_ =	strace $0x90000048  }
0xb9: {  	_ =	sfence  }
0xba: {  	s30 =	sld [smem:$0x0];
	_ =	sdelay $0x2  }
0xbb: {  	s31 =	sshll.u32 s1, $0xD;
	s1 =	sshrl.u32 s1, $0x2  }
0xbc: {  	s3 =	sand.u32 $0x4000, s31;
	s1 =	sadd.s32 s1, s30  }
0xbd: {  	s0 =	sor.u32 s3, s0;
	s1 =	sshll.u32 s1, $0x11  }
0xbe: {  	s0 =	sor.u32 s1, s0  }
0xbf: {  	s0 =	sadd.s32 $0x8F2B, s0  }
0xc0: {  	[sflag:s0] =	ssyncadd.remote.s32 $0x1  }
0xc1: {  	_ =	sfence.sel $0xFFFF  }
0xc2: {  	[dreg:$0x0] =	wrdreg $0xFFFFFFFF;
	(pc) =	sbr.abs _section_cstart, $3  }
0xc3: {  	[dreg:$0x1] =	wrdreg $0xFFFFFFFF  }
0xc4: {  	_ =	task.clear_ibuf [dreg:s9], $0x2FFFF;
	_ =	strace $0x9FFFFFFF  }
0xc5: {  	(tm) =	ssettm $0x7FFFFFFF  }
tec
execute0_lowered:
.L_overlay_start_1:
0x0: {  	(tag) =	ssettag $0x1  }
0x1: {  	s0 =	rddreg [dreg:$0x0]  }
0x2: {  	s1 =	rddreg [dreg:$0x1]  }
0x3: {  	s3 =	rddreg [dreg:$0x2];
	s2 =	srdreg.scid  }
0x4: {  	s4 =	simm.s32 $0x0;
	s9 =	stileid.u32;
	s19 =	simm.s32 $0x400  }
0x5: {  	s29 =	simm.s32 $0xEC00;
	s30 =	simm.s32 $0xF400;
	s31 =	simm.s32 $0xFC00  }
0x6: {  	s16 =	simm.s32 $0x2;
	s17 =	simm.s32 $0x4;
	s13 =	simm.s32 $0x3  }
0x7: {  	s14 =	simm.s32 $0x5;
	s18 =	simm.s32 $0x0;
	s2 =	sand.u32 $0x1, s2  }
0x8: {  	[smem:$0x7FF] =	sst s4;
	s6 =	sshll.u32 s9, $0x1;
	s21 =	sshrl.u32 s9, $0x2  }
0x9: {  	s9 =	sadd.s32 $0x100, s1;
	s10 =	sadd.s32 $0x200, s1;
	s11 =	sadd.s32 $0x300, s1  }
0xa: {  	s5 =	ssub.s32 $0x2, s2;
	_ =	strace $0x80000047;
	s6 =	sand.u32 $0x6, s6  }
0xb: {  	s22 =	sshll.u32 s21, $0x4;
	s7 =	sshrl.u32 s5, $0x1;
	s2 =	sor.u32 s2, s6  }
0xc: {  	s8 =	ssub.s32 s5, s7;
	s5 =	sshll.u32 s21, $0x17;
	s23 =	sshll.u32 s2, $0x14  }
0xd: {  	s0 =	sadd.s32 s0, s22;
	s24 =	sshll.u32 s2, $0x9;
	s6 =	sor.u32 s5, s23  }
0xe: {  	s7 =	sshll.u32 s2, $0xA;
	s0 =	sadd.s32 s24, s0;
	s25 =	sshrl.u32 s6, $0x3  }
0xf: {  	s28 =	smax.u32 s8, $0x1;
	[dreg:$0x4] =	wrdreg s0;
	s0 =	sadd.s32 s25, s3  }
0x10: {  	v2 =	vlaneseq.u32;
	s2 =	simm.s32 $0x10400;
	[dreg:$0x7] =	wrdreg s28;
	s26 =	sadd.s32 $0x1E000, s0  }
0x11: {  	vm0 =	vmmov $0xffff;
	v1 =	vshrl.u32 v2, $0x3;
	s12 =	sor.u32 $0x20, s7;
	s0 =	sadd.s32 $0x1F000, s0;
	[dreg:$0x5] =	wrdreg s26  }
0x12: {  	v0 =	vand.u32 $0x7, v2;
	v2 =	vor.u32 $0x8, v2;
	v1 =	vmul.u32 $0x8, v1;
	s8 =	simm.s32 $0x8400;
	[dreg:$0x6] =	wrdreg s0;
	s0 =	simm.s32 $0x1  }
.LBB2_1:
0x13: {  	[dreg:$0x8] =	wrdreg s18  }
0x14: {  	s15 =	rddreg [dreg:$0x4]  }
0x15: {  	s26 =	simm.s32 $0x80;
	s20 =	simm.s32 $0x200;
	s28 =	simm.s32 $0x7  }
0x16: {  	[tilespmem:s4], [sflag:$0x7] =	stream.strided.gather [hbm4b:s15+s26], $0x400, s20, s26, $0x38;
	[tilespmem:$0x18400] =	vst v63  }
0x17: {  	_ =	swait.ge [sflag:s28], $0x400  }
0x18: {  	[sflag:s28] =	ssyncset.done $0x0  }
0x19: {  	[sflag:s28] =	ssyncadd.s32 $0xFFFFFC00  }
0x1a: {  	v3 =	vld [tilespmem:$0x0];
	_ =	sdelay $0x4  }
0x1b: {  	v4 =	vshll.u32 v3, $0x3  }
0x1c: {  	v3 =	vand.u32 $0x7, v3;
	v4 =	vand.u32 $0xFFFFFFC0, v4  }
0x1d: {  	v3 =	vor.u32 v3, v4  }
0x1e: {  	v4 =	vperm.xlane v3, v0;
	_ =	sdelay $0x1  }
0x1f: {  	v4 =	vadd.s32 v1, v4;
	_ =	sdelay $0x4  }
0x20: {  	[tilespmem:s19], [sflag:$0x1] =	stream.indirect_vreg.gather [hbm4b:s1+s4], $0x80, v4, vm0, $0xb8;
	[tilespmem:$0x18400] =	vst v63  }
0x21: {  	s18 =	simm.s32 $0xC00;
	v3 =	vperm.xlane v3, v2  }
0x22: {  	[tilespmem:s18], [sflag:$0x1] =	stream.indirect_vreg.gather [hbm4b:s9+s4], $0x80, v4, vm0, $0xb8;
	[tilespmem:$0x18400] =	vst v63  }
0x23: {  	s20 =	simm.s32 $0x1400;
	v3 =	vadd.s32 v1, v3  }
0x24: {  	[tilespmem:s20], [sflag:$0x1] =	stream.indirect_vreg.gather [hbm4b:s10+s4], $0x80, v4, vm0, $0xb8;
	[tilespmem:$0x18400] =	vst v63  }
0x25: {  	s21 =	simm.s32 $0x1C00  }
0x26: {  	[tilespmem:s21], [sflag:$0x1] =	stream.indirect_vreg.gather [hbm4b:s11+s4], $0x80, v4, vm0, $0xb8;
	[tilespmem:$0x18400] =	vst v63  }
0x27: {  	s22 =	simm.s32 $0x2400  }
0x28: {  	[tilespmem:s22], [sflag:$0x1] =	stream.indirect_vreg.gather [hbm4b:s1+s4], $0x80, v3, vm0, $0xb8;
	[tilespmem:$0x18400] =	vst v63  }
0x29: {  	s23 =	simm.s32 $0x2C00  }
0x2a: {  	[tilespmem:s23], [sflag:$0x1] =	stream.indirect_vreg.gather [hbm4b:s9+s4], $0x80, v3, vm0, $0xb8;
	[tilespmem:$0x18400] =	vst v63  }
0x2b: {  	s24 =	simm.s32 $0x3400  }
0x2c: {  	[tilespmem:s24], [sflag:$0x1] =	stream.indirect_vreg.gather [hbm4b:s10+s4], $0x80, v3, vm0, $0xb8;
	[tilespmem:$0x18400] =	vst v63  }
0x2d: {  	s25 =	simm.s32 $0x3C00  }
0x2e: {  	[tilespmem:s25], [sflag:$0x1] =	stream.indirect_vreg.gather [hbm4b:s11+s4], $0x80, v3, vm0, $0xb8;
	[tilespmem:$0x18400] =	vst v63  }
0x2f: {  	v3 =	vld [tilespmem:$0x10];
	_ =	sdelay $0x4  }
0x30: {  	v61 =	vshll.u32 v3, $0x3  }
0x31: {  	v3 =	vand.u32 $0x7, v3;
	v4 =	vand.u32 $0xFFFFFFC0, v61  }
0x32: {  	v3 =	vor.u32 v3, v4  }
0x33: {  	v4 =	vperm.xlane v3, v0;
	_ =	sdelay $0x1  }
0x34: {  	v4 =	vadd.s32 v1, v4;
	_ =	sdelay $0x3  }
0x35: {  	s26 =	simm.s32 $0x4400  }
0x36: {  	[tilespmem:s26], [sflag:$0x1] =	stream.indirect_vreg.gather [hbm4b:s1+s4], $0x80, v4, vm0, $0xb8;
	[tilespmem:$0x18400] =	vst v63  }
0x37: {  	s28 =	simm.s32 $0x4C00;
	v3 =	vperm.xlane v3, v2  }
0x38: {  	[tilespmem:s28], [sflag:$0x1] =	stream.indirect_vreg.gather [hbm4b:s9+s4], $0x80, v4, vm0, $0xb8;
	[tilespmem:$0x18400] =	vst v63  }
0x39: {  	s18 =	simm.s32 $0x5400;
	v3 =	vadd.s32 v1, v3  }
0x3a: {  	[tilespmem:s18], [sflag:$0x1] =	stream.indirect_vreg.gather [hbm4b:s10+s4], $0x80, v4, vm0, $0xb8;
	[tilespmem:$0x18400] =	vst v63  }
0x3b: {  	s20 =	simm.s32 $0x5C00  }
0x3c: {  	[tilespmem:s20], [sflag:$0x1] =	stream.indirect_vreg.gather [hbm4b:s11+s4], $0x80, v4, vm0, $0xb8;
	[tilespmem:$0x18400] =	vst v63  }
0x3d: {  	s21 =	simm.s32 $0x6400  }
0x3e: {  	[tilespmem:s21], [sflag:$0x1] =	stream.indirect_vreg.gather [hbm4b:s1+s4], $0x80, v3, vm0, $0xb8;
	[tilespmem:$0x18400] =	vst v63  }
0x3f: {  	s22 =	simm.s32 $0x6C00  }
0x40: {  	[tilespmem:s22], [sflag:$0x1] =	stream.indirect_vreg.gather [hbm4b:s9+s4], $0x80, v3, vm0, $0xb8;
	[tilespmem:$0x18400] =	vst v63  }
0x41: {  	s23 =	simm.s32 $0x7400  }
0x42: {  	[tilespmem:s23], [sflag:$0x1] =	stream.indirect_vreg.gather [hbm4b:s10+s4], $0x80, v3, vm0, $0xb8;
	[tilespmem:$0x18400] =	vst v63  }
0x43: {  	s24 =	simm.s32 $0x7C00  }
0x44: {  	[tilespmem:s24], [sflag:$0x1] =	stream.indirect_vreg.gather [hbm4b:s11+s4], $0x80, v3, vm0, $0xb8;
	[tilespmem:$0x18400] =	vst v63  }
0x45: {  	v3 =	vld [tilespmem:$0x20];
	_ =	sdelay $0x4  }
0x46: {  	v62 =	vshll.u32 v3, $0x3  }
0x47: {  	v3 =	vand.u32 $0x7, v3;
	v4 =	vand.u32 $0xFFFFFFC0, v62  }
0x48: {  	v3 =	vor.u32 v3, v4  }
0x49: {  	v4 =	vperm.xlane v3, v0;
	_ =	sdelay $0x1  }
0x4a: {  	v4 =	vadd.s32 v1, v4;
	_ =	sdelay $0x4  }
0x4b: {  	[tilespmem:s8], [sflag:$0x2] =	stream.indirect_vreg.gather [hbm4b:s1+s4], $0x80, v4, vm0, $0xb8;
	[tilespmem:$0x18400] =	vst v63  }
0x4c: {  	s25 =	simm.s32 $0x8C00;
	v3 =	vperm.xlane v3, v2  }
0x4d: {  	[tilespmem:s25], [sflag:$0x2] =	stream.indirect_vreg.gather [hbm4b:s9+s4], $0x80, v4, vm0, $0xb8;
	[tilespmem:$0x18400] =	vst v63  }
0x4e: {  	s26 =	simm.s32 $0x9400;
	v3 =	vadd.s32 v1, v3  }
0x4f: {  	[tilespmem:s26], [sflag:$0x2] =	stream.indirect_vreg.gather [hbm4b:s10+s4], $0x80, v4, vm0, $0xb8;
	[tilespmem:$0x18400] =	vst v63  }
0x50: {  	s28 =	simm.s32 $0x9C00  }
0x51: {  	[tilespmem:s28], [sflag:$0x2] =	stream.indirect_vreg.gather [hbm4b:s11+s4], $0x80, v4, vm0, $0xb8;
	[tilespmem:$0x18400] =	vst v63  }
0x52: {  	s18 =	simm.s32 $0xA400  }
0x53: {  	[tilespmem:s18], [sflag:$0x2] =	stream.indirect_vreg.gather [hbm4b:s1+s4], $0x80, v3, vm0, $0xb8;
	[tilespmem:$0x18400] =	vst v63  }
0x54: {  	s20 =	simm.s32 $0xAC00  }
0x55: {  	[tilespmem:s20], [sflag:$0x2] =	stream.indirect_vreg.gather [hbm4b:s9+s4], $0x80, v3, vm0, $0xb8;
	[tilespmem:$0x18400] =	vst v63  }
0x56: {  	s21 =	simm.s32 $0xB400  }
0x57: {  	[tilespmem:s21], [sflag:$0x2] =	stream.indirect_vreg.gather [hbm4b:s10+s4], $0x80, v3, vm0, $0xb8;
	[tilespmem:$0x18400] =	vst v63  }
0x58: {  	s22 =	simm.s32 $0xBC00  }
0x59: {  	[tilespmem:s22], [sflag:$0x2] =	stream.indirect_vreg.gather [hbm4b:s11+s4], $0x80, v3, vm0, $0xb8;
	[tilespmem:$0x18400] =	vst v63  }
0x5a: {  	v3 =	vld [tilespmem:$0x30];
	_ =	sdelay $0x4  }
0x5b: {  	v63 =	vshll.u32 v3, $0x3  }
0x5c: {  	v3 =	vand.u32 $0x7, v3;
	v4 =	vand.u32 $0xFFFFFFC0, v63  }
0x5d: {  	v3 =	vor.u32 v3, v4  }
0x5e: {  	v4 =	vperm.xlane v3, v0;
	_ =	sdelay $0x1  }
0x5f: {  	v4 =	vadd.s32 v1, v4;
	_ =	sdelay $0x3  }
0x60: {  	s23 =	simm.s32 $0xC400  }
0x61: {  	[tilespmem:s23], [sflag:$0x2] =	stream.indirect_vreg.gather [hbm4b:s1+s4], $0x80, v4, vm0, $0xb8;
	[tilespmem:$0x18400] =	vst v63  }
0x62: {  	s24 =	simm.s32 $0xCC00;
	v3 =	vperm.xlane v3, v2  }
0x63: {  	[tilespmem:s24], [sflag:$0x2] =	stream.indirect_vreg.gather [hbm4b:s9+s4], $0x80, v4, vm0, $0xb8;
	[tilespmem:$0x18400] =	vst v63  }
0x64: {  	s25 =	simm.s32 $0xD400;
	v3 =	vadd.s32 v1, v3  }
0x65: {  	[tilespmem:s25], [sflag:$0x2] =	stream.indirect_vreg.gather [hbm4b:s10+s4], $0x80, v4, vm0, $0xb8;
	[tilespmem:$0x18400] =	vst v63  }
0x66: {  	s26 =	simm.s32 $0xDC00  }
0x67: {  	[tilespmem:s26], [sflag:$0x2] =	stream.indirect_vreg.gather [hbm4b:s11+s4], $0x80, v4, vm0, $0xb8;
	[tilespmem:$0x18400] =	vst v63  }
0x68: {  	s28 =	simm.s32 $0xE400  }
0x69: {  	[tilespmem:s28], [sflag:$0x2] =	stream.indirect_vreg.gather [hbm4b:s1+s4], $0x80, v3, vm0, $0xb8;
	[tilespmem:$0x18400] =	vst v63  }
0x6a: {  	_ = 	snop  }
0x6b: {  	[tilespmem:s29], [sflag:$0x2] =	stream.indirect_vreg.gather [hbm4b:s9+s4], $0x80, v3, vm0, $0xb8;
	[tilespmem:$0x18400] =	vst v63  }
0x6c: {  	_ = 	snop  }
0x6d: {  	[tilespmem:s30], [sflag:$0x2] =	stream.indirect_vreg.gather [hbm4b:s10+s4], $0x80, v3, vm0, $0xb8;
	[tilespmem:$0x18400] =	vst v63  }
0x6e: {  	s15 =	simm.s32 $0x0  }
0x6f: {  	[tilespmem:s31], [sflag:$0x2] =	stream.indirect_vreg.gather [hbm4b:s11+s4], $0x80, v3, vm0, $0xb8;
	[tilespmem:$0x18400] =	vst v63  }
.LBB2_2:
0x70: {  	_ =	swait.ge [sflag:s0], $0x8000  }
0x71: {  	s18 =	simm.s32 $0x0;
	s20 =	simm.s32 $0xFFFF8000;
	[sflag:s0] =	ssyncset.done $0x0  }
0x72: {  	s21 =	simm.s32 $0x0;
	s22 =	simm.s32 $0x0;
	[sflag:s0] =	ssyncadd.s32 $0xFFFF8000  }
.LBB2_3:
0x73: {  	s23 =	sadd.s32 $0x8000, s20  }
0x74: {  	s24 =	sand.u32 $0x380, s22;
	s23 =	sand.u32 $0x6000, s23  }
0x75: {  	s23 =	sor.u32 s24, s23  }
0x76: {  	v3 =	vld [tilespmem:s23+$0x400]  }
0x77: {  	v4 =	vld [tilespmem:s23+$0x410]  }
0x78: {  	v6 =	vld [tilespmem:s23+$0x430]  }
0x79: {  	v8 =	vld [tilespmem:s23+$0x460]  }
0x7a: {  	v5 =	vld [tilespmem:s23+$0x420]  }
0x7b: {  	v43 =	vld [tilespmem:s23+$0x800];
	v3 =	vmul.f32 $3.200000000e+01, v3  }
0x7c: {  	v7 =	vld [tilespmem:s23+$0x450];
	v4 =	vmul.f32 $3.200000000e+01, v4  }
0x7d: {  	v46 =	vld [tilespmem:s23+$0x820];
	v44 =	vmul.f32 $3.200000000e+01, v6;
	[tilespmem:s23+$0x400] =	vst v3  }
0x7e: {  	v9 =	vld [tilespmem:s23+$0x470];
	v47 =	vmul.f32 $3.200000000e+01, v8;
	[tilespmem:s23+$0x410] =	vst v4  }
0x7f: {  	v49 =	vld [tilespmem:s23+$0x850];
	v3 =	vmul.f32 $3.200000000e+01, v5;
	[tilespmem:s23+$0x430] =	vst v44  }
0x80: {  	v45 =	vld [tilespmem:s23+$0x810];
	v50 =	vmul.f32 $3.200000000e+01, v43;
	[tilespmem:s23+$0x460] =	vst v47  }
0x81: {  	v52 =	vld [tilespmem:s23+$0x870];
	[tilespmem:s23+$0x420] =	vst v3;
	v3 =	vmul.f32 $3.200000000e+01, v7  }
0x82: {  	v48 =	vld [tilespmem:s23+$0x830];
	v53 =	vmul.f32 $3.200000000e+01, v46;
	[tilespmem:s23+$0x800] =	vst v50  }
0x83: {  	v55 =	vld [tilespmem:s23+$0xC10];
	[tilespmem:s23+$0x450] =	vst v3;
	v3 =	vmul.f32 $3.200000000e+01, v9  }
0x84: {  	v51 =	vld [tilespmem:s23+$0x860];
	v56 =	vmul.f32 $3.200000000e+01, v49;
	[tilespmem:s23+$0x820] =	vst v53  }
0x85: {  	v58 =	vld [tilespmem:s23+$0xC30];
	[tilespmem:s23+$0x470] =	vst v3;
	v3 =	vmul.f32 $3.200000000e+01, v45  }
0x86: {  	v54 =	vld [tilespmem:s23+$0xC00];
	v59 =	vmul.f32 $3.200000000e+01, v52;
	[tilespmem:s23+$0x850] =	vst v56  }
0x87: {  	v61 =	vld [tilespmem:s23+$0xC60];
	[tilespmem:s23+$0x810] =	vst v3;
	v3 =	vmul.f32 $3.200000000e+01, v48  }
0x88: {  	v57 =	vld [tilespmem:s23+$0xC20];
	v62 =	vmul.f32 $3.200000000e+01, v55;
	[tilespmem:s23+$0x870] =	vst v59  }
0x89: {  	v12 =	vld [tilespmem:s23+$0x1000];
	[tilespmem:s23+$0x830] =	vst v3;
	v3 =	vmul.f32 $3.200000000e+01, v51  }
0x8a: {  	v60 =	vld [tilespmem:s23+$0xC50];
	v13 =	vmul.f32 $3.200000000e+01, v58;
	[tilespmem:s23+$0xC10] =	vst v62  }
0x8b: {  	v15 =	vld [tilespmem:s23+$0x1020];
	[tilespmem:s23+$0x860] =	vst v3;
	v3 =	vmul.f32 $3.200000000e+01, v54  }
0x8c: {  	v63 =	vld [tilespmem:s23+$0xC70];
	v16 =	vmul.f32 $3.200000000e+01, v61;
	[tilespmem:s23+$0xC30] =	vst v13  }
0x8d: {  	v18 =	vld [tilespmem:s23+$0x1050];
	[tilespmem:s23+$0xC00] =	vst v3;
	v3 =	vmul.f32 $3.200000000e+01, v57  }
0x8e: {  	v14 =	vld [tilespmem:s23+$0x1010];
	v19 =	vmul.f32 $3.200000000e+01, v12;
	[tilespmem:s23+$0xC60] =	vst v16  }
0x8f: {  	v21 =	vld [tilespmem:s23+$0x1070];
	[tilespmem:s23+$0xC20] =	vst v3;
	v3 =	vmul.f32 $3.200000000e+01, v60  }
0x90: {  	v17 =	vld [tilespmem:s23+$0x1030];
	v22 =	vmul.f32 $3.200000000e+01, v15;
	[tilespmem:s23+$0x1000] =	vst v19  }
0x91: {  	v24 =	vld [tilespmem:s23+$0x1410];
	[tilespmem:s23+$0xC50] =	vst v3;
	v3 =	vmul.f32 $3.200000000e+01, v63  }
0x92: {  	v20 =	vld [tilespmem:s23+$0x1060];
	v25 =	vmul.f32 $3.200000000e+01, v18;
	[tilespmem:s23+$0x1020] =	vst v22  }
0x93: {  	v27 =	vld [tilespmem:s23+$0x1430];
	[tilespmem:s23+$0xC70] =	vst v3;
	v3 =	vmul.f32 $3.200000000e+01, v14  }
0x94: {  	v23 =	vld [tilespmem:s23+$0x1400];
	v28 =	vmul.f32 $3.200000000e+01, v21;
	[tilespmem:s23+$0x1050] =	vst v25  }
0x95: {  	v30 =	vld [tilespmem:s23+$0x1460];
	[tilespmem:s23+$0x1010] =	vst v3;
	v3 =	vmul.f32 $3.200000000e+01, v17  }
0x96: {  	v26 =	vld [tilespmem:s23+$0x1420];
	v31 =	vmul.f32 $3.200000000e+01, v24;
	[tilespmem:s23+$0x1070] =	vst v28  }
0x97: {  	v33 =	vld [tilespmem:s23+$0x1800];
	[tilespmem:s23+$0x1030] =	vst v3;
	v3 =	vmul.f32 $3.200000000e+01, v20  }
0x98: {  	v29 =	vld [tilespmem:s23+$0x1450];
	v34 =	vmul.f32 $3.200000000e+01, v27;
	[tilespmem:s23+$0x1410] =	vst v31  }
0x99: {  	v36 =	vld [tilespmem:s23+$0x1820];
	[tilespmem:s23+$0x1060] =	vst v3;
	v3 =	vmul.f32 $3.200000000e+01, v23  }
0x9a: {  	v32 =	vld [tilespmem:s23+$0x1470];
	v37 =	vmul.f32 $3.200000000e+01, v30;
	[tilespmem:s23+$0x1430] =	vst v34  }
0x9b: {  	v39 =	vld [tilespmem:s23+$0x1850];
	[tilespmem:s23+$0x1400] =	vst v3;
	v3 =	vmul.f32 $3.200000000e+01, v26  }
0x9c: {  	v35 =	vld [tilespmem:s23+$0x1810];
	v40 =	vmul.f32 $3.200000000e+01, v33;
	[tilespmem:s23+$0x1460] =	vst v37  }
0x9d: {  	v42 =	vld [tilespmem:s23+$0x1870];
	[tilespmem:s23+$0x1420] =	vst v3;
	v3 =	vmul.f32 $3.200000000e+01, v29  }
0x9e: {  	v38 =	vld [tilespmem:s23+$0x1830];
	v43 =	vmul.f32 $3.200000000e+01, v36;
	[tilespmem:s23+$0x1800] =	vst v40  }
0x9f: {  	v47 =	vld [tilespmem:s23+$0x1C20];
	[tilespmem:s23+$0x1450] =	vst v3;
	v3 =	vmul.f32 $3.200000000e+01, v32  }
0xa0: {  	v41 =	vld [tilespmem:s23+$0x1860];
	v46 =	vmul.f32 $3.200000000e+01, v39;
	[tilespmem:s23+$0x1820] =	vst v43  }
0xa1: {  	v50 =	vld [tilespmem:s23+$0x1C50];
	[tilespmem:s23+$0x1470] =	vst v3;
	v3 =	vmul.f32 $3.200000000e+01, v35  }
0xa2: {  	v49 =	vmul.f32 $3.200000000e+01, v42;
	v44 =	vld [tilespmem:s23+$0x1C00];
	[tilespmem:s23+$0x1850] =	vst v46  }
0xa3: {  	v53 =	vld [tilespmem:s23+$0x1C70];
	[tilespmem:s23+$0x1810] =	vst v3;
	v3 =	vmul.f32 $3.200000000e+01, v38  }
0xa4: {  	[tilespmem:s23+$0x1870] =	vst v49;
	v7 =	vmul.f32 $3.200000000e+01, v47;
	v45 =	vld [tilespmem:s23+$0x1C10]  }
0xa5: {  	v48 =	vld [tilespmem:s23+$0x1C30];
	[tilespmem:s23+$0x1830] =	vst v3;
	v3 =	vmul.f32 $3.200000000e+01, v41  }
0xa6: {  	v9 =	vmul.f32 $3.200000000e+01, v50;
	[tilespmem:s23+$0x1C20] =	vst v7;
	v51 =	vld [tilespmem:s23+$0x1C60]  }
0xa7: {  	[tilespmem:s23+$0x1860] =	vst v3;
	v3 =	vmul.f32 $3.200000000e+01, v44  }
0xa8: {  	v58 =	vld [tilespmem:s23+$0x1840];
	v6 =	vmul.f32 $3.200000000e+01, v53;
	[tilespmem:s23+$0x1C50] =	vst v9  }
0xa9: {  	v52 =	vmul.f32 $3.200000000e+01, v45;
	[tilespmem:s23+$0x1C00] =	vst v3;
	v3 =	vld [tilespmem:s23+$0x440]  }
0xaa: {  	s26 =	sand.u32 $0x7, s18;
	v56 =	vld [tilespmem:s23+$0x1040];
	[tilespmem:s23+$0x1C70] =	vst v6;
	v8 =	vmul.f32 $3.200000000e+01, v48  }
0xab: {  	s24 =	sshll.u32 s26, $0x7;
	v55 =	vld [tilespmem:s23+$0xC40];
	[tilespmem:s23+$0x1C10] =	vst v52;
	v5 =	vmul.f32 $3.200000000e+01, v51  }
0xac: {  	s24 =	sadd.s32 s24, s21;
	v54 =	vld [tilespmem:s23+$0x840];
	[tilespmem:s23+$0x1C30] =	vst v8  }
0xad: {  	s25 =	sor.u32 $0x1C00, s24;
	v62 =	vmul.f32 $3.200000000e+01, v58;
	v57 =	vld [tilespmem:s23+$0x1440];
	[tilespmem:s23+$0x1C60] =	vst v5  }
0xae: {  	v60 =	vld [tilespmem:s25+$0x400];
	v3 =	vmul.f32 $3.200000000e+01, v3  }
0xaf: {  	v59 =	vld [tilespmem:s23+$0x1C40];
	v61 =	vmul.f32 $3.200000000e+01, v56;
	[tilespmem:s23+$0x1840] =	vst v62  }
0xb0: {  	[tilespmem:s23+$0x440] =	vst v3;
	v3 =	vmul.f32 $3.200000000e+01, v55  }
0xb1: {  	[tilespmem:s23+$0x1040] =	vst v61;
	v4 =	vmul.f32 $3.200000000e+01, v54  }
0xb2: {  	[tilespmem:s23+$0xC40] =	vst v3;
	v3 =	vmul.f32 $3.200000000e+01, v57  }
0xb3: {  	[tilespmem:s23+$0x840] =	vst v4;
	v63 =	vmul.f32 $3.200000000e+01, v60  }
0xb4: {  	[tilespmem:s23+$0x1440] =	vst v3;
	v3 =	vmul.f32 $3.200000000e+01, v59  }
0xb5: {  	[tilespmem:s25+$0x400] =	vst v63  }
0xb6: {  	s28 =	sor.u32 $0x1C10, s24;
	[tilespmem:s23+$0x1C40] =	vst v3  }
0xb7: {  	v3 =	vld [tilespmem:s28+$0x400];
	_ =	sdelay $0x4  }
0xb8: {  	v3 =	vmul.f32 $3.200000000e+01, v3;
	_ =	sdelay $0x1  }
0xb9: {  	s25 =	sor.u32 $0x1C20, s24;
	[tilespmem:s28+$0x400] =	vst v3  }
0xba: {  	v3 =	vld [tilespmem:s25+$0x400];
	_ =	sdelay $0x4  }
0xbb: {  	v3 =	vmul.f32 $3.200000000e+01, v3;
	_ =	sdelay $0x1  }
0xbc: {  	s26 =	sor.u32 $0x1C30, s24;
	[tilespmem:s25+$0x400] =	vst v3  }
0xbd: {  	v3 =	vld [tilespmem:s26+$0x400];
	_ =	sdelay $0x4  }
0xbe: {  	v3 =	vmul.f32 $3.200000000e+01, v3;
	_ =	sdelay $0x1  }
0xbf: {  	s28 =	sor.u32 $0x1C40, s24;
	[tilespmem:s26+$0x400] =	vst v3  }
0xc0: {  	v3 =	vld [tilespmem:s28+$0x400];
	_ =	sdelay $0x4  }
0xc1: {  	v3 =	vmul.f32 $3.200000000e+01, v3;
	_ =	sdelay $0x1  }
0xc2: {  	s25 =	sor.u32 $0x1C50, s24;
	[tilespmem:s28+$0x400] =	vst v3  }
0xc3: {  	v3 =	vld [tilespmem:s25+$0x400];
	_ =	sdelay $0x4  }
0xc4: {  	v3 =	vmul.f32 $3.200000000e+01, v3;
	_ =	sdelay $0x1  }
0xc5: {  	s26 =	sor.u32 $0x1C60, s24;
	[tilespmem:s25+$0x400] =	vst v3  }
0xc6: {  	v3 =	vld [tilespmem:s26+$0x400];
	_ =	sdelay $0x4  }
0xc7: {  	v3 =	vmul.f32 $3.200000000e+01, v3;
	_ =	sdelay $0x1  }
0xc8: {  	s28 =	sor.u32 $0x1C70, s24;
	[tilespmem:s26+$0x400] =	vst v3  }
0xc9: {  	v3 =	vld [tilespmem:s28+$0x400];
	_ =	sdelay $0x1  }
0xca: {  	p0 =	sne.s32 s22, $0xF80  }
.Ltmp0:
0xcb: {  	_ = 	snop;
	(pc) =	sbr.rel @p0 .LBB2_3-.Ltmp0, $4  }
0xcc: {  	_ = 	snop  }
0xcd: {  	v3 =	vmul.f32 $3.200000000e+01, v3  }
0xce: {  	s18 =	sadd.s32 $0x1, s18  }
0xcf: {  	s20 =	sadd.s32 $0x400, s20;
	s22 =	sadd.s32 $0x80, s22;
	s21 =	sadd.s32 $0x400, s21;
	[tilespmem:s28+$0x400] =	vst v3  }
0xd0: {  	s20 =	smul.u32 $0x60, s15;
	_ =	sdelay $0x1  }
0xd1: {  	s18 =	sadd.s32 s7, s20  }
0xd2: {  	s18 =	sshll.u32 s18, $0xA  }
0xd3: {  	s18 =	sadd.s32 s5, s18  }
0xd4: {  	p0 =	seq.s32 s15, $0x0;
	s18 =	sshrl.u32 s18, $0x3  }
0xd5: {  	s26 =	smul.u32 $0x3, s15;
	s21 =	simm.s32 @!p0 $0x6;
	s18 =	sadd.s32 s3, s18  }
0xd6: {  	[hbm4b:s18+s4] =	stream.linear.scatter [tilespmem:s19], [sflag:$0x4], $0x8000, $0x38;
	[tilespmem:$0x18400] =	vst v63  }
0xd7: {  	s18 =	sadd.s32 $0x2, s26;
	_ =	swait.ge @!p0 [sflag:s21], $0x8000  }
0xd8: {  	s22 =	sshll.u32 s18, $0x5;
	[sflag:s21] =	ssyncset.done @!p0 $0x0  }
0xd9: {  	s22 =	sand.u32 $0x3FFFFFE0, s22;
	[sflag:s21] =	ssyncadd.s32 @!p0 $0xFFFF8000  }
0xda: {  	v3 =	vld [tilespmem:s22+$0x0];
	_ =	sdelay $0x4  }
0xdb: {  	v4 =	vshll.u32 v3, $0x3  }
0xdc: {  	v3 =	vand.u32 $0x7, v3;
	v4 =	vand.u32 $0xFFFFFFC0, v4  }
0xdd: {  	v3 =	vor.u32 v3, v4  }
0xde: {  	v4 =	vperm.xlane v3, v0;
	_ =	sdelay $0x1  }
0xdf: {  	v4 =	vadd.s32 v1, v4;
	_ =	sdelay $0x3  }
0xe0: {  	s21 =	simm.s32 $0x0  }
0xe1: {  	[tilespmem:s2], [sflag:$0x3] =	stream.indirect_vreg.gather [hbm4b:s1+s21], $0x80, v4, vm0, $0xb8;
	[tilespmem:$0x18400] =	vst v63  }
0xe2: {  	s23 =	simm.s32 $0x10C00;
	v3 =	vperm.xlane v3, v2  }
0xe3: {  	[tilespmem:s23], [sflag:$0x3] =	stream.indirect_vreg.gather [hbm4b:s9+s21], $0x80, v4, vm0, $0xb8;
	[tilespmem:$0x18400] =	vst v63  }
0xe4: {  	s28 =	simm.s32 $0x11400;
	v3 =	vadd.s32 v1, v3  }
0xe5: {  	[tilespmem:s28], [sflag:$0x3] =	stream.indirect_vreg.gather [hbm4b:s10+s21], $0x80, v4, vm0, $0xb8;
	[tilespmem:$0x18400] =	vst v63  }
0xe6: {  	s24 =	simm.s32 $0x11C00  }
0xe7: {  	[tilespmem:s24], [sflag:$0x3] =	stream.indirect_vreg.gather [hbm4b:s11+s21], $0x80, v4, vm0, $0xb8;
	[tilespmem:$0x18400] =	vst v63  }
0xe8: {  	s25 =	simm.s32 $0x12400  }
0xe9: {  	[tilespmem:s25], [sflag:$0x3] =	stream.indirect_vreg.gather [hbm4b:s1+s21], $0x80, v3, vm0, $0xb8;
	[tilespmem:$0x18400] =	vst v63  }
0xea: {  	s26 =	simm.s32 $0x12C00  }
0xeb: {  	[tilespmem:s26], [sflag:$0x3] =	stream.indirect_vreg.gather [hbm4b:s9+s21], $0x80, v3, vm0, $0xb8;
	[tilespmem:$0x18400] =	vst v63  }
0xec: {  	s28 =	simm.s32 $0x13400  }
0xed: {  	[tilespmem:s28], [sflag:$0x3] =	stream.indirect_vreg.gather [hbm4b:s10+s21], $0x80, v3, vm0, $0xb8;
	[tilespmem:$0x18400] =	vst v63  }
0xee: {  	s24 =	simm.s32 $0x13C00  }
0xef: {  	[tilespmem:s24], [sflag:$0x3] =	stream.indirect_vreg.gather [hbm4b:s11+s21], $0x80, v3, vm0, $0xb8;
	[tilespmem:$0x18400] =	vst v63  }
0xf0: {  	v3 =	vld [tilespmem:s22+$0x10];
	_ =	sdelay $0x4  }
0xf1: {  	v63 =	vshll.u32 v3, $0x3  }
0xf2: {  	v3 =	vand.u32 $0x7, v3;
	v4 =	vand.u32 $0xFFFFFFC0, v63  }
0xf3: {  	v3 =	vor.u32 v3, v4  }
0xf4: {  	v4 =	vperm.xlane v3, v0;
	_ =	sdelay $0x1  }
0xf5: {  	v4 =	vadd.s32 v1, v4;
	_ =	sdelay $0x3  }
0xf6: {  	s25 =	simm.s32 $0x14400  }
0xf7: {  	[tilespmem:s25], [sflag:$0x3] =	stream.indirect_vreg.gather [hbm4b:s1+s21], $0x80, v4, vm0, $0xb8;
	[tilespmem:$0x18400] =	vst v63  }
0xf8: {  	s26 =	simm.s32 $0x14C00;
	v3 =	vperm.xlane v3, v2  }
0xf9: {  	[tilespmem:s26], [sflag:$0x3] =	stream.indirect_vreg.gather [hbm4b:s9+s21], $0x80, v4, vm0, $0xb8;
	[tilespmem:$0x18400] =	vst v63  }
0xfa: {  	s28 =	simm.s32 $0x15400;
	v3 =	vadd.s32 v1, v3  }
0xfb: {  	[tilespmem:s28], [sflag:$0x3] =	stream.indirect_vreg.gather [hbm4b:s10+s21], $0x80, v4, vm0, $0xb8;
	[tilespmem:$0x18400] =	vst v63  }
0xfc: {  	s23 =	simm.s32 $0x15C00  }
0xfd: {  	[tilespmem:s23], [sflag:$0x3] =	stream.indirect_vreg.gather [hbm4b:s11+s21], $0x80, v4, vm0, $0xb8;
	[tilespmem:$0x18400] =	vst v63  }
0xfe: {  	s24 =	simm.s32 $0x16400  }
0xff: {  	[tilespmem:s24], [sflag:$0x3] =	stream.indirect_vreg.gather [hbm4b:s1+s21], $0x80, v3, vm0, $0xb8;
	[tilespmem:$0x18400] =	vst v63  }
0x100: {  	s25 =	simm.s32 $0x16C00  }
0x101: {  	[tilespmem:s25], [sflag:$0x3] =	stream.indirect_vreg.gather [hbm4b:s9+s21], $0x80, v3, vm0, $0xb8;
	[tilespmem:$0x18400] =	vst v63  }
0x102: {  	s26 =	simm.s32 $0x17400  }
0x103: {  	[tilespmem:s26], [sflag:$0x3] =	stream.indirect_vreg.gather [hbm4b:s10+s21], $0x80, v3, vm0, $0xb8;
	[tilespmem:$0x18400] =	vst v63  }
0x104: {  	s28 =	simm.s32 $0x17C00  }
0x105: {  	[tilespmem:s28], [sflag:$0x3] =	stream.indirect_vreg.gather [hbm4b:s11+s21], $0x80, v3, vm0, $0xb8;
	[tilespmem:$0x18400] =	vst v63  }
0x106: {  	_ =	swait.ge [sflag:s16], $0x8000  }
0x107: {  	s22 =	simm.s32 $0xFFFF8000;
	[sflag:s16] =	ssyncset.done $0x0  }
0x108: {  	s23 =	simm.s32 $0x0;
	s24 =	simm.s32 $0x0;
	[sflag:s16] =	ssyncadd.s32 $0xFFFF8000  }
.LBB2_5:
0x109: {  	s25 =	sadd.s32 $0x8000, s22  }
0x10a: {  	s26 =	sand.u32 $0x380, s24;
	s25 =	sand.u32 $0x6000, s25  }
0x10b: {  	s25 =	sor.u32 s26, s25  }
0x10c: {  	v3 =	vld [tilespmem:s25+$0x8400]  }
0x10d: {  	v4 =	vld [tilespmem:s25+$0x8410]  }
0x10e: {  	v6 =	vld [tilespmem:s25+$0x8430]  }
0x10f: {  	v8 =	vld [tilespmem:s25+$0x8460]  }
0x110: {  	v5 =	vld [tilespmem:s25+$0x8420]  }
0x111: {  	v43 =	vld [tilespmem:s25+$0x8800];
	v3 =	vmul.f32 $3.200000000e+01, v3  }
0x112: {  	v7 =	vld [tilespmem:s25+$0x8450];
	v4 =	vmul.f32 $3.200000000e+01, v4  }
0x113: {  	v46 =	vld [tilespmem:s25+$0x8820];
	v44 =	vmul.f32 $3.200000000e+01, v6;
	[tilespmem:s25+$0x8400] =	vst v3  }
0x114: {  	v9 =	vld [tilespmem:s25+$0x8470];
	v47 =	vmul.f32 $3.200000000e+01, v8;
	[tilespmem:s25+$0x8410] =	vst v4  }
0x115: {  	v49 =	vld [tilespmem:s25+$0x8850];
	v3 =	vmul.f32 $3.200000000e+01, v5;
	[tilespmem:s25+$0x8430] =	vst v44  }
0x116: {  	v45 =	vld [tilespmem:s25+$0x8810];
	v50 =	vmul.f32 $3.200000000e+01, v43;
	[tilespmem:s25+$0x8460] =	vst v47  }
0x117: {  	v52 =	vld [tilespmem:s25+$0x8870];
	[tilespmem:s25+$0x8420] =	vst v3;
	v3 =	vmul.f32 $3.200000000e+01, v7  }
0x118: {  	v48 =	vld [tilespmem:s25+$0x8830];
	v53 =	vmul.f32 $3.200000000e+01, v46;
	[tilespmem:s25+$0x8800] =	vst v50  }
0x119: {  	v55 =	vld [tilespmem:s25+$0x8C10];
	[tilespmem:s25+$0x8450] =	vst v3;
	v3 =	vmul.f32 $3.200000000e+01, v9  }
0x11a: {  	v51 =	vld [tilespmem:s25+$0x8860];
	v56 =	vmul.f32 $3.200000000e+01, v49;
	[tilespmem:s25+$0x8820] =	vst v53  }
0x11b: {  	v58 =	vld [tilespmem:s25+$0x8C30];
	[tilespmem:s25+$0x8470] =	vst v3;
	v3 =	vmul.f32 $3.200000000e+01, v45  }
0x11c: {  	v54 =	vld [tilespmem:s25+$0x8C00];
	v59 =	vmul.f32 $3.200000000e+01, v52;
	[tilespmem:s25+$0x8850] =	vst v56  }
0x11d: {  	v61 =	vld [tilespmem:s25+$0x8C60];
	[tilespmem:s25+$0x8810] =	vst v3;
	v3 =	vmul.f32 $3.200000000e+01, v48  }
0x11e: {  	v57 =	vld [tilespmem:s25+$0x8C20];
	v62 =	vmul.f32 $3.200000000e+01, v55;
	[tilespmem:s25+$0x8870] =	vst v59  }
0x11f: {  	v12 =	vld [tilespmem:s25+$0x9000];
	[tilespmem:s25+$0x8830] =	vst v3;
	v3 =	vmul.f32 $3.200000000e+01, v51  }
0x120: {  	v60 =	vld [tilespmem:s25+$0x8C50];
	v13 =	vmul.f32 $3.200000000e+01, v58;
	[tilespmem:s25+$0x8C10] =	vst v62  }
0x121: {  	v15 =	vld [tilespmem:s25+$0x9020];
	[tilespmem:s25+$0x8860] =	vst v3;
	v3 =	vmul.f32 $3.200000000e+01, v54  }
0x122: {  	v63 =	vld [tilespmem:s25+$0x8C70];
	v16 =	vmul.f32 $3.200000000e+01, v61;
	[tilespmem:s25+$0x8C30] =	vst v13  }
0x123: {  	v18 =	vld [tilespmem:s25+$0x9050];
	[tilespmem:s25+$0x8C00] =	vst v3;
	v3 =	vmul.f32 $3.200000000e+01, v57  }
0x124: {  	v14 =	vld [tilespmem:s25+$0x9010];
	v19 =	vmul.f32 $3.200000000e+01, v12;
	[tilespmem:s25+$0x8C60] =	vst v16  }
0x125: {  	v21 =	vld [tilespmem:s25+$0x9070];
	[tilespmem:s25+$0x8C20] =	vst v3;
	v3 =	vmul.f32 $3.200000000e+01, v60  }
0x126: {  	v17 =	vld [tilespmem:s25+$0x9030];
	v22 =	vmul.f32 $3.200000000e+01, v15;
	[tilespmem:s25+$0x9000] =	vst v19  }
0x127: {  	v24 =	vld [tilespmem:s25+$0x9410];
	[tilespmem:s25+$0x8C50] =	vst v3;
	v3 =	vmul.f32 $3.200000000e+01, v63  }
0x128: {  	v20 =	vld [tilespmem:s25+$0x9060];
	v25 =	vmul.f32 $3.200000000e+01, v18;
	[tilespmem:s25+$0x9020] =	vst v22  }
0x129: {  	v27 =	vld [tilespmem:s25+$0x9430];
	[tilespmem:s25+$0x8C70] =	vst v3;
	v3 =	vmul.f32 $3.200000000e+01, v14  }
0x12a: {  	v23 =	vld [tilespmem:s25+$0x9400];
	v28 =	vmul.f32 $3.200000000e+01, v21;
	[tilespmem:s25+$0x9050] =	vst v25  }
0x12b: {  	v30 =	vld [tilespmem:s25+$0x9460];
	[tilespmem:s25+$0x9010] =	vst v3;
	v3 =	vmul.f32 $3.200000000e+01, v17  }
0x12c: {  	v26 =	vld [tilespmem:s25+$0x9420];
	v31 =	vmul.f32 $3.200000000e+01, v24;
	[tilespmem:s25+$0x9070] =	vst v28  }
0x12d: {  	v33 =	vld [tilespmem:s25+$0x9800];
	[tilespmem:s25+$0x9030] =	vst v3;
	v3 =	vmul.f32 $3.200000000e+01, v20  }
0x12e: {  	v29 =	vld [tilespmem:s25+$0x9450];
	v34 =	vmul.f32 $3.200000000e+01, v27;
	[tilespmem:s25+$0x9410] =	vst v31  }
0x12f: {  	v36 =	vld [tilespmem:s25+$0x9820];
	[tilespmem:s25+$0x9060] =	vst v3;
	v3 =	vmul.f32 $3.200000000e+01, v23  }
0x130: {  	v32 =	vld [tilespmem:s25+$0x9470];
	v37 =	vmul.f32 $3.200000000e+01, v30;
	[tilespmem:s25+$0x9430] =	vst v34  }
0x131: {  	v39 =	vld [tilespmem:s25+$0x9850];
	[tilespmem:s25+$0x9400] =	vst v3;
	v3 =	vmul.f32 $3.200000000e+01, v26  }
0x132: {  	v35 =	vld [tilespmem:s25+$0x9810];
	v40 =	vmul.f32 $3.200000000e+01, v33;
	[tilespmem:s25+$0x9460] =	vst v37  }
0x133: {  	v42 =	vld [tilespmem:s25+$0x9870];
	[tilespmem:s25+$0x9420] =	vst v3;
	v3 =	vmul.f32 $3.200000000e+01, v29  }
0x134: {  	v38 =	vld [tilespmem:s25+$0x9830];
	v43 =	vmul.f32 $3.200000000e+01, v36;
	[tilespmem:s25+$0x9800] =	vst v40  }
0x135: {  	v47 =	vld [tilespmem:s25+$0x9C20];
	[tilespmem:s25+$0x9450] =	vst v3;
	v3 =	vmul.f32 $3.200000000e+01, v32  }
0x136: {  	v41 =	vld [tilespmem:s25+$0x9860];
	v46 =	vmul.f32 $3.200000000e+01, v39;
	[tilespmem:s25+$0x9820] =	vst v43  }
0x137: {  	v50 =	vld [tilespmem:s25+$0x9C50];
	[tilespmem:s25+$0x9470] =	vst v3;
	v3 =	vmul.f32 $3.200000000e+01, v35  }
0x138: {  	v49 =	vmul.f32 $3.200000000e+01, v42;
	v44 =	vld [tilespmem:s25+$0x9C00];
	[tilespmem:s25+$0x9850] =	vst v46  }
0x139: {  	v53 =	vld [tilespmem:s25+$0x9C70];
	[tilespmem:s25+$0x9810] =	vst v3;
	v3 =	vmul.f32 $3.200000000e+01, v38  }
0x13a: {  	[tilespmem:s25+$0x9870] =	vst v49;
	v7 =	vmul.f32 $3.200000000e+01, v47;
	v45 =	vld [tilespmem:s25+$0x9C10]  }
0x13b: {  	v48 =	vld [tilespmem:s25+$0x9C30];
	[tilespmem:s25+$0x9830] =	vst v3;
	v3 =	vmul.f32 $3.200000000e+01, v41  }
0x13c: {  	v9 =	vmul.f32 $3.200000000e+01, v50;
	[tilespmem:s25+$0x9C20] =	vst v7;
	v51 =	vld [tilespmem:s25+$0x9C60]  }
0x13d: {  	[tilespmem:s25+$0x9860] =	vst v3;
	v3 =	vmul.f32 $3.200000000e+01, v44  }
0x13e: {  	v58 =	vld [tilespmem:s25+$0x9840];
	v6 =	vmul.f32 $3.200000000e+01, v53;
	[tilespmem:s25+$0x9C50] =	vst v9  }
0x13f: {  	v52 =	vmul.f32 $3.200000000e+01, v45;
	[tilespmem:s25+$0x9C00] =	vst v3;
	v3 =	vld [tilespmem:s25+$0x8440]  }
0x140: {  	s28 =	sand.u32 $0x7, s21;
	v56 =	vld [tilespmem:s25+$0x9040];
	[tilespmem:s25+$0x9C70] =	vst v6;
	v8 =	vmul.f32 $3.200000000e+01, v48  }
0x141: {  	s26 =	sshll.u32 s28, $0x7;
	v55 =	vld [tilespmem:s25+$0x8C40];
	[tilespmem:s25+$0x9C10] =	vst v52;
	v5 =	vmul.f32 $3.200000000e+01, v51  }
0x142: {  	s26 =	sadd.s32 s26, s23;
	v54 =	vld [tilespmem:s25+$0x8840];
	[tilespmem:s25+$0x9C30] =	vst v8  }
0x143: {  	s28 =	sor.u32 $0x1C00, s26;
	v62 =	vmul.f32 $3.200000000e+01, v58;
	v57 =	vld [tilespmem:s25+$0x9440];
	[tilespmem:s25+$0x9C60] =	vst v5  }
0x144: {  	v60 =	vld [tilespmem:s28+$0x8400];
	v3 =	vmul.f32 $3.200000000e+01, v3  }
0x145: {  	v59 =	vld [tilespmem:s25+$0x9C40];
	v61 =	vmul.f32 $3.200000000e+01, v56;
	[tilespmem:s25+$0x9840] =	vst v62  }
0x146: {  	[tilespmem:s25+$0x8440] =	vst v3;
	v3 =	vmul.f32 $3.200000000e+01, v55  }
0x147: {  	[tilespmem:s25+$0x9040] =	vst v61;
	v4 =	vmul.f32 $3.200000000e+01, v54  }
0x148: {  	[tilespmem:s25+$0x8C40] =	vst v3;
	v3 =	vmul.f32 $3.200000000e+01, v57  }
0x149: {  	[tilespmem:s25+$0x8840] =	vst v4;
	v63 =	vmul.f32 $3.200000000e+01, v60  }
0x14a: {  	[tilespmem:s25+$0x9440] =	vst v3;
	v3 =	vmul.f32 $3.200000000e+01, v59  }
0x14b: {  	[tilespmem:s28+$0x8400] =	vst v63  }
0x14c: {  	s28 =	sor.u32 $0x1C10, s26;
	[tilespmem:s25+$0x9C40] =	vst v3  }
0x14d: {  	v3 =	vld [tilespmem:s28+$0x8400];
	_ =	sdelay $0x4  }
0x14e: {  	v3 =	vmul.f32 $3.200000000e+01, v3;
	_ =	sdelay $0x1  }
0x14f: {  	[tilespmem:s28+$0x8400] =	vst v3;
	s28 =	sor.u32 $0x1C20, s26  }
0x150: {  	v3 =	vld [tilespmem:s28+$0x8400];
	_ =	sdelay $0x4  }
0x151: {  	v3 =	vmul.f32 $3.200000000e+01, v3;
	_ =	sdelay $0x1  }
0x152: {  	[tilespmem:s28+$0x8400] =	vst v3;
	s28 =	sor.u32 $0x1C30, s26  }
0x153: {  	v3 =	vld [tilespmem:s28+$0x8400];
	_ =	sdelay $0x4  }
0x154: {  	v3 =	vmul.f32 $3.200000000e+01, v3;
	_ =	sdelay $0x1  }
0x155: {  	[tilespmem:s28+$0x8400] =	vst v3;
	s28 =	sor.u32 $0x1C40, s26  }
0x156: {  	v3 =	vld [tilespmem:s28+$0x8400];
	_ =	sdelay $0x4  }
0x157: {  	v3 =	vmul.f32 $3.200000000e+01, v3;
	_ =	sdelay $0x1  }
0x158: {  	[tilespmem:s28+$0x8400] =	vst v3;
	s28 =	sor.u32 $0x1C50, s26  }
0x159: {  	v3 =	vld [tilespmem:s28+$0x8400];
	_ =	sdelay $0x4  }
0x15a: {  	v3 =	vmul.f32 $3.200000000e+01, v3;
	_ =	sdelay $0x1  }
0x15b: {  	[tilespmem:s28+$0x8400] =	vst v3;
	s28 =	sor.u32 $0x1C60, s26  }
0x15c: {  	v3 =	vld [tilespmem:s28+$0x8400];
	_ =	sdelay $0x4  }
0x15d: {  	v3 =	vmul.f32 $3.200000000e+01, v3;
	_ =	sdelay $0x1  }
0x15e: {  	[tilespmem:s28+$0x8400] =	vst v3;
	s28 =	sor.u32 $0x1C70, s26  }
0x15f: {  	v3 =	vld [tilespmem:s28+$0x8400];
	_ =	sdelay $0x1  }
0x160: {  	p0 =	sne.s32 s24, $0xF80  }
.Ltmp1:
0x161: {  	_ = 	snop;
	(pc) =	sbr.rel @p0 .LBB2_5-.Ltmp1, $4  }
0x162: {  	_ = 	snop  }
0x163: {  	v3 =	vmul.f32 $3.200000000e+01, v3  }
0x164: {  	s21 =	sadd.s32 $0x1, s21  }
0x165: {  	s22 =	sadd.s32 $0x400, s22;
	s24 =	sadd.s32 $0x80, s24;
	s23 =	sadd.s32 $0x400, s23;
	[tilespmem:s28+$0x8400] =	vst v3  }
0x166: {  	s20 =	sadd.s32 s20, s12  }
0x167: {  	s20 =	sshll.u32 s20, $0xA  }
0x168: {  	s20 =	sadd.s32 s5, s20  }
0x169: {  	s20 =	sshrl.u32 s20, $0x3  }
0x16a: {  	s21 =	simm.s32 $0x0;
	s20 =	sadd.s32 s3, s20  }
0x16b: {  	[hbm4b:s20+s21] =	stream.linear.scatter [tilespmem:s8], [sflag:$0x5], $0x8000, $0x38;
	[tilespmem:$0x18400] =	vst v63  }
0x16c: {  	s23 =	smul.u32 $0x180, s15;
	_ =	swait.ge [sflag:s17], $0x8000  }
0x16d: {  	[sflag:s17] =	ssyncset.done $0x0  }
0x16e: {  	s20 =	sshra.s32 s23, $0x2;
	[sflag:s17] =	ssyncadd.s32 $0xFFFF8000  }
0x16f: {  	v3 =	vld [tilespmem:s20+$0x60];
	_ =	sdelay $0x4  }
0x170: {  	v4 =	vshll.u32 v3, $0x3  }
0x171: {  	v3 =	vand.u32 $0x7, v3;
	v4 =	vand.u32 $0xFFFFFFC0, v4  }
0x172: {  	v3 =	vor.u32 v3, v4  }
0x173: {  	v4 =	vperm.xlane v3, v0;
	_ =	sdelay $0x1  }
0x174: {  	v4 =	vadd.s32 v1, v4;
	_ =	sdelay $0x4  }
0x175: {  	[tilespmem:s19], [sflag:$0x1] =	stream.indirect_vreg.gather [hbm4b:s1+s21], $0x80, v4, vm0, $0xb8;
	[tilespmem:$0x18400] =	vst v63  }
0x176: {  	s22 =	simm.s32 $0xC00;
	v3 =	vperm.xlane v3, v2  }
0x177: {  	[tilespmem:s22], [sflag:$0x1] =	stream.indirect_vreg.gather [hbm4b:s9+s21], $0x80, v4, vm0, $0xb8;
	[tilespmem:$0x18400] =	vst v63  }
0x178: {  	s24 =	simm.s32 $0x1400;
	v3 =	vadd.s32 v1, v3  }
0x179: {  	[tilespmem:s24], [sflag:$0x1] =	stream.indirect_vreg.gather [hbm4b:s10+s21], $0x80, v4, vm0, $0xb8;
	[tilespmem:$0x18400] =	vst v63  }
0x17a: {  	s25 =	simm.s32 $0x1C00  }
0x17b: {  	[tilespmem:s25], [sflag:$0x1] =	stream.indirect_vreg.gather [hbm4b:s11+s21], $0x80, v4, vm0, $0xb8;
	[tilespmem:$0x18400] =	vst v63  }
0x17c: {  	s26 =	simm.s32 $0x2400  }
0x17d: {  	[tilespmem:s26], [sflag:$0x1] =	stream.indirect_vreg.gather [hbm4b:s1+s21], $0x80, v3, vm0, $0xb8;
	[tilespmem:$0x18400] =	vst v63  }
0x17e: {  	s28 =	simm.s32 $0x2C00  }
0x17f: {  	[tilespmem:s28], [sflag:$0x1] =	stream.indirect_vreg.gather [hbm4b:s9+s21], $0x80, v3, vm0, $0xb8;
	[tilespmem:$0x18400] =	vst v63  }
0x180: {  	s23 =	simm.s32 $0x3400  }
0x181: {  	[tilespmem:s23], [sflag:$0x1] =	stream.indirect_vreg.gather [hbm4b:s10+s21], $0x80, v3, vm0, $0xb8;
	[tilespmem:$0x18400] =	vst v63  }
0x182: {  	s24 =	simm.s32 $0x3C00  }
0x183: {  	[tilespmem:s24], [sflag:$0x1] =	stream.indirect_vreg.gather [hbm4b:s11+s21], $0x80, v3, vm0, $0xb8;
	[tilespmem:$0x18400] =	vst v63  }
0x184: {  	v3 =	vld [tilespmem:s20+$0x70];
	_ =	sdelay $0x4  }
0x185: {  	v63 =	vshll.u32 v3, $0x3  }
0x186: {  	v3 =	vand.u32 $0x7, v3;
	v4 =	vand.u32 $0xFFFFFFC0, v63  }
0x187: {  	v3 =	vor.u32 v3, v4  }
0x188: {  	v4 =	vperm.xlane v3, v0;
	_ =	sdelay $0x1  }
0x189: {  	v4 =	vadd.s32 v1, v4;
	_ =	sdelay $0x3  }
0x18a: {  	s25 =	simm.s32 $0x4400  }
0x18b: {  	[tilespmem:s25], [sflag:$0x1] =	stream.indirect_vreg.gather [hbm4b:s1+s21], $0x80, v4, vm0, $0xb8;
	[tilespmem:$0x18400] =	vst v63  }
0x18c: {  	s26 =	simm.s32 $0x4C00;
	v3 =	vperm.xlane v3, v2  }
0x18d: {  	[tilespmem:s26], [sflag:$0x1] =	stream.indirect_vreg.gather [hbm4b:s9+s21], $0x80, v4, vm0, $0xb8;
	[tilespmem:$0x18400] =	vst v63  }
0x18e: {  	s28 =	simm.s32 $0x5400;
	v3 =	vadd.s32 v1, v3  }
0x18f: {  	[tilespmem:s28], [sflag:$0x1] =	stream.indirect_vreg.gather [hbm4b:s10+s21], $0x80, v4, vm0, $0xb8;
	[tilespmem:$0x18400] =	vst v63  }
0x190: {  	s23 =	simm.s32 $0x5C00  }
0x191: {  	[tilespmem:s23], [sflag:$0x1] =	stream.indirect_vreg.gather [hbm4b:s11+s21], $0x80, v4, vm0, $0xb8;
	[tilespmem:$0x18400] =	vst v63  }
0x192: {  	s24 =	simm.s32 $0x6400  }
0x193: {  	[tilespmem:s24], [sflag:$0x1] =	stream.indirect_vreg.gather [hbm4b:s1+s21], $0x80, v3, vm0, $0xb8;
	[tilespmem:$0x18400] =	vst v63  }
0x194: {  	s25 =	simm.s32 $0x6C00  }
0x195: {  	[tilespmem:s25], [sflag:$0x1] =	stream.indirect_vreg.gather [hbm4b:s9+s21], $0x80, v3, vm0, $0xb8;
	[tilespmem:$0x18400] =	vst v63  }
0x196: {  	s26 =	simm.s32 $0x7400  }
0x197: {  	[tilespmem:s26], [sflag:$0x1] =	stream.indirect_vreg.gather [hbm4b:s10+s21], $0x80, v3, vm0, $0xb8;
	[tilespmem:$0x18400] =	vst v63  }
0x198: {  	s28 =	simm.s32 $0x7C00  }
0x199: {  	[tilespmem:s28], [sflag:$0x1] =	stream.indirect_vreg.gather [hbm4b:s11+s21], $0x80, v3, vm0, $0xb8;
	[tilespmem:$0x18400] =	vst v63  }
0x19a: {  	_ =	swait.ge [sflag:s13], $0x8000  }
0x19b: {  	s22 =	simm.s32 $0xFFFF8000;
	[sflag:s13] =	ssyncset.done $0x0  }
0x19c: {  	s23 =	simm.s32 $0x0;
	s24 =	simm.s32 $0x0;
	[sflag:s13] =	ssyncadd.s32 $0xFFFF8000  }
.LBB2_7:
0x19d: {  	s25 =	sadd.s32 $0x8000, s22  }
0x19e: {  	s26 =	sand.u32 $0x380, s24;
	s25 =	sand.u32 $0x6000, s25  }
0x19f: {  	s25 =	sor.u32 s26, s25  }
0x1a0: {  	v3 =	vld [tilespmem:s25+$0x10400]  }
0x1a1: {  	v4 =	vld [tilespmem:s25+$0x10410]  }
0x1a2: {  	v6 =	vld [tilespmem:s25+$0x10430]  }
0x1a3: {  	v8 =	vld [tilespmem:s25+$0x10460]  }
0x1a4: {  	v5 =	vld [tilespmem:s25+$0x10420]  }
0x1a5: {  	v43 =	vld [tilespmem:s25+$0x10800];
	v3 =	vmul.f32 $3.200000000e+01, v3  }
0x1a6: {  	v7 =	vld [tilespmem:s25+$0x10450];
	v4 =	vmul.f32 $3.200000000e+01, v4  }
0x1a7: {  	v46 =	vld [tilespmem:s25+$0x10820];
	v44 =	vmul.f32 $3.200000000e+01, v6;
	[tilespmem:s25+$0x10400] =	vst v3  }
0x1a8: {  	v9 =	vld [tilespmem:s25+$0x10470];
	v47 =	vmul.f32 $3.200000000e+01, v8;
	[tilespmem:s25+$0x10410] =	vst v4  }
0x1a9: {  	v49 =	vld [tilespmem:s25+$0x10850];
	v3 =	vmul.f32 $3.200000000e+01, v5;
	[tilespmem:s25+$0x10430] =	vst v44  }
0x1aa: {  	v45 =	vld [tilespmem:s25+$0x10810];
	v50 =	vmul.f32 $3.200000000e+01, v43;
	[tilespmem:s25+$0x10460] =	vst v47  }
0x1ab: {  	v52 =	vld [tilespmem:s25+$0x10870];
	[tilespmem:s25+$0x10420] =	vst v3;
	v3 =	vmul.f32 $3.200000000e+01, v7  }
0x1ac: {  	v48 =	vld [tilespmem:s25+$0x10830];
	v53 =	vmul.f32 $3.200000000e+01, v46;
	[tilespmem:s25+$0x10800] =	vst v50  }
0x1ad: {  	v55 =	vld [tilespmem:s25+$0x10C10];
	[tilespmem:s25+$0x10450] =	vst v3;
	v3 =	vmul.f32 $3.200000000e+01, v9  }
0x1ae: {  	v51 =	vld [tilespmem:s25+$0x10860];
	v56 =	vmul.f32 $3.200000000e+01, v49;
	[tilespmem:s25+$0x10820] =	vst v53  }
0x1af: {  	v58 =	vld [tilespmem:s25+$0x10C30];
	[tilespmem:s25+$0x10470] =	vst v3;
	v3 =	vmul.f32 $3.200000000e+01, v45  }
0x1b0: {  	v54 =	vld [tilespmem:s25+$0x10C00];
	v59 =	vmul.f32 $3.200000000e+01, v52;
	[tilespmem:s25+$0x10850] =	vst v56  }
0x1b1: {  	v61 =	vld [tilespmem:s25+$0x10C60];
	[tilespmem:s25+$0x10810] =	vst v3;
	v3 =	vmul.f32 $3.200000000e+01, v48  }
0x1b2: {  	v57 =	vld [tilespmem:s25+$0x10C20];
	v62 =	vmul.f32 $3.200000000e+01, v55;
	[tilespmem:s25+$0x10870] =	vst v59  }
0x1b3: {  	v12 =	vld [tilespmem:s25+$0x11000];
	[tilespmem:s25+$0x10830] =	vst v3;
	v3 =	vmul.f32 $3.200000000e+01, v51  }
0x1b4: {  	v60 =	vld [tilespmem:s25+$0x10C50];
	v13 =	vmul.f32 $3.200000000e+01, v58;
	[tilespmem:s25+$0x10C10] =	vst v62  }
0x1b5: {  	v15 =	vld [tilespmem:s25+$0x11020];
	[tilespmem:s25+$0x10860] =	vst v3;
	v3 =	vmul.f32 $3.200000000e+01, v54  }
0x1b6: {  	v63 =	vld [tilespmem:s25+$0x10C70];
	v16 =	vmul.f32 $3.200000000e+01, v61;
	[tilespmem:s25+$0x10C30] =	vst v13  }
0x1b7: {  	v18 =	vld [tilespmem:s25+$0x11050];
	[tilespmem:s25+$0x10C00] =	vst v3;
	v3 =	vmul.f32 $3.200000000e+01, v57  }
0x1b8: {  	v14 =	vld [tilespmem:s25+$0x11010];
	v19 =	vmul.f32 $3.200000000e+01, v12;
	[tilespmem:s25+$0x10C60] =	vst v16  }
0x1b9: {  	v21 =	vld [tilespmem:s25+$0x11070];
	[tilespmem:s25+$0x10C20] =	vst v3;
	v3 =	vmul.f32 $3.200000000e+01, v60  }
0x1ba: {  	v17 =	vld [tilespmem:s25+$0x11030];
	v22 =	vmul.f32 $3.200000000e+01, v15;
	[tilespmem:s25+$0x11000] =	vst v19  }
0x1bb: {  	v24 =	vld [tilespmem:s25+$0x11410];
	[tilespmem:s25+$0x10C50] =	vst v3;
	v3 =	vmul.f32 $3.200000000e+01, v63  }
0x1bc: {  	v20 =	vld [tilespmem:s25+$0x11060];
	v25 =	vmul.f32 $3.200000000e+01, v18;
	[tilespmem:s25+$0x11020] =	vst v22  }
0x1bd: {  	v27 =	vld [tilespmem:s25+$0x11430];
	[tilespmem:s25+$0x10C70] =	vst v3;
	v3 =	vmul.f32 $3.200000000e+01, v14  }
0x1be: {  	v23 =	vld [tilespmem:s25+$0x11400];
	v28 =	vmul.f32 $3.200000000e+01, v21;
	[tilespmem:s25+$0x11050] =	vst v25  }
0x1bf: {  	v30 =	vld [tilespmem:s25+$0x11460];
	[tilespmem:s25+$0x11010] =	vst v3;
	v3 =	vmul.f32 $3.200000000e+01, v17  }
0x1c0: {  	v26 =	vld [tilespmem:s25+$0x11420];
	v31 =	vmul.f32 $3.200000000e+01, v24;
	[tilespmem:s25+$0x11070] =	vst v28  }
0x1c1: {  	v33 =	vld [tilespmem:s25+$0x11800];
	[tilespmem:s25+$0x11030] =	vst v3;
	v3 =	vmul.f32 $3.200000000e+01, v20  }
0x1c2: {  	v29 =	vld [tilespmem:s25+$0x11450];
	v34 =	vmul.f32 $3.200000000e+01, v27;
	[tilespmem:s25+$0x11410] =	vst v31  }
0x1c3: {  	v36 =	vld [tilespmem:s25+$0x11820];
	[tilespmem:s25+$0x11060] =	vst v3;
	v3 =	vmul.f32 $3.200000000e+01, v23  }
0x1c4: {  	v32 =	vld [tilespmem:s25+$0x11470];
	v37 =	vmul.f32 $3.200000000e+01, v30;
	[tilespmem:s25+$0x11430] =	vst v34  }
0x1c5: {  	v39 =	vld [tilespmem:s25+$0x11850];
	[tilespmem:s25+$0x11400] =	vst v3;
	v3 =	vmul.f32 $3.200000000e+01, v26  }
0x1c6: {  	v35 =	vld [tilespmem:s25+$0x11810];
	v40 =	vmul.f32 $3.200000000e+01, v33;
	[tilespmem:s25+$0x11460] =	vst v37  }
0x1c7: {  	v42 =	vld [tilespmem:s25+$0x11870];
	[tilespmem:s25+$0x11420] =	vst v3;
	v3 =	vmul.f32 $3.200000000e+01, v29  }
0x1c8: {  	v38 =	vld [tilespmem:s25+$0x11830];
	v43 =	vmul.f32 $3.200000000e+01, v36;
	[tilespmem:s25+$0x11800] =	vst v40  }
0x1c9: {  	v47 =	vld [tilespmem:s25+$0x11C20];
	[tilespmem:s25+$0x11450] =	vst v3;
	v3 =	vmul.f32 $3.200000000e+01, v32  }
0x1ca: {  	v41 =	vld [tilespmem:s25+$0x11860];
	v46 =	vmul.f32 $3.200000000e+01, v39;
	[tilespmem:s25+$0x11820] =	vst v43  }
0x1cb: {  	v50 =	vld [tilespmem:s25+$0x11C50];
	[tilespmem:s25+$0x11470] =	vst v3;
	v3 =	vmul.f32 $3.200000000e+01, v35  }
0x1cc: {  	v49 =	vmul.f32 $3.200000000e+01, v42;
	v44 =	vld [tilespmem:s25+$0x11C00];
	[tilespmem:s25+$0x11850] =	vst v46  }
0x1cd: {  	v53 =	vld [tilespmem:s25+$0x11C70];
	[tilespmem:s25+$0x11810] =	vst v3;
	v3 =	vmul.f32 $3.200000000e+01, v38  }
0x1ce: {  	[tilespmem:s25+$0x11870] =	vst v49;
	v7 =	vmul.f32 $3.200000000e+01, v47;
	v45 =	vld [tilespmem:s25+$0x11C10]  }
0x1cf: {  	v48 =	vld [tilespmem:s25+$0x11C30];
	[tilespmem:s25+$0x11830] =	vst v3;
	v3 =	vmul.f32 $3.200000000e+01, v41  }
0x1d0: {  	v9 =	vmul.f32 $3.200000000e+01, v50;
	[tilespmem:s25+$0x11C20] =	vst v7;
	v51 =	vld [tilespmem:s25+$0x11C60]  }
0x1d1: {  	[tilespmem:s25+$0x11860] =	vst v3;
	v3 =	vmul.f32 $3.200000000e+01, v44  }
0x1d2: {  	v58 =	vld [tilespmem:s25+$0x11840];
	v6 =	vmul.f32 $3.200000000e+01, v53;
	[tilespmem:s25+$0x11C50] =	vst v9  }
0x1d3: {  	v52 =	vmul.f32 $3.200000000e+01, v45;
	[tilespmem:s25+$0x11C00] =	vst v3;
	v3 =	vld [tilespmem:s25+$0x10440]  }
0x1d4: {  	s28 =	sand.u32 $0x7, s21;
	v56 =	vld [tilespmem:s25+$0x11040];
	[tilespmem:s25+$0x11C70] =	vst v6;
	v8 =	vmul.f32 $3.200000000e+01, v48  }
0x1d5: {  	s26 =	sshll.u32 s28, $0x7;
	v55 =	vld [tilespmem:s25+$0x10C40];
	[tilespmem:s25+$0x11C10] =	vst v52;
	v5 =	vmul.f32 $3.200000000e+01, v51  }
0x1d6: {  	s26 =	sadd.s32 s26, s23;
	v54 =	vld [tilespmem:s25+$0x10840];
	[tilespmem:s25+$0x11C30] =	vst v8  }
0x1d7: {  	s28 =	sor.u32 $0x1C00, s26;
	v62 =	vmul.f32 $3.200000000e+01, v58;
	v57 =	vld [tilespmem:s25+$0x11440];
	[tilespmem:s25+$0x11C60] =	vst v5  }
0x1d8: {  	v60 =	vld [tilespmem:s28+$0x10400];
	v3 =	vmul.f32 $3.200000000e+01, v3  }
0x1d9: {  	v59 =	vld [tilespmem:s25+$0x11C40];
	v61 =	vmul.f32 $3.200000000e+01, v56;
	[tilespmem:s25+$0x11840] =	vst v62  }
0x1da: {  	[tilespmem:s25+$0x10440] =	vst v3;
	v3 =	vmul.f32 $3.200000000e+01, v55  }
0x1db: {  	[tilespmem:s25+$0x11040] =	vst v61;
	v4 =	vmul.f32 $3.200000000e+01, v54  }
0x1dc: {  	[tilespmem:s25+$0x10C40] =	vst v3;
	v3 =	vmul.f32 $3.200000000e+01, v57  }
0x1dd: {  	[tilespmem:s25+$0x10840] =	vst v4;
	v63 =	vmul.f32 $3.200000000e+01, v60  }
0x1de: {  	[tilespmem:s25+$0x11440] =	vst v3;
	v3 =	vmul.f32 $3.200000000e+01, v59  }
0x1df: {  	[tilespmem:s28+$0x10400] =	vst v63  }
0x1e0: {  	s28 =	sor.u32 $0x1C10, s26;
	[tilespmem:s25+$0x11C40] =	vst v3  }
0x1e1: {  	v3 =	vld [tilespmem:s28+$0x10400];
	_ =	sdelay $0x4  }
0x1e2: {  	v3 =	vmul.f32 $3.200000000e+01, v3;
	_ =	sdelay $0x1  }
0x1e3: {  	[tilespmem:s28+$0x10400] =	vst v3;
	s28 =	sor.u32 $0x1C20, s26  }
0x1e4: {  	v3 =	vld [tilespmem:s28+$0x10400];
	_ =	sdelay $0x4  }
0x1e5: {  	v3 =	vmul.f32 $3.200000000e+01, v3;
	_ =	sdelay $0x1  }
0x1e6: {  	[tilespmem:s28+$0x10400] =	vst v3;
	s28 =	sor.u32 $0x1C30, s26  }
0x1e7: {  	v3 =	vld [tilespmem:s28+$0x10400];
	_ =	sdelay $0x4  }
0x1e8: {  	v3 =	vmul.f32 $3.200000000e+01, v3;
	_ =	sdelay $0x1  }
0x1e9: {  	[tilespmem:s28+$0x10400] =	vst v3;
	s28 =	sor.u32 $0x1C40, s26  }
0x1ea: {  	v3 =	vld [tilespmem:s28+$0x10400];
	_ =	sdelay $0x4  }
0x1eb: {  	v3 =	vmul.f32 $3.200000000e+01, v3;
	_ =	sdelay $0x1  }
0x1ec: {  	[tilespmem:s28+$0x10400] =	vst v3;
	s28 =	sor.u32 $0x1C50, s26  }
0x1ed: {  	v3 =	vld [tilespmem:s28+$0x10400];
	_ =	sdelay $0x4  }
0x1ee: {  	v3 =	vmul.f32 $3.200000000e+01, v3;
	_ =	sdelay $0x1  }
0x1ef: {  	[tilespmem:s28+$0x10400] =	vst v3;
	s28 =	sor.u32 $0x1C60, s26  }
0x1f0: {  	v3 =	vld [tilespmem:s28+$0x10400];
	_ =	sdelay $0x4  }
0x1f1: {  	v3 =	vmul.f32 $3.200000000e+01, v3;
	_ =	sdelay $0x1  }
0x1f2: {  	[tilespmem:s28+$0x10400] =	vst v3;
	s28 =	sor.u32 $0x1C70, s26  }
0x1f3: {  	v3 =	vld [tilespmem:s28+$0x10400];
	_ =	sdelay $0x1  }
0x1f4: {  	p0 =	sne.s32 s24, $0xF80  }
.Ltmp2:
0x1f5: {  	_ = 	snop;
	(pc) =	sbr.rel @p0 .LBB2_7-.Ltmp2, $4  }
0x1f6: {  	_ = 	snop  }
0x1f7: {  	v3 =	vmul.f32 $3.200000000e+01, v3  }
0x1f8: {  	s21 =	sadd.s32 $0x1, s21  }
0x1f9: {  	s22 =	sadd.s32 $0x400, s22;
	s24 =	sadd.s32 $0x80, s24;
	s23 =	sadd.s32 $0x400, s23;
	[tilespmem:s28+$0x10400] =	vst v3  }
0x1fa: {  	s18 =	sshll.u32 s18, $0xF  }
0x1fb: {  	s18 =	sadd.s32 s18, s6  }
0x1fc: {  	s18 =	sshrl.u32 s18, $0x3  }
0x1fd: {  	s18 =	sadd.s32 s3, s18  }
0x1fe: {  	[hbm4b:s18+s4] =	stream.linear.scatter [tilespmem:s2], [sflag:$0x6], $0x8000, $0x38;
	[tilespmem:$0x18400] =	vst v63  }
0x1ff: {  	_ =	swait.ge [sflag:s14], $0x8000  }
0x200: {  	[sflag:s14] =	ssyncset.done $0x0  }
0x201: {  	[sflag:s14] =	ssyncadd.s32 $0xFFFF8000  }
0x202: {  	v3 =	vld [tilespmem:s20+$0x80];
	_ =	sdelay $0x4  }
0x203: {  	v4 =	vshll.u32 v3, $0x3  }
0x204: {  	v3 =	vand.u32 $0x7, v3;
	v4 =	vand.u32 $0xFFFFFFC0, v4  }
0x205: {  	v3 =	vor.u32 v3, v4  }
0x206: {  	v4 =	vperm.xlane v3, v0;
	_ =	sdelay $0x1  }
0x207: {  	v4 =	vadd.s32 v1, v4;
	_ =	sdelay $0x4  }
0x208: {  	[tilespmem:s8], [sflag:$0x2] =	stream.indirect_vreg.gather [hbm4b:s1+s4], $0x80, v4, vm0, $0xb8;
	[tilespmem:$0x18400] =	vst v63  }
0x209: {  	s23 =	simm.s32 $0x8C00;
	v3 =	vperm.xlane v3, v2  }
0x20a: {  	[tilespmem:s23], [sflag:$0x2] =	stream.indirect_vreg.gather [hbm4b:s9+s4], $0x80, v4, vm0, $0xb8;
	[tilespmem:$0x18400] =	vst v63  }
0x20b: {  	s24 =	simm.s32 $0x9400;
	v3 =	vadd.s32 v1, v3  }
0x20c: {  	[tilespmem:s24], [sflag:$0x2] =	stream.indirect_vreg.gather [hbm4b:s10+s4], $0x80, v4, vm0, $0xb8;
	[tilespmem:$0x18400] =	vst v63  }
0x20d: {  	s25 =	simm.s32 $0x9C00  }
0x20e: {  	[tilespmem:s25], [sflag:$0x2] =	stream.indirect_vreg.gather [hbm4b:s11+s4], $0x80, v4, vm0, $0xb8;
	[tilespmem:$0x18400] =	vst v63  }
0x20f: {  	s26 =	simm.s32 $0xA400  }
0x210: {  	[tilespmem:s26], [sflag:$0x2] =	stream.indirect_vreg.gather [hbm4b:s1+s4], $0x80, v3, vm0, $0xb8;
	[tilespmem:$0x18400] =	vst v63  }
0x211: {  	s28 =	simm.s32 $0xAC00  }
0x212: {  	[tilespmem:s28], [sflag:$0x2] =	stream.indirect_vreg.gather [hbm4b:s9+s4], $0x80, v3, vm0, $0xb8;
	[tilespmem:$0x18400] =	vst v63  }
0x213: {  	s21 =	simm.s32 $0xB400  }
0x214: {  	[tilespmem:s21], [sflag:$0x2] =	stream.indirect_vreg.gather [hbm4b:s10+s4], $0x80, v3, vm0, $0xb8;
	[tilespmem:$0x18400] =	vst v63  }
0x215: {  	s22 =	simm.s32 $0xBC00  }
0x216: {  	[tilespmem:s22], [sflag:$0x2] =	stream.indirect_vreg.gather [hbm4b:s11+s4], $0x80, v3, vm0, $0xb8;
	[tilespmem:$0x18400] =	vst v63  }
0x217: {  	v3 =	vld [tilespmem:s20+$0x90];
	_ =	sdelay $0x4  }
0x218: {  	v63 =	vshll.u32 v3, $0x3  }
0x219: {  	v3 =	vand.u32 $0x7, v3;
	v4 =	vand.u32 $0xFFFFFFC0, v63  }
0x21a: {  	v3 =	vor.u32 v3, v4  }
0x21b: {  	v4 =	vperm.xlane v3, v0;
	_ =	sdelay $0x1  }
0x21c: {  	v4 =	vadd.s32 v1, v4;
	_ =	sdelay $0x3  }
0x21d: {  	s23 =	simm.s32 $0xC400  }
0x21e: {  	[tilespmem:s23], [sflag:$0x2] =	stream.indirect_vreg.gather [hbm4b:s1+s4], $0x80, v4, vm0, $0xb8;
	[tilespmem:$0x18400] =	vst v63  }
0x21f: {  	s24 =	simm.s32 $0xCC00;
	v3 =	vperm.xlane v3, v2  }
0x220: {  	[tilespmem:s24], [sflag:$0x2] =	stream.indirect_vreg.gather [hbm4b:s9+s4], $0x80, v4, vm0, $0xb8;
	[tilespmem:$0x18400] =	vst v63  }
0x221: {  	s25 =	simm.s32 $0xD400;
	v3 =	vadd.s32 v1, v3  }
0x222: {  	[tilespmem:s25], [sflag:$0x2] =	stream.indirect_vreg.gather [hbm4b:s10+s4], $0x80, v4, vm0, $0xb8;
	[tilespmem:$0x18400] =	vst v63  }
0x223: {  	s26 =	simm.s32 $0xDC00  }
0x224: {  	[tilespmem:s26], [sflag:$0x2] =	stream.indirect_vreg.gather [hbm4b:s11+s4], $0x80, v4, vm0, $0xb8;
	[tilespmem:$0x18400] =	vst v63  }
0x225: {  	s15 =	sadd.s32 $0x1, s15;
	s28 =	simm.s32 $0xE400  }
0x226: {  	[tilespmem:s28], [sflag:$0x2] =	stream.indirect_vreg.gather [hbm4b:s1+s4], $0x80, v3, vm0, $0xb8;
	[tilespmem:$0x18400] =	vst v63  }
0x227: {  	p0 =	sne.s32 s15, $0xA  }
0x228: {  	[tilespmem:s29], [sflag:$0x2] =	stream.indirect_vreg.gather [hbm4b:s9+s4], $0x80, v3, vm0, $0xb8;
	[tilespmem:$0x18400] =	vst v63  }
.Ltmp3:
0x229: {  	_ = 	snop;
	(pc) =	sbr.rel @p0 .LBB2_2-.Ltmp3, $4  }
0x22a: {  	_ = 	snop  }
0x22b: {  	[tilespmem:s30], [sflag:$0x2] =	stream.indirect_vreg.gather [hbm4b:s10+s4], $0x80, v3, vm0, $0xb8;
	[tilespmem:$0x18400] =	vst v63  }
0x22c: {  	_ = 	snop  }
0x22d: {  	[tilespmem:s31], [sflag:$0x2] =	stream.indirect_vreg.gather [hbm4b:s11+s4], $0x80, v3, vm0, $0xb8;
	[tilespmem:$0x18400] =	vst v63  }
0x22e: {  	_ =	swait.ge [sflag:s0], $0x8000  }
0x22f: {  	s15 =	simm.s32 $0x0;
	s18 =	simm.s32 $0xFFFF8000;
	[sflag:s0] =	ssyncset.done $0x0  }
0x230: {  	s20 =	simm.s32 $0x0;
	s21 =	simm.s32 $0x0;
	[sflag:s0] =	ssyncadd.s32 $0xFFFF8000  }
.LBB2_10:
0x231: {  	s22 =	sadd.s32 $0x8000, s18  }
0x232: {  	s23 =	sand.u32 $0x380, s21;
	s22 =	sand.u32 $0x6000, s22  }
0x233: {  	s22 =	sor.u32 s23, s22  }
0x234: {  	v3 =	vld [tilespmem:s22+$0x400]  }
0x235: {  	v4 =	vld [tilespmem:s22+$0x410]  }
0x236: {  	v6 =	vld [tilespmem:s22+$0x430]  }
0x237: {  	v8 =	vld [tilespmem:s22+$0x460]  }
0x238: {  	v5 =	vld [tilespmem:s22+$0x420]  }
0x239: {  	v43 =	vld [tilespmem:s22+$0x800];
	v3 =	vmul.f32 $3.200000000e+01, v3  }
0x23a: {  	v7 =	vld [tilespmem:s22+$0x450];
	v4 =	vmul.f32 $3.200000000e+01, v4  }
0x23b: {  	v46 =	vld [tilespmem:s22+$0x820];
	v44 =	vmul.f32 $3.200000000e+01, v6;
	[tilespmem:s22+$0x400] =	vst v3  }
0x23c: {  	v9 =	vld [tilespmem:s22+$0x470];
	v47 =	vmul.f32 $3.200000000e+01, v8;
	[tilespmem:s22+$0x410] =	vst v4  }
0x23d: {  	v49 =	vld [tilespmem:s22+$0x850];
	v3 =	vmul.f32 $3.200000000e+01, v5;
	[tilespmem:s22+$0x430] =	vst v44  }
0x23e: {  	v45 =	vld [tilespmem:s22+$0x810];
	v50 =	vmul.f32 $3.200000000e+01, v43;
	[tilespmem:s22+$0x460] =	vst v47  }
0x23f: {  	v52 =	vld [tilespmem:s22+$0x870];
	[tilespmem:s22+$0x420] =	vst v3;
	v3 =	vmul.f32 $3.200000000e+01, v7  }
0x240: {  	v48 =	vld [tilespmem:s22+$0x830];
	v53 =	vmul.f32 $3.200000000e+01, v46;
	[tilespmem:s22+$0x800] =	vst v50  }
0x241: {  	v55 =	vld [tilespmem:s22+$0xC10];
	[tilespmem:s22+$0x450] =	vst v3;
	v3 =	vmul.f32 $3.200000000e+01, v9  }
0x242: {  	v51 =	vld [tilespmem:s22+$0x860];
	v56 =	vmul.f32 $3.200000000e+01, v49;
	[tilespmem:s22+$0x820] =	vst v53  }
0x243: {  	v58 =	vld [tilespmem:s22+$0xC30];
	[tilespmem:s22+$0x470] =	vst v3;
	v3 =	vmul.f32 $3.200000000e+01, v45  }
0x244: {  	v54 =	vld [tilespmem:s22+$0xC00];
	v59 =	vmul.f32 $3.200000000e+01, v52;
	[tilespmem:s22+$0x850] =	vst v56  }
0x245: {  	v61 =	vld [tilespmem:s22+$0xC60];
	[tilespmem:s22+$0x810] =	vst v3;
	v3 =	vmul.f32 $3.200000000e+01, v48  }
0x246: {  	v57 =	vld [tilespmem:s22+$0xC20];
	v62 =	vmul.f32 $3.200000000e+01, v55;
	[tilespmem:s22+$0x870] =	vst v59  }
0x247: {  	v12 =	vld [tilespmem:s22+$0x1000];
	[tilespmem:s22+$0x830] =	vst v3;
	v3 =	vmul.f32 $3.200000000e+01, v51  }
0x248: {  	v60 =	vld [tilespmem:s22+$0xC50];
	v13 =	vmul.f32 $3.200000000e+01, v58;
	[tilespmem:s22+$0xC10] =	vst v62  }
0x249: {  	v15 =	vld [tilespmem:s22+$0x1020];
	[tilespmem:s22+$0x860] =	vst v3;
	v3 =	vmul.f32 $3.200000000e+01, v54  }
0x24a: {  	v63 =	vld [tilespmem:s22+$0xC70];
	v16 =	vmul.f32 $3.200000000e+01, v61;
	[tilespmem:s22+$0xC30] =	vst v13  }
0x24b: {  	v18 =	vld [tilespmem:s22+$0x1050];
	[tilespmem:s22+$0xC00] =	vst v3;
	v3 =	vmul.f32 $3.200000000e+01, v57  }
0x24c: {  	v14 =	vld [tilespmem:s22+$0x1010];
	v19 =	vmul.f32 $3.200000000e+01, v12;
	[tilespmem:s22+$0xC60] =	vst v16  }
0x24d: {  	v21 =	vld [tilespmem:s22+$0x1070];
	[tilespmem:s22+$0xC20] =	vst v3;
	v3 =	vmul.f32 $3.200000000e+01, v60  }
0x24e: {  	v17 =	vld [tilespmem:s22+$0x1030];
	v22 =	vmul.f32 $3.200000000e+01, v15;
	[tilespmem:s22+$0x1000] =	vst v19  }
0x24f: {  	v24 =	vld [tilespmem:s22+$0x1410];
	[tilespmem:s22+$0xC50] =	vst v3;
	v3 =	vmul.f32 $3.200000000e+01, v63  }
0x250: {  	v20 =	vld [tilespmem:s22+$0x1060];
	v25 =	vmul.f32 $3.200000000e+01, v18;
	[tilespmem:s22+$0x1020] =	vst v22  }
0x251: {  	v27 =	vld [tilespmem:s22+$0x1430];
	[tilespmem:s22+$0xC70] =	vst v3;
	v3 =	vmul.f32 $3.200000000e+01, v14  }
0x252: {  	v23 =	vld [tilespmem:s22+$0x1400];
	v28 =	vmul.f32 $3.200000000e+01, v21;
	[tilespmem:s22+$0x1050] =	vst v25  }
0x253: {  	v30 =	vld [tilespmem:s22+$0x1460];
	[tilespmem:s22+$0x1010] =	vst v3;
	v3 =	vmul.f32 $3.200000000e+01, v17  }
0x254: {  	v26 =	vld [tilespmem:s22+$0x1420];
	v31 =	vmul.f32 $3.200000000e+01, v24;
	[tilespmem:s22+$0x1070] =	vst v28  }
0x255: {  	v33 =	vld [tilespmem:s22+$0x1800];
	[tilespmem:s22+$0x1030] =	vst v3;
	v3 =	vmul.f32 $3.200000000e+01, v20  }
0x256: {  	v29 =	vld [tilespmem:s22+$0x1450];
	v34 =	vmul.f32 $3.200000000e+01, v27;
	[tilespmem:s22+$0x1410] =	vst v31  }
0x257: {  	v36 =	vld [tilespmem:s22+$0x1820];
	[tilespmem:s22+$0x1060] =	vst v3;
	v3 =	vmul.f32 $3.200000000e+01, v23  }
0x258: {  	v32 =	vld [tilespmem:s22+$0x1470];
	v37 =	vmul.f32 $3.200000000e+01, v30;
	[tilespmem:s22+$0x1430] =	vst v34  }
0x259: {  	v39 =	vld [tilespmem:s22+$0x1850];
	[tilespmem:s22+$0x1400] =	vst v3;
	v3 =	vmul.f32 $3.200000000e+01, v26  }
0x25a: {  	v35 =	vld [tilespmem:s22+$0x1810];
	v40 =	vmul.f32 $3.200000000e+01, v33;
	[tilespmem:s22+$0x1460] =	vst v37  }
0x25b: {  	v42 =	vld [tilespmem:s22+$0x1870];
	[tilespmem:s22+$0x1420] =	vst v3;
	v3 =	vmul.f32 $3.200000000e+01, v29  }
0x25c: {  	v38 =	vld [tilespmem:s22+$0x1830];
	v43 =	vmul.f32 $3.200000000e+01, v36;
	[tilespmem:s22+$0x1800] =	vst v40  }
0x25d: {  	v47 =	vld [tilespmem:s22+$0x1C20];
	[tilespmem:s22+$0x1450] =	vst v3;
	v3 =	vmul.f32 $3.200000000e+01, v32  }
0x25e: {  	v41 =	vld [tilespmem:s22+$0x1860];
	v46 =	vmul.f32 $3.200000000e+01, v39;
	[tilespmem:s22+$0x1820] =	vst v43  }
0x25f: {  	v50 =	vld [tilespmem:s22+$0x1C50];
	[tilespmem:s22+$0x1470] =	vst v3;
	v3 =	vmul.f32 $3.200000000e+01, v35  }
0x260: {  	v49 =	vmul.f32 $3.200000000e+01, v42;
	v44 =	vld [tilespmem:s22+$0x1C00];
	[tilespmem:s22+$0x1850] =	vst v46  }
0x261: {  	v53 =	vld [tilespmem:s22+$0x1C70];
	[tilespmem:s22+$0x1810] =	vst v3;
	v3 =	vmul.f32 $3.200000000e+01, v38  }
0x262: {  	[tilespmem:s22+$0x1870] =	vst v49;
	v7 =	vmul.f32 $3.200000000e+01, v47;
	v45 =	vld [tilespmem:s22+$0x1C10]  }
0x263: {  	v48 =	vld [tilespmem:s22+$0x1C30];
	[tilespmem:s22+$0x1830] =	vst v3;
	v3 =	vmul.f32 $3.200000000e+01, v41  }
0x264: {  	v9 =	vmul.f32 $3.200000000e+01, v50;
	[tilespmem:s22+$0x1C20] =	vst v7;
	v51 =	vld [tilespmem:s22+$0x1C60]  }
0x265: {  	[tilespmem:s22+$0x1860] =	vst v3;
	v3 =	vmul.f32 $3.200000000e+01, v44  }
0x266: {  	v58 =	vld [tilespmem:s22+$0x1840];
	v6 =	vmul.f32 $3.200000000e+01, v53;
	[tilespmem:s22+$0x1C50] =	vst v9  }
0x267: {  	v52 =	vmul.f32 $3.200000000e+01, v45;
	[tilespmem:s22+$0x1C00] =	vst v3;
	v3 =	vld [tilespmem:s22+$0x440]  }
0x268: {  	s24 =	sand.u32 $0x7, s15;
	v56 =	vld [tilespmem:s22+$0x1040];
	[tilespmem:s22+$0x1C70] =	vst v6;
	v8 =	vmul.f32 $3.200000000e+01, v48  }
0x269: {  	s23 =	sshll.u32 s24, $0x7;
	v55 =	vld [tilespmem:s22+$0xC40];
	[tilespmem:s22+$0x1C10] =	vst v52;
	v5 =	vmul.f32 $3.200000000e+01, v51  }
0x26a: {  	s23 =	sadd.s32 s23, s20;
	v54 =	vld [tilespmem:s22+$0x840];
	[tilespmem:s22+$0x1C30] =	vst v8  }
0x26b: {  	s24 =	sor.u32 $0x1C00, s23;
	v62 =	vmul.f32 $3.200000000e+01, v58;
	v57 =	vld [tilespmem:s22+$0x1440];
	[tilespmem:s22+$0x1C60] =	vst v5  }
0x26c: {  	v60 =	vld [tilespmem:s24+$0x400];
	v3 =	vmul.f32 $3.200000000e+01, v3  }
0x26d: {  	v59 =	vld [tilespmem:s22+$0x1C40];
	v61 =	vmul.f32 $3.200000000e+01, v56;
	[tilespmem:s22+$0x1840] =	vst v62  }
0x26e: {  	[tilespmem:s22+$0x440] =	vst v3;
	v3 =	vmul.f32 $3.200000000e+01, v55  }
0x26f: {  	[tilespmem:s22+$0x1040] =	vst v61;
	v4 =	vmul.f32 $3.200000000e+01, v54  }
0x270: {  	[tilespmem:s22+$0xC40] =	vst v3;
	v3 =	vmul.f32 $3.200000000e+01, v57  }
0x271: {  	[tilespmem:s22+$0x840] =	vst v4;
	v63 =	vmul.f32 $3.200000000e+01, v60  }
0x272: {  	[tilespmem:s22+$0x1440] =	vst v3;
	v3 =	vmul.f32 $3.200000000e+01, v59  }
0x273: {  	[tilespmem:s24+$0x400] =	vst v63  }
0x274: {  	s25 =	sor.u32 $0x1C10, s23;
	[tilespmem:s22+$0x1C40] =	vst v3  }
0x275: {  	v3 =	vld [tilespmem:s25+$0x400];
	_ =	sdelay $0x4  }
0x276: {  	v3 =	vmul.f32 $3.200000000e+01, v3;
	_ =	sdelay $0x1  }
0x277: {  	s26 =	sor.u32 $0x1C20, s23;
	[tilespmem:s25+$0x400] =	vst v3  }
0x278: {  	v3 =	vld [tilespmem:s26+$0x400];
	_ =	sdelay $0x4  }
0x279: {  	v3 =	vmul.f32 $3.200000000e+01, v3;
	_ =	sdelay $0x1  }
0x27a: {  	s28 =	sor.u32 $0x1C30, s23;
	[tilespmem:s26+$0x400] =	vst v3  }
0x27b: {  	v3 =	vld [tilespmem:s28+$0x400];
	_ =	sdelay $0x4  }
0x27c: {  	v3 =	vmul.f32 $3.200000000e+01, v3;
	_ =	sdelay $0x1  }
0x27d: {  	s24 =	sor.u32 $0x1C40, s23;
	[tilespmem:s28+$0x400] =	vst v3  }
0x27e: {  	v3 =	vld [tilespmem:s24+$0x400];
	_ =	sdelay $0x4  }
0x27f: {  	v3 =	vmul.f32 $3.200000000e+01, v3;
	_ =	sdelay $0x1  }
0x280: {  	s25 =	sor.u32 $0x1C50, s23;
	[tilespmem:s24+$0x400] =	vst v3  }
0x281: {  	v3 =	vld [tilespmem:s25+$0x400];
	_ =	sdelay $0x4  }
0x282: {  	v3 =	vmul.f32 $3.200000000e+01, v3;
	_ =	sdelay $0x1  }
0x283: {  	s26 =	sor.u32 $0x1C60, s23;
	[tilespmem:s25+$0x400] =	vst v3  }
0x284: {  	v3 =	vld [tilespmem:s26+$0x400];
	_ =	sdelay $0x4  }
0x285: {  	v3 =	vmul.f32 $3.200000000e+01, v3;
	_ =	sdelay $0x1  }
0x286: {  	s28 =	sor.u32 $0x1C70, s23;
	[tilespmem:s26+$0x400] =	vst v3  }
0x287: {  	v3 =	vld [tilespmem:s28+$0x400];
	_ =	sdelay $0x1  }
0x288: {  	p0 =	sne.s32 s21, $0xF80  }
.Ltmp4:
0x289: {  	_ = 	snop;
	(pc) =	sbr.rel @p0 .LBB2_10-.Ltmp4, $4  }
0x28a: {  	_ = 	snop  }
0x28b: {  	v3 =	vmul.f32 $3.200000000e+01, v3  }
0x28c: {  	s15 =	sadd.s32 $0x1, s15  }
0x28d: {  	s18 =	sadd.s32 $0x400, s18;
	s21 =	sadd.s32 $0x80, s21;
	s20 =	sadd.s32 $0x400, s20;
	[tilespmem:s28+$0x400] =	vst v3  }
0x28e: {  	s15 =	simm.s32 $0x0;
	s18 =	rddreg [dreg:$0x5]  }
0x28f: {  	[hbm4b:s18+s15] =	stream.linear.scatter [tilespmem:s19], [sflag:$0x4], $0x8000, $0x38;
	[tilespmem:$0x18400] =	vst v63  }
0x290: {  	_ =	swait.ge [sflag:s16], $0x8000  }
0x291: {  	s20 =	simm.s32 $0x0;
	[sflag:s16] =	ssyncset.done $0x0  }
0x292: {  	s21 =	simm.s32 $0x0;
	s18 =	simm.s32 $0xFFFF8000;
	[sflag:s16] =	ssyncadd.s32 $0xFFFF8000  }
.LBB2_12:
0x293: {  	s22 =	sadd.s32 $0x8000, s18  }
0x294: {  	s23 =	sand.u32 $0x380, s21;
	s22 =	sand.u32 $0x6000, s22  }
0x295: {  	s22 =	sor.u32 s23, s22  }
0x296: {  	v3 =	vld [tilespmem:s22+$0x8400]  }
0x297: {  	v4 =	vld [tilespmem:s22+$0x8410]  }
0x298: {  	v6 =	vld [tilespmem:s22+$0x8430]  }
0x299: {  	v8 =	vld [tilespmem:s22+$0x8460]  }
0x29a: {  	v5 =	vld [tilespmem:s22+$0x8420]  }
0x29b: {  	v43 =	vld [tilespmem:s22+$0x8800];
	v3 =	vmul.f32 $3.200000000e+01, v3  }
0x29c: {  	v7 =	vld [tilespmem:s22+$0x8450];
	v4 =	vmul.f32 $3.200000000e+01, v4  }
0x29d: {  	v46 =	vld [tilespmem:s22+$0x8820];
	v44 =	vmul.f32 $3.200000000e+01, v6;
	[tilespmem:s22+$0x8400] =	vst v3  }
0x29e: {  	v9 =	vld [tilespmem:s22+$0x8470];
	v47 =	vmul.f32 $3.200000000e+01, v8;
	[tilespmem:s22+$0x8410] =	vst v4  }
0x29f: {  	v49 =	vld [tilespmem:s22+$0x8850];
	v3 =	vmul.f32 $3.200000000e+01, v5;
	[tilespmem:s22+$0x8430] =	vst v44  }
0x2a0: {  	v45 =	vld [tilespmem:s22+$0x8810];
	v50 =	vmul.f32 $3.200000000e+01, v43;
	[tilespmem:s22+$0x8460] =	vst v47  }
0x2a1: {  	v52 =	vld [tilespmem:s22+$0x8870];
	[tilespmem:s22+$0x8420] =	vst v3;
	v3 =	vmul.f32 $3.200000000e+01, v7  }
0x2a2: {  	v48 =	vld [tilespmem:s22+$0x8830];
	v53 =	vmul.f32 $3.200000000e+01, v46;
	[tilespmem:s22+$0x8800] =	vst v50  }
0x2a3: {  	v55 =	vld [tilespmem:s22+$0x8C10];
	[tilespmem:s22+$0x8450] =	vst v3;
	v3 =	vmul.f32 $3.200000000e+01, v9  }
0x2a4: {  	v51 =	vld [tilespmem:s22+$0x8860];
	v56 =	vmul.f32 $3.200000000e+01, v49;
	[tilespmem:s22+$0x8820] =	vst v53  }
0x2a5: {  	v58 =	vld [tilespmem:s22+$0x8C30];
	[tilespmem:s22+$0x8470] =	vst v3;
	v3 =	vmul.f32 $3.200000000e+01, v45  }
0x2a6: {  	v54 =	vld [tilespmem:s22+$0x8C00];
	v59 =	vmul.f32 $3.200000000e+01, v52;
	[tilespmem:s22+$0x8850] =	vst v56  }
0x2a7: {  	v61 =	vld [tilespmem:s22+$0x8C60];
	[tilespmem:s22+$0x8810] =	vst v3;
	v3 =	vmul.f32 $3.200000000e+01, v48  }
0x2a8: {  	v57 =	vld [tilespmem:s22+$0x8C20];
	v62 =	vmul.f32 $3.200000000e+01, v55;
	[tilespmem:s22+$0x8870] =	vst v59  }
0x2a9: {  	v12 =	vld [tilespmem:s22+$0x9000];
	[tilespmem:s22+$0x8830] =	vst v3;
	v3 =	vmul.f32 $3.200000000e+01, v51  }
0x2aa: {  	v60 =	vld [tilespmem:s22+$0x8C50];
	v13 =	vmul.f32 $3.200000000e+01, v58;
	[tilespmem:s22+$0x8C10] =	vst v62  }
0x2ab: {  	v15 =	vld [tilespmem:s22+$0x9020];
	[tilespmem:s22+$0x8860] =	vst v3;
	v3 =	vmul.f32 $3.200000000e+01, v54  }
0x2ac: {  	v63 =	vld [tilespmem:s22+$0x8C70];
	v16 =	vmul.f32 $3.200000000e+01, v61;
	[tilespmem:s22+$0x8C30] =	vst v13  }
0x2ad: {  	v18 =	vld [tilespmem:s22+$0x9050];
	[tilespmem:s22+$0x8C00] =	vst v3;
	v3 =	vmul.f32 $3.200000000e+01, v57  }
0x2ae: {  	v14 =	vld [tilespmem:s22+$0x9010];
	v19 =	vmul.f32 $3.200000000e+01, v12;
	[tilespmem:s22+$0x8C60] =	vst v16  }
0x2af: {  	v21 =	vld [tilespmem:s22+$0x9070];
	[tilespmem:s22+$0x8C20] =	vst v3;
	v3 =	vmul.f32 $3.200000000e+01, v60  }
0x2b0: {  	v17 =	vld [tilespmem:s22+$0x9030];
	v22 =	vmul.f32 $3.200000000e+01, v15;
	[tilespmem:s22+$0x9000] =	vst v19  }
0x2b1: {  	v24 =	vld [tilespmem:s22+$0x9410];
	[tilespmem:s22+$0x8C50] =	vst v3;
	v3 =	vmul.f32 $3.200000000e+01, v63  }
0x2b2: {  	v20 =	vld [tilespmem:s22+$0x9060];
	v25 =	vmul.f32 $3.200000000e+01, v18;
	[tilespmem:s22+$0x9020] =	vst v22  }
0x2b3: {  	v27 =	vld [tilespmem:s22+$0x9430];
	[tilespmem:s22+$0x8C70] =	vst v3;
	v3 =	vmul.f32 $3.200000000e+01, v14  }
0x2b4: {  	v23 =	vld [tilespmem:s22+$0x9400];
	v28 =	vmul.f32 $3.200000000e+01, v21;
	[tilespmem:s22+$0x9050] =	vst v25  }
0x2b5: {  	v30 =	vld [tilespmem:s22+$0x9460];
	[tilespmem:s22+$0x9010] =	vst v3;
	v3 =	vmul.f32 $3.200000000e+01, v17  }
0x2b6: {  	v26 =	vld [tilespmem:s22+$0x9420];
	v31 =	vmul.f32 $3.200000000e+01, v24;
	[tilespmem:s22+$0x9070] =	vst v28  }
0x2b7: {  	v33 =	vld [tilespmem:s22+$0x9800];
	[tilespmem:s22+$0x9030] =	vst v3;
	v3 =	vmul.f32 $3.200000000e+01, v20  }
0x2b8: {  	v29 =	vld [tilespmem:s22+$0x9450];
	v34 =	vmul.f32 $3.200000000e+01, v27;
	[tilespmem:s22+$0x9410] =	vst v31  }
0x2b9: {  	v36 =	vld [tilespmem:s22+$0x9820];
	[tilespmem:s22+$0x9060] =	vst v3;
	v3 =	vmul.f32 $3.200000000e+01, v23  }
0x2ba: {  	v32 =	vld [tilespmem:s22+$0x9470];
	v37 =	vmul.f32 $3.200000000e+01, v30;
	[tilespmem:s22+$0x9430] =	vst v34  }
0x2bb: {  	v39 =	vld [tilespmem:s22+$0x9850];
	[tilespmem:s22+$0x9400] =	vst v3;
	v3 =	vmul.f32 $3.200000000e+01, v26  }
0x2bc: {  	v35 =	vld [tilespmem:s22+$0x9810];
	v40 =	vmul.f32 $3.200000000e+01, v33;
	[tilespmem:s22+$0x9460] =	vst v37  }
0x2bd: {  	v42 =	vld [tilespmem:s22+$0x9870];
	[tilespmem:s22+$0x9420] =	vst v3;
	v3 =	vmul.f32 $3.200000000e+01, v29  }
0x2be: {  	v38 =	vld [tilespmem:s22+$0x9830];
	v43 =	vmul.f32 $3.200000000e+01, v36;
	[tilespmem:s22+$0x9800] =	vst v40  }
0x2bf: {  	v47 =	vld [tilespmem:s22+$0x9C20];
	[tilespmem:s22+$0x9450] =	vst v3;
	v3 =	vmul.f32 $3.200000000e+01, v32  }
0x2c0: {  	v41 =	vld [tilespmem:s22+$0x9860];
	v46 =	vmul.f32 $3.200000000e+01, v39;
	[tilespmem:s22+$0x9820] =	vst v43  }
0x2c1: {  	v50 =	vld [tilespmem:s22+$0x9C50];
	[tilespmem:s22+$0x9470] =	vst v3;
	v3 =	vmul.f32 $3.200000000e+01, v35  }
0x2c2: {  	v49 =	vmul.f32 $3.200000000e+01, v42;
	v44 =	vld [tilespmem:s22+$0x9C00];
	[tilespmem:s22+$0x9850] =	vst v46  }
0x2c3: {  	v53 =	vld [tilespmem:s22+$0x9C70];
	[tilespmem:s22+$0x9810] =	vst v3;
	v3 =	vmul.f32 $3.200000000e+01, v38  }
0x2c4: {  	[tilespmem:s22+$0x9870] =	vst v49;
	v7 =	vmul.f32 $3.200000000e+01, v47;
	v45 =	vld [tilespmem:s22+$0x9C10]  }
0x2c5: {  	v48 =	vld [tilespmem:s22+$0x9C30];
	[tilespmem:s22+$0x9830] =	vst v3;
	v3 =	vmul.f32 $3.200000000e+01, v41  }
0x2c6: {  	v9 =	vmul.f32 $3.200000000e+01, v50;
	[tilespmem:s22+$0x9C20] =	vst v7;
	v51 =	vld [tilespmem:s22+$0x9C60]  }
0x2c7: {  	[tilespmem:s22+$0x9860] =	vst v3;
	v3 =	vmul.f32 $3.200000000e+01, v44  }
0x2c8: {  	v58 =	vld [tilespmem:s22+$0x9840];
	v6 =	vmul.f32 $3.200000000e+01, v53;
	[tilespmem:s22+$0x9C50] =	vst v9  }
0x2c9: {  	v52 =	vmul.f32 $3.200000000e+01, v45;
	[tilespmem:s22+$0x9C00] =	vst v3;
	v3 =	vld [tilespmem:s22+$0x8440]  }
0x2ca: {  	s24 =	sand.u32 $0x7, s15;
	v56 =	vld [tilespmem:s22+$0x9040];
	[tilespmem:s22+$0x9C70] =	vst v6;
	v8 =	vmul.f32 $3.200000000e+01, v48  }
0x2cb: {  	s23 =	sshll.u32 s24, $0x7;
	v55 =	vld [tilespmem:s22+$0x8C40];
	[tilespmem:s22+$0x9C10] =	vst v52;
	v5 =	vmul.f32 $3.200000000e+01, v51  }
0x2cc: {  	s23 =	sadd.s32 s23, s20;
	v54 =	vld [tilespmem:s22+$0x8840];
	[tilespmem:s22+$0x9C30] =	vst v8  }
0x2cd: {  	s24 =	sor.u32 $0x1C00, s23;
	v62 =	vmul.f32 $3.200000000e+01, v58;
	v57 =	vld [tilespmem:s22+$0x9440];
	[tilespmem:s22+$0x9C60] =	vst v5  }
0x2ce: {  	v60 =	vld [tilespmem:s24+$0x8400];
	v3 =	vmul.f32 $3.200000000e+01, v3  }
0x2cf: {  	v59 =	vld [tilespmem:s22+$0x9C40];
	v61 =	vmul.f32 $3.200000000e+01, v56;
	[tilespmem:s22+$0x9840] =	vst v62  }
0x2d0: {  	[tilespmem:s22+$0x8440] =	vst v3;
	v3 =	vmul.f32 $3.200000000e+01, v55  }
0x2d1: {  	[tilespmem:s22+$0x9040] =	vst v61;
	v4 =	vmul.f32 $3.200000000e+01, v54  }
0x2d2: {  	[tilespmem:s22+$0x8C40] =	vst v3;
	v3 =	vmul.f32 $3.200000000e+01, v57  }
0x2d3: {  	[tilespmem:s22+$0x8840] =	vst v4;
	v63 =	vmul.f32 $3.200000000e+01, v60  }
0x2d4: {  	[tilespmem:s22+$0x9440] =	vst v3;
	v3 =	vmul.f32 $3.200000000e+01, v59  }
0x2d5: {  	[tilespmem:s24+$0x8400] =	vst v63  }
0x2d6: {  	s25 =	sor.u32 $0x1C10, s23;
	[tilespmem:s22+$0x9C40] =	vst v3  }
0x2d7: {  	v3 =	vld [tilespmem:s25+$0x8400];
	_ =	sdelay $0x4  }
0x2d8: {  	v3 =	vmul.f32 $3.200000000e+01, v3;
	_ =	sdelay $0x1  }
0x2d9: {  	s26 =	sor.u32 $0x1C20, s23;
	[tilespmem:s25+$0x8400] =	vst v3  }
0x2da: {  	v3 =	vld [tilespmem:s26+$0x8400];
	_ =	sdelay $0x4  }
0x2db: {  	v3 =	vmul.f32 $3.200000000e+01, v3;
	_ =	sdelay $0x1  }
0x2dc: {  	s28 =	sor.u32 $0x1C30, s23;
	[tilespmem:s26+$0x8400] =	vst v3  }
0x2dd: {  	v3 =	vld [tilespmem:s28+$0x8400];
	_ =	sdelay $0x4  }
0x2de: {  	v3 =	vmul.f32 $3.200000000e+01, v3;
	_ =	sdelay $0x1  }
0x2df: {  	s24 =	sor.u32 $0x1C40, s23;
	[tilespmem:s28+$0x8400] =	vst v3  }
0x2e0: {  	v3 =	vld [tilespmem:s24+$0x8400];
	_ =	sdelay $0x4  }
0x2e1: {  	v3 =	vmul.f32 $3.200000000e+01, v3;
	_ =	sdelay $0x1  }
0x2e2: {  	s25 =	sor.u32 $0x1C50, s23;
	[tilespmem:s24+$0x8400] =	vst v3  }
0x2e3: {  	v3 =	vld [tilespmem:s25+$0x8400];
	_ =	sdelay $0x4  }
0x2e4: {  	v3 =	vmul.f32 $3.200000000e+01, v3;
	_ =	sdelay $0x1  }
0x2e5: {  	s26 =	sor.u32 $0x1C60, s23;
	[tilespmem:s25+$0x8400] =	vst v3  }
0x2e6: {  	v3 =	vld [tilespmem:s26+$0x8400];
	_ =	sdelay $0x4  }
0x2e7: {  	v3 =	vmul.f32 $3.200000000e+01, v3;
	_ =	sdelay $0x1  }
0x2e8: {  	s28 =	sor.u32 $0x1C70, s23;
	[tilespmem:s26+$0x8400] =	vst v3  }
0x2e9: {  	v3 =	vld [tilespmem:s28+$0x8400];
	_ =	sdelay $0x1  }
0x2ea: {  	p0 =	sne.s32 s21, $0xF80  }
.Ltmp5:
0x2eb: {  	_ = 	snop;
	(pc) =	sbr.rel @p0 .LBB2_12-.Ltmp5, $4  }
0x2ec: {  	_ = 	snop  }
0x2ed: {  	v3 =	vmul.f32 $3.200000000e+01, v3  }
0x2ee: {  	s15 =	sadd.s32 $0x1, s15  }
0x2ef: {  	s18 =	sadd.s32 $0x400, s18;
	s21 =	sadd.s32 $0x80, s21;
	s20 =	sadd.s32 $0x400, s20;
	[tilespmem:s28+$0x8400] =	vst v3  }
0x2f0: {  	s15 =	rddreg [dreg:$0x6];
	s26 =	simm.s32 $0x6  }
0x2f1: {  	[hbm4b:s15+s4] =	stream.linear.scatter [tilespmem:s8], [sflag:$0x5], $0x8000, $0x38;
	[tilespmem:$0x18400] =	vst v63  }
0x2f2: {  	_ =	swait.ge [sflag:s26], $0x8000  }
0x2f3: {  	[sflag:s26] =	ssyncset.done $0x0  }
0x2f4: {  	[sflag:s26] =	ssyncadd.s32 $0xFFFF8000  }
0x2f5: {  	_ =	swait.ge [sflag:s17], $0x8000  }
0x2f6: {  	[sflag:s17] =	ssyncset.done $0x0  }
0x2f7: {  	[sflag:s17] =	ssyncadd.s32 $0xFFFF8000  }
0x2f8: {  	_ =	swait.ge [sflag:s14], $0x8000  }
0x2f9: {  	s18 =	rddreg [dreg:$0x8]  }
0x2fa: {  	s28 =	rddreg [dreg:$0x7];
	s18 =	sadd.s32 $0x1, s18  }
0x2fb: {  	p0 =	sne.s32 s18, s28  }
.Ltmp6:
0x2fc: {  	_ = 	snop;
	(pc) =	sbr.rel @p0 .LBB2_1-.Ltmp6, $3  }
0x2fd: {  	_ =	sdelay $0x1  }
0x2fe: {  	[sflag:s14] =	ssyncset.done $0x0  }
0x2ff: {  	[sflag:s14] =	ssyncadd.s32 $0xFFFF8000  }
0x300: {  	_ =	sfence.sel $0x180000  }
0x301: {  	[bflag:$0x0] =	sbarrier.arrive $0xFFFF  }
0x302: {  	_ =	strace $0x90000047  }
0x303: {  	s0 =	stileid.u32;
	[bflag:$0x2] =	sbarrier.arrive $0xFFFF  }
0x304: {  	p0 =	sne.s32 s0, $0x0;
	s0 =	rddreg [dreg:$0x3]  }
0x305: {  	s0 =	sadd.s32 @!p0 $0x100000, s0  }
0x306: {  	[sflag:s0] =	ssyncadd.tile.s32 @!p0 $0x1;
	_ =	shalt  }
.Lfunc_end2:
_tile_overlayer_lowered:
.L_overlay_start_2:
0x307: {  	(tag) =	ssettag $0x2  }
0x308: {  	s0 =	rddreg [dreg:$0x0];
	s2 =	stileid.u32  }
0x309: {  	s1 =	rddreg [dreg:$0x1];
	p0 =	sne.s32 s2, $0x0  }
0x30a: {  	s3 =	rddreg [dreg:$0x2];
	[bflag:$0x3] =	sbarrier.arrive $0xFFFF;
	s2 =	simm.s32 @!p0 $0x1C07  }
0x30b: {  	[timem:s3], [sflag:s2] =	dma.local @!p0 [hbm:s0], s1  }
0x30c: {  	s0 =	simm.s32 @!p0 $0x7  }
0x30d: {  	_ =	swait.ge @!p0 [sflag:s0], s1  }
0x30e: {  	s1 =	ssub.s32 @!p0 $0x0, s1;
	[sflag:s0] =	ssyncset.done @!p0 $0x0  }
0x30f: {  	[sflag:s0] =	ssyncadd.s32 @!p0 s1  }
0x310: {  	[bflag:$0x3] =	sbarrier.arrive $0xFFFF  }
0x311: {  	_ =	shalt  }

</sc_bundles>
